<compile_context>
chip_gen: v7x
topology: tpu7x:2x2x1
jax: 0.10.2.dev20260603
libtpu: 0.0.44.dev20260713+nightly
codegen_flags: <defaults>
</compile_context>

<pallas_src>
import dataclasses
import functools

import jax
import jax.numpy as jnp
from jax import lax
from jax.experimental import pallas as pl
from jax.experimental.pallas import tpu as pltpu
from jax.experimental.pallas import tpu_sc as plsc

_NN = 16
_BALL2 = 0.2
_B, _N, _C = 4, 4096, 3
_RB = 512
_BN = _B * _N
_NW = 32
_QW = _BN // _NW
_QBLK = 16
_NMOM = 19


def _beta_max(r):
    beta = jnp.full_like(r, 2.0)
    for _ in range(24):
        f = beta * beta * beta - 3.0 * beta - 2.0 * r
        fp = 3.0 * beta * beta - 3.0
        beta = jnp.clip(beta - f / (fp + 1e-12), 1.0, 2.0)
    return beta


def _cond_from_gram(axx, ayy, azz, axy, axz, ayz):
    q = (axx + ayy + azz) * (1.0 / 3.0)
    p1 = axy * axy + axz * axz + ayz * ayz
    dxx = axx - q
    dyy = ayy - q
    dzz = azz - q
    p2 = dxx * dxx + dyy * dyy + dzz * dzz + 2.0 * p1
    p = jnp.sqrt(jnp.maximum(p2 * (1.0 / 6.0), 0.0))
    pinv = jnp.where(p > 1e-30, 1.0 / jnp.maximum(p, 1e-30), 0.0)
    bxx = dxx * pinv
    byy = dyy * pinv
    bzz = dzz * pinv
    bxy = axy * pinv
    bxz = axz * pinv
    byz = ayz * pinv
    detb = (bxx * (byy * bzz - byz * byz)
            - bxy * (bxy * bzz - byz * bxz)
            + bxz * (bxy * byz - byy * bxz))
    r = jnp.clip(0.5 * detb, -1.0, 1.0)
    lmax = q + p * _beta_max(r)
    lmin = q - p * _beta_max(-r)
    s0 = jnp.sqrt(jnp.maximum(lmax, 0.0))
    s2 = jnp.sqrt(jnp.maximum(lmin, 0.0))
    return s0 / (s0 + s2 + 1e-30)


def _knn_body(refc_ref, reft_ref, idx_ref, msk_ref):
    i = pl.program_id(1)
    tx = refc_ref[:, 0:1]
    ty = refc_ref[:, 1:2]
    tz = refc_ref[:, 2:3]
    ax = reft_ref[0:1, :]
    ay = reft_ref[1:2, :]
    az = reft_ref[2:3, :]

    dx = tx - ax
    dy = ty - ay
    dz = tz - az
    d = dx * dx + dy * dy + dz * dz

    ji = lax.broadcasted_iota(jnp.int32, (_N, _RB), 0)
    work = (lax.bitcast_convert_type(d, jnp.int32) & jnp.int32(-8192)) | (
        jnp.where(d < _BALL2, ji, ji | jnp.int32(4096)))
    row_g = i * _RB + lax.broadcasted_iota(jnp.int32, (1, _RB), 1)
    idx_rows = [row_g]
    msk_rows = [jnp.ones((1, _RB), jnp.float32)]
    work = jnp.where(ji == row_g, jnp.int32(2147483647), work)
    for it in range(_NN - 1):
        v = jnp.min(work, axis=0, keepdims=True)
        idx_rows.append(v & jnp.int32(4095))
        msk_rows.append(((v & jnp.int32(4096)) == 0).astype(jnp.float32))
        if it < _NN - 2:
            work = jnp.where(work == v, jnp.int32(2147483647), work)
    idx_ref[...] = jnp.concatenate(idx_rows, axis=0)
    msk_ref[...] = jnp.concatenate(msk_rows, axis=0)


def _knn_call(ref_points, ref_t):
    nsteps = _N // _RB
    steps_per_w = _QW // _RB

    def omap(b, i):
        s = b * nsteps + i
        return (s // steps_per_w, 0, s % steps_per_w)

    return pl.pallas_call(
        _knn_body,
        grid=(_B, nsteps),
        in_specs=[
            pl.BlockSpec((None, _N, _C), lambda b, i: (b, 0, 0)),
            pl.BlockSpec((None, _C, _RB), lambda b, i: (b, 0, i)),
        ],
        out_specs=[
            pl.BlockSpec((None, _NN, _RB), omap),
            pl.BlockSpec((None, _NN, _RB), omap),
        ],
        out_shape=[
            jax.ShapeDtypeStruct((_NW, _NN, _QW), jnp.int32),
            jax.ShapeDtypeStruct((_NW, _NN, _QW), jnp.float32),
        ],
    )(ref_points, ref_t)


def _moments_sc(coords, idx16, msk16):
    mesh = plsc.VectorSubcoreMesh(core_axis_name="c", subcore_axis_name="s")

    cp = pltpu.CompilerParams()
    if "needs_layout_passes" in pltpu.CompilerParams.__dataclass_fields__:
        cp = dataclasses.replace(cp, needs_layout_passes=False)

    @functools.partial(
        pl.kernel,
        mesh=mesh,
        compiler_params=cp,
        out_type=jax.ShapeDtypeStruct((_NW, _NMOM, _QW), jnp.float32),
        scratch_types=[
            pltpu.VMEM((_N,), jnp.float32),
            pltpu.VMEM((_N,), jnp.float32),
            pltpu.VMEM((_N,), jnp.float32),
            pltpu.VMEM((_N,), jnp.float32),
            pltpu.VMEM((_N,), jnp.float32),
            pltpu.VMEM((_N,), jnp.float32),
            pltpu.VMEM((_NN, _QW), jnp.int32),
            pltpu.VMEM((_NN, _QW), jnp.float32),
            pltpu.VMEM((_NMOM, _QW), jnp.float32),
            pltpu.SemaphoreType.DMA,
        ],
    )
    def sc_kernel(coords_hbm, idx_hbm, msk_hbm, out_hbm,
                  rxv, ryv, rzv, pxv, pyv, pzv, iv, mv, ov, sem):
        wid = lax.axis_index("s") * 2 + lax.axis_index("c")
        qbase = wid * _QW
        batch = qbase // _N
        pltpu.async_copy(coords_hbm.at[batch, 0], rxv, sem).wait()
        pltpu.async_copy(coords_hbm.at[batch, 1], ryv, sem).wait()
        pltpu.async_copy(coords_hbm.at[batch, 2], rzv, sem).wait()
        pltpu.async_copy(coords_hbm.at[batch, 3], pxv, sem).wait()
        pltpu.async_copy(coords_hbm.at[batch, 4], pyv, sem).wait()
        pltpu.async_copy(coords_hbm.at[batch, 5], pzv, sem).wait()
        pltpu.async_copy(idx_hbm.at[wid], iv, sem).wait()
        pltpu.async_copy(msk_hbm.at[wid], mv, sem).wait()

        qoff = qbase - batch * _N

        @pl.loop(0, _QW, step=_QBLK)
        def _(base):
            qx = rxv[pl.ds(qoff + base, _QBLK)]
            qy = ryv[pl.ds(qoff + base, _QBLK)]
            qz = rzv[pl.ds(qoff + base, _QBLK)]
            zero = jnp.zeros((_QBLK,), jnp.float32)
            acc = [zero] * _NMOM
            for k in range(_NN):
                nidx = iv[k, pl.ds(base, _QBLK)]
                mk = mv[k, pl.ds(base, _QBLK)]
                gx = plsc.load_gather(rxv, [nidx]) - qx
                gy = plsc.load_gather(ryv, [nidx]) - qy
                gz = plsc.load_gather(rzv, [nidx]) - qz
                hx = plsc.load_gather(pxv, [nidx])
                hy = plsc.load_gather(pyv, [nidx])
                hz = plsc.load_gather(pzv, [nidx])
                acc[0] = acc[0] + mk
                acc[1] = acc[1] + mk * gx
                acc[2] = acc[2] + mk * gy
                acc[3] = acc[3] + mk * gz
                acc[4] = acc[4] + mk * gx * gx
                acc[5] = acc[5] + mk * gy * gy
                acc[6] = acc[6] + mk * gz * gz
                acc[7] = acc[7] + mk * gx * gy
                acc[8] = acc[8] + mk * gx * gz
                acc[9] = acc[9] + mk * gy * gz
                acc[10] = acc[10] + hx
                acc[11] = acc[11] + hy
                acc[12] = acc[12] + hz
                acc[13] = acc[13] + hx * hx
                acc[14] = acc[14] + hy * hy
                acc[15] = acc[15] + hz * hz
                acc[16] = acc[16] + hx * hy
                acc[17] = acc[17] + hx * hz
                acc[18] = acc[18] + hy * hz
            for s in range(_NMOM):
                ov[s, pl.ds(base, _QBLK)] = acc[s]

        pltpu.async_copy(ov, out_hbm.at[wid], sem).wait()

    return sc_kernel(coords, idx16, msk16)


def _finish_body(mom_ref, refq_ref, out_ref):
    g = pl.program_id(0)

    nb = mom_ref[0:1, :]
    m1x = mom_ref[1:2, :]
    m1y = mom_ref[2:3, :]
    m1z = mom_ref[3:4, :]
    m2xx = mom_ref[4:5, :]
    m2yy = mom_ref[5:6, :]
    m2zz = mom_ref[6:7, :]
    m2xy = mom_ref[7:8, :]
    m2xz = mom_ref[8:9, :]
    m2yz = mom_ref[9:10, :]
    p1x = mom_ref[10:11, :]
    p1y = mom_ref[11:12, :]
    p1z = mom_ref[12:13, :]
    p2xx = mom_ref[13:14, :]
    p2yy = mom_ref[14:15, :]
    p2zz = mom_ref[15:16, :]
    p2xy = mom_ref[16:17, :]
    p2xz = mom_ref[17:18, :]
    p2yz = mom_ref[18:19, :]
    ax = refq_ref[0:1, :]
    ay = refq_ref[1:2, :]
    az = refq_ref[2:3, :]

    nbinv = 1.0 / nb
    csx = m1x * nbinv
    csy = m1y * nbinv
    csz = m1z * nbinv
    cx = csx + ax
    cy = csy + ay
    cz = csz + az
    w = _NN - nb
    gxx = m2xx - nb * csx * csx + w * cx * cx
    gyy = m2yy - nb * csy * csy + w * cy * cy
    gzz = m2zz - nb * csz * csz + w * cz * cz
    gxy = m2xy - nb * csx * csy + w * cx * cy
    gxz = m2xz - nb * csx * csz + w * cx * cz
    gyz = m2yz - nb * csy * csz + w * cy * cz
    cond_ref = _cond_from_gram(gxx, gyy, gzz, gxy, gxz, gyz)

    cpx = p1x * nbinv
    cpy = p1y * nbinv
    cpz = p1z * nbinv
    hxx = p2xx - 2.0 * cpx * p1x + _NN * cpx * cpx
    hyy = p2yy - 2.0 * cpy * p1y + _NN * cpy * cpy
    hzz = p2zz - 2.0 * cpz * p1z + _NN * cpz * cpz
    hxy = p2xy - cpx * p1y - cpy * p1x + _NN * cpx * cpy
    hxz = p2xz - cpx * p1z - cpz * p1x + _NN * cpx * cpz
    hyz = p2yz - cpy * p1z - cpz * p1y + _NN * cpy * cpz
    cond_p = _cond_from_gram(hxx, hyy, hzz, hxy, hxz, hyz)

    diff = cond_p - cond_ref
    partial = jnp.sum(diff * diff, axis=1, keepdims=True)

    @pl.when(g == 0)
    def _():
        out_ref[0:1, 0:1] = jnp.zeros((1, 1), jnp.float32)

    out_ref[0:1, 0:1] = out_ref[0:1, 0:1] + partial

    @pl.when(g == _NW - 1)
    def _():
        out_ref[0:1, 0:1] = out_ref[0:1, 0:1] * (1.0 / _BN)


def _finish_call(mom, refq):
    return pl.pallas_call(
        _finish_body,
        grid=(_NW,),
        in_specs=[
            pl.BlockSpec((None, _NMOM, _QW), lambda g: (g, 0, 0)),
            pl.BlockSpec((_C, _QW), lambda g: (0, g)),
        ],
        out_specs=pl.BlockSpec((1, 1), lambda g: (0, 0)),
        out_shape=jax.ShapeDtypeStruct((1, 1), jnp.float32),
    )(mom, refq)


def kernel(ref_points, points):
    ref_t = ref_points.transpose(0, 2, 1)
    pts_t = points.transpose(0, 2, 1)
    coords = jnp.concatenate([ref_t, pts_t], axis=1)
    idx16, msk16 = _knn_call(ref_points, ref_t)
    mom = _moments_sc(coords, idx16, msk16)
    refq = ref_t.transpose(1, 0, 2).reshape(_C, _BN)
    out = _finish_call(mom, refq)
    return out[0, 0]

# --- scband reference (transcript-rebuilt; emitter-appended) ---
"""Pipeline reference for scband-condition-number-loss-9758165696607 (READ-ONLY COPY).

The authoritative reference and input builder live on the scoring server;
editing this copy changes nothing except your own understanding.
"""

import jax, jax.numpy as jnp
import numpy as np

NN_SIZE = 16
BALL_SIZE2 = 0.1 * 2  # ball_size * 2


def _knn(ref, k):
    # brute-force squared-L2 knn, faiss-style (returns squared distances, ascending)
    sq = jnp.sum(ref * ref, axis=-1)
    d = sq[:, :, None] + sq[:, None, :] - 2.0 * jnp.einsum('bnc,bmc->bnm', ref, ref)
    neg_d, idx = jax.lax.top_k(-d, k)
    return idx, -neg_d


def _gather(points, idx):
    # points: (B,N,C), idx: (B,N,k) -> (B,N,k,C)
    return jax.vmap(lambda p, i: p[i])(points, idx)


def setup_inputs(seed: int = 0):
    key = jax.random.key(seed)
    k1, k2 = jax.random.split(key)
    ref_points = jax.random.normal(k1, (4, 4096, 3), dtype=jnp.float32)
    points = jax.random.normal(k2, (4, 4096, 3), dtype=jnp.float32)
    return {"ref_points": ref_points, "points": points}


def reference(ref_points, points):
    B, N, C = ref_points.shape
    group_idx, group_dist = _knn(ref_points, NN_SIZE)
    ref_grouped = _gather(ref_points, group_idx)
    mask = group_dist < BALL_SIZE2
    # masked_fill_ (in-place) in torch -> applied
    ref_grouped = jnp.where(mask[..., None], ref_grouped, 0.0)
    nball = jnp.sum(mask.astype(jnp.float32), axis=-1, keepdims=True)  # (B,N,1)
    ref_center = jnp.sum(ref_grouped, axis=2, keepdims=True) / nball[..., None]
    ref_local = ref_grouped - ref_center
    S_ref = jnp.linalg.svd(ref_local.reshape(-1, NN_SIZE, C), compute_uv=False)
    ref_cond = (S_ref[:, 0] / (S_ref[:, -1] + S_ref[:, 0])).reshape(B, N)

    grouped = _gather(points, group_idx)
    # NOTE: original torch code calls grouped_points.masked_fill(...) OUT-OF-PLACE and
    # discards the result, so faithfully NO mask is applied to `grouped` here.
    center = jnp.sum(grouped, axis=2, keepdims=True) / nball[..., None]
    local = grouped - center
    S = jnp.linalg.svd(local.reshape(-1, NN_SIZE, C), compute_uv=False)
    cond = (S[:, 0] / (S[:, -1] + S[:, 0])).reshape(B, N)

    # metric: mean squared error between condition-number proxies
    return jnp.mean((cond - ref_cond) ** 2)

if __name__ == "__main__":
    import jax
    _d = setup_inputs()
    print(jax.jit(kernel)(*tuple(_d.values())))

</pallas_src>

<mosaic_0001>
#map = affine_map<(d0, d1) -> (0, 0, 0)>
module attributes {stable_mosaic.version = 14 : i64} {
  func.func @sc_kernel(%arg0: i32, %arg1: i32, %arg2: memref<4x6x4096xf32, #tpu.memory_space<hbm>>, %arg3: memref<32x16x512xi32, #tpu.memory_space<hbm>>, %arg4: memref<32x16x512xf32, #tpu.memory_space<hbm>>, %arg5: memref<32x19x512xf32, #tpu.memory_space<hbm>>, %arg6: memref<4096xf32, #tpu.memory_space<vmem>>, %arg7: memref<4096xf32, #tpu.memory_space<vmem>>, %arg8: memref<4096xf32, #tpu.memory_space<vmem>>, %arg9: memref<4096xf32, #tpu.memory_space<vmem>>, %arg10: memref<4096xf32, #tpu.memory_space<vmem>>, %arg11: memref<4096xf32, #tpu.memory_space<vmem>>, %arg12: memref<16x512xi32, #tpu.memory_space<vmem>>, %arg13: memref<16x512xf32, #tpu.memory_space<vmem>>, %arg14: memref<19x512xf32, #tpu.memory_space<vmem>>, %arg15: memref<!tpu.dma_semaphore, #tpu.memory_space<semaphore_mem>>) attributes {dimension_semantics = [#tpu.dimension_semantics<core_parallel>, #tpu.dimension_semantics<subcore_parallel>], iteration_bounds = array<i64: 2, 16>, scalar_prefetch = 0 : i64, scratch_operands = 10 : i64, tpu.core_type = #tpu.core_type<sc_vector_subcore>, window_params = [{transform_indices = #map}, {transform_indices = #map}, {transform_indices = #map}, {transform_indices = #map}]} {
    %mul3A = arith.constant 2 : i32
    %mul3A_0 = arith.muli %arg1, %mul3A : i32
    %add3A = arith.addi %mul3A_0, %arg0 : i32
    %mul3A_1 = arith.constant 512 : i32
    %mul3A_2 = arith.muli %add3A, %mul3A_1 : i32
    %jit3A = arith.constant 4096 : i32
    %div3A = arith.divsi %mul3A_2, %jit3A : i32
    %sign3A = arith.constant 0 : i32
    %sign3A_3 = arith.cmpi sgt, %mul3A_2, %sign3A : i32
    %sign3A_4 = arith.extui %sign3A_3 : i1 to i32
    %sign3A_5 = arith.constant 0 : i32
    %sign3A_6 = arith.cmpi slt, %mul3A_2, %sign3A_5 : i32
    %sign3A_7 = arith.extui %sign3A_6 : i1 to i32
    %sign3A_8 = arith.subi %sign3A_4, %sign3A_7 : i32
    %sign3A_9 = arith.constant 0 : i32
    %sign3A_10 = arith.cmpi sgt, %jit3A, %sign3A_9 : i32
    %sign3A_11 = arith.extui %sign3A_10 : i1 to i32
    %sign3A_12 = arith.constant 0 : i32
    %sign3A_13 = arith.cmpi slt, %jit3A, %sign3A_12 : i32
    %sign3A_14 = arith.extui %sign3A_13 : i1 to i32
    %sign3A_15 = arith.subi %sign3A_11, %sign3A_14 : i32
    %ne3A = arith.cmpi ne, %sign3A_8, %sign3A_15 : i32
    %rem3A = arith.remsi %mul3A_2, %jit3A : i32
    %ne3A_16 = arith.constant 0 : i32
    %ne3A_17 = arith.cmpi ne, %rem3A, %ne3A_16 : i32
    %and3A = arith.andi %ne3A, %ne3A_17 : i1
    %sub3A = arith.constant 1 : i32
    %sub3A_18 = arith.subi %div3A, %sub3A : i32
    %select_n3A = arith.select %and3A, %sub3A_18, %div3A : i32
    %dma_start3A = arith.constant 0 : i32
    %dma_start3A_19 = arith.constant 0 : i32
    %dma_start3A_20 = tpu.memref_slice %arg2[%select_n3A, %dma_start3A, %dma_start3A_19] : memref<4x6x4096xf32, #tpu.memory_space<hbm>> -> memref<1x1x4096xf32, #tpu.memory_space<hbm>>
    %dma_start3A_21 = tpu.memref_squeeze %dma_start3A_20 : memref<1x1x4096xf32, #tpu.memory_space<hbm>> -> memref<4096xf32, #tpu.memory_space<hbm>>
    %dma_start3A_22 = arith.constant 0 : i32
    %dma_start3A_23 = tpu.memref_slice %arg2[%select_n3A, %dma_start3A, %dma_start3A_22] : memref<4x6x4096xf32, #tpu.memory_space<hbm>> -> memref<1x1x4096xf32, #tpu.memory_space<hbm>>
    %dma_start3A_24 = tpu.memref_squeeze %dma_start3A_23 : memref<1x1x4096xf32, #tpu.memory_space<hbm>> -> memref<4096xf32, #tpu.memory_space<hbm>>
    tpu.enqueue_dma source(%dma_start3A_24 : memref<4096xf32, #tpu.memory_space<hbm>>) target(%arg6 : memref<4096xf32, #tpu.memory_space<vmem>>) target_semaphore(%arg15 : memref<!tpu.dma_semaphore, #tpu.memory_space<semaphore_mem>>)
    %dma_wait3A = arith.constant 0 : i32
    %dma_wait3A_25 = arith.constant 0 : i32
    %dma_wait3A_26 = tpu.memref_slice %arg2[%select_n3A, %dma_wait3A, %dma_wait3A_25] : memref<4x6x4096xf32, #tpu.memory_space<hbm>> -> memref<1x1x4096xf32, #tpu.memory_space<hbm>>
    %dma_wait3A_27 = tpu.memref_squeeze %dma_wait3A_26 : memref<1x1x4096xf32, #tpu.memory_space<hbm>> -> memref<4096xf32, #tpu.memory_space<hbm>>
    %dma_wait3A_28 = arith.constant 0 : i32
    %dma_wait3A_29 = tpu.memref_slice %arg2[%select_n3A, %dma_wait3A, %dma_wait3A_28] : memref<4x6x4096xf32, #tpu.memory_space<hbm>> -> memref<1x1x4096xf32, #tpu.memory_space<hbm>>
    %dma_wait3A_30 = tpu.memref_squeeze %dma_wait3A_29 : memref<1x1x4096xf32, #tpu.memory_space<hbm>> -> memref<4096xf32, #tpu.memory_space<hbm>>
    tpu.wait_dma2 semaphore(%arg15 : memref<!tpu.dma_semaphore, #tpu.memory_space<semaphore_mem>>) src(%dma_wait3A_30 : memref<4096xf32, #tpu.memory_space<hbm>>) dst(%arg6 : memref<4096xf32, #tpu.memory_space<vmem>>)
    %dma_start3A_31 = arith.constant 1 : i32
    %dma_start3A_32 = arith.constant 0 : i32
    %dma_start3A_33 = tpu.memref_slice %arg2[%select_n3A, %dma_start3A_31, %dma_start3A_32] : memref<4x6x4096xf32, #tpu.memory_space<hbm>> -> memref<1x1x4096xf32, #tpu.memory_space<hbm>>
    %dma_start3A_34 = tpu.memref_squeeze %dma_start3A_33 : memref<1x1x4096xf32, #tpu.memory_space<hbm>> -> memref<4096xf32, #tpu.memory_space<hbm>>
    %dma_start3A_35 = arith.constant 0 : i32
    %dma_start3A_36 = tpu.memref_slice %arg2[%select_n3A, %dma_start3A_31, %dma_start3A_35] : memref<4x6x4096xf32, #tpu.memory_space<hbm>> -> memref<1x1x4096xf32, #tpu.memory_space<hbm>>
    %dma_start3A_37 = tpu.memref_squeeze %dma_start3A_36 : memref<1x1x4096xf32, #tpu.memory_space<hbm>> -> memref<4096xf32, #tpu.memory_space<hbm>>
    tpu.enqueue_dma source(%dma_start3A_37 : memref<4096xf32, #tpu.memory_space<hbm>>) target(%arg7 : memref<4096xf32, #tpu.memory_space<vmem>>) target_semaphore(%arg15 : memref<!tpu.dma_semaphore, #tpu.memory_space<semaphore_mem>>)
    %dma_wait3A_38 = arith.constant 1 : i32
    %dma_wait3A_39 = arith.constant 0 : i32
    %dma_wait3A_40 = tpu.memref_slice %arg2[%select_n3A, %dma_wait3A_38, %dma_wait3A_39] : memref<4x6x4096xf32, #tpu.memory_space<hbm>> -> memref<1x1x4096xf32, #tpu.memory_space<hbm>>
    %dma_wait3A_41 = tpu.memref_squeeze %dma_wait3A_40 : memref<1x1x4096xf32, #tpu.memory_space<hbm>> -> memref<4096xf32, #tpu.memory_space<hbm>>
    %dma_wait3A_42 = arith.constant 0 : i32
    %dma_wait3A_43 = tpu.memref_slice %arg2[%select_n3A, %dma_wait3A_38, %dma_wait3A_42] : memref<4x6x4096xf32, #tpu.memory_space<hbm>> -> memref<1x1x4096xf32, #tpu.memory_space<hbm>>
    %dma_wait3A_44 = tpu.memref_squeeze %dma_wait3A_43 : memref<1x1x4096xf32, #tpu.memory_space<hbm>> -> memref<4096xf32, #tpu.memory_space<hbm>>
    tpu.wait_dma2 semaphore(%arg15 : memref<!tpu.dma_semaphore, #tpu.memory_space<semaphore_mem>>) src(%dma_wait3A_44 : memref<4096xf32, #tpu.memory_space<hbm>>) dst(%arg7 : memref<4096xf32, #tpu.memory_space<vmem>>)
    %dma_start3A_45 = arith.constant 2 : i32
    %dma_start3A_46 = arith.constant 0 : i32
    %dma_start3A_47 = tpu.memref_slice %arg2[%select_n3A, %dma_start3A_45, %dma_start3A_46] : memref<4x6x4096xf32, #tpu.memory_space<hbm>> -> memref<1x1x4096xf32, #tpu.memory_space<hbm>>
    %dma_start3A_48 = tpu.memref_squeeze %dma_start3A_47 : memref<1x1x4096xf32, #tpu.memory_space<hbm>> -> memref<4096xf32, #tpu.memory_space<hbm>>
    %dma_start3A_49 = arith.constant 0 : i32
    %dma_start3A_50 = tpu.memref_slice %arg2[%select_n3A, %dma_start3A_45, %dma_start3A_49] : memref<4x6x4096xf32, #tpu.memory_space<hbm>> -> memref<1x1x4096xf32, #tpu.memory_space<hbm>>
    %dma_start3A_51 = tpu.memref_squeeze %dma_start3A_50 : memref<1x1x4096xf32, #tpu.memory_space<hbm>> -> memref<4096xf32, #tpu.memory_space<hbm>>
    tpu.enqueue_dma source(%dma_start3A_51 : memref<4096xf32, #tpu.memory_space<hbm>>) target(%arg8 : memref<4096xf32, #tpu.memory_space<vmem>>) target_semaphore(%arg15 : memref<!tpu.dma_semaphore, #tpu.memory_space<semaphore_mem>>)
    %dma_wait3A_52 = arith.constant 2 : i32
    %dma_wait3A_53 = arith.constant 0 : i32
    %dma_wait3A_54 = tpu.memref_slice %arg2[%select_n3A, %dma_wait3A_52, %dma_wait3A_53] : memref<4x6x4096xf32, #tpu.memory_space<hbm>> -> memref<1x1x4096xf32, #tpu.memory_space<hbm>>
    %dma_wait3A_55 = tpu.memref_squeeze %dma_wait3A_54 : memref<1x1x4096xf32, #tpu.memory_space<hbm>> -> memref<4096xf32, #tpu.memory_space<hbm>>
    %dma_wait3A_56 = arith.constant 0 : i32
    %dma_wait3A_57 = tpu.memref_slice %arg2[%select_n3A, %dma_wait3A_52, %dma_wait3A_56] : memref<4x6x4096xf32, #tpu.memory_space<hbm>> -> memref<1x1x4096xf32, #tpu.memory_space<hbm>>
    %dma_wait3A_58 = tpu.memref_squeeze %dma_wait3A_57 : memref<1x1x4096xf32, #tpu.memory_space<hbm>> -> memref<4096xf32, #tpu.memory_space<hbm>>
    tpu.wait_dma2 semaphore(%arg15 : memref<!tpu.dma_semaphore, #tpu.memory_space<semaphore_mem>>) src(%dma_wait3A_58 : memref<4096xf32, #tpu.memory_space<hbm>>) dst(%arg8 : memref<4096xf32, #tpu.memory_space<vmem>>)
    %dma_start3A_59 = arith.constant 3 : i32
    %dma_start3A_60 = arith.constant 0 : i32
    %dma_start3A_61 = tpu.memref_slice %arg2[%select_n3A, %dma_start3A_59, %dma_start3A_60] : memref<4x6x4096xf32, #tpu.memory_space<hbm>> -> memref<1x1x4096xf32, #tpu.memory_space<hbm>>
    %dma_start3A_62 = tpu.memref_squeeze %dma_start3A_61 : memref<1x1x4096xf32, #tpu.memory_space<hbm>> -> memref<4096xf32, #tpu.memory_space<hbm>>
    %dma_start3A_63 = arith.constant 0 : i32
    %dma_start3A_64 = tpu.memref_slice %arg2[%select_n3A, %dma_start3A_59, %dma_start3A_63] : memref<4x6x4096xf32, #tpu.memory_space<hbm>> -> memref<1x1x4096xf32, #tpu.memory_space<hbm>>
    %dma_start3A_65 = tpu.memref_squeeze %dma_start3A_64 : memref<1x1x4096xf32, #tpu.memory_space<hbm>> -> memref<4096xf32, #tpu.memory_space<hbm>>
    tpu.enqueue_dma source(%dma_start3A_65 : memref<4096xf32, #tpu.memory_space<hbm>>) target(%arg9 : memref<4096xf32, #tpu.memory_space<vmem>>) target_semaphore(%arg15 : memref<!tpu.dma_semaphore, #tpu.memory_space<semaphore_mem>>)
    %dma_wait3A_66 = arith.constant 3 : i32
    %dma_wait3A_67 = arith.constant 0 : i32
    %dma_wait3A_68 = tpu.memref_slice %arg2[%select_n3A, %dma_wait3A_66, %dma_wait3A_67] : memref<4x6x4096xf32, #tpu.memory_space<hbm>> -> memref<1x1x4096xf32, #tpu.memory_space<hbm>>
    %dma_wait3A_69 = tpu.memref_squeeze %dma_wait3A_68 : memref<1x1x4096xf32, #tpu.memory_space<hbm>> -> memref<4096xf32, #tpu.memory_space<hbm>>
    %dma_wait3A_70 = arith.constant 0 : i32
    %dma_wait3A_71 = tpu.memref_slice %arg2[%select_n3A, %dma_wait3A_66, %dma_wait3A_70] : memref<4x6x4096xf32, #tpu.memory_space<hbm>> -> memref<1x1x4096xf32, #tpu.memory_space<hbm>>
    %dma_wait3A_72 = tpu.memref_squeeze %dma_wait3A_71 : memref<1x1x4096xf32, #tpu.memory_space<hbm>> -> memref<4096xf32, #tpu.memory_space<hbm>>
    tpu.wait_dma2 semaphore(%arg15 : memref<!tpu.dma_semaphore, #tpu.memory_space<semaphore_mem>>) src(%dma_wait3A_72 : memref<4096xf32, #tpu.memory_space<hbm>>) dst(%arg9 : memref<4096xf32, #tpu.memory_space<vmem>>)
    %dma_start3A_73 = arith.constant 4 : i32
    %dma_start3A_74 = arith.constant 0 : i32
    %dma_start3A_75 = tpu.memref_slice %arg2[%select_n3A, %dma_start3A_73, %dma_start3A_74] : memref<4x6x4096xf32, #tpu.memory_space<hbm>> -> memref<1x1x4096xf32, #tpu.memory_space<hbm>>
    %dma_start3A_76 = tpu.memref_squeeze %dma_start3A_75 : memref<1x1x4096xf32, #tpu.memory_space<hbm>> -> memref<4096xf32, #tpu.memory_space<hbm>>
    %dma_start3A_77 = arith.constant 0 : i32
    %dma_start3A_78 = tpu.memref_slice %arg2[%select_n3A, %dma_start3A_73, %dma_start3A_77] : memref<4x6x4096xf32, #tpu.memory_space<hbm>> -> memref<1x1x4096xf32, #tpu.memory_space<hbm>>
    %dma_start3A_79 = tpu.memref_squeeze %dma_start3A_78 : memref<1x1x4096xf32, #tpu.memory_space<hbm>> -> memref<4096xf32, #tpu.memory_space<hbm>>
    tpu.enqueue_dma source(%dma_start3A_79 : memref<4096xf32, #tpu.memory_space<hbm>>) target(%arg10 : memref<4096xf32, #tpu.memory_space<vmem>>) target_semaphore(%arg15 : memref<!tpu.dma_semaphore, #tpu.memory_space<semaphore_mem>>)
    %dma_wait3A_80 = arith.constant 4 : i32
    %dma_wait3A_81 = arith.constant 0 : i32
    %dma_wait3A_82 = tpu.memref_slice %arg2[%select_n3A, %dma_wait3A_80, %dma_wait3A_81] : memref<4x6x4096xf32, #tpu.memory_space<hbm>> -> memref<1x1x4096xf32, #tpu.memory_space<hbm>>
    %dma_wait3A_83 = tpu.memref_squeeze %dma_wait3A_82 : memref<1x1x4096xf32, #tpu.memory_space<hbm>> -> memref<4096xf32, #tpu.memory_space<hbm>>
    %dma_wait3A_84 = arith.constant 0 : i32
    %dma_wait3A_85 = tpu.memref_slice %arg2[%select_n3A, %dma_wait3A_80, %dma_wait3A_84] : memref<4x6x4096xf32, #tpu.memory_space<hbm>> -> memref<1x1x4096xf32, #tpu.memory_space<hbm>>
    %dma_wait3A_86 = tpu.memref_squeeze %dma_wait3A_85 : memref<1x1x4096xf32, #tpu.memory_space<hbm>> -> memref<4096xf32, #tpu.memory_space<hbm>>
    tpu.wait_dma2 semaphore(%arg15 : memref<!tpu.dma_semaphore, #tpu.memory_space<semaphore_mem>>) src(%dma_wait3A_86 : memref<4096xf32, #tpu.memory_space<hbm>>) dst(%arg10 : memref<4096xf32, #tpu.memory_space<vmem>>)
    %dma_start3A_87 = arith.constant 5 : i32
    %dma_start3A_88 = arith.constant 0 : i32
    %dma_start3A_89 = tpu.memref_slice %arg2[%select_n3A, %dma_start3A_87, %dma_start3A_88] : memref<4x6x4096xf32, #tpu.memory_space<hbm>> -> memref<1x1x4096xf32, #tpu.memory_space<hbm>>
    %dma_start3A_90 = tpu.memref_squeeze %dma_start3A_89 : memref<1x1x4096xf32, #tpu.memory_space<hbm>> -> memref<4096xf32, #tpu.memory_space<hbm>>
    %dma_start3A_91 = arith.constant 0 : i32
    %dma_start3A_92 = tpu.memref_slice %arg2[%select_n3A, %dma_start3A_87, %dma_start3A_91] : memref<4x6x4096xf32, #tpu.memory_space<hbm>> -> memref<1x1x4096xf32, #tpu.memory_space<hbm>>
    %dma_start3A_93 = tpu.memref_squeeze %dma_start3A_92 : memref<1x1x4096xf32, #tpu.memory_space<hbm>> -> memref<4096xf32, #tpu.memory_space<hbm>>
    tpu.enqueue_dma source(%dma_start3A_93 : memref<4096xf32, #tpu.memory_space<hbm>>) target(%arg11 : memref<4096xf32, #tpu.memory_space<vmem>>) target_semaphore(%arg15 : memref<!tpu.dma_semaphore, #tpu.memory_space<semaphore_mem>>)
    %dma_wait3A_94 = arith.constant 5 : i32
    %dma_wait3A_95 = arith.constant 0 : i32
    %dma_wait3A_96 = tpu.memref_slice %arg2[%select_n3A, %dma_wait3A_94, %dma_wait3A_95] : memref<4x6x4096xf32, #tpu.memory_space<hbm>> -> memref<1x1x4096xf32, #tpu.memory_space<hbm>>
    %dma_wait3A_97 = tpu.memref_squeeze %dma_wait3A_96 : memref<1x1x4096xf32, #tpu.memory_space<hbm>> -> memref<4096xf32, #tpu.memory_space<hbm>>
    %dma_wait3A_98 = arith.constant 0 : i32
    %dma_wait3A_99 = tpu.memref_slice %arg2[%select_n3A, %dma_wait3A_94, %dma_wait3A_98] : memref<4x6x4096xf32, #tpu.memory_space<hbm>> -> memref<1x1x4096xf32, #tpu.memory_space<hbm>>
    %dma_wait3A_100 = tpu.memref_squeeze %dma_wait3A_99 : memref<1x1x4096xf32, #tpu.memory_space<hbm>> -> memref<4096xf32, #tpu.memory_space<hbm>>
    tpu.wait_dma2 semaphore(%arg15 : memref<!tpu.dma_semaphore, #tpu.memory_space<semaphore_mem>>) src(%dma_wait3A_100 : memref<4096xf32, #tpu.memory_space<hbm>>) dst(%arg11 : memref<4096xf32, #tpu.memory_space<vmem>>)
    %dma_start3A_101 = arith.constant 0 : i32
    %dma_start3A_102 = arith.constant 0 : i32
    %dma_start3A_103 = tpu.memref_slice %arg3[%add3A, %dma_start3A_101, %dma_start3A_102] : memref<32x16x512xi32, #tpu.memory_space<hbm>> -> memref<1x16x512xi32, #tpu.memory_space<hbm>>
    %dma_start3A_104 = tpu.memref_squeeze %dma_start3A_103 : memref<1x16x512xi32, #tpu.memory_space<hbm>> -> memref<16x512xi32, #tpu.memory_space<hbm>>
    %dma_start3A_105 = arith.constant 0 : i32
    %dma_start3A_106 = arith.constant 0 : i32
    %dma_start3A_107 = tpu.memref_slice %arg3[%add3A, %dma_start3A_105, %dma_start3A_106] : memref<32x16x512xi32, #tpu.memory_space<hbm>> -> memref<1x16x512xi32, #tpu.memory_space<hbm>>
    %dma_start3A_108 = tpu.memref_squeeze %dma_start3A_107 : memref<1x16x512xi32, #tpu.memory_space<hbm>> -> memref<16x512xi32, #tpu.memory_space<hbm>>
    tpu.enqueue_dma source(%dma_start3A_108 : memref<16x512xi32, #tpu.memory_space<hbm>>) target(%arg12 : memref<16x512xi32, #tpu.memory_space<vmem>>) target_semaphore(%arg15 : memref<!tpu.dma_semaphore, #tpu.memory_space<semaphore_mem>>)
    %dma_wait3A_109 = arith.constant 0 : i32
    %dma_wait3A_110 = arith.constant 0 : i32
    %dma_wait3A_111 = tpu.memref_slice %arg3[%add3A, %dma_wait3A_109, %dma_wait3A_110] : memref<32x16x512xi32, #tpu.memory_space<hbm>> -> memref<1x16x512xi32, #tpu.memory_space<hbm>>
    %dma_wait3A_112 = tpu.memref_squeeze %dma_wait3A_111 : memref<1x16x512xi32, #tpu.memory_space<hbm>> -> memref<16x512xi32, #tpu.memory_space<hbm>>
    %dma_wait3A_113 = arith.constant 0 : i32
    %dma_wait3A_114 = arith.constant 0 : i32
    %dma_wait3A_115 = tpu.memref_slice %arg3[%add3A, %dma_wait3A_113, %dma_wait3A_114] : memref<32x16x512xi32, #tpu.memory_space<hbm>> -> memref<1x16x512xi32, #tpu.memory_space<hbm>>
    %dma_wait3A_116 = tpu.memref_squeeze %dma_wait3A_115 : memref<1x16x512xi32, #tpu.memory_space<hbm>> -> memref<16x512xi32, #tpu.memory_space<hbm>>
    tpu.wait_dma2 semaphore(%arg15 : memref<!tpu.dma_semaphore, #tpu.memory_space<semaphore_mem>>) src(%dma_wait3A_116 : memref<16x512xi32, #tpu.memory_space<hbm>>) dst(%arg12 : memref<16x512xi32, #tpu.memory_space<vmem>>)
    %dma_start3A_117 = arith.constant 0 : i32
    %dma_start3A_118 = arith.constant 0 : i32
    %dma_start3A_119 = tpu.memref_slice %arg4[%add3A, %dma_start3A_117, %dma_start3A_118] : memref<32x16x512xf32, #tpu.memory_space<hbm>> -> memref<1x16x512xf32, #tpu.memory_space<hbm>>
    %dma_start3A_120 = tpu.memref_squeeze %dma_start3A_119 : memref<1x16x512xf32, #tpu.memory_space<hbm>> -> memref<16x512xf32, #tpu.memory_space<hbm>>
    %dma_start3A_121 = arith.constant 0 : i32
    %dma_start3A_122 = arith.constant 0 : i32
    %dma_start3A_123 = tpu.memref_slice %arg4[%add3A, %dma_start3A_121, %dma_start3A_122] : memref<32x16x512xf32, #tpu.memory_space<hbm>> -> memref<1x16x512xf32, #tpu.memory_space<hbm>>
    %dma_start3A_124 = tpu.memref_squeeze %dma_start3A_123 : memref<1x16x512xf32, #tpu.memory_space<hbm>> -> memref<16x512xf32, #tpu.memory_space<hbm>>
    tpu.enqueue_dma source(%dma_start3A_124 : memref<16x512xf32, #tpu.memory_space<hbm>>) target(%arg13 : memref<16x512xf32, #tpu.memory_space<vmem>>) target_semaphore(%arg15 : memref<!tpu.dma_semaphore, #tpu.memory_space<semaphore_mem>>)
    %dma_wait3A_125 = arith.constant 0 : i32
    %dma_wait3A_126 = arith.constant 0 : i32
    %dma_wait3A_127 = tpu.memref_slice %arg4[%add3A, %dma_wait3A_125, %dma_wait3A_126] : memref<32x16x512xf32, #tpu.memory_space<hbm>> -> memref<1x16x512xf32, #tpu.memory_space<hbm>>
    %dma_wait3A_128 = tpu.memref_squeeze %dma_wait3A_127 : memref<1x16x512xf32, #tpu.memory_space<hbm>> -> memref<16x512xf32, #tpu.memory_space<hbm>>
    %dma_wait3A_129 = arith.constant 0 : i32
    %dma_wait3A_130 = arith.constant 0 : i32
    %dma_wait3A_131 = tpu.memref_slice %arg4[%add3A, %dma_wait3A_129, %dma_wait3A_130] : memref<32x16x512xf32, #tpu.memory_space<hbm>> -> memref<1x16x512xf32, #tpu.memory_space<hbm>>
    %dma_wait3A_132 = tpu.memref_squeeze %dma_wait3A_131 : memref<1x16x512xf32, #tpu.memory_space<hbm>> -> memref<16x512xf32, #tpu.memory_space<hbm>>
    tpu.wait_dma2 semaphore(%arg15 : memref<!tpu.dma_semaphore, #tpu.memory_space<semaphore_mem>>) src(%dma_wait3A_132 : memref<16x512xf32, #tpu.memory_space<hbm>>) dst(%arg13 : memref<16x512xf32, #tpu.memory_space<vmem>>)
    %mul3A_133 = arith.constant 4096 : i32
    %mul3A_134 = arith.muli %select_n3A, %mul3A_133 : i32
    %sub3A_135 = arith.subi %mul3A_2, %mul3A_134 : i32
    %scan3A = arith.constant 0 : i32
    %scan3A_136 = arith.constant 32 : i32
    %scan3A_137 = arith.addi %scan3A, %scan3A_136 : i32
    %scan3A_138 = arith.constant 1 : i32
    scf.for %scan3A_156 = %scan3A to %scan3A_137 step %scan3A_138  : i32 {
      %mul3A_157 = arith.constant 16 : i32
      %mul3A_158 = arith.muli %scan3A_156, %mul3A_157 : i32
      %add3A_159 = arith.constant 0 : i32
      %add3A_160 = arith.addi %add3A_159, %mul3A_158 : i32
      %add3A_161 = arith.addi %sub3A_135, %add3A_160 : i32
      %get3A = arith.index_cast %add3A_161 : i32 to index
      %get3A_162 = tpu.vector_load %arg6[%get3A] {strides = array<i32>} : memref<4096xf32, #tpu.memory_space<vmem>>, vector<16xf32>,
      %add3A_163 = arith.addi %sub3A_135, %add3A_160 : i32
      %get3A_164 = arith.index_cast %add3A_163 : i32 to index
      %get3A_165 = tpu.vector_load %arg7[%get3A_164] {strides = array<i32>} : memref<4096xf32, #tpu.memory_space<vmem>>, vector<16xf32>,
      %add3A_166 = arith.addi %sub3A_135, %add3A_160 : i32
      %get3A_167 = arith.index_cast %add3A_166 : i32 to index
      %get3A_168 = tpu.vector_load %arg8[%get3A_167] {strides = array<i32>} : memref<4096xf32, #tpu.memory_space<vmem>>, vector<16xf32>,
      %broadcast_in_dim3A = arith.constant 0.000000e+00 : f32
      %broadcast_in_dim3A_169 = vector.broadcast %broadcast_in_dim3A : f32 to vector<16xf32>
      %get3A_170 = arith.constant 0 : i32
      %get3A_171 = arith.index_cast %get3A_170 : i32 to index
      %get3A_172 = arith.index_cast %add3A_160 : i32 to index
      %get3A_173 = tpu.vector_load %arg12[%get3A_171, %get3A_172] {strides = array<i32>} : memref<16x512xi32, #tpu.memory_space<vmem>>, vector<16xi32>,
      %get3A_174 = arith.constant 0 : i32
      %get3A_175 = arith.index_cast %get3A_174 : i32 to index
      %get3A_176 = arith.index_cast %add3A_160 : i32 to index
      %get3A_177 = tpu.vector_load %arg13[%get3A_175, %get3A_176] {strides = array<i32>} : memref<16x512xf32, #tpu.memory_space<vmem>>, vector<16xf32>,
      %gather3A = tpu.vector_load_idx %arg6[%get3A_173] : memref<4096xf32, #tpu.memory_space<vmem>>[vector<16xi32>], vector<16xf32>,
      %sub3A_178 = arith.subf %gather3A, %get3A_162 : vector<16xf32>
      %gather3A_179 = tpu.vector_load_idx %arg7[%get3A_173] : memref<4096xf32, #tpu.memory_space<vmem>>[vector<16xi32>], vector<16xf32>,
      %sub3A_180 = arith.subf %gather3A_179, %get3A_165 : vector<16xf32>
      %gather3A_181 = tpu.vector_load_idx %arg8[%get3A_173] : memref<4096xf32, #tpu.memory_space<vmem>>[vector<16xi32>], vector<16xf32>,
      %sub3A_182 = arith.subf %gather3A_181, %get3A_168 : vector<16xf32>
      %gather3A_183 = tpu.vector_load_idx %arg9[%get3A_173] : memref<4096xf32, #tpu.memory_space<vmem>>[vector<16xi32>], vector<16xf32>,
      %gather3A_184 = tpu.vector_load_idx %arg10[%get3A_173] : memref<4096xf32, #tpu.memory_space<vmem>>[vector<16xi32>], vector<16xf32>,
      %gather3A_185 = tpu.vector_load_idx %arg11[%get3A_173] : memref<4096xf32, #tpu.memory_space<vmem>>[vector<16xi32>], vector<16xf32>,
      %add3A_186 = arith.addf %broadcast_in_dim3A_169, %get3A_177 : vector<16xf32>
      %mul3A_187 = arith.mulf %get3A_177, %sub3A_178 : vector<16xf32>
      %add3A_188 = arith.addf %broadcast_in_dim3A_169, %mul3A_187 : vector<16xf32>
      %mul3A_189 = arith.mulf %get3A_177, %sub3A_180 : vector<16xf32>
      %add3A_190 = arith.addf %broadcast_in_dim3A_169, %mul3A_189 : vector<16xf32>
      %mul3A_191 = arith.mulf %get3A_177, %sub3A_182 : vector<16xf32>
      %add3A_192 = arith.addf %broadcast_in_dim3A_169, %mul3A_191 : vector<16xf32>
      %mul3A_193 = arith.mulf %get3A_177, %sub3A_178 : vector<16xf32>
      %mul3A_194 = arith.mulf %mul3A_193, %sub3A_178 : vector<16xf32>
      %add3A_195 = arith.addf %broadcast_in_dim3A_169, %mul3A_194 : vector<16xf32>
      %mul3A_196 = arith.mulf %get3A_177, %sub3A_180 : vector<16xf32>
      %mul3A_197 = arith.mulf %mul3A_196, %sub3A_180 : vector<16xf32>
      %add3A_198 = arith.addf %broadcast_in_dim3A_169, %mul3A_197 : vector<16xf32>
      %mul3A_199 = arith.mulf %get3A_177, %sub3A_182 : vector<16xf32>
      %mul3A_200 = arith.mulf %mul3A_199, %sub3A_182 : vector<16xf32>
      %add3A_201 = arith.addf %broadcast_in_dim3A_169, %mul3A_200 : vector<16xf32>
      %mul3A_202 = arith.mulf %get3A_177, %sub3A_178 : vector<16xf32>
      %mul3A_203 = arith.mulf %mul3A_202, %sub3A_180 : vector<16xf32>
      %add3A_204 = arith.addf %broadcast_in_dim3A_169, %mul3A_203 : vector<16xf32>
      %mul3A_205 = arith.mulf %get3A_177, %sub3A_178 : vector<16xf32>
      %mul3A_206 = arith.mulf %mul3A_205, %sub3A_182 : vector<16xf32>
      %add3A_207 = arith.addf %broadcast_in_dim3A_169, %mul3A_206 : vector<16xf32>
      %mul3A_208 = arith.mulf %get3A_177, %sub3A_180 : vector<16xf32>
      %mul3A_209 = arith.mulf %mul3A_208, %sub3A_182 : vector<16xf32>
      %add3A_210 = arith.addf %broadcast_in_dim3A_169, %mul3A_209 : vector<16xf32>
      %add3A_211 = arith.addf %broadcast_in_dim3A_169, %gather3A_183 : vector<16xf32>
      %add3A_212 = arith.addf %broadcast_in_dim3A_169, %gather3A_184 : vector<16xf32>
      %add3A_213 = arith.addf %broadcast_in_dim3A_169, %gather3A_185 : vector<16xf32>
      %mul3A_214 = arith.mulf %gather3A_183, %gather3A_183 : vector<16xf32>
      %add3A_215 = arith.addf %broadcast_in_dim3A_169, %mul3A_214 : vector<16xf32>
      %mul3A_216 = arith.mulf %gather3A_184, %gather3A_184 : vector<16xf32>
      %add3A_217 = arith.addf %broadcast_in_dim3A_169, %mul3A_216 : vector<16xf32>
      %mul3A_218 = arith.mulf %gather3A_185, %gather3A_185 : vector<16xf32>
      %add3A_219 = arith.addf %broadcast_in_dim3A_169, %mul3A_218 : vector<16xf32>
      %mul3A_220 = arith.mulf %gather3A_183, %gather3A_184 : vector<16xf32>
      %add3A_221 = arith.addf %broadcast_in_dim3A_169, %mul3A_220 : vector<16xf32>
      %mul3A_222 = arith.mulf %gather3A_183, %gather3A_185 : vector<16xf32>
      %add3A_223 = arith.addf %broadcast_in_dim3A_169, %mul3A_222 : vector<16xf32>
      %mul3A_224 = arith.mulf %gather3A_184, %gather3A_185 : vector<16xf32>
      %add3A_225 = arith.addf %broadcast_in_dim3A_169, %mul3A_224 : vector<16xf32>
      %get3A_226 = arith.constant 1 : i32
      %get3A_227 = arith.index_cast %get3A_226 : i32 to index
      %get3A_228 = arith.index_cast %add3A_160 : i32 to index
      %get3A_229 = tpu.vector_load %arg12[%get3A_227, %get3A_228] {strides = array<i32>} : memref<16x512xi32, #tpu.memory_space<vmem>>, vector<16xi32>,
      %get3A_230 = arith.constant 1 : i32
      %get3A_231 = arith.index_cast %get3A_230 : i32 to index
      %get3A_232 = arith.index_cast %add3A_160 : i32 to index
      %get3A_233 = tpu.vector_load %arg13[%get3A_231, %get3A_232] {strides = array<i32>} : memref<16x512xf32, #tpu.memory_space<vmem>>, vector<16xf32>,
      %gather3A_234 = tpu.vector_load_idx %arg6[%get3A_229] : memref<4096xf32, #tpu.memory_space<vmem>>[vector<16xi32>], vector<16xf32>,
      %sub3A_235 = arith.subf %gather3A_234, %get3A_162 : vector<16xf32>
      %gather3A_236 = tpu.vector_load_idx %arg7[%get3A_229] : memref<4096xf32, #tpu.memory_space<vmem>>[vector<16xi32>], vector<16xf32>,
      %sub3A_237 = arith.subf %gather3A_236, %get3A_165 : vector<16xf32>
      %gather3A_238 = tpu.vector_load_idx %arg8[%get3A_229] : memref<4096xf32, #tpu.memory_space<vmem>>[vector<16xi32>], vector<16xf32>,
      %sub3A_239 = arith.subf %gather3A_238, %get3A_168 : vector<16xf32>
      %gather3A_240 = tpu.vector_load_idx %arg9[%get3A_229] : memref<4096xf32, #tpu.memory_space<vmem>>[vector<16xi32>], vector<16xf32>,
      %gather3A_241 = tpu.vector_load_idx %arg10[%get3A_229] : memref<4096xf32, #tpu.memory_space<vmem>>[vector<16xi32>], vector<16xf32>,
      %gather3A_242 = tpu.vector_load_idx %arg11[%get3A_229] : memref<4096xf32, #tpu.memory_space<vmem>>[vector<16xi32>], vector<16xf32>,
      %add3A_243 = arith.addf %add3A_186, %get3A_233 : vector<16xf32>
      %mul3A_244 = arith.mulf %get3A_233, %sub3A_235 : vector<16xf32>
      %add3A_245 = arith.addf %add3A_188, %mul3A_244 : vector<16xf32>
      %mul3A_246 = arith.mulf %get3A_233, %sub3A_237 : vector<16xf32>
      %add3A_247 = arith.addf %add3A_190, %mul3A_246 : vector<16xf32>
      %mul3A_248 = arith.mulf %get3A_233, %sub3A_239 : vector<16xf32>
      %add3A_249 = arith.addf %add3A_192, %mul3A_248 : vector<16xf32>
      %mul3A_250 = arith.mulf %get3A_233, %sub3A_235 : vector<16xf32>
      %mul3A_251 = arith.mulf %mul3A_250, %sub3A_235 : vector<16xf32>
      %add3A_252 = arith.addf %add3A_195, %mul3A_251 : vector<16xf32>
      %mul3A_253 = arith.mulf %get3A_233, %sub3A_237 : vector<16xf32>
      %mul3A_254 = arith.mulf %mul3A_253, %sub3A_237 : vector<16xf32>
      %add3A_255 = arith.addf %add3A_198, %mul3A_254 : vector<16xf32>
      %mul3A_256 = arith.mulf %get3A_233, %sub3A_239 : vector<16xf32>
      %mul3A_257 = arith.mulf %mul3A_256, %sub3A_239 : vector<16xf32>
      %add3A_258 = arith.addf %add3A_201, %mul3A_257 : vector<16xf32>
      %mul3A_259 = arith.mulf %get3A_233, %sub3A_235 : vector<16xf32>
      %mul3A_260 = arith.mulf %mul3A_259, %sub3A_237 : vector<16xf32>
      %add3A_261 = arith.addf %add3A_204, %mul3A_260 : vector<16xf32>
      %mul3A_262 = arith.mulf %get3A_233, %sub3A_235 : vector<16xf32>
      %mul3A_263 = arith.mulf %mul3A_262, %sub3A_239 : vector<16xf32>
      %add3A_264 = arith.addf %add3A_207, %mul3A_263 : vector<16xf32>
      %mul3A_265 = arith.mulf %get3A_233, %sub3A_237 : vector<16xf32>
      %mul3A_266 = arith.mulf %mul3A_265, %sub3A_239 : vector<16xf32>
      %add3A_267 = arith.addf %add3A_210, %mul3A_266 : vector<16xf32>
      %add3A_268 = arith.addf %add3A_211, %gather3A_240 : vector<16xf32>
      %add3A_269 = arith.addf %add3A_212, %gather3A_241 : vector<16xf32>
      %add3A_270 = arith.addf %add3A_213, %gather3A_242 : vector<16xf32>
      %mul3A_271 = arith.mulf %gather3A_240, %gather3A_240 : vector<16xf32>
      %add3A_272 = arith.addf %add3A_215, %mul3A_271 : vector<16xf32>
      %mul3A_273 = arith.mulf %gather3A_241, %gather3A_241 : vector<16xf32>
      %add3A_274 = arith.addf %add3A_217, %mul3A_273 : vector<16xf32>
      %mul3A_275 = arith.mulf %gather3A_242, %gather3A_242 : vector<16xf32>
      %add3A_276 = arith.addf %add3A_219, %mul3A_275 : vector<16xf32>
      %mul3A_277 = arith.mulf %gather3A_240, %gather3A_241 : vector<16xf32>
      %add3A_278 = arith.addf %add3A_221, %mul3A_277 : vector<16xf32>
      %mul3A_279 = arith.mulf %gather3A_240, %gather3A_242 : vector<16xf32>
      %add3A_280 = arith.addf %add3A_223, %mul3A_279 : vector<16xf32>
      %mul3A_281 = arith.mulf %gather3A_241, %gather3A_242 : vector<16xf32>
      %add3A_282 = arith.addf %add3A_225, %mul3A_281 : vector<16xf32>
      %get3A_283 = arith.constant 2 : i32
      %get3A_284 = arith.index_cast %get3A_283 : i32 to index
      %get3A_285 = arith.index_cast %add3A_160 : i32 to index
      %get3A_286 = tpu.vector_load %arg12[%get3A_284, %get3A_285] {strides = array<i32>} : memref<16x512xi32, #tpu.memory_space<vmem>>, vector<16xi32>,
      %get3A_287 = arith.constant 2 : i32
      %get3A_288 = arith.index_cast %get3A_287 : i32 to index
      %get3A_289 = arith.index_cast %add3A_160 : i32 to index
      %get3A_290 = tpu.vector_load %arg13[%get3A_288, %get3A_289] {strides = array<i32>} : memref<16x512xf32, #tpu.memory_space<vmem>>, vector<16xf32>,
      %gather3A_291 = tpu.vector_load_idx %arg6[%get3A_286] : memref<4096xf32, #tpu.memory_space<vmem>>[vector<16xi32>], vector<16xf32>,
      %sub3A_292 = arith.subf %gather3A_291, %get3A_162 : vector<16xf32>
      %gather3A_293 = tpu.vector_load_idx %arg7[%get3A_286] : memref<4096xf32, #tpu.memory_space<vmem>>[vector<16xi32>], vector<16xf32>,
      %sub3A_294 = arith.subf %gather3A_293, %get3A_165 : vector<16xf32>
      %gather3A_295 = tpu.vector_load_idx %arg8[%get3A_286] : memref<4096xf32, #tpu.memory_space<vmem>>[vector<16xi32>], vector<16xf32>,
      %sub3A_296 = arith.subf %gather3A_295, %get3A_168 : vector<16xf32>
      %gather3A_297 = tpu.vector_load_idx %arg9[%get3A_286] : memref<4096xf32, #tpu.memory_space<vmem>>[vector<16xi32>], vector<16xf32>,
      %gather3A_298 = tpu.vector_load_idx %arg10[%get3A_286] : memref<4096xf32, #tpu.memory_space<vmem>>[vector<16xi32>], vector<16xf32>,
      %gather3A_299 = tpu.vector_load_idx %arg11[%get3A_286] : memref<4096xf32, #tpu.memory_space<vmem>>[vector<16xi32>], vector<16xf32>,
      %add3A_300 = arith.addf %add3A_243, %get3A_290 : vector<16xf32>
      %mul3A_301 = arith.mulf %get3A_290, %sub3A_292 : vector<16xf32>
      %add3A_302 = arith.addf %add3A_245, %mul3A_301 : vector<16xf32>
      %mul3A_303 = arith.mulf %get3A_290, %sub3A_294 : vector<16xf32>
      %add3A_304 = arith.addf %add3A_247, %mul3A_303 : vector<16xf32>
      %mul3A_305 = arith.mulf %get3A_290, %sub3A_296 : vector<16xf32>
      %add3A_306 = arith.addf %add3A_249, %mul3A_305 : vector<16xf32>
      %mul3A_307 = arith.mulf %get3A_290, %sub3A_292 : vector<16xf32>
      %mul3A_308 = arith.mulf %mul3A_307, %sub3A_292 : vector<16xf32>
      %add3A_309 = arith.addf %add3A_252, %mul3A_308 : vector<16xf32>
      %mul3A_310 = arith.mulf %get3A_290, %sub3A_294 : vector<16xf32>
      %mul3A_311 = arith.mulf %mul3A_310, %sub3A_294 : vector<16xf32>
      %add3A_312 = arith.addf %add3A_255, %mul3A_311 : vector<16xf32>
      %mul3A_313 = arith.mulf %get3A_290, %sub3A_296 : vector<16xf32>
      %mul3A_314 = arith.mulf %mul3A_313, %sub3A_296 : vector<16xf32>
      %add3A_315 = arith.addf %add3A_258, %mul3A_314 : vector<16xf32>
      %mul3A_316 = arith.mulf %get3A_290, %sub3A_292 : vector<16xf32>
      %mul3A_317 = arith.mulf %mul3A_316, %sub3A_294 : vector<16xf32>
      %add3A_318 = arith.addf %add3A_261, %mul3A_317 : vector<16xf32>
      %mul3A_319 = arith.mulf %get3A_290, %sub3A_292 : vector<16xf32>
      %mul3A_320 = arith.mulf %mul3A_319, %sub3A_296 : vector<16xf32>
      %add3A_321 = arith.addf %add3A_264, %mul3A_320 : vector<16xf32>
      %mul3A_322 = arith.mulf %get3A_290, %sub3A_294 : vector<16xf32>
      %mul3A_323 = arith.mulf %mul3A_322, %sub3A_296 : vector<16xf32>
      %add3A_324 = arith.addf %add3A_267, %mul3A_323 : vector<16xf32>
      %add3A_325 = arith.addf %add3A_268, %gather3A_297 : vector<16xf32>
      %add3A_326 = arith.addf %add3A_269, %gather3A_298 : vector<16xf32>
      %add3A_327 = arith.addf %add3A_270, %gather3A_299 : vector<16xf32>
      %mul3A_328 = arith.mulf %gather3A_297, %gather3A_297 : vector<16xf32>
      %add3A_329 = arith.addf %add3A_272, %mul3A_328 : vector<16xf32>
      %mul3A_330 = arith.mulf %gather3A_298, %gather3A_298 : vector<16xf32>
      %add3A_331 = arith.addf %add3A_274, %mul3A_330 : vector<16xf32>
      %mul3A_332 = arith.mulf %gather3A_299, %gather3A_299 : vector<16xf32>
      %add3A_333 = arith.addf %add3A_276, %mul3A_332 : vector<16xf32>
      %mul3A_334 = arith.mulf %gather3A_297, %gather3A_298 : vector<16xf32>
      %add3A_335 = arith.addf %add3A_278, %mul3A_334 : vector<16xf32>
      %mul3A_336 = arith.mulf %gather3A_297, %gather3A_299 : vector<16xf32>
      %add3A_337 = arith.addf %add3A_280, %mul3A_336 : vector<16xf32>
      %mul3A_338 = arith.mulf %gather3A_298, %gather3A_299 : vector<16xf32>
      %add3A_339 = arith.addf %add3A_282, %mul3A_338 : vector<16xf32>
      %get3A_340 = arith.constant 3 : i32
      %get3A_341 = arith.index_cast %get3A_340 : i32 to index
      %get3A_342 = arith.index_cast %add3A_160 : i32 to index
      %get3A_343 = tpu.vector_load %arg12[%get3A_341, %get3A_342] {strides = array<i32>} : memref<16x512xi32, #tpu.memory_space<vmem>>, vector<16xi32>,
      %get3A_344 = arith.constant 3 : i32
      %get3A_345 = arith.index_cast %get3A_344 : i32 to index
      %get3A_346 = arith.index_cast %add3A_160 : i32 to index
      %get3A_347 = tpu.vector_load %arg13[%get3A_345, %get3A_346] {strides = array<i32>} : memref<16x512xf32, #tpu.memory_space<vmem>>, vector<16xf32>,
      %gather3A_348 = tpu.vector_load_idx %arg6[%get3A_343] : memref<4096xf32, #tpu.memory_space<vmem>>[vector<16xi32>], vector<16xf32>,
      %sub3A_349 = arith.subf %gather3A_348, %get3A_162 : vector<16xf32>
      %gather3A_350 = tpu.vector_load_idx %arg7[%get3A_343] : memref<4096xf32, #tpu.memory_space<vmem>>[vector<16xi32>], vector<16xf32>,
      %sub3A_351 = arith.subf %gather3A_350, %get3A_165 : vector<16xf32>
      %gather3A_352 = tpu.vector_load_idx %arg8[%get3A_343] : memref<4096xf32, #tpu.memory_space<vmem>>[vector<16xi32>], vector<16xf32>,
      %sub3A_353 = arith.subf %gather3A_352, %get3A_168 : vector<16xf32>
      %gather3A_354 = tpu.vector_load_idx %arg9[%get3A_343] : memref<4096xf32, #tpu.memory_space<vmem>>[vector<16xi32>], vector<16xf32>,
      %gather3A_355 = tpu.vector_load_idx %arg10[%get3A_343] : memref<4096xf32, #tpu.memory_space<vmem>>[vector<16xi32>], vector<16xf32>,
      %gather3A_356 = tpu.vector_load_idx %arg11[%get3A_343] : memref<4096xf32, #tpu.memory_space<vmem>>[vector<16xi32>], vector<16xf32>,
      %add3A_357 = arith.addf %add3A_300, %get3A_347 : vector<16xf32>
      %mul3A_358 = arith.mulf %get3A_347, %sub3A_349 : vector<16xf32>
      %add3A_359 = arith.addf %add3A_302, %mul3A_358 : vector<16xf32>
      %mul3A_360 = arith.mulf %get3A_347, %sub3A_351 : vector<16xf32>
      %add3A_361 = arith.addf %add3A_304, %mul3A_360 : vector<16xf32>
      %mul3A_362 = arith.mulf %get3A_347, %sub3A_353 : vector<16xf32>
      %add3A_363 = arith.addf %add3A_306, %mul3A_362 : vector<16xf32>
      %mul3A_364 = arith.mulf %get3A_347, %sub3A_349 : vector<16xf32>
      %mul3A_365 = arith.mulf %mul3A_364, %sub3A_349 : vector<16xf32>
      %add3A_366 = arith.addf %add3A_309, %mul3A_365 : vector<16xf32>
      %mul3A_367 = arith.mulf %get3A_347, %sub3A_351 : vector<16xf32>
      %mul3A_368 = arith.mulf %mul3A_367, %sub3A_351 : vector<16xf32>
      %add3A_369 = arith.addf %add3A_312, %mul3A_368 : vector<16xf32>
      %mul3A_370 = arith.mulf %get3A_347, %sub3A_353 : vector<16xf32>
      %mul3A_371 = arith.mulf %mul3A_370, %sub3A_353 : vector<16xf32>
      %add3A_372 = arith.addf %add3A_315, %mul3A_371 : vector<16xf32>
      %mul3A_373 = arith.mulf %get3A_347, %sub3A_349 : vector<16xf32>
      %mul3A_374 = arith.mulf %mul3A_373, %sub3A_351 : vector<16xf32>
      %add3A_375 = arith.addf %add3A_318, %mul3A_374 : vector<16xf32>
      %mul3A_376 = arith.mulf %get3A_347, %sub3A_349 : vector<16xf32>
      %mul3A_377 = arith.mulf %mul3A_376, %sub3A_353 : vector<16xf32>
      %add3A_378 = arith.addf %add3A_321, %mul3A_377 : vector<16xf32>
      %mul3A_379 = arith.mulf %get3A_347, %sub3A_351 : vector<16xf32>
      %mul3A_380 = arith.mulf %mul3A_379, %sub3A_353 : vector<16xf32>
      %add3A_381 = arith.addf %add3A_324, %mul3A_380 : vector<16xf32>
      %add3A_382 = arith.addf %add3A_325, %gather3A_354 : vector<16xf32>
      %add3A_383 = arith.addf %add3A_326, %gather3A_355 : vector<16xf32>
      %add3A_384 = arith.addf %add3A_327, %gather3A_356 : vector<16xf32>
      %mul3A_385 = arith.mulf %gather3A_354, %gather3A_354 : vector<16xf32>
      %add3A_386 = arith.addf %add3A_329, %mul3A_385 : vector<16xf32>
      %mul3A_387 = arith.mulf %gather3A_355, %gather3A_355 : vector<16xf32>
      %add3A_388 = arith.addf %add3A_331, %mul3A_387 : vector<16xf32>
      %mul3A_389 = arith.mulf %gather3A_356, %gather3A_356 : vector<16xf32>
      %add3A_390 = arith.addf %add3A_333, %mul3A_389 : vector<16xf32>
      %mul3A_391 = arith.mulf %gather3A_354, %gather3A_355 : vector<16xf32>
      %add3A_392 = arith.addf %add3A_335, %mul3A_391 : vector<16xf32>
      %mul3A_393 = arith.mulf %gather3A_354, %gather3A_356 : vector<16xf32>
      %add3A_394 = arith.addf %add3A_337, %mul3A_393 : vector<16xf32>
      %mul3A_395 = arith.mulf %gather3A_355, %gather3A_356 : vector<16xf32>
      %add3A_396 = arith.addf %add3A_339, %mul3A_395 : vector<16xf32>
      %get3A_397 = arith.constant 4 : i32
      %get3A_398 = arith.index_cast %get3A_397 : i32 to index
      %get3A_399 = arith.index_cast %add3A_160 : i32 to index
      %get3A_400 = tpu.vector_load %arg12[%get3A_398, %get3A_399] {strides = array<i32>} : memref<16x512xi32, #tpu.memory_space<vmem>>, vector<16xi32>,
      %get3A_401 = arith.constant 4 : i32
      %get3A_402 = arith.index_cast %get3A_401 : i32 to index
      %get3A_403 = arith.index_cast %add3A_160 : i32 to index
      %get3A_404 = tpu.vector_load %arg13[%get3A_402, %get3A_403] {strides = array<i32>} : memref<16x512xf32, #tpu.memory_space<vmem>>, vector<16xf32>,
      %gather3A_405 = tpu.vector_load_idx %arg6[%get3A_400] : memref<4096xf32, #tpu.memory_space<vmem>>[vector<16xi32>], vector<16xf32>,
      %sub3A_406 = arith.subf %gather3A_405, %get3A_162 : vector<16xf32>
      %gather3A_407 = tpu.vector_load_idx %arg7[%get3A_400] : memref<4096xf32, #tpu.memory_space<vmem>>[vector<16xi32>], vector<16xf32>,
      %sub3A_408 = arith.subf %gather3A_407, %get3A_165 : vector<16xf32>
      %gather3A_409 = tpu.vector_load_idx %arg8[%get3A_400] : memref<4096xf32, #tpu.memory_space<vmem>>[vector<16xi32>], vector<16xf32>,
      %sub3A_410 = arith.subf %gather3A_409, %get3A_168 : vector<16xf32>
      %gather3A_411 = tpu.vector_load_idx %arg9[%get3A_400] : memref<4096xf32, #tpu.memory_space<vmem>>[vector<16xi32>], vector<16xf32>,
      %gather3A_412 = tpu.vector_load_idx %arg10[%get3A_400] : memref<4096xf32, #tpu.memory_space<vmem>>[vector<16xi32>], vector<16xf32>,
      %gather3A_413 = tpu.vector_load_idx %arg11[%get3A_400] : memref<4096xf32, #tpu.memory_space<vmem>>[vector<16xi32>], vector<16xf32>,
      %add3A_414 = arith.addf %add3A_357, %get3A_404 : vector<16xf32>
      %mul3A_415 = arith.mulf %get3A_404, %sub3A_406 : vector<16xf32>
      %add3A_416 = arith.addf %add3A_359, %mul3A_415 : vector<16xf32>
      %mul3A_417 = arith.mulf %get3A_404, %sub3A_408 : vector<16xf32>
      %add3A_418 = arith.addf %add3A_361, %mul3A_417 : vector<16xf32>
      %mul3A_419 = arith.mulf %get3A_404, %sub3A_410 : vector<16xf32>
      %add3A_420 = arith.addf %add3A_363, %mul3A_419 : vector<16xf32>
      %mul3A_421 = arith.mulf %get3A_404, %sub3A_406 : vector<16xf32>
      %mul3A_422 = arith.mulf %mul3A_421, %sub3A_406 : vector<16xf32>
      %add3A_423 = arith.addf %add3A_366, %mul3A_422 : vector<16xf32>
      %mul3A_424 = arith.mulf %get3A_404, %sub3A_408 : vector<16xf32>
      %mul3A_425 = arith.mulf %mul3A_424, %sub3A_408 : vector<16xf32>
      %add3A_426 = arith.addf %add3A_369, %mul3A_425 : vector<16xf32>
      %mul3A_427 = arith.mulf %get3A_404, %sub3A_410 : vector<16xf32>
      %mul3A_428 = arith.mulf %mul3A_427, %sub3A_410 : vector<16xf32>
      %add3A_429 = arith.addf %add3A_372, %mul3A_428 : vector<16xf32>
      %mul3A_430 = arith.mulf %get3A_404, %sub3A_406 : vector<16xf32>
      %mul3A_431 = arith.mulf %mul3A_430, %sub3A_408 : vector<16xf32>
      %add3A_432 = arith.addf %add3A_375, %mul3A_431 : vector<16xf32>
      %mul3A_433 = arith.mulf %get3A_404, %sub3A_406 : vector<16xf32>
      %mul3A_434 = arith.mulf %mul3A_433, %sub3A_410 : vector<16xf32>
      %add3A_435 = arith.addf %add3A_378, %mul3A_434 : vector<16xf32>
      %mul3A_436 = arith.mulf %get3A_404, %sub3A_408 : vector<16xf32>
      %mul3A_437 = arith.mulf %mul3A_436, %sub3A_410 : vector<16xf32>
      %add3A_438 = arith.addf %add3A_381, %mul3A_437 : vector<16xf32>
      %add3A_439 = arith.addf %add3A_382, %gather3A_411 : vector<16xf32>
      %add3A_440 = arith.addf %add3A_383, %gather3A_412 : vector<16xf32>
      %add3A_441 = arith.addf %add3A_384, %gather3A_413 : vector<16xf32>
      %mul3A_442 = arith.mulf %gather3A_411, %gather3A_411 : vector<16xf32>
      %add3A_443 = arith.addf %add3A_386, %mul3A_442 : vector<16xf32>
      %mul3A_444 = arith.mulf %gather3A_412, %gather3A_412 : vector<16xf32>
      %add3A_445 = arith.addf %add3A_388, %mul3A_444 : vector<16xf32>
      %mul3A_446 = arith.mulf %gather3A_413, %gather3A_413 : vector<16xf32>
      %add3A_447 = arith.addf %add3A_390, %mul3A_446 : vector<16xf32>
      %mul3A_448 = arith.mulf %gather3A_411, %gather3A_412 : vector<16xf32>
      %add3A_449 = arith.addf %add3A_392, %mul3A_448 : vector<16xf32>
      %mul3A_450 = arith.mulf %gather3A_411, %gather3A_413 : vector<16xf32>
      %add3A_451 = arith.addf %add3A_394, %mul3A_450 : vector<16xf32>
      %mul3A_452 = arith.mulf %gather3A_412, %gather3A_413 : vector<16xf32>
      %add3A_453 = arith.addf %add3A_396, %mul3A_452 : vector<16xf32>
      %get3A_454 = arith.constant 5 : i32
      %get3A_455 = arith.index_cast %get3A_454 : i32 to index
      %get3A_456 = arith.index_cast %add3A_160 : i32 to index
      %get3A_457 = tpu.vector_load %arg12[%get3A_455, %get3A_456] {strides = array<i32>} : memref<16x512xi32, #tpu.memory_space<vmem>>, vector<16xi32>,
      %get3A_458 = arith.constant 5 : i32
      %get3A_459 = arith.index_cast %get3A_458 : i32 to index
      %get3A_460 = arith.index_cast %add3A_160 : i32 to index
      %get3A_461 = tpu.vector_load %arg13[%get3A_459, %get3A_460] {strides = array<i32>} : memref<16x512xf32, #tpu.memory_space<vmem>>, vector<16xf32>,
      %gather3A_462 = tpu.vector_load_idx %arg6[%get3A_457] : memref<4096xf32, #tpu.memory_space<vmem>>[vector<16xi32>], vector<16xf32>,
      %sub3A_463 = arith.subf %gather3A_462, %get3A_162 : vector<16xf32>
      %gather3A_464 = tpu.vector_load_idx %arg7[%get3A_457] : memref<4096xf32, #tpu.memory_space<vmem>>[vector<16xi32>], vector<16xf32>,
      %sub3A_465 = arith.subf %gather3A_464, %get3A_165 : vector<16xf32>
      %gather3A_466 = tpu.vector_load_idx %arg8[%get3A_457] : memref<4096xf32, #tpu.memory_space<vmem>>[vector<16xi32>], vector<16xf32>,
      %sub3A_467 = arith.subf %gather3A_466, %get3A_168 : vector<16xf32>
      %gather3A_468 = tpu.vector_load_idx %arg9[%get3A_457] : memref<4096xf32, #tpu.memory_space<vmem>>[vector<16xi32>], vector<16xf32>,
      %gather3A_469 = tpu.vector_load_idx %arg10[%get3A_457] : memref<4096xf32, #tpu.memory_space<vmem>>[vector<16xi32>], vector<16xf32>,
      %gather3A_470 = tpu.vector_load_idx %arg11[%get3A_457] : memref<4096xf32, #tpu.memory_space<vmem>>[vector<16xi32>], vector<16xf32>,
      %add3A_471 = arith.addf %add3A_414, %get3A_461 : vector<16xf32>
      %mul3A_472 = arith.mulf %get3A_461, %sub3A_463 : vector<16xf32>
      %add3A_473 = arith.addf %add3A_416, %mul3A_472 : vector<16xf32>
      %mul3A_474 = arith.mulf %get3A_461, %sub3A_465 : vector<16xf32>
      %add3A_475 = arith.addf %add3A_418, %mul3A_474 : vector<16xf32>
      %mul3A_476 = arith.mulf %get3A_461, %sub3A_467 : vector<16xf32>
      %add3A_477 = arith.addf %add3A_420, %mul3A_476 : vector<16xf32>
      %mul3A_478 = arith.mulf %get3A_461, %sub3A_463 : vector<16xf32>
      %mul3A_479 = arith.mulf %mul3A_478, %sub3A_463 : vector<16xf32>
      %add3A_480 = arith.addf %add3A_423, %mul3A_479 : vector<16xf32>
      %mul3A_481 = arith.mulf %get3A_461, %sub3A_465 : vector<16xf32>
      %mul3A_482 = arith.mulf %mul3A_481, %sub3A_465 : vector<16xf32>
      %add3A_483 = arith.addf %add3A_426, %mul3A_482 : vector<16xf32>
      %mul3A_484 = arith.mulf %get3A_461, %sub3A_467 : vector<16xf32>
      %mul3A_485 = arith.mulf %mul3A_484, %sub3A_467 : vector<16xf32>
      %add3A_486 = arith.addf %add3A_429, %mul3A_485 : vector<16xf32>
      %mul3A_487 = arith.mulf %get3A_461, %sub3A_463 : vector<16xf32>
      %mul3A_488 = arith.mulf %mul3A_487, %sub3A_465 : vector<16xf32>
      %add3A_489 = arith.addf %add3A_432, %mul3A_488 : vector<16xf32>
      %mul3A_490 = arith.mulf %get3A_461, %sub3A_463 : vector<16xf32>
      %mul3A_491 = arith.mulf %mul3A_490, %sub3A_467 : vector<16xf32>
      %add3A_492 = arith.addf %add3A_435, %mul3A_491 : vector<16xf32>
      %mul3A_493 = arith.mulf %get3A_461, %sub3A_465 : vector<16xf32>
      %mul3A_494 = arith.mulf %mul3A_493, %sub3A_467 : vector<16xf32>
      %add3A_495 = arith.addf %add3A_438, %mul3A_494 : vector<16xf32>
      %add3A_496 = arith.addf %add3A_439, %gather3A_468 : vector<16xf32>
      %add3A_497 = arith.addf %add3A_440, %gather3A_469 : vector<16xf32>
      %add3A_498 = arith.addf %add3A_441, %gather3A_470 : vector<16xf32>
      %mul3A_499 = arith.mulf %gather3A_468, %gather3A_468 : vector<16xf32>
      %add3A_500 = arith.addf %add3A_443, %mul3A_499 : vector<16xf32>
      %mul3A_501 = arith.mulf %gather3A_469, %gather3A_469 : vector<16xf32>
      %add3A_502 = arith.addf %add3A_445, %mul3A_501 : vector<16xf32>
      %mul3A_503 = arith.mulf %gather3A_470, %gather3A_470 : vector<16xf32>
      %add3A_504 = arith.addf %add3A_447, %mul3A_503 : vector<16xf32>
      %mul3A_505 = arith.mulf %gather3A_468, %gather3A_469 : vector<16xf32>
      %add3A_506 = arith.addf %add3A_449, %mul3A_505 : vector<16xf32>
      %mul3A_507 = arith.mulf %gather3A_468, %gather3A_470 : vector<16xf32>
      %add3A_508 = arith.addf %add3A_451, %mul3A_507 : vector<16xf32>
      %mul3A_509 = arith.mulf %gather3A_469, %gather3A_470 : vector<16xf32>
      %add3A_510 = arith.addf %add3A_453, %mul3A_509 : vector<16xf32>
      %get3A_511 = arith.constant 6 : i32
      %get3A_512 = arith.index_cast %get3A_511 : i32 to index
      %get3A_513 = arith.index_cast %add3A_160 : i32 to index
      %get3A_514 = tpu.vector_load %arg12[%get3A_512, %get3A_513] {strides = array<i32>} : memref<16x512xi32, #tpu.memory_space<vmem>>, vector<16xi32>,
      %get3A_515 = arith.constant 6 : i32
      %get3A_516 = arith.index_cast %get3A_515 : i32 to index
      %get3A_517 = arith.index_cast %add3A_160 : i32 to index
      %get3A_518 = tpu.vector_load %arg13[%get3A_516, %get3A_517] {strides = array<i32>} : memref<16x512xf32, #tpu.memory_space<vmem>>, vector<16xf32>,
      %gather3A_519 = tpu.vector_load_idx %arg6[%get3A_514] : memref<4096xf32, #tpu.memory_space<vmem>>[vector<16xi32>], vector<16xf32>,
      %sub3A_520 = arith.subf %gather3A_519, %get3A_162 : vector<16xf32>
      %gather3A_521 = tpu.vector_load_idx %arg7[%get3A_514] : memref<4096xf32, #tpu.memory_space<vmem>>[vector<16xi32>], vector<16xf32>,
      %sub3A_522 = arith.subf %gather3A_521, %get3A_165 : vector<16xf32>
      %gather3A_523 = tpu.vector_load_idx %arg8[%get3A_514] : memref<4096xf32, #tpu.memory_space<vmem>>[vector<16xi32>], vector<16xf32>,
      %sub3A_524 = arith.subf %gather3A_523, %get3A_168 : vector<16xf32>
      %gather3A_525 = tpu.vector_load_idx %arg9[%get3A_514] : memref<4096xf32, #tpu.memory_space<vmem>>[vector<16xi32>], vector<16xf32>,
      %gather3A_526 = tpu.vector_load_idx %arg10[%get3A_514] : memref<4096xf32, #tpu.memory_space<vmem>>[vector<16xi32>], vector<16xf32>,
      %gather3A_527 = tpu.vector_load_idx %arg11[%get3A_514] : memref<4096xf32, #tpu.memory_space<vmem>>[vector<16xi32>], vector<16xf32>,
      %add3A_528 = arith.addf %add3A_471, %get3A_518 : vector<16xf32>
      %mul3A_529 = arith.mulf %get3A_518, %sub3A_520 : vector<16xf32>
      %add3A_530 = arith.addf %add3A_473, %mul3A_529 : vector<16xf32>
      %mul3A_531 = arith.mulf %get3A_518, %sub3A_522 : vector<16xf32>
      %add3A_532 = arith.addf %add3A_475, %mul3A_531 : vector<16xf32>
      %mul3A_533 = arith.mulf %get3A_518, %sub3A_524 : vector<16xf32>
      %add3A_534 = arith.addf %add3A_477, %mul3A_533 : vector<16xf32>
      %mul3A_535 = arith.mulf %get3A_518, %sub3A_520 : vector<16xf32>
      %mul3A_536 = arith.mulf %mul3A_535, %sub3A_520 : vector<16xf32>
      %add3A_537 = arith.addf %add3A_480, %mul3A_536 : vector<16xf32>
      %mul3A_538 = arith.mulf %get3A_518, %sub3A_522 : vector<16xf32>
      %mul3A_539 = arith.mulf %mul3A_538, %sub3A_522 : vector<16xf32>
      %add3A_540 = arith.addf %add3A_483, %mul3A_539 : vector<16xf32>
      %mul3A_541 = arith.mulf %get3A_518, %sub3A_524 : vector<16xf32>
      %mul3A_542 = arith.mulf %mul3A_541, %sub3A_524 : vector<16xf32>
      %add3A_543 = arith.addf %add3A_486, %mul3A_542 : vector<16xf32>
      %mul3A_544 = arith.mulf %get3A_518, %sub3A_520 : vector<16xf32>
      %mul3A_545 = arith.mulf %mul3A_544, %sub3A_522 : vector<16xf32>
      %add3A_546 = arith.addf %add3A_489, %mul3A_545 : vector<16xf32>
      %mul3A_547 = arith.mulf %get3A_518, %sub3A_520 : vector<16xf32>
      %mul3A_548 = arith.mulf %mul3A_547, %sub3A_524 : vector<16xf32>
      %add3A_549 = arith.addf %add3A_492, %mul3A_548 : vector<16xf32>
      %mul3A_550 = arith.mulf %get3A_518, %sub3A_522 : vector<16xf32>
      %mul3A_551 = arith.mulf %mul3A_550, %sub3A_524 : vector<16xf32>
      %add3A_552 = arith.addf %add3A_495, %mul3A_551 : vector<16xf32>
      %add3A_553 = arith.addf %add3A_496, %gather3A_525 : vector<16xf32>
      %add3A_554 = arith.addf %add3A_497, %gather3A_526 : vector<16xf32>
      %add3A_555 = arith.addf %add3A_498, %gather3A_527 : vector<16xf32>
      %mul3A_556 = arith.mulf %gather3A_525, %gather3A_525 : vector<16xf32>
      %add3A_557 = arith.addf %add3A_500, %mul3A_556 : vector<16xf32>
      %mul3A_558 = arith.mulf %gather3A_526, %gather3A_526 : vector<16xf32>
      %add3A_559 = arith.addf %add3A_502, %mul3A_558 : vector<16xf32>
      %mul3A_560 = arith.mulf %gather3A_527, %gather3A_527 : vector<16xf32>
      %add3A_561 = arith.addf %add3A_504, %mul3A_560 : vector<16xf32>
      %mul3A_562 = arith.mulf %gather3A_525, %gather3A_526 : vector<16xf32>
      %add3A_563 = arith.addf %add3A_506, %mul3A_562 : vector<16xf32>
      %mul3A_564 = arith.mulf %gather3A_525, %gather3A_527 : vector<16xf32>
      %add3A_565 = arith.addf %add3A_508, %mul3A_564 : vector<16xf32>
      %mul3A_566 = arith.mulf %gather3A_526, %gather3A_527 : vector<16xf32>
      %add3A_567 = arith.addf %add3A_510, %mul3A_566 : vector<16xf32>
      %get3A_568 = arith.constant 7 : i32
      %get3A_569 = arith.index_cast %get3A_568 : i32 to index
      %get3A_570 = arith.index_cast %add3A_160 : i32 to index
      %get3A_571 = tpu.vector_load %arg12[%get3A_569, %get3A_570] {strides = array<i32>} : memref<16x512xi32, #tpu.memory_space<vmem>>, vector<16xi32>,
      %get3A_572 = arith.constant 7 : i32
      %get3A_573 = arith.index_cast %get3A_572 : i32 to index
      %get3A_574 = arith.index_cast %add3A_160 : i32 to index
      %get3A_575 = tpu.vector_load %arg13[%get3A_573, %get3A_574] {strides = array<i32>} : memref<16x512xf32, #tpu.memory_space<vmem>>, vector<16xf32>,
      %gather3A_576 = tpu.vector_load_idx %arg6[%get3A_571] : memref<4096xf32, #tpu.memory_space<vmem>>[vector<16xi32>], vector<16xf32>,
      %sub3A_577 = arith.subf %gather3A_576, %get3A_162 : vector<16xf32>
      %gather3A_578 = tpu.vector_load_idx %arg7[%get3A_571] : memref<4096xf32, #tpu.memory_space<vmem>>[vector<16xi32>], vector<16xf32>,
      %sub3A_579 = arith.subf %gather3A_578, %get3A_165 : vector<16xf32>
      %gather3A_580 = tpu.vector_load_idx %arg8[%get3A_571] : memref<4096xf32, #tpu.memory_space<vmem>>[vector<16xi32>], vector<16xf32>,
      %sub3A_581 = arith.subf %gather3A_580, %get3A_168 : vector<16xf32>
      %gather3A_582 = tpu.vector_load_idx %arg9[%get3A_571] : memref<4096xf32, #tpu.memory_space<vmem>>[vector<16xi32>], vector<16xf32>,
      %gather3A_583 = tpu.vector_load_idx %arg10[%get3A_571] : memref<4096xf32, #tpu.memory_space<vmem>>[vector<16xi32>], vector<16xf32>,
      %gather3A_584 = tpu.vector_load_idx %arg11[%get3A_571] : memref<4096xf32, #tpu.memory_space<vmem>>[vector<16xi32>], vector<16xf32>,
      %add3A_585 = arith.addf %add3A_528, %get3A_575 : vector<16xf32>
      %mul3A_586 = arith.mulf %get3A_575, %sub3A_577 : vector<16xf32>
      %add3A_587 = arith.addf %add3A_530, %mul3A_586 : vector<16xf32>
      %mul3A_588 = arith.mulf %get3A_575, %sub3A_579 : vector<16xf32>
      %add3A_589 = arith.addf %add3A_532, %mul3A_588 : vector<16xf32>
      %mul3A_590 = arith.mulf %get3A_575, %sub3A_581 : vector<16xf32>
      %add3A_591 = arith.addf %add3A_534, %mul3A_590 : vector<16xf32>
      %mul3A_592 = arith.mulf %get3A_575, %sub3A_577 : vector<16xf32>
      %mul3A_593 = arith.mulf %mul3A_592, %sub3A_577 : vector<16xf32>
      %add3A_594 = arith.addf %add3A_537, %mul3A_593 : vector<16xf32>
      %mul3A_595 = arith.mulf %get3A_575, %sub3A_579 : vector<16xf32>
      %mul3A_596 = arith.mulf %mul3A_595, %sub3A_579 : vector<16xf32>
      %add3A_597 = arith.addf %add3A_540, %mul3A_596 : vector<16xf32>
      %mul3A_598 = arith.mulf %get3A_575, %sub3A_581 : vector<16xf32>
      %mul3A_599 = arith.mulf %mul3A_598, %sub3A_581 : vector<16xf32>
      %add3A_600 = arith.addf %add3A_543, %mul3A_599 : vector<16xf32>
      %mul3A_601 = arith.mulf %get3A_575, %sub3A_577 : vector<16xf32>
      %mul3A_602 = arith.mulf %mul3A_601, %sub3A_579 : vector<16xf32>
      %add3A_603 = arith.addf %add3A_546, %mul3A_602 : vector<16xf32>
      %mul3A_604 = arith.mulf %get3A_575, %sub3A_577 : vector<16xf32>
      %mul3A_605 = arith.mulf %mul3A_604, %sub3A_581 : vector<16xf32>
      %add3A_606 = arith.addf %add3A_549, %mul3A_605 : vector<16xf32>
      %mul3A_607 = arith.mulf %get3A_575, %sub3A_579 : vector<16xf32>
      %mul3A_608 = arith.mulf %mul3A_607, %sub3A_581 : vector<16xf32>
      %add3A_609 = arith.addf %add3A_552, %mul3A_608 : vector<16xf32>
      %add3A_610 = arith.addf %add3A_553, %gather3A_582 : vector<16xf32>
      %add3A_611 = arith.addf %add3A_554, %gather3A_583 : vector<16xf32>
      %add3A_612 = arith.addf %add3A_555, %gather3A_584 : vector<16xf32>
      %mul3A_613 = arith.mulf %gather3A_582, %gather3A_582 : vector<16xf32>
      %add3A_614 = arith.addf %add3A_557, %mul3A_613 : vector<16xf32>
      %mul3A_615 = arith.mulf %gather3A_583, %gather3A_583 : vector<16xf32>
      %add3A_616 = arith.addf %add3A_559, %mul3A_615 : vector<16xf32>
      %mul3A_617 = arith.mulf %gather3A_584, %gather3A_584 : vector<16xf32>
      %add3A_618 = arith.addf %add3A_561, %mul3A_617 : vector<16xf32>
      %mul3A_619 = arith.mulf %gather3A_582, %gather3A_583 : vector<16xf32>
      %add3A_620 = arith.addf %add3A_563, %mul3A_619 : vector<16xf32>
      %mul3A_621 = arith.mulf %gather3A_582, %gather3A_584 : vector<16xf32>
      %add3A_622 = arith.addf %add3A_565, %mul3A_621 : vector<16xf32>
      %mul3A_623 = arith.mulf %gather3A_583, %gather3A_584 : vector<16xf32>
      %add3A_624 = arith.addf %add3A_567, %mul3A_623 : vector<16xf32>
      %get3A_625 = arith.constant 8 : i32
      %get3A_626 = arith.index_cast %get3A_625 : i32 to index
      %get3A_627 = arith.index_cast %add3A_160 : i32 to index
      %get3A_628 = tpu.vector_load %arg12[%get3A_626, %get3A_627] {strides = array<i32>} : memref<16x512xi32, #tpu.memory_space<vmem>>, vector<16xi32>,
      %get3A_629 = arith.constant 8 : i32
      %get3A_630 = arith.index_cast %get3A_629 : i32 to index
      %get3A_631 = arith.index_cast %add3A_160 : i32 to index
      %get3A_632 = tpu.vector_load %arg13[%get3A_630, %get3A_631] {strides = array<i32>} : memref<16x512xf32, #tpu.memory_space<vmem>>, vector<16xf32>,
      %gather3A_633 = tpu.vector_load_idx %arg6[%get3A_628] : memref<4096xf32, #tpu.memory_space<vmem>>[vector<16xi32>], vector<16xf32>,
      %sub3A_634 = arith.subf %gather3A_633, %get3A_162 : vector<16xf32>
      %gather3A_635 = tpu.vector_load_idx %arg7[%get3A_628] : memref<4096xf32, #tpu.memory_space<vmem>>[vector<16xi32>], vector<16xf32>,
      %sub3A_636 = arith.subf %gather3A_635, %get3A_165 : vector<16xf32>
      %gather3A_637 = tpu.vector_load_idx %arg8[%get3A_628] : memref<4096xf32, #tpu.memory_space<vmem>>[vector<16xi32>], vector<16xf32>,
      %sub3A_638 = arith.subf %gather3A_637, %get3A_168 : vector<16xf32>
      %gather3A_639 = tpu.vector_load_idx %arg9[%get3A_628] : memref<4096xf32, #tpu.memory_space<vmem>>[vector<16xi32>], vector<16xf32>,
      %gather3A_640 = tpu.vector_load_idx %arg10[%get3A_628] : memref<4096xf32, #tpu.memory_space<vmem>>[vector<16xi32>], vector<16xf32>,
      %gather3A_641 = tpu.vector_load_idx %arg11[%get3A_628] : memref<4096xf32, #tpu.memory_space<vmem>>[vector<16xi32>], vector<16xf32>,
      %add3A_642 = arith.addf %add3A_585, %get3A_632 : vector<16xf32>
      %mul3A_643 = arith.mulf %get3A_632, %sub3A_634 : vector<16xf32>
      %add3A_644 = arith.addf %add3A_587, %mul3A_643 : vector<16xf32>
      %mul3A_645 = arith.mulf %get3A_632, %sub3A_636 : vector<16xf32>
      %add3A_646 = arith.addf %add3A_589, %mul3A_645 : vector<16xf32>
      %mul3A_647 = arith.mulf %get3A_632, %sub3A_638 : vector<16xf32>
      %add3A_648 = arith.addf %add3A_591, %mul3A_647 : vector<16xf32>
      %mul3A_649 = arith.mulf %get3A_632, %sub3A_634 : vector<16xf32>
      %mul3A_650 = arith.mulf %mul3A_649, %sub3A_634 : vector<16xf32>
      %add3A_651 = arith.addf %add3A_594, %mul3A_650 : vector<16xf32>
      %mul3A_652 = arith.mulf %get3A_632, %sub3A_636 : vector<16xf32>
      %mul3A_653 = arith.mulf %mul3A_652, %sub3A_636 : vector<16xf32>
      %add3A_654 = arith.addf %add3A_597, %mul3A_653 : vector<16xf32>
      %mul3A_655 = arith.mulf %get3A_632, %sub3A_638 : vector<16xf32>
      %mul3A_656 = arith.mulf %mul3A_655, %sub3A_638 : vector<16xf32>
      %add3A_657 = arith.addf %add3A_600, %mul3A_656 : vector<16xf32>
      %mul3A_658 = arith.mulf %get3A_632, %sub3A_634 : vector<16xf32>
      %mul3A_659 = arith.mulf %mul3A_658, %sub3A_636 : vector<16xf32>
      %add3A_660 = arith.addf %add3A_603, %mul3A_659 : vector<16xf32>
      %mul3A_661 = arith.mulf %get3A_632, %sub3A_634 : vector<16xf32>
      %mul3A_662 = arith.mulf %mul3A_661, %sub3A_638 : vector<16xf32>
      %add3A_663 = arith.addf %add3A_606, %mul3A_662 : vector<16xf32>
      %mul3A_664 = arith.mulf %get3A_632, %sub3A_636 : vector<16xf32>
      %mul3A_665 = arith.mulf %mul3A_664, %sub3A_638 : vector<16xf32>
      %add3A_666 = arith.addf %add3A_609, %mul3A_665 : vector<16xf32>
      %add3A_667 = arith.addf %add3A_610, %gather3A_639 : vector<16xf32>
      %add3A_668 = arith.addf %add3A_611, %gather3A_640 : vector<16xf32>
      %add3A_669 = arith.addf %add3A_612, %gather3A_641 : vector<16xf32>
      %mul3A_670 = arith.mulf %gather3A_639, %gather3A_639 : vector<16xf32>
      %add3A_671 = arith.addf %add3A_614, %mul3A_670 : vector<16xf32>
      %mul3A_672 = arith.mulf %gather3A_640, %gather3A_640 : vector<16xf32>
      %add3A_673 = arith.addf %add3A_616, %mul3A_672 : vector<16xf32>
      %mul3A_674 = arith.mulf %gather3A_641, %gather3A_641 : vector<16xf32>
      %add3A_675 = arith.addf %add3A_618, %mul3A_674 : vector<16xf32>
      %mul3A_676 = arith.mulf %gather3A_639, %gather3A_640 : vector<16xf32>
      %add3A_677 = arith.addf %add3A_620, %mul3A_676 : vector<16xf32>
      %mul3A_678 = arith.mulf %gather3A_639, %gather3A_641 : vector<16xf32>
      %add3A_679 = arith.addf %add3A_622, %mul3A_678 : vector<16xf32>
      %mul3A_680 = arith.mulf %gather3A_640, %gather3A_641 : vector<16xf32>
      %add3A_681 = arith.addf %add3A_624, %mul3A_680 : vector<16xf32>
      %get3A_682 = arith.constant 9 : i32
      %get3A_683 = arith.index_cast %get3A_682 : i32 to index
      %get3A_684 = arith.index_cast %add3A_160 : i32 to index
      %get3A_685 = tpu.vector_load %arg12[%get3A_683, %get3A_684] {strides = array<i32>} : memref<16x512xi32, #tpu.memory_space<vmem>>, vector<16xi32>,
      %get3A_686 = arith.constant 9 : i32
      %get3A_687 = arith.index_cast %get3A_686 : i32 to index
      %get3A_688 = arith.index_cast %add3A_160 : i32 to index
      %get3A_689 = tpu.vector_load %arg13[%get3A_687, %get3A_688] {strides = array<i32>} : memref<16x512xf32, #tpu.memory_space<vmem>>, vector<16xf32>,
      %gather3A_690 = tpu.vector_load_idx %arg6[%get3A_685] : memref<4096xf32, #tpu.memory_space<vmem>>[vector<16xi32>], vector<16xf32>,
      %sub3A_691 = arith.subf %gather3A_690, %get3A_162 : vector<16xf32>
      %gather3A_692 = tpu.vector_load_idx %arg7[%get3A_685] : memref<4096xf32, #tpu.memory_space<vmem>>[vector<16xi32>], vector<16xf32>,
      %sub3A_693 = arith.subf %gather3A_692, %get3A_165 : vector<16xf32>
      %gather3A_694 = tpu.vector_load_idx %arg8[%get3A_685] : memref<4096xf32, #tpu.memory_space<vmem>>[vector<16xi32>], vector<16xf32>,
      %sub3A_695 = arith.subf %gather3A_694, %get3A_168 : vector<16xf32>
      %gather3A_696 = tpu.vector_load_idx %arg9[%get3A_685] : memref<4096xf32, #tpu.memory_space<vmem>>[vector<16xi32>], vector<16xf32>,
      %gather3A_697 = tpu.vector_load_idx %arg10[%get3A_685] : memref<4096xf32, #tpu.memory_space<vmem>>[vector<16xi32>], vector<16xf32>,
      %gather3A_698 = tpu.vector_load_idx %arg11[%get3A_685] : memref<4096xf32, #tpu.memory_space<vmem>>[vector<16xi32>], vector<16xf32>,
      %add3A_699 = arith.addf %add3A_642, %get3A_689 : vector<16xf32>
      %mul3A_700 = arith.mulf %get3A_689, %sub3A_691 : vector<16xf32>
      %add3A_701 = arith.addf %add3A_644, %mul3A_700 : vector<16xf32>
      %mul3A_702 = arith.mulf %get3A_689, %sub3A_693 : vector<16xf32>
      %add3A_703 = arith.addf %add3A_646, %mul3A_702 : vector<16xf32>
      %mul3A_704 = arith.mulf %get3A_689, %sub3A_695 : vector<16xf32>
      %add3A_705 = arith.addf %add3A_648, %mul3A_704 : vector<16xf32>
      %mul3A_706 = arith.mulf %get3A_689, %sub3A_691 : vector<16xf32>
      %mul3A_707 = arith.mulf %mul3A_706, %sub3A_691 : vector<16xf32>
      %add3A_708 = arith.addf %add3A_651, %mul3A_707 : vector<16xf32>
      %mul3A_709 = arith.mulf %get3A_689, %sub3A_693 : vector<16xf32>
      %mul3A_710 = arith.mulf %mul3A_709, %sub3A_693 : vector<16xf32>
      %add3A_711 = arith.addf %add3A_654, %mul3A_710 : vector<16xf32>
      %mul3A_712 = arith.mulf %get3A_689, %sub3A_695 : vector<16xf32>
      %mul3A_713 = arith.mulf %mul3A_712, %sub3A_695 : vector<16xf32>
      %add3A_714 = arith.addf %add3A_657, %mul3A_713 : vector<16xf32>
      %mul3A_715 = arith.mulf %get3A_689, %sub3A_691 : vector<16xf32>
      %mul3A_716 = arith.mulf %mul3A_715, %sub3A_693 : vector<16xf32>
      %add3A_717 = arith.addf %add3A_660, %mul3A_716 : vector<16xf32>
      %mul3A_718 = arith.mulf %get3A_689, %sub3A_691 : vector<16xf32>
      %mul3A_719 = arith.mulf %mul3A_718, %sub3A_695 : vector<16xf32>
      %add3A_720 = arith.addf %add3A_663, %mul3A_719 : vector<16xf32>
      %mul3A_721 = arith.mulf %get3A_689, %sub3A_693 : vector<16xf32>
      %mul3A_722 = arith.mulf %mul3A_721, %sub3A_695 : vector<16xf32>
      %add3A_723 = arith.addf %add3A_666, %mul3A_722 : vector<16xf32>
      %add3A_724 = arith.addf %add3A_667, %gather3A_696 : vector<16xf32>
      %add3A_725 = arith.addf %add3A_668, %gather3A_697 : vector<16xf32>
      %add3A_726 = arith.addf %add3A_669, %gather3A_698 : vector<16xf32>
      %mul3A_727 = arith.mulf %gather3A_696, %gather3A_696 : vector<16xf32>
      %add3A_728 = arith.addf %add3A_671, %mul3A_727 : vector<16xf32>
      %mul3A_729 = arith.mulf %gather3A_697, %gather3A_697 : vector<16xf32>
      %add3A_730 = arith.addf %add3A_673, %mul3A_729 : vector<16xf32>
      %mul3A_731 = arith.mulf %gather3A_698, %gather3A_698 : vector<16xf32>
      %add3A_732 = arith.addf %add3A_675, %mul3A_731 : vector<16xf32>
      %mul3A_733 = arith.mulf %gather3A_696, %gather3A_697 : vector<16xf32>
      %add3A_734 = arith.addf %add3A_677, %mul3A_733 : vector<16xf32>
      %mul3A_735 = arith.mulf %gather3A_696, %gather3A_698 : vector<16xf32>
      %add3A_736 = arith.addf %add3A_679, %mul3A_735 : vector<16xf32>
      %mul3A_737 = arith.mulf %gather3A_697, %gather3A_698 : vector<16xf32>
      %add3A_738 = arith.addf %add3A_681, %mul3A_737 : vector<16xf32>
      %get3A_739 = arith.constant 10 : i32
      %get3A_740 = arith.index_cast %get3A_739 : i32 to index
      %get3A_741 = arith.index_cast %add3A_160 : i32 to index
      %get3A_742 = tpu.vector_load %arg12[%get3A_740, %get3A_741] {strides = array<i32>} : memref<16x512xi32, #tpu.memory_space<vmem>>, vector<16xi32>,
      %get3A_743 = arith.constant 10 : i32
      %get3A_744 = arith.index_cast %get3A_743 : i32 to index
      %get3A_745 = arith.index_cast %add3A_160 : i32 to index
      %get3A_746 = tpu.vector_load %arg13[%get3A_744, %get3A_745] {strides = array<i32>} : memref<16x512xf32, #tpu.memory_space<vmem>>, vector<16xf32>,
      %gather3A_747 = tpu.vector_load_idx %arg6[%get3A_742] : memref<4096xf32, #tpu.memory_space<vmem>>[vector<16xi32>], vector<16xf32>,
      %sub3A_748 = arith.subf %gather3A_747, %get3A_162 : vector<16xf32>
      %gather3A_749 = tpu.vector_load_idx %arg7[%get3A_742] : memref<4096xf32, #tpu.memory_space<vmem>>[vector<16xi32>], vector<16xf32>,
      %sub3A_750 = arith.subf %gather3A_749, %get3A_165 : vector<16xf32>
      %gather3A_751 = tpu.vector_load_idx %arg8[%get3A_742] : memref<4096xf32, #tpu.memory_space<vmem>>[vector<16xi32>], vector<16xf32>,
      %sub3A_752 = arith.subf %gather3A_751, %get3A_168 : vector<16xf32>
      %gather3A_753 = tpu.vector_load_idx %arg9[%get3A_742] : memref<4096xf32, #tpu.memory_space<vmem>>[vector<16xi32>], vector<16xf32>,
      %gather3A_754 = tpu.vector_load_idx %arg10[%get3A_742] : memref<4096xf32, #tpu.memory_space<vmem>>[vector<16xi32>], vector<16xf32>,
      %gather3A_755 = tpu.vector_load_idx %arg11[%get3A_742] : memref<4096xf32, #tpu.memory_space<vmem>>[vector<16xi32>], vector<16xf32>,
      %add3A_756 = arith.addf %add3A_699, %get3A_746 : vector<16xf32>
      %mul3A_757 = arith.mulf %get3A_746, %sub3A_748 : vector<16xf32>
      %add3A_758 = arith.addf %add3A_701, %mul3A_757 : vector<16xf32>
      %mul3A_759 = arith.mulf %get3A_746, %sub3A_750 : vector<16xf32>
      %add3A_760 = arith.addf %add3A_703, %mul3A_759 : vector<16xf32>
      %mul3A_761 = arith.mulf %get3A_746, %sub3A_752 : vector<16xf32>
      %add3A_762 = arith.addf %add3A_705, %mul3A_761 : vector<16xf32>
      %mul3A_763 = arith.mulf %get3A_746, %sub3A_748 : vector<16xf32>
      %mul3A_764 = arith.mulf %mul3A_763, %sub3A_748 : vector<16xf32>
      %add3A_765 = arith.addf %add3A_708, %mul3A_764 : vector<16xf32>
      %mul3A_766 = arith.mulf %get3A_746, %sub3A_750 : vector<16xf32>
      %mul3A_767 = arith.mulf %mul3A_766, %sub3A_750 : vector<16xf32>
      %add3A_768 = arith.addf %add3A_711, %mul3A_767 : vector<16xf32>
      %mul3A_769 = arith.mulf %get3A_746, %sub3A_752 : vector<16xf32>
      %mul3A_770 = arith.mulf %mul3A_769, %sub3A_752 : vector<16xf32>
      %add3A_771 = arith.addf %add3A_714, %mul3A_770 : vector<16xf32>
      %mul3A_772 = arith.mulf %get3A_746, %sub3A_748 : vector<16xf32>
      %mul3A_773 = arith.mulf %mul3A_772, %sub3A_750 : vector<16xf32>
      %add3A_774 = arith.addf %add3A_717, %mul3A_773 : vector<16xf32>
      %mul3A_775 = arith.mulf %get3A_746, %sub3A_748 : vector<16xf32>
      %mul3A_776 = arith.mulf %mul3A_775, %sub3A_752 : vector<16xf32>
      %add3A_777 = arith.addf %add3A_720, %mul3A_776 : vector<16xf32>
      %mul3A_778 = arith.mulf %get3A_746, %sub3A_750 : vector<16xf32>
      %mul3A_779 = arith.mulf %mul3A_778, %sub3A_752 : vector<16xf32>
      %add3A_780 = arith.addf %add3A_723, %mul3A_779 : vector<16xf32>
      %add3A_781 = arith.addf %add3A_724, %gather3A_753 : vector<16xf32>
      %add3A_782 = arith.addf %add3A_725, %gather3A_754 : vector<16xf32>
      %add3A_783 = arith.addf %add3A_726, %gather3A_755 : vector<16xf32>
      %mul3A_784 = arith.mulf %gather3A_753, %gather3A_753 : vector<16xf32>
      %add3A_785 = arith.addf %add3A_728, %mul3A_784 : vector<16xf32>
      %mul3A_786 = arith.mulf %gather3A_754, %gather3A_754 : vector<16xf32>
      %add3A_787 = arith.addf %add3A_730, %mul3A_786 : vector<16xf32>
      %mul3A_788 = arith.mulf %gather3A_755, %gather3A_755 : vector<16xf32>
      %add3A_789 = arith.addf %add3A_732, %mul3A_788 : vector<16xf32>
      %mul3A_790 = arith.mulf %gather3A_753, %gather3A_754 : vector<16xf32>
      %add3A_791 = arith.addf %add3A_734, %mul3A_790 : vector<16xf32>
      %mul3A_792 = arith.mulf %gather3A_753, %gather3A_755 : vector<16xf32>
      %add3A_793 = arith.addf %add3A_736, %mul3A_792 : vector<16xf32>
      %mul3A_794 = arith.mulf %gather3A_754, %gather3A_755 : vector<16xf32>
      %add3A_795 = arith.addf %add3A_738, %mul3A_794 : vector<16xf32>
      %get3A_796 = arith.constant 11 : i32
      %get3A_797 = arith.index_cast %get3A_796 : i32 to index
      %get3A_798 = arith.index_cast %add3A_160 : i32 to index
      %get3A_799 = tpu.vector_load %arg12[%get3A_797, %get3A_798] {strides = array<i32>} : memref<16x512xi32, #tpu.memory_space<vmem>>, vector<16xi32>,
      %get3A_800 = arith.constant 11 : i32
      %get3A_801 = arith.index_cast %get3A_800 : i32 to index
      %get3A_802 = arith.index_cast %add3A_160 : i32 to index
      %get3A_803 = tpu.vector_load %arg13[%get3A_801, %get3A_802] {strides = array<i32>} : memref<16x512xf32, #tpu.memory_space<vmem>>, vector<16xf32>,
      %gather3A_804 = tpu.vector_load_idx %arg6[%get3A_799] : memref<4096xf32, #tpu.memory_space<vmem>>[vector<16xi32>], vector<16xf32>,
      %sub3A_805 = arith.subf %gather3A_804, %get3A_162 : vector<16xf32>
      %gather3A_806 = tpu.vector_load_idx %arg7[%get3A_799] : memref<4096xf32, #tpu.memory_space<vmem>>[vector<16xi32>], vector<16xf32>,
      %sub3A_807 = arith.subf %gather3A_806, %get3A_165 : vector<16xf32>
      %gather3A_808 = tpu.vector_load_idx %arg8[%get3A_799] : memref<4096xf32, #tpu.memory_space<vmem>>[vector<16xi32>], vector<16xf32>,
      %sub3A_809 = arith.subf %gather3A_808, %get3A_168 : vector<16xf32>
      %gather3A_810 = tpu.vector_load_idx %arg9[%get3A_799] : memref<4096xf32, #tpu.memory_space<vmem>>[vector<16xi32>], vector<16xf32>,
      %gather3A_811 = tpu.vector_load_idx %arg10[%get3A_799] : memref<4096xf32, #tpu.memory_space<vmem>>[vector<16xi32>], vector<16xf32>,
      %gather3A_812 = tpu.vector_load_idx %arg11[%get3A_799] : memref<4096xf32, #tpu.memory_space<vmem>>[vector<16xi32>], vector<16xf32>,
      %add3A_813 = arith.addf %add3A_756, %get3A_803 : vector<16xf32>
      %mul3A_814 = arith.mulf %get3A_803, %sub3A_805 : vector<16xf32>
      %add3A_815 = arith.addf %add3A_758, %mul3A_814 : vector<16xf32>
      %mul3A_816 = arith.mulf %get3A_803, %sub3A_807 : vector<16xf32>
      %add3A_817 = arith.addf %add3A_760, %mul3A_816 : vector<16xf32>
      %mul3A_818 = arith.mulf %get3A_803, %sub3A_809 : vector<16xf32>
      %add3A_819 = arith.addf %add3A_762, %mul3A_818 : vector<16xf32>
      %mul3A_820 = arith.mulf %get3A_803, %sub3A_805 : vector<16xf32>
      %mul3A_821 = arith.mulf %mul3A_820, %sub3A_805 : vector<16xf32>
      %add3A_822 = arith.addf %add3A_765, %mul3A_821 : vector<16xf32>
      %mul3A_823 = arith.mulf %get3A_803, %sub3A_807 : vector<16xf32>
      %mul3A_824 = arith.mulf %mul3A_823, %sub3A_807 : vector<16xf32>
      %add3A_825 = arith.addf %add3A_768, %mul3A_824 : vector<16xf32>
      %mul3A_826 = arith.mulf %get3A_803, %sub3A_809 : vector<16xf32>
      %mul3A_827 = arith.mulf %mul3A_826, %sub3A_809 : vector<16xf32>
      %add3A_828 = arith.addf %add3A_771, %mul3A_827 : vector<16xf32>
      %mul3A_829 = arith.mulf %get3A_803, %sub3A_805 : vector<16xf32>
      %mul3A_830 = arith.mulf %mul3A_829, %sub3A_807 : vector<16xf32>
      %add3A_831 = arith.addf %add3A_774, %mul3A_830 : vector<16xf32>
      %mul3A_832 = arith.mulf %get3A_803, %sub3A_805 : vector<16xf32>
      %mul3A_833 = arith.mulf %mul3A_832, %sub3A_809 : vector<16xf32>
      %add3A_834 = arith.addf %add3A_777, %mul3A_833 : vector<16xf32>
      %mul3A_835 = arith.mulf %get3A_803, %sub3A_807 : vector<16xf32>
      %mul3A_836 = arith.mulf %mul3A_835, %sub3A_809 : vector<16xf32>
      %add3A_837 = arith.addf %add3A_780, %mul3A_836 : vector<16xf32>
      %add3A_838 = arith.addf %add3A_781, %gather3A_810 : vector<16xf32>
      %add3A_839 = arith.addf %add3A_782, %gather3A_811 : vector<16xf32>
      %add3A_840 = arith.addf %add3A_783, %gather3A_812 : vector<16xf32>
      %mul3A_841 = arith.mulf %gather3A_810, %gather3A_810 : vector<16xf32>
      %add3A_842 = arith.addf %add3A_785, %mul3A_841 : vector<16xf32>
      %mul3A_843 = arith.mulf %gather3A_811, %gather3A_811 : vector<16xf32>
      %add3A_844 = arith.addf %add3A_787, %mul3A_843 : vector<16xf32>
      %mul3A_845 = arith.mulf %gather3A_812, %gather3A_812 : vector<16xf32>
      %add3A_846 = arith.addf %add3A_789, %mul3A_845 : vector<16xf32>
      %mul3A_847 = arith.mulf %gather3A_810, %gather3A_811 : vector<16xf32>
      %add3A_848 = arith.addf %add3A_791, %mul3A_847 : vector<16xf32>
      %mul3A_849 = arith.mulf %gather3A_810, %gather3A_812 : vector<16xf32>
      %add3A_850 = arith.addf %add3A_793, %mul3A_849 : vector<16xf32>
      %mul3A_851 = arith.mulf %gather3A_811, %gather3A_812 : vector<16xf32>
      %add3A_852 = arith.addf %add3A_795, %mul3A_851 : vector<16xf32>
      %get3A_853 = arith.constant 12 : i32
      %get3A_854 = arith.index_cast %get3A_853 : i32 to index
      %get3A_855 = arith.index_cast %add3A_160 : i32 to index
      %get3A_856 = tpu.vector_load %arg12[%get3A_854, %get3A_855] {strides = array<i32>} : memref<16x512xi32, #tpu.memory_space<vmem>>, vector<16xi32>,
      %get3A_857 = arith.constant 12 : i32
      %get3A_858 = arith.index_cast %get3A_857 : i32 to index
      %get3A_859 = arith.index_cast %add3A_160 : i32 to index
      %get3A_860 = tpu.vector_load %arg13[%get3A_858, %get3A_859] {strides = array<i32>} : memref<16x512xf32, #tpu.memory_space<vmem>>, vector<16xf32>,
      %gather3A_861 = tpu.vector_load_idx %arg6[%get3A_856] : memref<4096xf32, #tpu.memory_space<vmem>>[vector<16xi32>], vector<16xf32>,
      %sub3A_862 = arith.subf %gather3A_861, %get3A_162 : vector<16xf32>
      %gather3A_863 = tpu.vector_load_idx %arg7[%get3A_856] : memref<4096xf32, #tpu.memory_space<vmem>>[vector<16xi32>], vector<16xf32>,
      %sub3A_864 = arith.subf %gather3A_863, %get3A_165 : vector<16xf32>
      %gather3A_865 = tpu.vector_load_idx %arg8[%get3A_856] : memref<4096xf32, #tpu.memory_space<vmem>>[vector<16xi32>], vector<16xf32>,
      %sub3A_866 = arith.subf %gather3A_865, %get3A_168 : vector<16xf32>
      %gather3A_867 = tpu.vector_load_idx %arg9[%get3A_856] : memref<4096xf32, #tpu.memory_space<vmem>>[vector<16xi32>], vector<16xf32>,
      %gather3A_868 = tpu.vector_load_idx %arg10[%get3A_856] : memref<4096xf32, #tpu.memory_space<vmem>>[vector<16xi32>], vector<16xf32>,
      %gather3A_869 = tpu.vector_load_idx %arg11[%get3A_856] : memref<4096xf32, #tpu.memory_space<vmem>>[vector<16xi32>], vector<16xf32>,
      %add3A_870 = arith.addf %add3A_813, %get3A_860 : vector<16xf32>
      %mul3A_871 = arith.mulf %get3A_860, %sub3A_862 : vector<16xf32>
      %add3A_872 = arith.addf %add3A_815, %mul3A_871 : vector<16xf32>
      %mul3A_873 = arith.mulf %get3A_860, %sub3A_864 : vector<16xf32>
      %add3A_874 = arith.addf %add3A_817, %mul3A_873 : vector<16xf32>
      %mul3A_875 = arith.mulf %get3A_860, %sub3A_866 : vector<16xf32>
      %add3A_876 = arith.addf %add3A_819, %mul3A_875 : vector<16xf32>
      %mul3A_877 = arith.mulf %get3A_860, %sub3A_862 : vector<16xf32>
      %mul3A_878 = arith.mulf %mul3A_877, %sub3A_862 : vector<16xf32>
      %add3A_879 = arith.addf %add3A_822, %mul3A_878 : vector<16xf32>
      %mul3A_880 = arith.mulf %get3A_860, %sub3A_864 : vector<16xf32>
      %mul3A_881 = arith.mulf %mul3A_880, %sub3A_864 : vector<16xf32>
      %add3A_882 = arith.addf %add3A_825, %mul3A_881 : vector<16xf32>
      %mul3A_883 = arith.mulf %get3A_860, %sub3A_866 : vector<16xf32>
      %mul3A_884 = arith.mulf %mul3A_883, %sub3A_866 : vector<16xf32>
      %add3A_885 = arith.addf %add3A_828, %mul3A_884 : vector<16xf32>
      %mul3A_886 = arith.mulf %get3A_860, %sub3A_862 : vector<16xf32>
      %mul3A_887 = arith.mulf %mul3A_886, %sub3A_864 : vector<16xf32>
      %add3A_888 = arith.addf %add3A_831, %mul3A_887 : vector<16xf32>
      %mul3A_889 = arith.mulf %get3A_860, %sub3A_862 : vector<16xf32>
      %mul3A_890 = arith.mulf %mul3A_889, %sub3A_866 : vector<16xf32>
      %add3A_891 = arith.addf %add3A_834, %mul3A_890 : vector<16xf32>
      %mul3A_892 = arith.mulf %get3A_860, %sub3A_864 : vector<16xf32>
      %mul3A_893 = arith.mulf %mul3A_892, %sub3A_866 : vector<16xf32>
      %add3A_894 = arith.addf %add3A_837, %mul3A_893 : vector<16xf32>
      %add3A_895 = arith.addf %add3A_838, %gather3A_867 : vector<16xf32>
      %add3A_896 = arith.addf %add3A_839, %gather3A_868 : vector<16xf32>
      %add3A_897 = arith.addf %add3A_840, %gather3A_869 : vector<16xf32>
      %mul3A_898 = arith.mulf %gather3A_867, %gather3A_867 : vector<16xf32>
      %add3A_899 = arith.addf %add3A_842, %mul3A_898 : vector<16xf32>
      %mul3A_900 = arith.mulf %gather3A_868, %gather3A_868 : vector<16xf32>
      %add3A_901 = arith.addf %add3A_844, %mul3A_900 : vector<16xf32>
      %mul3A_902 = arith.mulf %gather3A_869, %gather3A_869 : vector<16xf32>
      %add3A_903 = arith.addf %add3A_846, %mul3A_902 : vector<16xf32>
      %mul3A_904 = arith.mulf %gather3A_867, %gather3A_868 : vector<16xf32>
      %add3A_905 = arith.addf %add3A_848, %mul3A_904 : vector<16xf32>
      %mul3A_906 = arith.mulf %gather3A_867, %gather3A_869 : vector<16xf32>
      %add3A_907 = arith.addf %add3A_850, %mul3A_906 : vector<16xf32>
      %mul3A_908 = arith.mulf %gather3A_868, %gather3A_869 : vector<16xf32>
      %add3A_909 = arith.addf %add3A_852, %mul3A_908 : vector<16xf32>
      %get3A_910 = arith.constant 13 : i32
      %get3A_911 = arith.index_cast %get3A_910 : i32 to index
      %get3A_912 = arith.index_cast %add3A_160 : i32 to index
      %get3A_913 = tpu.vector_load %arg12[%get3A_911, %get3A_912] {strides = array<i32>} : memref<16x512xi32, #tpu.memory_space<vmem>>, vector<16xi32>,
      %get3A_914 = arith.constant 13 : i32
      %get3A_915 = arith.index_cast %get3A_914 : i32 to index
      %get3A_916 = arith.index_cast %add3A_160 : i32 to index
      %get3A_917 = tpu.vector_load %arg13[%get3A_915, %get3A_916] {strides = array<i32>} : memref<16x512xf32, #tpu.memory_space<vmem>>, vector<16xf32>,
      %gather3A_918 = tpu.vector_load_idx %arg6[%get3A_913] : memref<4096xf32, #tpu.memory_space<vmem>>[vector<16xi32>], vector<16xf32>,
      %sub3A_919 = arith.subf %gather3A_918, %get3A_162 : vector<16xf32>
      %gather3A_920 = tpu.vector_load_idx %arg7[%get3A_913] : memref<4096xf32, #tpu.memory_space<vmem>>[vector<16xi32>], vector<16xf32>,
      %sub3A_921 = arith.subf %gather3A_920, %get3A_165 : vector<16xf32>
      %gather3A_922 = tpu.vector_load_idx %arg8[%get3A_913] : memref<4096xf32, #tpu.memory_space<vmem>>[vector<16xi32>], vector<16xf32>,
      %sub3A_923 = arith.subf %gather3A_922, %get3A_168 : vector<16xf32>
      %gather3A_924 = tpu.vector_load_idx %arg9[%get3A_913] : memref<4096xf32, #tpu.memory_space<vmem>>[vector<16xi32>], vector<16xf32>,
      %gather3A_925 = tpu.vector_load_idx %arg10[%get3A_913] : memref<4096xf32, #tpu.memory_space<vmem>>[vector<16xi32>], vector<16xf32>,
      %gather3A_926 = tpu.vector_load_idx %arg11[%get3A_913] : memref<4096xf32, #tpu.memory_space<vmem>>[vector<16xi32>], vector<16xf32>,
      %add3A_927 = arith.addf %add3A_870, %get3A_917 : vector<16xf32>
      %mul3A_928 = arith.mulf %get3A_917, %sub3A_919 : vector<16xf32>
      %add3A_929 = arith.addf %add3A_872, %mul3A_928 : vector<16xf32>
      %mul3A_930 = arith.mulf %get3A_917, %sub3A_921 : vector<16xf32>
      %add3A_931 = arith.addf %add3A_874, %mul3A_930 : vector<16xf32>
      %mul3A_932 = arith.mulf %get3A_917, %sub3A_923 : vector<16xf32>
      %add3A_933 = arith.addf %add3A_876, %mul3A_932 : vector<16xf32>
      %mul3A_934 = arith.mulf %get3A_917, %sub3A_919 : vector<16xf32>
      %mul3A_935 = arith.mulf %mul3A_934, %sub3A_919 : vector<16xf32>
      %add3A_936 = arith.addf %add3A_879, %mul3A_935 : vector<16xf32>
      %mul3A_937 = arith.mulf %get3A_917, %sub3A_921 : vector<16xf32>
      %mul3A_938 = arith.mulf %mul3A_937, %sub3A_921 : vector<16xf32>
      %add3A_939 = arith.addf %add3A_882, %mul3A_938 : vector<16xf32>
      %mul3A_940 = arith.mulf %get3A_917, %sub3A_923 : vector<16xf32>
      %mul3A_941 = arith.mulf %mul3A_940, %sub3A_923 : vector<16xf32>
      %add3A_942 = arith.addf %add3A_885, %mul3A_941 : vector<16xf32>
      %mul3A_943 = arith.mulf %get3A_917, %sub3A_919 : vector<16xf32>
      %mul3A_944 = arith.mulf %mul3A_943, %sub3A_921 : vector<16xf32>
      %add3A_945 = arith.addf %add3A_888, %mul3A_944 : vector<16xf32>
      %mul3A_946 = arith.mulf %get3A_917, %sub3A_919 : vector<16xf32>
      %mul3A_947 = arith.mulf %mul3A_946, %sub3A_923 : vector<16xf32>
      %add3A_948 = arith.addf %add3A_891, %mul3A_947 : vector<16xf32>
      %mul3A_949 = arith.mulf %get3A_917, %sub3A_921 : vector<16xf32>
      %mul3A_950 = arith.mulf %mul3A_949, %sub3A_923 : vector<16xf32>
      %add3A_951 = arith.addf %add3A_894, %mul3A_950 : vector<16xf32>
      %add3A_952 = arith.addf %add3A_895, %gather3A_924 : vector<16xf32>
      %add3A_953 = arith.addf %add3A_896, %gather3A_925 : vector<16xf32>
      %add3A_954 = arith.addf %add3A_897, %gather3A_926 : vector<16xf32>
      %mul3A_955 = arith.mulf %gather3A_924, %gather3A_924 : vector<16xf32>
      %add3A_956 = arith.addf %add3A_899, %mul3A_955 : vector<16xf32>
      %mul3A_957 = arith.mulf %gather3A_925, %gather3A_925 : vector<16xf32>
      %add3A_958 = arith.addf %add3A_901, %mul3A_957 : vector<16xf32>
      %mul3A_959 = arith.mulf %gather3A_926, %gather3A_926 : vector<16xf32>
      %add3A_960 = arith.addf %add3A_903, %mul3A_959 : vector<16xf32>
      %mul3A_961 = arith.mulf %gather3A_924, %gather3A_925 : vector<16xf32>
      %add3A_962 = arith.addf %add3A_905, %mul3A_961 : vector<16xf32>
      %mul3A_963 = arith.mulf %gather3A_924, %gather3A_926 : vector<16xf32>
      %add3A_964 = arith.addf %add3A_907, %mul3A_963 : vector<16xf32>
      %mul3A_965 = arith.mulf %gather3A_925, %gather3A_926 : vector<16xf32>
      %add3A_966 = arith.addf %add3A_909, %mul3A_965 : vector<16xf32>
      %get3A_967 = arith.constant 14 : i32
      %get3A_968 = arith.index_cast %get3A_967 : i32 to index
      %get3A_969 = arith.index_cast %add3A_160 : i32 to index
      %get3A_970 = tpu.vector_load %arg12[%get3A_968, %get3A_969] {strides = array<i32>} : memref<16x512xi32, #tpu.memory_space<vmem>>, vector<16xi32>,
      %get3A_971 = arith.constant 14 : i32
      %get3A_972 = arith.index_cast %get3A_971 : i32 to index
      %get3A_973 = arith.index_cast %add3A_160 : i32 to index
      %get3A_974 = tpu.vector_load %arg13[%get3A_972, %get3A_973] {strides = array<i32>} : memref<16x512xf32, #tpu.memory_space<vmem>>, vector<16xf32>,
      %gather3A_975 = tpu.vector_load_idx %arg6[%get3A_970] : memref<4096xf32, #tpu.memory_space<vmem>>[vector<16xi32>], vector<16xf32>,
      %sub3A_976 = arith.subf %gather3A_975, %get3A_162 : vector<16xf32>
      %gather3A_977 = tpu.vector_load_idx %arg7[%get3A_970] : memref<4096xf32, #tpu.memory_space<vmem>>[vector<16xi32>], vector<16xf32>,
      %sub3A_978 = arith.subf %gather3A_977, %get3A_165 : vector<16xf32>
      %gather3A_979 = tpu.vector_load_idx %arg8[%get3A_970] : memref<4096xf32, #tpu.memory_space<vmem>>[vector<16xi32>], vector<16xf32>,
      %sub3A_980 = arith.subf %gather3A_979, %get3A_168 : vector<16xf32>
      %gather3A_981 = tpu.vector_load_idx %arg9[%get3A_970] : memref<4096xf32, #tpu.memory_space<vmem>>[vector<16xi32>], vector<16xf32>,
      %gather3A_982 = tpu.vector_load_idx %arg10[%get3A_970] : memref<4096xf32, #tpu.memory_space<vmem>>[vector<16xi32>], vector<16xf32>,
      %gather3A_983 = tpu.vector_load_idx %arg11[%get3A_970] : memref<4096xf32, #tpu.memory_space<vmem>>[vector<16xi32>], vector<16xf32>,
      %add3A_984 = arith.addf %add3A_927, %get3A_974 : vector<16xf32>
      %mul3A_985 = arith.mulf %get3A_974, %sub3A_976 : vector<16xf32>
      %add3A_986 = arith.addf %add3A_929, %mul3A_985 : vector<16xf32>
      %mul3A_987 = arith.mulf %get3A_974, %sub3A_978 : vector<16xf32>
      %add3A_988 = arith.addf %add3A_931, %mul3A_987 : vector<16xf32>
      %mul3A_989 = arith.mulf %get3A_974, %sub3A_980 : vector<16xf32>
      %add3A_990 = arith.addf %add3A_933, %mul3A_989 : vector<16xf32>
      %mul3A_991 = arith.mulf %get3A_974, %sub3A_976 : vector<16xf32>
      %mul3A_992 = arith.mulf %mul3A_991, %sub3A_976 : vector<16xf32>
      %add3A_993 = arith.addf %add3A_936, %mul3A_992 : vector<16xf32>
      %mul3A_994 = arith.mulf %get3A_974, %sub3A_978 : vector<16xf32>
      %mul3A_995 = arith.mulf %mul3A_994, %sub3A_978 : vector<16xf32>
      %add3A_996 = arith.addf %add3A_939, %mul3A_995 : vector<16xf32>
      %mul3A_997 = arith.mulf %get3A_974, %sub3A_980 : vector<16xf32>
      %mul3A_998 = arith.mulf %mul3A_997, %sub3A_980 : vector<16xf32>
      %add3A_999 = arith.addf %add3A_942, %mul3A_998 : vector<16xf32>
      %mul3A_1000 = arith.mulf %get3A_974, %sub3A_976 : vector<16xf32>
      %mul3A_1001 = arith.mulf %mul3A_1000, %sub3A_978 : vector<16xf32>
      %add3A_1002 = arith.addf %add3A_945, %mul3A_1001 : vector<16xf32>
      %mul3A_1003 = arith.mulf %get3A_974, %sub3A_976 : vector<16xf32>
      %mul3A_1004 = arith.mulf %mul3A_1003, %sub3A_980 : vector<16xf32>
      %add3A_1005 = arith.addf %add3A_948, %mul3A_1004 : vector<16xf32>
      %mul3A_1006 = arith.mulf %get3A_974, %sub3A_978 : vector<16xf32>
      %mul3A_1007 = arith.mulf %mul3A_1006, %sub3A_980 : vector<16xf32>
      %add3A_1008 = arith.addf %add3A_951, %mul3A_1007 : vector<16xf32>
      %add3A_1009 = arith.addf %add3A_952, %gather3A_981 : vector<16xf32>
      %add3A_1010 = arith.addf %add3A_953, %gather3A_982 : vector<16xf32>
      %add3A_1011 = arith.addf %add3A_954, %gather3A_983 : vector<16xf32>
      %mul3A_1012 = arith.mulf %gather3A_981, %gather3A_981 : vector<16xf32>
      %add3A_1013 = arith.addf %add3A_956, %mul3A_1012 : vector<16xf32>
      %mul3A_1014 = arith.mulf %gather3A_982, %gather3A_982 : vector<16xf32>
      %add3A_1015 = arith.addf %add3A_958, %mul3A_1014 : vector<16xf32>
      %mul3A_1016 = arith.mulf %gather3A_983, %gather3A_983 : vector<16xf32>
      %add3A_1017 = arith.addf %add3A_960, %mul3A_1016 : vector<16xf32>
      %mul3A_1018 = arith.mulf %gather3A_981, %gather3A_982 : vector<16xf32>
      %add3A_1019 = arith.addf %add3A_962, %mul3A_1018 : vector<16xf32>
      %mul3A_1020 = arith.mulf %gather3A_981, %gather3A_983 : vector<16xf32>
      %add3A_1021 = arith.addf %add3A_964, %mul3A_1020 : vector<16xf32>
      %mul3A_1022 = arith.mulf %gather3A_982, %gather3A_983 : vector<16xf32>
      %add3A_1023 = arith.addf %add3A_966, %mul3A_1022 : vector<16xf32>
      %get3A_1024 = arith.constant 15 : i32
      %get3A_1025 = arith.index_cast %get3A_1024 : i32 to index
      %get3A_1026 = arith.index_cast %add3A_160 : i32 to index
      %get3A_1027 = tpu.vector_load %arg12[%get3A_1025, %get3A_1026] {strides = array<i32>} : memref<16x512xi32, #tpu.memory_space<vmem>>, vector<16xi32>,
      %get3A_1028 = arith.constant 15 : i32
      %get3A_1029 = arith.index_cast %get3A_1028 : i32 to index
      %get3A_1030 = arith.index_cast %add3A_160 : i32 to index
      %get3A_1031 = tpu.vector_load %arg13[%get3A_1029, %get3A_1030] {strides = array<i32>} : memref<16x512xf32, #tpu.memory_space<vmem>>, vector<16xf32>,
      %gather3A_1032 = tpu.vector_load_idx %arg6[%get3A_1027] : memref<4096xf32, #tpu.memory_space<vmem>>[vector<16xi32>], vector<16xf32>,
      %sub3A_1033 = arith.subf %gather3A_1032, %get3A_162 : vector<16xf32>
      %gather3A_1034 = tpu.vector_load_idx %arg7[%get3A_1027] : memref<4096xf32, #tpu.memory_space<vmem>>[vector<16xi32>], vector<16xf32>,
      %sub3A_1035 = arith.subf %gather3A_1034, %get3A_165 : vector<16xf32>
      %gather3A_1036 = tpu.vector_load_idx %arg8[%get3A_1027] : memref<4096xf32, #tpu.memory_space<vmem>>[vector<16xi32>], vector<16xf32>,
      %sub3A_1037 = arith.subf %gather3A_1036, %get3A_168 : vector<16xf32>
      %gather3A_1038 = tpu.vector_load_idx %arg9[%get3A_1027] : memref<4096xf32, #tpu.memory_space<vmem>>[vector<16xi32>], vector<16xf32>,
      %gather3A_1039 = tpu.vector_load_idx %arg10[%get3A_1027] : memref<4096xf32, #tpu.memory_space<vmem>>[vector<16xi32>], vector<16xf32>,
      %gather3A_1040 = tpu.vector_load_idx %arg11[%get3A_1027] : memref<4096xf32, #tpu.memory_space<vmem>>[vector<16xi32>], vector<16xf32>,
      %add3A_1041 = arith.addf %add3A_984, %get3A_1031 : vector<16xf32>
      %mul3A_1042 = arith.mulf %get3A_1031, %sub3A_1033 : vector<16xf32>
      %add3A_1043 = arith.addf %add3A_986, %mul3A_1042 : vector<16xf32>
      %mul3A_1044 = arith.mulf %get3A_1031, %sub3A_1035 : vector<16xf32>
      %add3A_1045 = arith.addf %add3A_988, %mul3A_1044 : vector<16xf32>
      %mul3A_1046 = arith.mulf %get3A_1031, %sub3A_1037 : vector<16xf32>
      %add3A_1047 = arith.addf %add3A_990, %mul3A_1046 : vector<16xf32>
      %mul3A_1048 = arith.mulf %get3A_1031, %sub3A_1033 : vector<16xf32>
      %mul3A_1049 = arith.mulf %mul3A_1048, %sub3A_1033 : vector<16xf32>
      %add3A_1050 = arith.addf %add3A_993, %mul3A_1049 : vector<16xf32>
      %mul3A_1051 = arith.mulf %get3A_1031, %sub3A_1035 : vector<16xf32>
      %mul3A_1052 = arith.mulf %mul3A_1051, %sub3A_1035 : vector<16xf32>
      %add3A_1053 = arith.addf %add3A_996, %mul3A_1052 : vector<16xf32>
      %mul3A_1054 = arith.mulf %get3A_1031, %sub3A_1037 : vector<16xf32>
      %mul3A_1055 = arith.mulf %mul3A_1054, %sub3A_1037 : vector<16xf32>
      %add3A_1056 = arith.addf %add3A_999, %mul3A_1055 : vector<16xf32>
      %mul3A_1057 = arith.mulf %get3A_1031, %sub3A_1033 : vector<16xf32>
      %mul3A_1058 = arith.mulf %mul3A_1057, %sub3A_1035 : vector<16xf32>
      %add3A_1059 = arith.addf %add3A_1002, %mul3A_1058 : vector<16xf32>
      %mul3A_1060 = arith.mulf %get3A_1031, %sub3A_1033 : vector<16xf32>
      %mul3A_1061 = arith.mulf %mul3A_1060, %sub3A_1037 : vector<16xf32>
      %add3A_1062 = arith.addf %add3A_1005, %mul3A_1061 : vector<16xf32>
      %mul3A_1063 = arith.mulf %get3A_1031, %sub3A_1035 : vector<16xf32>
      %mul3A_1064 = arith.mulf %mul3A_1063, %sub3A_1037 : vector<16xf32>
      %add3A_1065 = arith.addf %add3A_1008, %mul3A_1064 : vector<16xf32>
      %add3A_1066 = arith.addf %add3A_1009, %gather3A_1038 : vector<16xf32>
      %add3A_1067 = arith.addf %add3A_1010, %gather3A_1039 : vector<16xf32>
      %add3A_1068 = arith.addf %add3A_1011, %gather3A_1040 : vector<16xf32>
      %mul3A_1069 = arith.mulf %gather3A_1038, %gather3A_1038 : vector<16xf32>
      %add3A_1070 = arith.addf %add3A_1013, %mul3A_1069 : vector<16xf32>
      %mul3A_1071 = arith.mulf %gather3A_1039, %gather3A_1039 : vector<16xf32>
      %add3A_1072 = arith.addf %add3A_1015, %mul3A_1071 : vector<16xf32>
      %mul3A_1073 = arith.mulf %gather3A_1040, %gather3A_1040 : vector<16xf32>
      %add3A_1074 = arith.addf %add3A_1017, %mul3A_1073 : vector<16xf32>
      %mul3A_1075 = arith.mulf %gather3A_1038, %gather3A_1039 : vector<16xf32>
      %add3A_1076 = arith.addf %add3A_1019, %mul3A_1075 : vector<16xf32>
      %mul3A_1077 = arith.mulf %gather3A_1038, %gather3A_1040 : vector<16xf32>
      %add3A_1078 = arith.addf %add3A_1021, %mul3A_1077 : vector<16xf32>
      %mul3A_1079 = arith.mulf %gather3A_1039, %gather3A_1040 : vector<16xf32>
      %add3A_1080 = arith.addf %add3A_1023, %mul3A_1079 : vector<16xf32>
      %swap3A = arith.constant 0 : i32
      %swap3A_1081 = arith.index_cast %swap3A : i32 to index
      %swap3A_1082 = arith.index_cast %add3A_160 : i32 to index
      %swap3A_1083 = tpu.vector_load %arg14[%swap3A_1081, %swap3A_1082] {strides = array<i32>} : memref<19x512xf32, #tpu.memory_space<vmem>>, vector<16xf32>,
      tpu.vector_store %arg14[%swap3A_1081, %swap3A_1082], %add3A_1041 {strides = array<i32>} : memref<19x512xf32, #tpu.memory_space<vmem>>, vector<16xf32>,
      %swap3A_1084 = arith.constant 1 : i32
      %swap3A_1085 = arith.index_cast %swap3A_1084 : i32 to index
      %swap3A_1086 = arith.index_cast %add3A_160 : i32 to index
      %swap3A_1087 = tpu.vector_load %arg14[%swap3A_1085, %swap3A_1086] {strides = array<i32>} : memref<19x512xf32, #tpu.memory_space<vmem>>, vector<16xf32>,
      tpu.vector_store %arg14[%swap3A_1085, %swap3A_1086], %add3A_1043 {strides = array<i32>} : memref<19x512xf32, #tpu.memory_space<vmem>>, vector<16xf32>,
      %swap3A_1088 = arith.constant 2 : i32
      %swap3A_1089 = arith.index_cast %swap3A_1088 : i32 to index
      %swap3A_1090 = arith.index_cast %add3A_160 : i32 to index
      %swap3A_1091 = tpu.vector_load %arg14[%swap3A_1089, %swap3A_1090] {strides = array<i32>} : memref<19x512xf32, #tpu.memory_space<vmem>>, vector<16xf32>,
      tpu.vector_store %arg14[%swap3A_1089, %swap3A_1090], %add3A_1045 {strides = array<i32>} : memref<19x512xf32, #tpu.memory_space<vmem>>, vector<16xf32>,
      %swap3A_1092 = arith.constant 3 : i32
      %swap3A_1093 = arith.index_cast %swap3A_1092 : i32 to index
      %swap3A_1094 = arith.index_cast %add3A_160 : i32 to index
      %swap3A_1095 = tpu.vector_load %arg14[%swap3A_1093, %swap3A_1094] {strides = array<i32>} : memref<19x512xf32, #tpu.memory_space<vmem>>, vector<16xf32>,
      tpu.vector_store %arg14[%swap3A_1093, %swap3A_1094], %add3A_1047 {strides = array<i32>} : memref<19x512xf32, #tpu.memory_space<vmem>>, vector<16xf32>,
      %swap3A_1096 = arith.constant 4 : i32
      %swap3A_1097 = arith.index_cast %swap3A_1096 : i32 to index
      %swap3A_1098 = arith.index_cast %add3A_160 : i32 to index
      %swap3A_1099 = tpu.vector_load %arg14[%swap3A_1097, %swap3A_1098] {strides = array<i32>} : memref<19x512xf32, #tpu.memory_space<vmem>>, vector<16xf32>,
      tpu.vector_store %arg14[%swap3A_1097, %swap3A_1098], %add3A_1050 {strides = array<i32>} : memref<19x512xf32, #tpu.memory_space<vmem>>, vector<16xf32>,
      %swap3A_1100 = arith.constant 5 : i32
      %swap3A_1101 = arith.index_cast %swap3A_1100 : i32 to index
      %swap3A_1102 = arith.index_cast %add3A_160 : i32 to index
      %swap3A_1103 = tpu.vector_load %arg14[%swap3A_1101, %swap3A_1102] {strides = array<i32>} : memref<19x512xf32, #tpu.memory_space<vmem>>, vector<16xf32>,
      tpu.vector_store %arg14[%swap3A_1101, %swap3A_1102], %add3A_1053 {strides = array<i32>} : memref<19x512xf32, #tpu.memory_space<vmem>>, vector<16xf32>,
      %swap3A_1104 = arith.constant 6 : i32
      %swap3A_1105 = arith.index_cast %swap3A_1104 : i32 to index
      %swap3A_1106 = arith.index_cast %add3A_160 : i32 to index
      %swap3A_1107 = tpu.vector_load %arg14[%swap3A_1105, %swap3A_1106] {strides = array<i32>} : memref<19x512xf32, #tpu.memory_space<vmem>>, vector<16xf32>,
      tpu.vector_store %arg14[%swap3A_1105, %swap3A_1106], %add3A_1056 {strides = array<i32>} : memref<19x512xf32, #tpu.memory_space<vmem>>, vector<16xf32>,
      %swap3A_1108 = arith.constant 7 : i32
      %swap3A_1109 = arith.index_cast %swap3A_1108 : i32 to index
      %swap3A_1110 = arith.index_cast %add3A_160 : i32 to index
      %swap3A_1111 = tpu.vector_load %arg14[%swap3A_1109, %swap3A_1110] {strides = array<i32>} : memref<19x512xf32, #tpu.memory_space<vmem>>, vector<16xf32>,
      tpu.vector_store %arg14[%swap3A_1109, %swap3A_1110], %add3A_1059 {strides = array<i32>} : memref<19x512xf32, #tpu.memory_space<vmem>>, vector<16xf32>,
      %swap3A_1112 = arith.constant 8 : i32
      %swap3A_1113 = arith.index_cast %swap3A_1112 : i32 to index
      %swap3A_1114 = arith.index_cast %add3A_160 : i32 to index
      %swap3A_1115 = tpu.vector_load %arg14[%swap3A_1113, %swap3A_1114] {strides = array<i32>} : memref<19x512xf32, #tpu.memory_space<vmem>>, vector<16xf32>,
      tpu.vector_store %arg14[%swap3A_1113, %swap3A_1114], %add3A_1062 {strides = array<i32>} : memref<19x512xf32, #tpu.memory_space<vmem>>, vector<16xf32>,
      %swap3A_1116 = arith.constant 9 : i32
      %swap3A_1117 = arith.index_cast %swap3A_1116 : i32 to index
      %swap3A_1118 = arith.index_cast %add3A_160 : i32 to index
      %swap3A_1119 = tpu.vector_load %arg14[%swap3A_1117, %swap3A_1118] {strides = array<i32>} : memref<19x512xf32, #tpu.memory_space<vmem>>, vector<16xf32>,
      tpu.vector_store %arg14[%swap3A_1117, %swap3A_1118], %add3A_1065 {strides = array<i32>} : memref<19x512xf32, #tpu.memory_space<vmem>>, vector<16xf32>,
      %swap3A_1120 = arith.constant 10 : i32
      %swap3A_1121 = arith.index_cast %swap3A_1120 : i32 to index
      %swap3A_1122 = arith.index_cast %add3A_160 : i32 to index
      %swap3A_1123 = tpu.vector_load %arg14[%swap3A_1121, %swap3A_1122] {strides = array<i32>} : memref<19x512xf32, #tpu.memory_space<vmem>>, vector<16xf32>,
      tpu.vector_store %arg14[%swap3A_1121, %swap3A_1122], %add3A_1066 {strides = array<i32>} : memref<19x512xf32, #tpu.memory_space<vmem>>, vector<16xf32>,
      %swap3A_1124 = arith.constant 11 : i32
      %swap3A_1125 = arith.index_cast %swap3A_1124 : i32 to index
      %swap3A_1126 = arith.index_cast %add3A_160 : i32 to index
      %swap3A_1127 = tpu.vector_load %arg14[%swap3A_1125, %swap3A_1126] {strides = array<i32>} : memref<19x512xf32, #tpu.memory_space<vmem>>, vector<16xf32>,
      tpu.vector_store %arg14[%swap3A_1125, %swap3A_1126], %add3A_1067 {strides = array<i32>} : memref<19x512xf32, #tpu.memory_space<vmem>>, vector<16xf32>,
      %swap3A_1128 = arith.constant 12 : i32
      %swap3A_1129 = arith.index_cast %swap3A_1128 : i32 to index
      %swap3A_1130 = arith.index_cast %add3A_160 : i32 to index
      %swap3A_1131 = tpu.vector_load %arg14[%swap3A_1129, %swap3A_1130] {strides = array<i32>} : memref<19x512xf32, #tpu.memory_space<vmem>>, vector<16xf32>,
      tpu.vector_store %arg14[%swap3A_1129, %swap3A_1130], %add3A_1068 {strides = array<i32>} : memref<19x512xf32, #tpu.memory_space<vmem>>, vector<16xf32>,
      %swap3A_1132 = arith.constant 13 : i32
      %swap3A_1133 = arith.index_cast %swap3A_1132 : i32 to index
      %swap3A_1134 = arith.index_cast %add3A_160 : i32 to index
      %swap3A_1135 = tpu.vector_load %arg14[%swap3A_1133, %swap3A_1134] {strides = array<i32>} : memref<19x512xf32, #tpu.memory_space<vmem>>, vector<16xf32>,
      tpu.vector_store %arg14[%swap3A_1133, %swap3A_1134], %add3A_1070 {strides = array<i32>} : memref<19x512xf32, #tpu.memory_space<vmem>>, vector<16xf32>,
      %swap3A_1136 = arith.constant 14 : i32
      %swap3A_1137 = arith.index_cast %swap3A_1136 : i32 to index
      %swap3A_1138 = arith.index_cast %add3A_160 : i32 to index
      %swap3A_1139 = tpu.vector_load %arg14[%swap3A_1137, %swap3A_1138] {strides = array<i32>} : memref<19x512xf32, #tpu.memory_space<vmem>>, vector<16xf32>,
      tpu.vector_store %arg14[%swap3A_1137, %swap3A_1138], %add3A_1072 {strides = array<i32>} : memref<19x512xf32, #tpu.memory_space<vmem>>, vector<16xf32>,
      %swap3A_1140 = arith.constant 15 : i32
      %swap3A_1141 = arith.index_cast %swap3A_1140 : i32 to index
      %swap3A_1142 = arith.index_cast %add3A_160 : i32 to index
      %swap3A_1143 = tpu.vector_load %arg14[%swap3A_1141, %swap3A_1142] {strides = array<i32>} : memref<19x512xf32, #tpu.memory_space<vmem>>, vector<16xf32>,
      tpu.vector_store %arg14[%swap3A_1141, %swap3A_1142], %add3A_1074 {strides = array<i32>} : memref<19x512xf32, #tpu.memory_space<vmem>>, vector<16xf32>,
      %swap3A_1144 = arith.constant 16 : i32
      %swap3A_1145 = arith.index_cast %swap3A_1144 : i32 to index
      %swap3A_1146 = arith.index_cast %add3A_160 : i32 to index
      %swap3A_1147 = tpu.vector_load %arg14[%swap3A_1145, %swap3A_1146] {strides = array<i32>} : memref<19x512xf32, #tpu.memory_space<vmem>>, vector<16xf32>,
      tpu.vector_store %arg14[%swap3A_1145, %swap3A_1146], %add3A_1076 {strides = array<i32>} : memref<19x512xf32, #tpu.memory_space<vmem>>, vector<16xf32>,
      %swap3A_1148 = arith.constant 17 : i32
      %swap3A_1149 = arith.index_cast %swap3A_1148 : i32 to index
      %swap3A_1150 = arith.index_cast %add3A_160 : i32 to index
      %swap3A_1151 = tpu.vector_load %arg14[%swap3A_1149, %swap3A_1150] {strides = array<i32>} : memref<19x512xf32, #tpu.memory_space<vmem>>, vector<16xf32>,
      tpu.vector_store %arg14[%swap3A_1149, %swap3A_1150], %add3A_1078 {strides = array<i32>} : memref<19x512xf32, #tpu.memory_space<vmem>>, vector<16xf32>,
      %swap3A_1152 = arith.constant 18 : i32
      %swap3A_1153 = arith.index_cast %swap3A_1152 : i32 to index
      %swap3A_1154 = arith.index_cast %add3A_160 : i32 to index
      %swap3A_1155 = tpu.vector_load %arg14[%swap3A_1153, %swap3A_1154] {strides = array<i32>} : memref<19x512xf32, #tpu.memory_space<vmem>>, vector<16xf32>,
      tpu.vector_store %arg14[%swap3A_1153, %swap3A_1154], %add3A_1080 {strides = array<i32>} : memref<19x512xf32, #tpu.memory_space<vmem>>, vector<16xf32>,
    }
    %scan3A_139 = arith.constant 32 : i32
    %dma_start3A_140 = arith.constant 0 : i32
    %dma_start3A_141 = arith.constant 0 : i32
    %dma_start3A_142 = tpu.memref_slice %arg5[%add3A, %dma_start3A_140, %dma_start3A_141] : memref<32x19x512xf32, #tpu.memory_space<hbm>> -> memref<1x19x512xf32, #tpu.memory_space<hbm>>
    %dma_start3A_143 = tpu.memref_squeeze %dma_start3A_142 : memref<1x19x512xf32, #tpu.memory_space<hbm>> -> memref<19x512xf32, #tpu.memory_space<hbm>>
    %dma_start3A_144 = arith.constant 0 : i32
    %dma_start3A_145 = arith.constant 0 : i32
    %dma_start3A_146 = tpu.memref_slice %arg5[%add3A, %dma_start3A_144, %dma_start3A_145] : memref<32x19x512xf32, #tpu.memory_space<hbm>> -> memref<1x19x512xf32, #tpu.memory_space<hbm>>
    %dma_start3A_147 = tpu.memref_squeeze %dma_start3A_146 : memref<1x19x512xf32, #tpu.memory_space<hbm>> -> memref<19x512xf32, #tpu.memory_space<hbm>>
    tpu.enqueue_dma source(%arg14 : memref<19x512xf32, #tpu.memory_space<vmem>>) target(%dma_start3A_147 : memref<19x512xf32, #tpu.memory_space<hbm>>) target_semaphore(%arg15 : memref<!tpu.dma_semaphore, #tpu.memory_space<semaphore_mem>>)
    %dma_wait3A_148 = arith.constant 0 : i32
    %dma_wait3A_149 = arith.constant 0 : i32
    %dma_wait3A_150 = tpu.memref_slice %arg5[%add3A, %dma_wait3A_148, %dma_wait3A_149] : memref<32x19x512xf32, #tpu.memory_space<hbm>> -> memref<1x19x512xf32, #tpu.memory_space<hbm>>
    %dma_wait3A_151 = tpu.memref_squeeze %dma_wait3A_150 : memref<1x19x512xf32, #tpu.memory_space<hbm>> -> memref<19x512xf32, #tpu.memory_space<hbm>>
    %dma_wait3A_152 = arith.constant 0 : i32
    %dma_wait3A_153 = arith.constant 0 : i32
    %dma_wait3A_154 = tpu.memref_slice %arg5[%add3A, %dma_wait3A_152, %dma_wait3A_153] : memref<32x19x512xf32, #tpu.memory_space<hbm>> -> memref<1x19x512xf32, #tpu.memory_space<hbm>>
    %dma_wait3A_155 = tpu.memref_squeeze %dma_wait3A_154 : memref<1x19x512xf32, #tpu.memory_space<hbm>> -> memref<19x512xf32, #tpu.memory_space<hbm>>
    tpu.wait_dma2 semaphore(%arg15 : memref<!tpu.dma_semaphore, #tpu.memory_space<semaphore_mem>>) src(%arg14 : memref<19x512xf32, #tpu.memory_space<vmem>>) dst(%dma_wait3A_155 : memref<19x512xf32, #tpu.memory_space<hbm>>)
    return
  }
}

module attributes {stable_mosaic.version = 14 : i64} {
  func.func @_knn_body(%arg0: i32, %arg1: i32, %arg2: memref<1x4096x3xf32, #tpu.memory_space<vmem>>, %arg3: memref<1x3x512xf32, #tpu.memory_space<vmem>>, %arg4: memref<1x16x512xi32, #tpu.memory_space<vmem>>, %arg5: memref<1x16x512xf32, #tpu.memory_space<vmem>>) attributes {dimension_semantics = [#tpu.dimension_semantics<arbitrary>, #tpu.dimension_semantics<arbitrary>], iteration_bounds = array<i64: 4, 8>, scalar_prefetch = 0 : i64, scratch_operands = 0 : i64, tpu.core_type = #tpu.core_type<tc>, window_params = [{transform_indices = @transform_0, window_bounds = array<i64: 1, 4096, 3>}, {transform_indices = @transform_1, window_bounds = array<i64: 1, 3, 512>}, {transform_indices = @transform_2, window_bounds = array<i64: 1, 16, 512>}, {transform_indices = @transform_3, window_bounds = array<i64: 1, 16, 512>}]} {
    %get3A = arith.constant 0 : index
    %get3A_0 = arith.constant 0 : index
    %get3A_1 = arith.constant 0 : index
    %get3A_2 = vector.load %arg2[%get3A, %get3A_0, %get3A_1] : memref<1x4096x3xf32, #tpu.memory_space<vmem>>, vector<1x4096x1xf32>
    %get3A_3 = vector.shape_cast %get3A_2 : vector<1x4096x1xf32> to vector<4096x1xf32>
    %get3A_4 = arith.constant 0 : index
    %get3A_5 = arith.constant 0 : index
    %get3A_6 = arith.constant 1 : index
    %get3A_7 = vector.load %arg2[%get3A_4, %get3A_5, %get3A_6] : memref<1x4096x3xf32, #tpu.memory_space<vmem>>, vector<1x4096x1xf32>
    %get3A_8 = vector.shape_cast %get3A_7 : vector<1x4096x1xf32> to vector<4096x1xf32>
    %get3A_9 = arith.constant 0 : index
    %get3A_10 = arith.constant 0 : index
    %get3A_11 = arith.constant 2 : index
    %get3A_12 = vector.load %arg2[%get3A_9, %get3A_10, %get3A_11] : memref<1x4096x3xf32, #tpu.memory_space<vmem>>, vector<1x4096x1xf32>
    %get3A_13 = vector.shape_cast %get3A_12 : vector<1x4096x1xf32> to vector<4096x1xf32>
    %get3A_14 = arith.constant 0 : index
    %get3A_15 = arith.constant 0 : index
    %get3A_16 = arith.constant 0 : index
    %get3A_17 = vector.load %arg3[%get3A_14, %get3A_15, %get3A_16] : memref<1x3x512xf32, #tpu.memory_space<vmem>>, vector<1x1x512xf32>
    %get3A_18 = vector.shape_cast %get3A_17 : vector<1x1x512xf32> to vector<1x512xf32>
    %get3A_19 = arith.constant 0 : index
    %get3A_20 = arith.constant 1 : index
    %get3A_21 = arith.constant 0 : index
    %get3A_22 = vector.load %arg3[%get3A_19, %get3A_20, %get3A_21] : memref<1x3x512xf32, #tpu.memory_space<vmem>>, vector<1x1x512xf32>
    %get3A_23 = vector.shape_cast %get3A_22 : vector<1x1x512xf32> to vector<1x512xf32>
    %get3A_24 = arith.constant 0 : index
    %get3A_25 = arith.constant 2 : index
    %get3A_26 = arith.constant 0 : index
    %get3A_27 = vector.load %arg3[%get3A_24, %get3A_25, %get3A_26] : memref<1x3x512xf32, #tpu.memory_space<vmem>>, vector<1x1x512xf32>
    %get3A_28 = vector.shape_cast %get3A_27 : vector<1x1x512xf32> to vector<1x512xf32>
    %sub3A = vector.broadcast %get3A_3 : vector<4096x1xf32> to vector<4096x512xf32>
    %sub3A_29 = vector.broadcast %get3A_18 : vector<1x512xf32> to vector<4096x512xf32>
    %sub3A_30 = arith.subf %sub3A, %sub3A_29 : vector<4096x512xf32>
    %sub3A_31 = vector.broadcast %get3A_8 : vector<4096x1xf32> to vector<4096x512xf32>
    %sub3A_32 = vector.broadcast %get3A_23 : vector<1x512xf32> to vector<4096x512xf32>
    %sub3A_33 = arith.subf %sub3A_31, %sub3A_32 : vector<4096x512xf32>
    %sub3A_34 = vector.broadcast %get3A_13 : vector<4096x1xf32> to vector<4096x512xf32>
    %sub3A_35 = vector.broadcast %get3A_28 : vector<1x512xf32> to vector<4096x512xf32>
    %sub3A_36 = arith.subf %sub3A_34, %sub3A_35 : vector<4096x512xf32>
    %mul3A = arith.mulf %sub3A_30, %sub3A_30 : vector<4096x512xf32>
    %mul3A_37 = arith.mulf %sub3A_33, %sub3A_33 : vector<4096x512xf32>
    %add3A = arith.addf %mul3A, %mul3A_37 : vector<4096x512xf32>
    %mul3A_38 = arith.mulf %sub3A_36, %sub3A_36 : vector<4096x512xf32>
    %add3A_39 = arith.addf %add3A, %mul3A_38 : vector<4096x512xf32>
    %iota3A = tpu.iota {dimensions = array<i32: 0>} : vector<4096x512xi32>
    %bitcast_convert_type3A = tpu.bitcast %add3A_39 : vector<4096x512xf32> -> vector<4096x512xi32>
    %and3A = arith.constant -8192 : i32
    %and3A_40 = vector.broadcast %and3A : i32 to vector<4096x512xi32>
    %and3A_41 = arith.andi %bitcast_convert_type3A, %and3A_40 : vector<4096x512xi32>
    %lt3A = arith.constant 2.000000e-01 : f32
    %lt3A_42 = vector.broadcast %lt3A : f32 to vector<4096x512xf32>
    %lt3A_43 = arith.cmpf olt, %add3A_39, %lt3A_42 : vector<4096x512xf32>
    %or3A = arith.constant 4096 : i32
    %or3A_44 = vector.broadcast %or3A : i32 to vector<4096x512xi32>
    %or3A_45 = arith.ori %iota3A, %or3A_44 : vector<4096x512xi32>
    %select_n3A = arith.select %lt3A_43, %iota3A, %or3A_45 : vector<4096x512xi1>, vector<4096x512xi32>
    %or3A_46 = arith.ori %and3A_41, %select_n3A : vector<4096x512xi32>
    %mul3A_47 = arith.constant 512 : i32
    %mul3A_48 = arith.muli %arg1, %mul3A_47 : i32
    %iota3A_49 = tpu.iota {dimensions = array<i32: 1>} : vector<1x512xi32>
    %add3A_50 = vector.broadcast %mul3A_48 : i32 to vector<1x512xi32>
    %add3A_51 = arith.addi %add3A_50, %iota3A_49 : vector<1x512xi32>
    %broadcast_in_dim3A = arith.constant 1.000000e+00 : f32
    %broadcast_in_dim3A_52 = vector.broadcast %broadcast_in_dim3A : f32 to vector<1x512xf32>
    %eq3A = vector.broadcast %add3A_51 : vector<1x512xi32> to vector<4096x512xi32>
    %eq3A_53 = arith.cmpi eq, %iota3A, %eq3A : vector<4096x512xi32>
    %jit3A = arith.constant 2147483647 : i32
    %broadcast_in_dim3A_54 = vector.broadcast %jit3A : i32 to vector<4096x512xi32>
    %select_n3A_55 = arith.select %eq3A_53, %broadcast_in_dim3A_54, %or3A_46 : vector<4096x512xi1>, vector<4096x512xi32>
    %reduce_min3A = arith.constant dense<2147483647> : vector<512xi32>
    %reduce_min3A_56 = vector.multi_reduction <minsi>, %select_n3A_55, %reduce_min3A [0] : vector<4096x512xi32> to vector<512xi32>
    %broadcast_in_dim3A_57 = vector.shape_cast %reduce_min3A_56 : vector<512xi32> to vector<1x512xi32>
    %and3A_58 = arith.constant 4095 : i32
    %and3A_59 = vector.broadcast %and3A_58 : i32 to vector<1x512xi32>
    %and3A_60 = arith.andi %broadcast_in_dim3A_57, %and3A_59 : vector<1x512xi32>
    %and3A_61 = arith.constant 4096 : i32
    %and3A_62 = vector.broadcast %and3A_61 : i32 to vector<1x512xi32>
    %and3A_63 = arith.andi %broadcast_in_dim3A_57, %and3A_62 : vector<1x512xi32>
    %eq3A_64 = arith.constant 0 : i32
    %eq3A_65 = vector.broadcast %eq3A_64 : i32 to vector<1x512xi32>
    %eq3A_66 = arith.cmpi eq, %and3A_63, %eq3A_65 : vector<1x512xi32>
    %convert_element_type3A = arith.extui %eq3A_66 : vector<1x512xi1> to vector<1x512xi32>
    %convert_element_type3A_67 = arith.sitofp %convert_element_type3A : vector<1x512xi32> to vector<1x512xf32>
    %eq3A_68 = vector.broadcast %broadcast_in_dim3A_57 : vector<1x512xi32> to vector<4096x512xi32>
    %eq3A_69 = arith.cmpi eq, %select_n3A_55, %eq3A_68 : vector<4096x512xi32>
    %jit3A_70 = arith.constant 2147483647 : i32
    %broadcast_in_dim3A_71 = vector.broadcast %jit3A_70 : i32 to vector<4096x512xi32>
    %select_n3A_72 = arith.select %eq3A_69, %broadcast_in_dim3A_71, %select_n3A_55 : vector<4096x512xi1>, vector<4096x512xi32>
    %reduce_min3A_73 = arith.constant dense<2147483647> : vector<512xi32>
    %reduce_min3A_74 = vector.multi_reduction <minsi>, %select_n3A_72, %reduce_min3A_73 [0] : vector<4096x512xi32> to vector<512xi32>
    %broadcast_in_dim3A_75 = vector.shape_cast %reduce_min3A_74 : vector<512xi32> to vector<1x512xi32>
    %and3A_76 = arith.constant 4095 : i32
    %and3A_77 = vector.broadcast %and3A_76 : i32 to vector<1x512xi32>
    %and3A_78 = arith.andi %broadcast_in_dim3A_75, %and3A_77 : vector<1x512xi32>
    %and3A_79 = arith.constant 4096 : i32
    %and3A_80 = vector.broadcast %and3A_79 : i32 to vector<1x512xi32>
    %and3A_81 = arith.andi %broadcast_in_dim3A_75, %and3A_80 : vector<1x512xi32>
    %eq3A_82 = arith.constant 0 : i32
    %eq3A_83 = vector.broadcast %eq3A_82 : i32 to vector<1x512xi32>
    %eq3A_84 = arith.cmpi eq, %and3A_81, %eq3A_83 : vector<1x512xi32>
    %convert_element_type3A_85 = arith.extui %eq3A_84 : vector<1x512xi1> to vector<1x512xi32>
    %convert_element_type3A_86 = arith.sitofp %convert_element_type3A_85 : vector<1x512xi32> to vector<1x512xf32>
    %eq3A_87 = vector.broadcast %broadcast_in_dim3A_75 : vector<1x512xi32> to vector<4096x512xi32>
    %eq3A_88 = arith.cmpi eq, %select_n3A_72, %eq3A_87 : vector<4096x512xi32>
    %jit3A_89 = arith.constant 2147483647 : i32
    %broadcast_in_dim3A_90 = vector.broadcast %jit3A_89 : i32 to vector<4096x512xi32>
    %select_n3A_91 = arith.select %eq3A_88, %broadcast_in_dim3A_90, %select_n3A_72 : vector<4096x512xi1>, vector<4096x512xi32>
    %reduce_min3A_92 = arith.constant dense<2147483647> : vector<512xi32>
    %reduce_min3A_93 = vector.multi_reduction <minsi>, %select_n3A_91, %reduce_min3A_92 [0] : vector<4096x512xi32> to vector<512xi32>
    %broadcast_in_dim3A_94 = vector.shape_cast %reduce_min3A_93 : vector<512xi32> to vector<1x512xi32>
    %and3A_95 = arith.constant 4095 : i32
    %and3A_96 = vector.broadcast %and3A_95 : i32 to vector<1x512xi32>
    %and3A_97 = arith.andi %broadcast_in_dim3A_94, %and3A_96 : vector<1x512xi32>
    %and3A_98 = arith.constant 4096 : i32
    %and3A_99 = vector.broadcast %and3A_98 : i32 to vector<1x512xi32>
    %and3A_100 = arith.andi %broadcast_in_dim3A_94, %and3A_99 : vector<1x512xi32>
    %eq3A_101 = arith.constant 0 : i32
    %eq3A_102 = vector.broadcast %eq3A_101 : i32 to vector<1x512xi32>
    %eq3A_103 = arith.cmpi eq, %and3A_100, %eq3A_102 : vector<1x512xi32>
    %convert_element_type3A_104 = arith.extui %eq3A_103 : vector<1x512xi1> to vector<1x512xi32>
    %convert_element_type3A_105 = arith.sitofp %convert_element_type3A_104 : vector<1x512xi32> to vector<1x512xf32>
    %eq3A_106 = vector.broadcast %broadcast_in_dim3A_94 : vector<1x512xi32> to vector<4096x512xi32>
    %eq3A_107 = arith.cmpi eq, %select_n3A_91, %eq3A_106 : vector<4096x512xi32>
    %jit3A_108 = arith.constant 2147483647 : i32
    %broadcast_in_dim3A_109 = vector.broadcast %jit3A_108 : i32 to vector<4096x512xi32>
    %select_n3A_110 = arith.select %eq3A_107, %broadcast_in_dim3A_109, %select_n3A_91 : vector<4096x512xi1>, vector<4096x512xi32>
    %reduce_min3A_111 = arith.constant dense<2147483647> : vector<512xi32>
    %reduce_min3A_112 = vector.multi_reduction <minsi>, %select_n3A_110, %reduce_min3A_111 [0] : vector<4096x512xi32> to vector<512xi32>
    %broadcast_in_dim3A_113 = vector.shape_cast %reduce_min3A_112 : vector<512xi32> to vector<1x512xi32>
    %and3A_114 = arith.constant 4095 : i32
    %and3A_115 = vector.broadcast %and3A_114 : i32 to vector<1x512xi32>
    %and3A_116 = arith.andi %broadcast_in_dim3A_113, %and3A_115 : vector<1x512xi32>
    %and3A_117 = arith.constant 4096 : i32
    %and3A_118 = vector.broadcast %and3A_117 : i32 to vector<1x512xi32>
    %and3A_119 = arith.andi %broadcast_in_dim3A_113, %and3A_118 : vector<1x512xi32>
    %eq3A_120 = arith.constant 0 : i32
    %eq3A_121 = vector.broadcast %eq3A_120 : i32 to vector<1x512xi32>
    %eq3A_122 = arith.cmpi eq, %and3A_119, %eq3A_121 : vector<1x512xi32>
    %convert_element_type3A_123 = arith.extui %eq3A_122 : vector<1x512xi1> to vector<1x512xi32>
    %convert_element_type3A_124 = arith.sitofp %convert_element_type3A_123 : vector<1x512xi32> to vector<1x512xf32>
    %eq3A_125 = vector.broadcast %broadcast_in_dim3A_113 : vector<1x512xi32> to vector<4096x512xi32>
    %eq3A_126 = arith.cmpi eq, %select_n3A_110, %eq3A_125 : vector<4096x512xi32>
    %jit3A_127 = arith.constant 2147483647 : i32
    %broadcast_in_dim3A_128 = vector.broadcast %jit3A_127 : i32 to vector<4096x512xi32>
    %select_n3A_129 = arith.select %eq3A_126, %broadcast_in_dim3A_128, %select_n3A_110 : vector<4096x512xi1>, vector<4096x512xi32>
    %reduce_min3A_130 = arith.constant dense<2147483647> : vector<512xi32>
    %reduce_min3A_131 = vector.multi_reduction <minsi>, %select_n3A_129, %reduce_min3A_130 [0] : vector<4096x512xi32> to vector<512xi32>
    %broadcast_in_dim3A_132 = vector.shape_cast %reduce_min3A_131 : vector<512xi32> to vector<1x512xi32>
    %and3A_133 = arith.constant 4095 : i32
    %and3A_134 = vector.broadcast %and3A_133 : i32 to vector<1x512xi32>
    %and3A_135 = arith.andi %broadcast_in_dim3A_132, %and3A_134 : vector<1x512xi32>
    %and3A_136 = arith.constant 4096 : i32
    %and3A_137 = vector.broadcast %and3A_136 : i32 to vector<1x512xi32>
    %and3A_138 = arith.andi %broadcast_in_dim3A_132, %and3A_137 : vector<1x512xi32>
    %eq3A_139 = arith.constant 0 : i32
    %eq3A_140 = vector.broadcast %eq3A_139 : i32 to vector<1x512xi32>
    %eq3A_141 = arith.cmpi eq, %and3A_138, %eq3A_140 : vector<1x512xi32>
    %convert_element_type3A_142 = arith.extui %eq3A_141 : vector<1x512xi1> to vector<1x512xi32>
    %convert_element_type3A_143 = arith.sitofp %convert_element_type3A_142 : vector<1x512xi32> to vector<1x512xf32>
    %eq3A_144 = vector.broadcast %broadcast_in_dim3A_132 : vector<1x512xi32> to vector<4096x512xi32>
    %eq3A_145 = arith.cmpi eq, %select_n3A_129, %eq3A_144 : vector<4096x512xi32>
    %jit3A_146 = arith.constant 2147483647 : i32
    %broadcast_in_dim3A_147 = vector.broadcast %jit3A_146 : i32 to vector<4096x512xi32>
    %select_n3A_148 = arith.select %eq3A_145, %broadcast_in_dim3A_147, %select_n3A_129 : vector<4096x512xi1>, vector<4096x512xi32>
    %reduce_min3A_149 = arith.constant dense<2147483647> : vector<512xi32>
    %reduce_min3A_150 = vector.multi_reduction <minsi>, %select_n3A_148, %reduce_min3A_149 [0] : vector<4096x512xi32> to vector<512xi32>
    %broadcast_in_dim3A_151 = vector.shape_cast %reduce_min3A_150 : vector<512xi32> to vector<1x512xi32>
    %and3A_152 = arith.constant 4095 : i32
    %and3A_153 = vector.broadcast %and3A_152 : i32 to vector<1x512xi32>
    %and3A_154 = arith.andi %broadcast_in_dim3A_151, %and3A_153 : vector<1x512xi32>
    %and3A_155 = arith.constant 4096 : i32
    %and3A_156 = vector.broadcast %and3A_155 : i32 to vector<1x512xi32>
    %and3A_157 = arith.andi %broadcast_in_dim3A_151, %and3A_156 : vector<1x512xi32>
    %eq3A_158 = arith.constant 0 : i32
    %eq3A_159 = vector.broadcast %eq3A_158 : i32 to vector<1x512xi32>
    %eq3A_160 = arith.cmpi eq, %and3A_157, %eq3A_159 : vector<1x512xi32>
    %convert_element_type3A_161 = arith.extui %eq3A_160 : vector<1x512xi1> to vector<1x512xi32>
    %convert_element_type3A_162 = arith.sitofp %convert_element_type3A_161 : vector<1x512xi32> to vector<1x512xf32>
    %eq3A_163 = vector.broadcast %broadcast_in_dim3A_151 : vector<1x512xi32> to vector<4096x512xi32>
    %eq3A_164 = arith.cmpi eq, %select_n3A_148, %eq3A_163 : vector<4096x512xi32>
    %jit3A_165 = arith.constant 2147483647 : i32
    %broadcast_in_dim3A_166 = vector.broadcast %jit3A_165 : i32 to vector<4096x512xi32>
    %select_n3A_167 = arith.select %eq3A_164, %broadcast_in_dim3A_166, %select_n3A_148 : vector<4096x512xi1>, vector<4096x512xi32>
    %reduce_min3A_168 = arith.constant dense<2147483647> : vector<512xi32>
    %reduce_min3A_169 = vector.multi_reduction <minsi>, %select_n3A_167, %reduce_min3A_168 [0] : vector<4096x512xi32> to vector<512xi32>
    %broadcast_in_dim3A_170 = vector.shape_cast %reduce_min3A_169 : vector<512xi32> to vector<1x512xi32>
    %and3A_171 = arith.constant 4095 : i32
    %and3A_172 = vector.broadcast %and3A_171 : i32 to vector<1x512xi32>
    %and3A_173 = arith.andi %broadcast_in_dim3A_170, %and3A_172 : vector<1x512xi32>
    %and3A_174 = arith.constant 4096 : i32
    %and3A_175 = vector.broadcast %and3A_174 : i32 to vector<1x512xi32>
    %and3A_176 = arith.andi %broadcast_in_dim3A_170, %and3A_175 : vector<1x512xi32>
    %eq3A_177 = arith.constant 0 : i32
    %eq3A_178 = vector.broadcast %eq3A_177 : i32 to vector<1x512xi32>
    %eq3A_179 = arith.cmpi eq, %and3A_176, %eq3A_178 : vector<1x512xi32>
    %convert_element_type3A_180 = arith.extui %eq3A_179 : vector<1x512xi1> to vector<1x512xi32>
    %convert_element_type3A_181 = arith.sitofp %convert_element_type3A_180 : vector<1x512xi32> to vector<1x512xf32>
    %eq3A_182 = vector.broadcast %broadcast_in_dim3A_170 : vector<1x512xi32> to vector<4096x512xi32>
    %eq3A_183 = arith.cmpi eq, %select_n3A_167, %eq3A_182 : vector<4096x512xi32>
    %jit3A_184 = arith.constant 2147483647 : i32
    %broadcast_in_dim3A_185 = vector.broadcast %jit3A_184 : i32 to vector<4096x512xi32>
    %select_n3A_186 = arith.select %eq3A_183, %broadcast_in_dim3A_185, %select_n3A_167 : vector<4096x512xi1>, vector<4096x512xi32>
    %reduce_min3A_187 = arith.constant dense<2147483647> : vector<512xi32>
    %reduce_min3A_188 = vector.multi_reduction <minsi>, %select_n3A_186, %reduce_min3A_187 [0] : vector<4096x512xi32> to vector<512xi32>
    %broadcast_in_dim3A_189 = vector.shape_cast %reduce_min3A_188 : vector<512xi32> to vector<1x512xi32>
    %and3A_190 = arith.constant 4095 : i32
    %and3A_191 = vector.broadcast %and3A_190 : i32 to vector<1x512xi32>
    %and3A_192 = arith.andi %broadcast_in_dim3A_189, %and3A_191 : vector<1x512xi32>
    %and3A_193 = arith.constant 4096 : i32
    %and3A_194 = vector.broadcast %and3A_193 : i32 to vector<1x512xi32>
    %and3A_195 = arith.andi %broadcast_in_dim3A_189, %and3A_194 : vector<1x512xi32>
    %eq3A_196 = arith.constant 0 : i32
    %eq3A_197 = vector.broadcast %eq3A_196 : i32 to vector<1x512xi32>
    %eq3A_198 = arith.cmpi eq, %and3A_195, %eq3A_197 : vector<1x512xi32>
    %convert_element_type3A_199 = arith.extui %eq3A_198 : vector<1x512xi1> to vector<1x512xi32>
    %convert_element_type3A_200 = arith.sitofp %convert_element_type3A_199 : vector<1x512xi32> to vector<1x512xf32>
    %eq3A_201 = vector.broadcast %broadcast_in_dim3A_189 : vector<1x512xi32> to vector<4096x512xi32>
    %eq3A_202 = arith.cmpi eq, %select_n3A_186, %eq3A_201 : vector<4096x512xi32>
    %jit3A_203 = arith.constant 2147483647 : i32
    %broadcast_in_dim3A_204 = vector.broadcast %jit3A_203 : i32 to vector<4096x512xi32>
    %select_n3A_205 = arith.select %eq3A_202, %broadcast_in_dim3A_204, %select_n3A_186 : vector<4096x512xi1>, vector<4096x512xi32>
    %reduce_min3A_206 = arith.constant dense<2147483647> : vector<512xi32>
    %reduce_min3A_207 = vector.multi_reduction <minsi>, %select_n3A_205, %reduce_min3A_206 [0] : vector<4096x512xi32> to vector<512xi32>
    %broadcast_in_dim3A_208 = vector.shape_cast %reduce_min3A_207 : vector<512xi32> to vector<1x512xi32>
    %and3A_209 = arith.constant 4095 : i32
    %and3A_210 = vector.broadcast %and3A_209 : i32 to vector<1x512xi32>
    %and3A_211 = arith.andi %broadcast_in_dim3A_208, %and3A_210 : vector<1x512xi32>
    %and3A_212 = arith.constant 4096 : i32
    %and3A_213 = vector.broadcast %and3A_212 : i32 to vector<1x512xi32>
    %and3A_214 = arith.andi %broadcast_in_dim3A_208, %and3A_213 : vector<1x512xi32>
    %eq3A_215 = arith.constant 0 : i32
    %eq3A_216 = vector.broadcast %eq3A_215 : i32 to vector<1x512xi32>
    %eq3A_217 = arith.cmpi eq, %and3A_214, %eq3A_216 : vector<1x512xi32>
    %convert_element_type3A_218 = arith.extui %eq3A_217 : vector<1x512xi1> to vector<1x512xi32>
    %convert_element_type3A_219 = arith.sitofp %convert_element_type3A_218 : vector<1x512xi32> to vector<1x512xf32>
    %eq3A_220 = vector.broadcast %broadcast_in_dim3A_208 : vector<1x512xi32> to vector<4096x512xi32>
    %eq3A_221 = arith.cmpi eq, %select_n3A_205, %eq3A_220 : vector<4096x512xi32>
    %jit3A_222 = arith.constant 2147483647 : i32
    %broadcast_in_dim3A_223 = vector.broadcast %jit3A_222 : i32 to vector<4096x512xi32>
    %select_n3A_224 = arith.select %eq3A_221, %broadcast_in_dim3A_223, %select_n3A_205 : vector<4096x512xi1>, vector<4096x512xi32>
    %reduce_min3A_225 = arith.constant dense<2147483647> : vector<512xi32>
    %reduce_min3A_226 = vector.multi_reduction <minsi>, %select_n3A_224, %reduce_min3A_225 [0] : vector<4096x512xi32> to vector<512xi32>
    %broadcast_in_dim3A_227 = vector.shape_cast %reduce_min3A_226 : vector<512xi32> to vector<1x512xi32>
    %and3A_228 = arith.constant 4095 : i32
    %and3A_229 = vector.broadcast %and3A_228 : i32 to vector<1x512xi32>
    %and3A_230 = arith.andi %broadcast_in_dim3A_227, %and3A_229 : vector<1x512xi32>
    %and3A_231 = arith.constant 4096 : i32
    %and3A_232 = vector.broadcast %and3A_231 : i32 to vector<1x512xi32>
    %and3A_233 = arith.andi %broadcast_in_dim3A_227, %and3A_232 : vector<1x512xi32>
    %eq3A_234 = arith.constant 0 : i32
    %eq3A_235 = vector.broadcast %eq3A_234 : i32 to vector<1x512xi32>
    %eq3A_236 = arith.cmpi eq, %and3A_233, %eq3A_235 : vector<1x512xi32>
    %convert_element_type3A_237 = arith.extui %eq3A_236 : vector<1x512xi1> to vector<1x512xi32>
    %convert_element_type3A_238 = arith.sitofp %convert_element_type3A_237 : vector<1x512xi32> to vector<1x512xf32>
    %eq3A_239 = vector.broadcast %broadcast_in_dim3A_227 : vector<1x512xi32> to vector<4096x512xi32>
    %eq3A_240 = arith.cmpi eq, %select_n3A_224, %eq3A_239 : vector<4096x512xi32>
    %jit3A_241 = arith.constant 2147483647 : i32
    %broadcast_in_dim3A_242 = vector.broadcast %jit3A_241 : i32 to vector<4096x512xi32>
    %select_n3A_243 = arith.select %eq3A_240, %broadcast_in_dim3A_242, %select_n3A_224 : vector<4096x512xi1>, vector<4096x512xi32>
    %reduce_min3A_244 = arith.constant dense<2147483647> : vector<512xi32>
    %reduce_min3A_245 = vector.multi_reduction <minsi>, %select_n3A_243, %reduce_min3A_244 [0] : vector<4096x512xi32> to vector<512xi32>
    %broadcast_in_dim3A_246 = vector.shape_cast %reduce_min3A_245 : vector<512xi32> to vector<1x512xi32>
    %and3A_247 = arith.constant 4095 : i32
    %and3A_248 = vector.broadcast %and3A_247 : i32 to vector<1x512xi32>
    %and3A_249 = arith.andi %broadcast_in_dim3A_246, %and3A_248 : vector<1x512xi32>
    %and3A_250 = arith.constant 4096 : i32
    %and3A_251 = vector.broadcast %and3A_250 : i32 to vector<1x512xi32>
    %and3A_252 = arith.andi %broadcast_in_dim3A_246, %and3A_251 : vector<1x512xi32>
    %eq3A_253 = arith.constant 0 : i32
    %eq3A_254 = vector.broadcast %eq3A_253 : i32 to vector<1x512xi32>
    %eq3A_255 = arith.cmpi eq, %and3A_252, %eq3A_254 : vector<1x512xi32>
    %convert_element_type3A_256 = arith.extui %eq3A_255 : vector<1x512xi1> to vector<1x512xi32>
    %convert_element_type3A_257 = arith.sitofp %convert_element_type3A_256 : vector<1x512xi32> to vector<1x512xf32>
    %eq3A_258 = vector.broadcast %broadcast_in_dim3A_246 : vector<1x512xi32> to vector<4096x512xi32>
    %eq3A_259 = arith.cmpi eq, %select_n3A_243, %eq3A_258 : vector<4096x512xi32>
    %jit3A_260 = arith.constant 2147483647 : i32
    %broadcast_in_dim3A_261 = vector.broadcast %jit3A_260 : i32 to vector<4096x512xi32>
    %select_n3A_262 = arith.select %eq3A_259, %broadcast_in_dim3A_261, %select_n3A_243 : vector<4096x512xi1>, vector<4096x512xi32>
    %reduce_min3A_263 = arith.constant dense<2147483647> : vector<512xi32>
    %reduce_min3A_264 = vector.multi_reduction <minsi>, %select_n3A_262, %reduce_min3A_263 [0] : vector<4096x512xi32> to vector<512xi32>
    %broadcast_in_dim3A_265 = vector.shape_cast %reduce_min3A_264 : vector<512xi32> to vector<1x512xi32>
    %and3A_266 = arith.constant 4095 : i32
    %and3A_267 = vector.broadcast %and3A_266 : i32 to vector<1x512xi32>
    %and3A_268 = arith.andi %broadcast_in_dim3A_265, %and3A_267 : vector<1x512xi32>
    %and3A_269 = arith.constant 4096 : i32
    %and3A_270 = vector.broadcast %and3A_269 : i32 to vector<1x512xi32>
    %and3A_271 = arith.andi %broadcast_in_dim3A_265, %and3A_270 : vector<1x512xi32>
    %eq3A_272 = arith.constant 0 : i32
    %eq3A_273 = vector.broadcast %eq3A_272 : i32 to vector<1x512xi32>
    %eq3A_274 = arith.cmpi eq, %and3A_271, %eq3A_273 : vector<1x512xi32>
    %convert_element_type3A_275 = arith.extui %eq3A_274 : vector<1x512xi1> to vector<1x512xi32>
    %convert_element_type3A_276 = arith.sitofp %convert_element_type3A_275 : vector<1x512xi32> to vector<1x512xf32>
    %eq3A_277 = vector.broadcast %broadcast_in_dim3A_265 : vector<1x512xi32> to vector<4096x512xi32>
    %eq3A_278 = arith.cmpi eq, %select_n3A_262, %eq3A_277 : vector<4096x512xi32>
    %jit3A_279 = arith.constant 2147483647 : i32
    %broadcast_in_dim3A_280 = vector.broadcast %jit3A_279 : i32 to vector<4096x512xi32>
    %select_n3A_281 = arith.select %eq3A_278, %broadcast_in_dim3A_280, %select_n3A_262 : vector<4096x512xi1>, vector<4096x512xi32>
    %reduce_min3A_282 = arith.constant dense<2147483647> : vector<512xi32>
    %reduce_min3A_283 = vector.multi_reduction <minsi>, %select_n3A_281, %reduce_min3A_282 [0] : vector<4096x512xi32> to vector<512xi32>
    %broadcast_in_dim3A_284 = vector.shape_cast %reduce_min3A_283 : vector<512xi32> to vector<1x512xi32>
    %and3A_285 = arith.constant 4095 : i32
    %and3A_286 = vector.broadcast %and3A_285 : i32 to vector<1x512xi32>
    %and3A_287 = arith.andi %broadcast_in_dim3A_284, %and3A_286 : vector<1x512xi32>
    %and3A_288 = arith.constant 4096 : i32
    %and3A_289 = vector.broadcast %and3A_288 : i32 to vector<1x512xi32>
    %and3A_290 = arith.andi %broadcast_in_dim3A_284, %and3A_289 : vector<1x512xi32>
    %eq3A_291 = arith.constant 0 : i32
    %eq3A_292 = vector.broadcast %eq3A_291 : i32 to vector<1x512xi32>
    %eq3A_293 = arith.cmpi eq, %and3A_290, %eq3A_292 : vector<1x512xi32>
    %convert_element_type3A_294 = arith.extui %eq3A_293 : vector<1x512xi1> to vector<1x512xi32>
    %convert_element_type3A_295 = arith.sitofp %convert_element_type3A_294 : vector<1x512xi32> to vector<1x512xf32>
    %eq3A_296 = vector.broadcast %broadcast_in_dim3A_284 : vector<1x512xi32> to vector<4096x512xi32>
    %eq3A_297 = arith.cmpi eq, %select_n3A_281, %eq3A_296 : vector<4096x512xi32>
    %jit3A_298 = arith.constant 2147483647 : i32
    %broadcast_in_dim3A_299 = vector.broadcast %jit3A_298 : i32 to vector<4096x512xi32>
    %select_n3A_300 = arith.select %eq3A_297, %broadcast_in_dim3A_299, %select_n3A_281 : vector<4096x512xi1>, vector<4096x512xi32>
    %reduce_min3A_301 = arith.constant dense<2147483647> : vector<512xi32>
    %reduce_min3A_302 = vector.multi_reduction <minsi>, %select_n3A_300, %reduce_min3A_301 [0] : vector<4096x512xi32> to vector<512xi32>
    %broadcast_in_dim3A_303 = vector.shape_cast %reduce_min3A_302 : vector<512xi32> to vector<1x512xi32>
    %and3A_304 = arith.constant 4095 : i32
    %and3A_305 = vector.broadcast %and3A_304 : i32 to vector<1x512xi32>
    %and3A_306 = arith.andi %broadcast_in_dim3A_303, %and3A_305 : vector<1x512xi32>
    %and3A_307 = arith.constant 4096 : i32
    %and3A_308 = vector.broadcast %and3A_307 : i32 to vector<1x512xi32>
    %and3A_309 = arith.andi %broadcast_in_dim3A_303, %and3A_308 : vector<1x512xi32>
    %eq3A_310 = arith.constant 0 : i32
    %eq3A_311 = vector.broadcast %eq3A_310 : i32 to vector<1x512xi32>
    %eq3A_312 = arith.cmpi eq, %and3A_309, %eq3A_311 : vector<1x512xi32>
    %convert_element_type3A_313 = arith.extui %eq3A_312 : vector<1x512xi1> to vector<1x512xi32>
    %convert_element_type3A_314 = arith.sitofp %convert_element_type3A_313 : vector<1x512xi32> to vector<1x512xf32>
    %eq3A_315 = vector.broadcast %broadcast_in_dim3A_303 : vector<1x512xi32> to vector<4096x512xi32>
    %eq3A_316 = arith.cmpi eq, %select_n3A_300, %eq3A_315 : vector<4096x512xi32>
    %jit3A_317 = arith.constant 2147483647 : i32
    %broadcast_in_dim3A_318 = vector.broadcast %jit3A_317 : i32 to vector<4096x512xi32>
    %select_n3A_319 = arith.select %eq3A_316, %broadcast_in_dim3A_318, %select_n3A_300 : vector<4096x512xi1>, vector<4096x512xi32>
    %reduce_min3A_320 = arith.constant dense<2147483647> : vector<512xi32>
    %reduce_min3A_321 = vector.multi_reduction <minsi>, %select_n3A_319, %reduce_min3A_320 [0] : vector<4096x512xi32> to vector<512xi32>
    %broadcast_in_dim3A_322 = vector.shape_cast %reduce_min3A_321 : vector<512xi32> to vector<1x512xi32>
    %and3A_323 = arith.constant 4095 : i32
    %and3A_324 = vector.broadcast %and3A_323 : i32 to vector<1x512xi32>
    %and3A_325 = arith.andi %broadcast_in_dim3A_322, %and3A_324 : vector<1x512xi32>
    %and3A_326 = arith.constant 4096 : i32
    %and3A_327 = vector.broadcast %and3A_326 : i32 to vector<1x512xi32>
    %and3A_328 = arith.andi %broadcast_in_dim3A_322, %and3A_327 : vector<1x512xi32>
    %eq3A_329 = arith.constant 0 : i32
    %eq3A_330 = vector.broadcast %eq3A_329 : i32 to vector<1x512xi32>
    %eq3A_331 = arith.cmpi eq, %and3A_328, %eq3A_330 : vector<1x512xi32>
    %convert_element_type3A_332 = arith.extui %eq3A_331 : vector<1x512xi1> to vector<1x512xi32>
    %convert_element_type3A_333 = arith.sitofp %convert_element_type3A_332 : vector<1x512xi32> to vector<1x512xf32>
    %concatenate3A = tpu.concatenate %add3A_51, %and3A_60, %and3A_78, %and3A_97, %and3A_116, %and3A_135, %and3A_154, %and3A_173, %and3A_192, %and3A_211, %and3A_230, %and3A_249, %and3A_268, %and3A_287, %and3A_306, %and3A_325 in 0 : vector<1x512xi32>, vector<1x512xi32>, vector<1x512xi32>, vector<1x512xi32>, vector<1x512xi32>, vector<1x512xi32>, vector<1x512xi32>, vector<1x512xi32>, vector<1x512xi32>, vector<1x512xi32>, vector<1x512xi32>, vector<1x512xi32>, vector<1x512xi32>, vector<1x512xi32>, vector<1x512xi32>, vector<1x512xi32> -> vector<16x512xi32>
    %swap3A = arith.constant 0 : index
    %swap3A_334 = arith.constant 0 : index
    %swap3A_335 = arith.constant 0 : index
    %swap3A_336 = vector.load %arg4[%swap3A, %swap3A_334, %swap3A_335] : memref<1x16x512xi32, #tpu.memory_space<vmem>>, vector<1x16x512xi32>
    %swap3A_337 = vector.shape_cast %swap3A_336 : vector<1x16x512xi32> to vector<16x512xi32>
    %swap3A_338 = vector.shape_cast %concatenate3A : vector<16x512xi32> to vector<1x16x512xi32>
    tpu.vector_store %arg4[%swap3A, %swap3A_334, %swap3A_335], %swap3A_338 {strides = array<i32>} : memref<1x16x512xi32, #tpu.memory_space<vmem>>, vector<1x16x512xi32>,
    %concatenate3A_339 = tpu.concatenate %broadcast_in_dim3A_52, %convert_element_type3A_67, %convert_element_type3A_86, %convert_element_type3A_105, %convert_element_type3A_124, %convert_element_type3A_143, %convert_element_type3A_162, %convert_element_type3A_181, %convert_element_type3A_200, %convert_element_type3A_219, %convert_element_type3A_238, %convert_element_type3A_257, %convert_element_type3A_276, %convert_element_type3A_295, %convert_element_type3A_314, %convert_element_type3A_333 in 0 : vector<1x512xf32>, vector<1x512xf32>, vector<1x512xf32>, vector<1x512xf32>, vector<1x512xf32>, vector<1x512xf32>, vector<1x512xf32>, vector<1x512xf32>, vector<1x512xf32>, vector<1x512xf32>, vector<1x512xf32>, vector<1x512xf32>, vector<1x512xf32>, vector<1x512xf32>, vector<1x512xf32>, vector<1x512xf32> -> vector<16x512xf32>
    %swap3A_340 = arith.constant 0 : index
    %swap3A_341 = arith.constant 0 : index
    %swap3A_342 = arith.constant 0 : index
    %swap3A_343 = vector.load %arg5[%swap3A_340, %swap3A_341, %swap3A_342] : memref<1x16x512xf32, #tpu.memory_space<vmem>>, vector<1x16x512xf32>
    %swap3A_344 = vector.shape_cast %swap3A_343 : vector<1x16x512xf32> to vector<16x512xf32>
    %swap3A_345 = vector.shape_cast %concatenate3A_339 : vector<16x512xf32> to vector<1x16x512xf32>
    tpu.vector_store %arg5[%swap3A_340, %swap3A_341, %swap3A_342], %swap3A_345 {strides = array<i32>} : memref<1x16x512xf32, #tpu.memory_space<vmem>>, vector<1x16x512xf32>,
    return
  }
  func.func @transform_0(%arg0: i32, %arg1: i32) -> (i32, i32, i32) {
    %c0_i32 = arith.constant 0 : i32
    %c0_i32_0 = arith.constant 0 : i32
    %c0_i32_1 = arith.constant 0 : i32
    return %arg0, %c0_i32, %c0_i32_0 : i32, i32, i32
  }
  func.func @transform_1(%arg0: i32, %arg1: i32) -> (i32, i32, i32) {
    %c0_i32 = arith.constant 0 : i32
    %c0_i32_0 = arith.constant 0 : i32
    return %arg0, %c0_i32, %arg1 : i32, i32, i32
  }
  func.func @transform_2(%arg0: i32, %arg1: i32) -> (i32, i32, i32) {
    %mul3A = arith.constant 8 : i32
    %mul3A_0 = arith.muli %arg0, %mul3A : i32
    %add3A = arith.addi %mul3A_0, %arg1 : i32
    %jit3A = arith.constant 1 : i32
    %div3A = arith.divsi %add3A, %jit3A : i32
    %sign3A = arith.constant 0 : i32
    %sign3A_1 = arith.cmpi sgt, %add3A, %sign3A : i32
    %sign3A_2 = arith.extui %sign3A_1 : i1 to i32
    %sign3A_3 = arith.constant 0 : i32
    %sign3A_4 = arith.cmpi slt, %add3A, %sign3A_3 : i32
    %sign3A_5 = arith.extui %sign3A_4 : i1 to i32
    %sign3A_6 = arith.subi %sign3A_2, %sign3A_5 : i32
    %sign3A_7 = arith.constant 0 : i32
    %sign3A_8 = arith.cmpi sgt, %jit3A, %sign3A_7 : i32
    %sign3A_9 = arith.extui %sign3A_8 : i1 to i32
    %sign3A_10 = arith.constant 0 : i32
    %sign3A_11 = arith.cmpi slt, %jit3A, %sign3A_10 : i32
    %sign3A_12 = arith.extui %sign3A_11 : i1 to i32
    %sign3A_13 = arith.subi %sign3A_9, %sign3A_12 : i32
    %ne3A = arith.cmpi ne, %sign3A_6, %sign3A_13 : i32
    %rem3A = arith.remsi %add3A, %jit3A : i32
    %ne3A_14 = arith.constant 0 : i32
    %ne3A_15 = arith.cmpi ne, %rem3A, %ne3A_14 : i32
    %and3A = arith.andi %ne3A, %ne3A_15 : i1
    %sub3A = arith.constant 1 : i32
    %sub3A_16 = arith.subi %div3A, %sub3A : i32
    %select_n3A = arith.select %and3A, %sub3A_16, %div3A : i32
    %jit3A_17 = arith.constant 1 : i32
    %eq3A = arith.constant 0 : i32
    %eq3A_18 = arith.cmpi eq, %jit3A_17, %eq3A : i32
    %jit3A_19 = arith.constant 1 : i32
    %select_n3A_20 = arith.select %eq3A_18, %jit3A_19, %jit3A_17 : i32
    %rem3A_21 = arith.remsi %add3A, %select_n3A_20 : i32
    %ne3A_22 = arith.constant 0 : i32
    %ne3A_23 = arith.cmpi ne, %rem3A_21, %ne3A_22 : i32
    %lt3A = arith.constant 0 : i32
    %lt3A_24 = arith.cmpi slt, %rem3A_21, %lt3A : i32
    %lt3A_25 = arith.constant 0 : i32
    %lt3A_26 = arith.cmpi slt, %select_n3A_20, %lt3A_25 : i32
    %ne3A_27 = arith.xori %lt3A_24, %lt3A_26 : i1
    %and3A_28 = arith.andi %ne3A_27, %ne3A_23 : i1
    %add3A_29 = arith.addi %rem3A_21, %select_n3A_20 : i32
    %select_n3A_30 = arith.select %and3A_28, %add3A_29, %rem3A_21 : i32
    %c0_i32 = arith.constant 0 : i32
    %c0_i32_31 = arith.constant 0 : i32
    return %select_n3A, %c0_i32, %select_n3A_30 : i32, i32, i32
  }
  func.func @transform_3(%arg0: i32, %arg1: i32) -> (i32, i32, i32) {
    %mul3A = arith.constant 8 : i32
    %mul3A_0 = arith.muli %arg0, %mul3A : i32
    %add3A = arith.addi %mul3A_0, %arg1 : i32
    %jit3A = arith.constant 1 : i32
    %div3A = arith.divsi %add3A, %jit3A : i32
    %sign3A = arith.constant 0 : i32
    %sign3A_1 = arith.cmpi sgt, %add3A, %sign3A : i32
    %sign3A_2 = arith.extui %sign3A_1 : i1 to i32
    %sign3A_3 = arith.constant 0 : i32
    %sign3A_4 = arith.cmpi slt, %add3A, %sign3A_3 : i32
    %sign3A_5 = arith.extui %sign3A_4 : i1 to i32
    %sign3A_6 = arith.subi %sign3A_2, %sign3A_5 : i32
    %sign3A_7 = arith.constant 0 : i32
    %sign3A_8 = arith.cmpi sgt, %jit3A, %sign3A_7 : i32
    %sign3A_9 = arith.extui %sign3A_8 : i1 to i32
    %sign3A_10 = arith.constant 0 : i32
    %sign3A_11 = arith.cmpi slt, %jit3A, %sign3A_10 : i32
    %sign3A_12 = arith.extui %sign3A_11 : i1 to i32
    %sign3A_13 = arith.subi %sign3A_9, %sign3A_12 : i32
    %ne3A = arith.cmpi ne, %sign3A_6, %sign3A_13 : i32
    %rem3A = arith.remsi %add3A, %jit3A : i32
    %ne3A_14 = arith.constant 0 : i32
    %ne3A_15 = arith.cmpi ne, %rem3A, %ne3A_14 : i32
    %and3A = arith.andi %ne3A, %ne3A_15 : i1
    %sub3A = arith.constant 1 : i32
    %sub3A_16 = arith.subi %div3A, %sub3A : i32
    %select_n3A = arith.select %and3A, %sub3A_16, %div3A : i32
    %jit3A_17 = arith.constant 1 : i32
    %eq3A = arith.constant 0 : i32
    %eq3A_18 = arith.cmpi eq, %jit3A_17, %eq3A : i32
    %jit3A_19 = arith.constant 1 : i32
    %select_n3A_20 = arith.select %eq3A_18, %jit3A_19, %jit3A_17 : i32
    %rem3A_21 = arith.remsi %add3A, %select_n3A_20 : i32
    %ne3A_22 = arith.constant 0 : i32
    %ne3A_23 = arith.cmpi ne, %rem3A_21, %ne3A_22 : i32
    %lt3A = arith.constant 0 : i32
    %lt3A_24 = arith.cmpi slt, %rem3A_21, %lt3A : i32
    %lt3A_25 = arith.constant 0 : i32
    %lt3A_26 = arith.cmpi slt, %select_n3A_20, %lt3A_25 : i32
    %ne3A_27 = arith.xori %lt3A_24, %lt3A_26 : i1
    %and3A_28 = arith.andi %ne3A_27, %ne3A_23 : i1
    %add3A_29 = arith.addi %rem3A_21, %select_n3A_20 : i32
    %select_n3A_30 = arith.select %and3A_28, %add3A_29, %rem3A_21 : i32
    %c0_i32 = arith.constant 0 : i32
    %c0_i32_31 = arith.constant 0 : i32
    return %select_n3A, %c0_i32, %select_n3A_30 : i32, i32, i32
  }
}

module attributes {stable_mosaic.version = 14 : i64} {
  func.func @_finish_body(%arg0: i32, %arg1: memref<1x19x512xf32, #tpu.memory_space<vmem>>, %arg2: memref<3x512xf32, #tpu.memory_space<vmem>>, %arg3: memref<1x1xf32, #tpu.memory_space<vmem>>) attributes {dimension_semantics = [#tpu.dimension_semantics<arbitrary>], iteration_bounds = array<i64: 32>, scalar_prefetch = 0 : i64, scratch_operands = 0 : i64, tpu.core_type = #tpu.core_type<tc>, window_params = [{transform_indices = @transform_0, window_bounds = array<i64: 1, 19, 512>}, {transform_indices = @transform_1, window_bounds = array<i64: 3, 512>}, {pipeline_mode = #tpu.pipeline_mode<synchronous>, transform_indices = @transform_2, window_bounds = array<i64: 1, 1>}]} {
    %get3A = arith.constant 0 : index
    %get3A_0 = arith.constant 0 : index
    %get3A_1 = arith.constant 0 : index
    %get3A_2 = vector.load %arg1[%get3A, %get3A_0, %get3A_1] : memref<1x19x512xf32, #tpu.memory_space<vmem>>, vector<1x1x512xf32>
    %get3A_3 = vector.shape_cast %get3A_2 : vector<1x1x512xf32> to vector<1x512xf32>
    %get3A_4 = arith.constant 0 : index
    %get3A_5 = arith.constant 1 : index
    %get3A_6 = arith.constant 0 : index
    %get3A_7 = vector.load %arg1[%get3A_4, %get3A_5, %get3A_6] : memref<1x19x512xf32, #tpu.memory_space<vmem>>, vector<1x1x512xf32>
    %get3A_8 = vector.shape_cast %get3A_7 : vector<1x1x512xf32> to vector<1x512xf32>
    %get3A_9 = arith.constant 0 : index
    %get3A_10 = arith.constant 2 : index
    %get3A_11 = arith.constant 0 : index
    %get3A_12 = vector.load %arg1[%get3A_9, %get3A_10, %get3A_11] : memref<1x19x512xf32, #tpu.memory_space<vmem>>, vector<1x1x512xf32>
    %get3A_13 = vector.shape_cast %get3A_12 : vector<1x1x512xf32> to vector<1x512xf32>
    %get3A_14 = arith.constant 0 : index
    %get3A_15 = arith.constant 3 : index
    %get3A_16 = arith.constant 0 : index
    %get3A_17 = vector.load %arg1[%get3A_14, %get3A_15, %get3A_16] : memref<1x19x512xf32, #tpu.memory_space<vmem>>, vector<1x1x512xf32>
    %get3A_18 = vector.shape_cast %get3A_17 : vector<1x1x512xf32> to vector<1x512xf32>
    %get3A_19 = arith.constant 0 : index
    %get3A_20 = arith.constant 4 : index
    %get3A_21 = arith.constant 0 : index
    %get3A_22 = vector.load %arg1[%get3A_19, %get3A_20, %get3A_21] : memref<1x19x512xf32, #tpu.memory_space<vmem>>, vector<1x1x512xf32>
    %get3A_23 = vector.shape_cast %get3A_22 : vector<1x1x512xf32> to vector<1x512xf32>
    %get3A_24 = arith.constant 0 : index
    %get3A_25 = arith.constant 5 : index
    %get3A_26 = arith.constant 0 : index
    %get3A_27 = vector.load %arg1[%get3A_24, %get3A_25, %get3A_26] : memref<1x19x512xf32, #tpu.memory_space<vmem>>, vector<1x1x512xf32>
    %get3A_28 = vector.shape_cast %get3A_27 : vector<1x1x512xf32> to vector<1x512xf32>
    %get3A_29 = arith.constant 0 : index
    %get3A_30 = arith.constant 6 : index
    %get3A_31 = arith.constant 0 : index
    %get3A_32 = vector.load %arg1[%get3A_29, %get3A_30, %get3A_31] : memref<1x19x512xf32, #tpu.memory_space<vmem>>, vector<1x1x512xf32>
    %get3A_33 = vector.shape_cast %get3A_32 : vector<1x1x512xf32> to vector<1x512xf32>
    %get3A_34 = arith.constant 0 : index
    %get3A_35 = arith.constant 7 : index
    %get3A_36 = arith.constant 0 : index
    %get3A_37 = vector.load %arg1[%get3A_34, %get3A_35, %get3A_36] : memref<1x19x512xf32, #tpu.memory_space<vmem>>, vector<1x1x512xf32>
    %get3A_38 = vector.shape_cast %get3A_37 : vector<1x1x512xf32> to vector<1x512xf32>
    %get3A_39 = arith.constant 0 : index
    %get3A_40 = arith.constant 8 : index
    %get3A_41 = arith.constant 0 : index
    %get3A_42 = vector.load %arg1[%get3A_39, %get3A_40, %get3A_41] : memref<1x19x512xf32, #tpu.memory_space<vmem>>, vector<1x1x512xf32>
    %get3A_43 = vector.shape_cast %get3A_42 : vector<1x1x512xf32> to vector<1x512xf32>
    %get3A_44 = arith.constant 0 : index
    %get3A_45 = arith.constant 9 : index
    %get3A_46 = arith.constant 0 : index
    %get3A_47 = vector.load %arg1[%get3A_44, %get3A_45, %get3A_46] : memref<1x19x512xf32, #tpu.memory_space<vmem>>, vector<1x1x512xf32>
    %get3A_48 = vector.shape_cast %get3A_47 : vector<1x1x512xf32> to vector<1x512xf32>
    %get3A_49 = arith.constant 0 : index
    %get3A_50 = arith.constant 10 : index
    %get3A_51 = arith.constant 0 : index
    %get3A_52 = vector.load %arg1[%get3A_49, %get3A_50, %get3A_51] : memref<1x19x512xf32, #tpu.memory_space<vmem>>, vector<1x1x512xf32>
    %get3A_53 = vector.shape_cast %get3A_52 : vector<1x1x512xf32> to vector<1x512xf32>
    %get3A_54 = arith.constant 0 : index
    %get3A_55 = arith.constant 11 : index
    %get3A_56 = arith.constant 0 : index
    %get3A_57 = vector.load %arg1[%get3A_54, %get3A_55, %get3A_56] : memref<1x19x512xf32, #tpu.memory_space<vmem>>, vector<1x1x512xf32>
    %get3A_58 = vector.shape_cast %get3A_57 : vector<1x1x512xf32> to vector<1x512xf32>
    %get3A_59 = arith.constant 0 : index
    %get3A_60 = arith.constant 12 : index
    %get3A_61 = arith.constant 0 : index
    %get3A_62 = vector.load %arg1[%get3A_59, %get3A_60, %get3A_61] : memref<1x19x512xf32, #tpu.memory_space<vmem>>, vector<1x1x512xf32>
    %get3A_63 = vector.shape_cast %get3A_62 : vector<1x1x512xf32> to vector<1x512xf32>
    %get3A_64 = arith.constant 0 : index
    %get3A_65 = arith.constant 13 : index
    %get3A_66 = arith.constant 0 : index
    %get3A_67 = vector.load %arg1[%get3A_64, %get3A_65, %get3A_66] : memref<1x19x512xf32, #tpu.memory_space<vmem>>, vector<1x1x512xf32>
    %get3A_68 = vector.shape_cast %get3A_67 : vector<1x1x512xf32> to vector<1x512xf32>
    %get3A_69 = arith.constant 0 : index
    %get3A_70 = arith.constant 14 : index
    %get3A_71 = arith.constant 0 : index
    %get3A_72 = vector.load %arg1[%get3A_69, %get3A_70, %get3A_71] : memref<1x19x512xf32, #tpu.memory_space<vmem>>, vector<1x1x512xf32>
    %get3A_73 = vector.shape_cast %get3A_72 : vector<1x1x512xf32> to vector<1x512xf32>
    %get3A_74 = arith.constant 0 : index
    %get3A_75 = arith.constant 15 : index
    %get3A_76 = arith.constant 0 : index
    %get3A_77 = vector.load %arg1[%get3A_74, %get3A_75, %get3A_76] : memref<1x19x512xf32, #tpu.memory_space<vmem>>, vector<1x1x512xf32>
    %get3A_78 = vector.shape_cast %get3A_77 : vector<1x1x512xf32> to vector<1x512xf32>
    %get3A_79 = arith.constant 0 : index
    %get3A_80 = arith.constant 16 : index
    %get3A_81 = arith.constant 0 : index
    %get3A_82 = vector.load %arg1[%get3A_79, %get3A_80, %get3A_81] : memref<1x19x512xf32, #tpu.memory_space<vmem>>, vector<1x1x512xf32>
    %get3A_83 = vector.shape_cast %get3A_82 : vector<1x1x512xf32> to vector<1x512xf32>
    %get3A_84 = arith.constant 0 : index
    %get3A_85 = arith.constant 17 : index
    %get3A_86 = arith.constant 0 : index
    %get3A_87 = vector.load %arg1[%get3A_84, %get3A_85, %get3A_86] : memref<1x19x512xf32, #tpu.memory_space<vmem>>, vector<1x1x512xf32>
    %get3A_88 = vector.shape_cast %get3A_87 : vector<1x1x512xf32> to vector<1x512xf32>
    %get3A_89 = arith.constant 0 : index
    %get3A_90 = arith.constant 18 : index
    %get3A_91 = arith.constant 0 : index
    %get3A_92 = vector.load %arg1[%get3A_89, %get3A_90, %get3A_91] : memref<1x19x512xf32, #tpu.memory_space<vmem>>, vector<1x1x512xf32>
    %get3A_93 = vector.shape_cast %get3A_92 : vector<1x1x512xf32> to vector<1x512xf32>
    %get3A_94 = arith.constant 0 : index
    %get3A_95 = arith.constant 0 : index
    %get3A_96 = vector.load %arg2[%get3A_94, %get3A_95] : memref<3x512xf32, #tpu.memory_space<vmem>>, vector<1x512xf32>
    %get3A_97 = arith.constant 1 : index
    %get3A_98 = arith.constant 0 : index
    %get3A_99 = vector.load %arg2[%get3A_97, %get3A_98] : memref<3x512xf32, #tpu.memory_space<vmem>>, vector<1x512xf32>
    %get3A_100 = arith.constant 2 : index
    %get3A_101 = arith.constant 0 : index
    %get3A_102 = vector.load %arg2[%get3A_100, %get3A_101] : memref<3x512xf32, #tpu.memory_space<vmem>>, vector<1x512xf32>
    %div3A = arith.constant 1.000000e+00 : f32
    %div3A_103 = vector.broadcast %div3A : f32 to vector<1x512xf32>
    %div3A_104 = arith.divf %div3A_103, %get3A_3 : vector<1x512xf32>
    %mul3A = arith.mulf %get3A_8, %div3A_104 : vector<1x512xf32>
    %mul3A_105 = arith.mulf %get3A_13, %div3A_104 : vector<1x512xf32>
    %mul3A_106 = arith.mulf %get3A_18, %div3A_104 : vector<1x512xf32>
    %add3A = arith.addf %mul3A, %get3A_96 : vector<1x512xf32>
    %add3A_107 = arith.addf %mul3A_105, %get3A_99 : vector<1x512xf32>
    %add3A_108 = arith.addf %mul3A_106, %get3A_102 : vector<1x512xf32>
    %sub3A = arith.constant 1.600000e+01 : f32
    %sub3A_109 = vector.broadcast %sub3A : f32 to vector<1x512xf32>
    %sub3A_110 = arith.subf %sub3A_109, %get3A_3 : vector<1x512xf32>
    %mul3A_111 = arith.mulf %get3A_3, %mul3A : vector<1x512xf32>
    %mul3A_112 = arith.mulf %mul3A_111, %mul3A : vector<1x512xf32>
    %sub3A_113 = arith.subf %get3A_23, %mul3A_112 : vector<1x512xf32>
    %mul3A_114 = arith.mulf %sub3A_110, %add3A : vector<1x512xf32>
    %mul3A_115 = arith.mulf %mul3A_114, %add3A : vector<1x512xf32>
    %add3A_116 = arith.addf %sub3A_113, %mul3A_115 : vector<1x512xf32>
    %mul3A_117 = arith.mulf %get3A_3, %mul3A_105 : vector<1x512xf32>
    %mul3A_118 = arith.mulf %mul3A_117, %mul3A_105 : vector<1x512xf32>
    %sub3A_119 = arith.subf %get3A_28, %mul3A_118 : vector<1x512xf32>
    %mul3A_120 = arith.mulf %sub3A_110, %add3A_107 : vector<1x512xf32>
    %mul3A_121 = arith.mulf %mul3A_120, %add3A_107 : vector<1x512xf32>
    %add3A_122 = arith.addf %sub3A_119, %mul3A_121 : vector<1x512xf32>
    %mul3A_123 = arith.mulf %get3A_3, %mul3A_106 : vector<1x512xf32>
    %mul3A_124 = arith.mulf %mul3A_123, %mul3A_106 : vector<1x512xf32>
    %sub3A_125 = arith.subf %get3A_33, %mul3A_124 : vector<1x512xf32>
    %mul3A_126 = arith.mulf %sub3A_110, %add3A_108 : vector<1x512xf32>
    %mul3A_127 = arith.mulf %mul3A_126, %add3A_108 : vector<1x512xf32>
    %add3A_128 = arith.addf %sub3A_125, %mul3A_127 : vector<1x512xf32>
    %mul3A_129 = arith.mulf %get3A_3, %mul3A : vector<1x512xf32>
    %mul3A_130 = arith.mulf %mul3A_129, %mul3A_105 : vector<1x512xf32>
    %sub3A_131 = arith.subf %get3A_38, %mul3A_130 : vector<1x512xf32>
    %mul3A_132 = arith.mulf %sub3A_110, %add3A : vector<1x512xf32>
    %mul3A_133 = arith.mulf %mul3A_132, %add3A_107 : vector<1x512xf32>
    %add3A_134 = arith.addf %sub3A_131, %mul3A_133 : vector<1x512xf32>
    %mul3A_135 = arith.mulf %get3A_3, %mul3A : vector<1x512xf32>
    %mul3A_136 = arith.mulf %mul3A_135, %mul3A_106 : vector<1x512xf32>
    %sub3A_137 = arith.subf %get3A_43, %mul3A_136 : vector<1x512xf32>
    %mul3A_138 = arith.mulf %sub3A_110, %add3A : vector<1x512xf32>
    %mul3A_139 = arith.mulf %mul3A_138, %add3A_108 : vector<1x512xf32>
    %add3A_140 = arith.addf %sub3A_137, %mul3A_139 : vector<1x512xf32>
    %mul3A_141 = arith.mulf %get3A_3, %mul3A_105 : vector<1x512xf32>
    %mul3A_142 = arith.mulf %mul3A_141, %mul3A_106 : vector<1x512xf32>
    %sub3A_143 = arith.subf %get3A_48, %mul3A_142 : vector<1x512xf32>
    %mul3A_144 = arith.mulf %sub3A_110, %add3A_107 : vector<1x512xf32>
    %mul3A_145 = arith.mulf %mul3A_144, %add3A_108 : vector<1x512xf32>
    %add3A_146 = arith.addf %sub3A_143, %mul3A_145 : vector<1x512xf32>
    %add3A_147 = arith.addf %add3A_116, %add3A_122 : vector<1x512xf32>
    %add3A_148 = arith.addf %add3A_147, %add3A_128 : vector<1x512xf32>
    %mul3A_149 = arith.constant 0.333333343 : f32
    %mul3A_150 = vector.broadcast %mul3A_149 : f32 to vector<1x512xf32>
    %mul3A_151 = arith.mulf %add3A_148, %mul3A_150 : vector<1x512xf32>
    %mul3A_152 = arith.mulf %add3A_134, %add3A_134 : vector<1x512xf32>
    %mul3A_153 = arith.mulf %add3A_140, %add3A_140 : vector<1x512xf32>
    %add3A_154 = arith.addf %mul3A_152, %mul3A_153 : vector<1x512xf32>
    %mul3A_155 = arith.mulf %add3A_146, %add3A_146 : vector<1x512xf32>
    %add3A_156 = arith.addf %add3A_154, %mul3A_155 : vector<1x512xf32>
    %sub3A_157 = arith.subf %add3A_116, %mul3A_151 : vector<1x512xf32>
    %sub3A_158 = arith.subf %add3A_122, %mul3A_151 : vector<1x512xf32>
    %sub3A_159 = arith.subf %add3A_128, %mul3A_151 : vector<1x512xf32>
    %mul3A_160 = arith.mulf %sub3A_157, %sub3A_157 : vector<1x512xf32>
    %mul3A_161 = arith.mulf %sub3A_158, %sub3A_158 : vector<1x512xf32>
    %add3A_162 = arith.addf %mul3A_160, %mul3A_161 : vector<1x512xf32>
    %mul3A_163 = arith.mulf %sub3A_159, %sub3A_159 : vector<1x512xf32>
    %add3A_164 = arith.addf %add3A_162, %mul3A_163 : vector<1x512xf32>
    %mul3A_165 = arith.constant 2.000000e+00 : f32
    %mul3A_166 = vector.broadcast %mul3A_165 : f32 to vector<1x512xf32>
    %mul3A_167 = arith.mulf %mul3A_166, %add3A_156 : vector<1x512xf32>
    %add3A_168 = arith.addf %add3A_164, %mul3A_167 : vector<1x512xf32>
    %mul3A_169 = arith.constant 0.166666672 : f32
    %mul3A_170 = vector.broadcast %mul3A_169 : f32 to vector<1x512xf32>
    %mul3A_171 = arith.mulf %add3A_168, %mul3A_170 : vector<1x512xf32>
    %max3A = arith.constant 0.000000e+00 : f32
    %max3A_172 = vector.broadcast %max3A : f32 to vector<1x512xf32>
    %max3A_173 = arith.maximumf %mul3A_171, %max3A_172 : vector<1x512xf32>
    %sqrt3A = math.sqrt %max3A_173 : vector<1x512xf32>
    %gt3A = arith.constant 1.000000e-30 : f32
    %gt3A_174 = vector.broadcast %gt3A : f32 to vector<1x512xf32>
    %gt3A_175 = arith.cmpf ogt, %sqrt3A, %gt3A_174 : vector<1x512xf32>
    %max3A_176 = arith.constant 1.000000e-30 : f32
    %max3A_177 = vector.broadcast %max3A_176 : f32 to vector<1x512xf32>
    %max3A_178 = arith.maximumf %sqrt3A, %max3A_177 : vector<1x512xf32>
    %div3A_179 = arith.constant 1.000000e+00 : f32
    %div3A_180 = vector.broadcast %div3A_179 : f32 to vector<1x512xf32>
    %div3A_181 = arith.divf %div3A_180, %max3A_178 : vector<1x512xf32>
    %jit3A = arith.constant 0.000000e+00 : f32
    %broadcast_in_dim3A = vector.broadcast %jit3A : f32 to vector<1x512xf32>
    %select_n3A = arith.select %gt3A_175, %div3A_181, %broadcast_in_dim3A : vector<1x512xi1>, vector<1x512xf32>
    %mul3A_182 = arith.mulf %sub3A_157, %select_n3A : vector<1x512xf32>
    %mul3A_183 = arith.mulf %sub3A_158, %select_n3A : vector<1x512xf32>
    %mul3A_184 = arith.mulf %sub3A_159, %select_n3A : vector<1x512xf32>
    %mul3A_185 = arith.mulf %add3A_134, %select_n3A : vector<1x512xf32>
    %mul3A_186 = arith.mulf %add3A_140, %select_n3A : vector<1x512xf32>
    %mul3A_187 = arith.mulf %add3A_146, %select_n3A : vector<1x512xf32>
    %mul3A_188 = arith.mulf %mul3A_183, %mul3A_184 : vector<1x512xf32>
    %mul3A_189 = arith.mulf %mul3A_187, %mul3A_187 : vector<1x512xf32>
    %sub3A_190 = arith.subf %mul3A_188, %mul3A_189 : vector<1x512xf32>
    %mul3A_191 = arith.mulf %mul3A_182, %sub3A_190 : vector<1x512xf32>
    %mul3A_192 = arith.mulf %mul3A_185, %mul3A_184 : vector<1x512xf32>
    %mul3A_193 = arith.mulf %mul3A_187, %mul3A_186 : vector<1x512xf32>
    %sub3A_194 = arith.subf %mul3A_192, %mul3A_193 : vector<1x512xf32>
    %mul3A_195 = arith.mulf %mul3A_185, %sub3A_194 : vector<1x512xf32>
    %sub3A_196 = arith.subf %mul3A_191, %mul3A_195 : vector<1x512xf32>
    %mul3A_197 = arith.mulf %mul3A_185, %mul3A_187 : vector<1x512xf32>
    %mul3A_198 = arith.mulf %mul3A_183, %mul3A_186 : vector<1x512xf32>
    %sub3A_199 = arith.subf %mul3A_197, %mul3A_198 : vector<1x512xf32>
    %mul3A_200 = arith.mulf %mul3A_186, %sub3A_199 : vector<1x512xf32>
    %add3A_201 = arith.addf %sub3A_196, %mul3A_200 : vector<1x512xf32>
    %mul3A_202 = arith.constant 5.000000e-01 : f32
    %mul3A_203 = vector.broadcast %mul3A_202 : f32 to vector<1x512xf32>
    %mul3A_204 = arith.mulf %mul3A_203, %add3A_201 : vector<1x512xf32>
    %jit3A_205 = arith.constant -1.000000e+00 : f32
    %jit3A_206 = arith.constant 1.000000e+00 : f32
    %max3A_207 = vector.broadcast %jit3A_205 : f32 to vector<1x512xf32>
    %max3A_208 = arith.maximumf %max3A_207, %mul3A_204 : vector<1x512xf32>
    %min3A = vector.broadcast %jit3A_206 : f32 to vector<1x512xf32>
    %min3A_209 = arith.minimumf %min3A, %max3A_208 : vector<1x512xf32>
    %broadcast_in_dim3A_210 = arith.constant 2.000000e+00 : f32
    %broadcast_in_dim3A_211 = vector.broadcast %broadcast_in_dim3A_210 : f32 to vector<1x512xf32>
    %mul3A_212 = arith.mulf %broadcast_in_dim3A_211, %broadcast_in_dim3A_211 : vector<1x512xf32>
    %mul3A_213 = arith.mulf %mul3A_212, %broadcast_in_dim3A_211 : vector<1x512xf32>
    %mul3A_214 = arith.constant 3.000000e+00 : f32
    %mul3A_215 = vector.broadcast %mul3A_214 : f32 to vector<1x512xf32>
    %mul3A_216 = arith.mulf %mul3A_215, %broadcast_in_dim3A_211 : vector<1x512xf32>
    %sub3A_217 = arith.subf %mul3A_213, %mul3A_216 : vector<1x512xf32>
    %mul3A_218 = arith.constant 2.000000e+00 : f32
    %mul3A_219 = vector.broadcast %mul3A_218 : f32 to vector<1x512xf32>
    %mul3A_220 = arith.mulf %mul3A_219, %min3A_209 : vector<1x512xf32>
    %sub3A_221 = arith.subf %sub3A_217, %mul3A_220 : vector<1x512xf32>
    %mul3A_222 = arith.constant 3.000000e+00 : f32
    %mul3A_223 = vector.broadcast %mul3A_222 : f32 to vector<1x512xf32>
    %mul3A_224 = arith.mulf %mul3A_223, %broadcast_in_dim3A_211 : vector<1x512xf32>
    %mul3A_225 = arith.mulf %mul3A_224, %broadcast_in_dim3A_211 : vector<1x512xf32>
    %sub3A_226 = arith.constant 3.000000e+00 : f32
    %sub3A_227 = vector.broadcast %sub3A_226 : f32 to vector<1x512xf32>
    %sub3A_228 = arith.subf %mul3A_225, %sub3A_227 : vector<1x512xf32>
    %add3A_229 = arith.constant 9.99999996E-13 : f32
    %add3A_230 = vector.broadcast %add3A_229 : f32 to vector<1x512xf32>
    %add3A_231 = arith.addf %sub3A_228, %add3A_230 : vector<1x512xf32>
    %div3A_232 = arith.divf %sub3A_221, %add3A_231 : vector<1x512xf32>
    %sub3A_233 = arith.subf %broadcast_in_dim3A_211, %div3A_232 : vector<1x512xf32>
    %jit3A_234 = arith.constant 1.000000e+00 : f32
    %jit3A_235 = arith.constant 2.000000e+00 : f32
    %max3A_236 = vector.broadcast %jit3A_234 : f32 to vector<1x512xf32>
    %max3A_237 = arith.maximumf %max3A_236, %sub3A_233 : vector<1x512xf32>
    %min3A_238 = vector.broadcast %jit3A_235 : f32 to vector<1x512xf32>
    %min3A_239 = arith.minimumf %min3A_238, %max3A_237 : vector<1x512xf32>
    %mul3A_240 = arith.mulf %min3A_239, %min3A_239 : vector<1x512xf32>
    %mul3A_241 = arith.mulf %mul3A_240, %min3A_239 : vector<1x512xf32>
    %mul3A_242 = arith.constant 3.000000e+00 : f32
    %mul3A_243 = vector.broadcast %mul3A_242 : f32 to vector<1x512xf32>
    %mul3A_244 = arith.mulf %mul3A_243, %min3A_239 : vector<1x512xf32>
    %sub3A_245 = arith.subf %mul3A_241, %mul3A_244 : vector<1x512xf32>
    %mul3A_246 = arith.constant 2.000000e+00 : f32
    %mul3A_247 = vector.broadcast %mul3A_246 : f32 to vector<1x512xf32>
    %mul3A_248 = arith.mulf %mul3A_247, %min3A_209 : vector<1x512xf32>
    %sub3A_249 = arith.subf %sub3A_245, %mul3A_248 : vector<1x512xf32>
    %mul3A_250 = arith.constant 3.000000e+00 : f32
    %mul3A_251 = vector.broadcast %mul3A_250 : f32 to vector<1x512xf32>
    %mul3A_252 = arith.mulf %mul3A_251, %min3A_239 : vector<1x512xf32>
    %mul3A_253 = arith.mulf %mul3A_252, %min3A_239 : vector<1x512xf32>
    %sub3A_254 = arith.constant 3.000000e+00 : f32
    %sub3A_255 = vector.broadcast %sub3A_254 : f32 to vector<1x512xf32>
    %sub3A_256 = arith.subf %mul3A_253, %sub3A_255 : vector<1x512xf32>
    %add3A_257 = arith.constant 9.99999996E-13 : f32
    %add3A_258 = vector.broadcast %add3A_257 : f32 to vector<1x512xf32>
    %add3A_259 = arith.addf %sub3A_256, %add3A_258 : vector<1x512xf32>
    %div3A_260 = arith.divf %sub3A_249, %add3A_259 : vector<1x512xf32>
    %sub3A_261 = arith.subf %min3A_239, %div3A_260 : vector<1x512xf32>
    %jit3A_262 = arith.constant 1.000000e+00 : f32
    %jit3A_263 = arith.constant 2.000000e+00 : f32
    %max3A_264 = vector.broadcast %jit3A_262 : f32 to vector<1x512xf32>
    %max3A_265 = arith.maximumf %max3A_264, %sub3A_261 : vector<1x512xf32>
    %min3A_266 = vector.broadcast %jit3A_263 : f32 to vector<1x512xf32>
    %min3A_267 = arith.minimumf %min3A_266, %max3A_265 : vector<1x512xf32>
    %mul3A_268 = arith.mulf %min3A_267, %min3A_267 : vector<1x512xf32>
    %mul3A_269 = arith.mulf %mul3A_268, %min3A_267 : vector<1x512xf32>
    %mul3A_270 = arith.constant 3.000000e+00 : f32
    %mul3A_271 = vector.broadcast %mul3A_270 : f32 to vector<1x512xf32>
    %mul3A_272 = arith.mulf %mul3A_271, %min3A_267 : vector<1x512xf32>
    %sub3A_273 = arith.subf %mul3A_269, %mul3A_272 : vector<1x512xf32>
    %mul3A_274 = arith.constant 2.000000e+00 : f32
    %mul3A_275 = vector.broadcast %mul3A_274 : f32 to vector<1x512xf32>
    %mul3A_276 = arith.mulf %mul3A_275, %min3A_209 : vector<1x512xf32>
    %sub3A_277 = arith.subf %sub3A_273, %mul3A_276 : vector<1x512xf32>
    %mul3A_278 = arith.constant 3.000000e+00 : f32
    %mul3A_279 = vector.broadcast %mul3A_278 : f32 to vector<1x512xf32>
    %mul3A_280 = arith.mulf %mul3A_279, %min3A_267 : vector<1x512xf32>
    %mul3A_281 = arith.mulf %mul3A_280, %min3A_267 : vector<1x512xf32>
    %sub3A_282 = arith.constant 3.000000e+00 : f32
    %sub3A_283 = vector.broadcast %sub3A_282 : f32 to vector<1x512xf32>
    %sub3A_284 = arith.subf %mul3A_281, %sub3A_283 : vector<1x512xf32>
    %add3A_285 = arith.constant 9.99999996E-13 : f32
    %add3A_286 = vector.broadcast %add3A_285 : f32 to vector<1x512xf32>
    %add3A_287 = arith.addf %sub3A_284, %add3A_286 : vector<1x512xf32>
    %div3A_288 = arith.divf %sub3A_277, %add3A_287 : vector<1x512xf32>
    %sub3A_289 = arith.subf %min3A_267, %div3A_288 : vector<1x512xf32>
    %jit3A_290 = arith.constant 1.000000e+00 : f32
    %jit3A_291 = arith.constant 2.000000e+00 : f32
    %max3A_292 = vector.broadcast %jit3A_290 : f32 to vector<1x512xf32>
    %max3A_293 = arith.maximumf %max3A_292, %sub3A_289 : vector<1x512xf32>
    %min3A_294 = vector.broadcast %jit3A_291 : f32 to vector<1x512xf32>
    %min3A_295 = arith.minimumf %min3A_294, %max3A_293 : vector<1x512xf32>
    %mul3A_296 = arith.mulf %min3A_295, %min3A_295 : vector<1x512xf32>
    %mul3A_297 = arith.mulf %mul3A_296, %min3A_295 : vector<1x512xf32>
    %mul3A_298 = arith.constant 3.000000e+00 : f32
    %mul3A_299 = vector.broadcast %mul3A_298 : f32 to vector<1x512xf32>
    %mul3A_300 = arith.mulf %mul3A_299, %min3A_295 : vector<1x512xf32>
    %sub3A_301 = arith.subf %mul3A_297, %mul3A_300 : vector<1x512xf32>
    %mul3A_302 = arith.constant 2.000000e+00 : f32
    %mul3A_303 = vector.broadcast %mul3A_302 : f32 to vector<1x512xf32>
    %mul3A_304 = arith.mulf %mul3A_303, %min3A_209 : vector<1x512xf32>
    %sub3A_305 = arith.subf %sub3A_301, %mul3A_304 : vector<1x512xf32>
    %mul3A_306 = arith.constant 3.000000e+00 : f32
    %mul3A_307 = vector.broadcast %mul3A_306 : f32 to vector<1x512xf32>
    %mul3A_308 = arith.mulf %mul3A_307, %min3A_295 : vector<1x512xf32>
    %mul3A_309 = arith.mulf %mul3A_308, %min3A_295 : vector<1x512xf32>
    %sub3A_310 = arith.constant 3.000000e+00 : f32
    %sub3A_311 = vector.broadcast %sub3A_310 : f32 to vector<1x512xf32>
    %sub3A_312 = arith.subf %mul3A_309, %sub3A_311 : vector<1x512xf32>
    %add3A_313 = arith.constant 9.99999996E-13 : f32
    %add3A_314 = vector.broadcast %add3A_313 : f32 to vector<1x512xf32>
    %add3A_315 = arith.addf %sub3A_312, %add3A_314 : vector<1x512xf32>
    %div3A_316 = arith.divf %sub3A_305, %add3A_315 : vector<1x512xf32>
    %sub3A_317 = arith.subf %min3A_295, %div3A_316 : vector<1x512xf32>
    %jit3A_318 = arith.constant 1.000000e+00 : f32
    %jit3A_319 = arith.constant 2.000000e+00 : f32
    %max3A_320 = vector.broadcast %jit3A_318 : f32 to vector<1x512xf32>
    %max3A_321 = arith.maximumf %max3A_320, %sub3A_317 : vector<1x512xf32>
    %min3A_322 = vector.broadcast %jit3A_319 : f32 to vector<1x512xf32>
    %min3A_323 = arith.minimumf %min3A_322, %max3A_321 : vector<1x512xf32>
    %mul3A_324 = arith.mulf %min3A_323, %min3A_323 : vector<1x512xf32>
    %mul3A_325 = arith.mulf %mul3A_324, %min3A_323 : vector<1x512xf32>
    %mul3A_326 = arith.constant 3.000000e+00 : f32
    %mul3A_327 = vector.broadcast %mul3A_326 : f32 to vector<1x512xf32>
    %mul3A_328 = arith.mulf %mul3A_327, %min3A_323 : vector<1x512xf32>
    %sub3A_329 = arith.subf %mul3A_325, %mul3A_328 : vector<1x512xf32>
    %mul3A_330 = arith.constant 2.000000e+00 : f32
    %mul3A_331 = vector.broadcast %mul3A_330 : f32 to vector<1x512xf32>
    %mul3A_332 = arith.mulf %mul3A_331, %min3A_209 : vector<1x512xf32>
    %sub3A_333 = arith.subf %sub3A_329, %mul3A_332 : vector<1x512xf32>
    %mul3A_334 = arith.constant 3.000000e+00 : f32
    %mul3A_335 = vector.broadcast %mul3A_334 : f32 to vector<1x512xf32>
    %mul3A_336 = arith.mulf %mul3A_335, %min3A_323 : vector<1x512xf32>
    %mul3A_337 = arith.mulf %mul3A_336, %min3A_323 : vector<1x512xf32>
    %sub3A_338 = arith.constant 3.000000e+00 : f32
    %sub3A_339 = vector.broadcast %sub3A_338 : f32 to vector<1x512xf32>
    %sub3A_340 = arith.subf %mul3A_337, %sub3A_339 : vector<1x512xf32>
    %add3A_341 = arith.constant 9.99999996E-13 : f32
    %add3A_342 = vector.broadcast %add3A_341 : f32 to vector<1x512xf32>
    %add3A_343 = arith.addf %sub3A_340, %add3A_342 : vector<1x512xf32>
    %div3A_344 = arith.divf %sub3A_333, %add3A_343 : vector<1x512xf32>
    %sub3A_345 = arith.subf %min3A_323, %div3A_344 : vector<1x512xf32>
    %jit3A_346 = arith.constant 1.000000e+00 : f32
    %jit3A_347 = arith.constant 2.000000e+00 : f32
    %max3A_348 = vector.broadcast %jit3A_346 : f32 to vector<1x512xf32>
    %max3A_349 = arith.maximumf %max3A_348, %sub3A_345 : vector<1x512xf32>
    %min3A_350 = vector.broadcast %jit3A_347 : f32 to vector<1x512xf32>
    %min3A_351 = arith.minimumf %min3A_350, %max3A_349 : vector<1x512xf32>
    %mul3A_352 = arith.mulf %min3A_351, %min3A_351 : vector<1x512xf32>
    %mul3A_353 = arith.mulf %mul3A_352, %min3A_351 : vector<1x512xf32>
    %mul3A_354 = arith.constant 3.000000e+00 : f32
    %mul3A_355 = vector.broadcast %mul3A_354 : f32 to vector<1x512xf32>
    %mul3A_356 = arith.mulf %mul3A_355, %min3A_351 : vector<1x512xf32>
    %sub3A_357 = arith.subf %mul3A_353, %mul3A_356 : vector<1x512xf32>
    %mul3A_358 = arith.constant 2.000000e+00 : f32
    %mul3A_359 = vector.broadcast %mul3A_358 : f32 to vector<1x512xf32>
    %mul3A_360 = arith.mulf %mul3A_359, %min3A_209 : vector<1x512xf32>
    %sub3A_361 = arith.subf %sub3A_357, %mul3A_360 : vector<1x512xf32>
    %mul3A_362 = arith.constant 3.000000e+00 : f32
    %mul3A_363 = vector.broadcast %mul3A_362 : f32 to vector<1x512xf32>
    %mul3A_364 = arith.mulf %mul3A_363, %min3A_351 : vector<1x512xf32>
    %mul3A_365 = arith.mulf %mul3A_364, %min3A_351 : vector<1x512xf32>
    %sub3A_366 = arith.constant 3.000000e+00 : f32
    %sub3A_367 = vector.broadcast %sub3A_366 : f32 to vector<1x512xf32>
    %sub3A_368 = arith.subf %mul3A_365, %sub3A_367 : vector<1x512xf32>
    %add3A_369 = arith.constant 9.99999996E-13 : f32
    %add3A_370 = vector.broadcast %add3A_369 : f32 to vector<1x512xf32>
    %add3A_371 = arith.addf %sub3A_368, %add3A_370 : vector<1x512xf32>
    %div3A_372 = arith.divf %sub3A_361, %add3A_371 : vector<1x512xf32>
    %sub3A_373 = arith.subf %min3A_351, %div3A_372 : vector<1x512xf32>
    %jit3A_374 = arith.constant 1.000000e+00 : f32
    %jit3A_375 = arith.constant 2.000000e+00 : f32
    %max3A_376 = vector.broadcast %jit3A_374 : f32 to vector<1x512xf32>
    %max3A_377 = arith.maximumf %max3A_376, %sub3A_373 : vector<1x512xf32>
    %min3A_378 = vector.broadcast %jit3A_375 : f32 to vector<1x512xf32>
    %min3A_379 = arith.minimumf %min3A_378, %max3A_377 : vector<1x512xf32>
    %mul3A_380 = arith.mulf %min3A_379, %min3A_379 : vector<1x512xf32>
    %mul3A_381 = arith.mulf %mul3A_380, %min3A_379 : vector<1x512xf32>
    %mul3A_382 = arith.constant 3.000000e+00 : f32
    %mul3A_383 = vector.broadcast %mul3A_382 : f32 to vector<1x512xf32>
    %mul3A_384 = arith.mulf %mul3A_383, %min3A_379 : vector<1x512xf32>
    %sub3A_385 = arith.subf %mul3A_381, %mul3A_384 : vector<1x512xf32>
    %mul3A_386 = arith.constant 2.000000e+00 : f32
    %mul3A_387 = vector.broadcast %mul3A_386 : f32 to vector<1x512xf32>
    %mul3A_388 = arith.mulf %mul3A_387, %min3A_209 : vector<1x512xf32>
    %sub3A_389 = arith.subf %sub3A_385, %mul3A_388 : vector<1x512xf32>
    %mul3A_390 = arith.constant 3.000000e+00 : f32
    %mul3A_391 = vector.broadcast %mul3A_390 : f32 to vector<1x512xf32>
    %mul3A_392 = arith.mulf %mul3A_391, %min3A_379 : vector<1x512xf32>
    %mul3A_393 = arith.mulf %mul3A_392, %min3A_379 : vector<1x512xf32>
    %sub3A_394 = arith.constant 3.000000e+00 : f32
    %sub3A_395 = vector.broadcast %sub3A_394 : f32 to vector<1x512xf32>
    %sub3A_396 = arith.subf %mul3A_393, %sub3A_395 : vector<1x512xf32>
    %add3A_397 = arith.constant 9.99999996E-13 : f32
    %add3A_398 = vector.broadcast %add3A_397 : f32 to vector<1x512xf32>
    %add3A_399 = arith.addf %sub3A_396, %add3A_398 : vector<1x512xf32>
    %div3A_400 = arith.divf %sub3A_389, %add3A_399 : vector<1x512xf32>
    %sub3A_401 = arith.subf %min3A_379, %div3A_400 : vector<1x512xf32>
    %jit3A_402 = arith.constant 1.000000e+00 : f32
    %jit3A_403 = arith.constant 2.000000e+00 : f32
    %max3A_404 = vector.broadcast %jit3A_402 : f32 to vector<1x512xf32>
    %max3A_405 = arith.maximumf %max3A_404, %sub3A_401 : vector<1x512xf32>
    %min3A_406 = vector.broadcast %jit3A_403 : f32 to vector<1x512xf32>
    %min3A_407 = arith.minimumf %min3A_406, %max3A_405 : vector<1x512xf32>
    %mul3A_408 = arith.mulf %min3A_407, %min3A_407 : vector<1x512xf32>
    %mul3A_409 = arith.mulf %mul3A_408, %min3A_407 : vector<1x512xf32>
    %mul3A_410 = arith.constant 3.000000e+00 : f32
    %mul3A_411 = vector.broadcast %mul3A_410 : f32 to vector<1x512xf32>
    %mul3A_412 = arith.mulf %mul3A_411, %min3A_407 : vector<1x512xf32>
    %sub3A_413 = arith.subf %mul3A_409, %mul3A_412 : vector<1x512xf32>
    %mul3A_414 = arith.constant 2.000000e+00 : f32
    %mul3A_415 = vector.broadcast %mul3A_414 : f32 to vector<1x512xf32>
    %mul3A_416 = arith.mulf %mul3A_415, %min3A_209 : vector<1x512xf32>
    %sub3A_417 = arith.subf %sub3A_413, %mul3A_416 : vector<1x512xf32>
    %mul3A_418 = arith.constant 3.000000e+00 : f32
    %mul3A_419 = vector.broadcast %mul3A_418 : f32 to vector<1x512xf32>
    %mul3A_420 = arith.mulf %mul3A_419, %min3A_407 : vector<1x512xf32>
    %mul3A_421 = arith.mulf %mul3A_420, %min3A_407 : vector<1x512xf32>
    %sub3A_422 = arith.constant 3.000000e+00 : f32
    %sub3A_423 = vector.broadcast %sub3A_422 : f32 to vector<1x512xf32>
    %sub3A_424 = arith.subf %mul3A_421, %sub3A_423 : vector<1x512xf32>
    %add3A_425 = arith.constant 9.99999996E-13 : f32
    %add3A_426 = vector.broadcast %add3A_425 : f32 to vector<1x512xf32>
    %add3A_427 = arith.addf %sub3A_424, %add3A_426 : vector<1x512xf32>
    %div3A_428 = arith.divf %sub3A_417, %add3A_427 : vector<1x512xf32>
    %sub3A_429 = arith.subf %min3A_407, %div3A_428 : vector<1x512xf32>
    %jit3A_430 = arith.constant 1.000000e+00 : f32
    %jit3A_431 = arith.constant 2.000000e+00 : f32
    %max3A_432 = vector.broadcast %jit3A_430 : f32 to vector<1x512xf32>
    %max3A_433 = arith.maximumf %max3A_432, %sub3A_429 : vector<1x512xf32>
    %min3A_434 = vector.broadcast %jit3A_431 : f32 to vector<1x512xf32>
    %min3A_435 = arith.minimumf %min3A_434, %max3A_433 : vector<1x512xf32>
    %mul3A_436 = arith.mulf %min3A_435, %min3A_435 : vector<1x512xf32>
    %mul3A_437 = arith.mulf %mul3A_436, %min3A_435 : vector<1x512xf32>
    %mul3A_438 = arith.constant 3.000000e+00 : f32
    %mul3A_439 = vector.broadcast %mul3A_438 : f32 to vector<1x512xf32>
    %mul3A_440 = arith.mulf %mul3A_439, %min3A_435 : vector<1x512xf32>
    %sub3A_441 = arith.subf %mul3A_437, %mul3A_440 : vector<1x512xf32>
    %mul3A_442 = arith.constant 2.000000e+00 : f32
    %mul3A_443 = vector.broadcast %mul3A_442 : f32 to vector<1x512xf32>
    %mul3A_444 = arith.mulf %mul3A_443, %min3A_209 : vector<1x512xf32>
    %sub3A_445 = arith.subf %sub3A_441, %mul3A_444 : vector<1x512xf32>
    %mul3A_446 = arith.constant 3.000000e+00 : f32
    %mul3A_447 = vector.broadcast %mul3A_446 : f32 to vector<1x512xf32>
    %mul3A_448 = arith.mulf %mul3A_447, %min3A_435 : vector<1x512xf32>
    %mul3A_449 = arith.mulf %mul3A_448, %min3A_435 : vector<1x512xf32>
    %sub3A_450 = arith.constant 3.000000e+00 : f32
    %sub3A_451 = vector.broadcast %sub3A_450 : f32 to vector<1x512xf32>
    %sub3A_452 = arith.subf %mul3A_449, %sub3A_451 : vector<1x512xf32>
    %add3A_453 = arith.constant 9.99999996E-13 : f32
    %add3A_454 = vector.broadcast %add3A_453 : f32 to vector<1x512xf32>
    %add3A_455 = arith.addf %sub3A_452, %add3A_454 : vector<1x512xf32>
    %div3A_456 = arith.divf %sub3A_445, %add3A_455 : vector<1x512xf32>
    %sub3A_457 = arith.subf %min3A_435, %div3A_456 : vector<1x512xf32>
    %jit3A_458 = arith.constant 1.000000e+00 : f32
    %jit3A_459 = arith.constant 2.000000e+00 : f32
    %max3A_460 = vector.broadcast %jit3A_458 : f32 to vector<1x512xf32>
    %max3A_461 = arith.maximumf %max3A_460, %sub3A_457 : vector<1x512xf32>
    %min3A_462 = vector.broadcast %jit3A_459 : f32 to vector<1x512xf32>
    %min3A_463 = arith.minimumf %min3A_462, %max3A_461 : vector<1x512xf32>
    %mul3A_464 = arith.mulf %min3A_463, %min3A_463 : vector<1x512xf32>
    %mul3A_465 = arith.mulf %mul3A_464, %min3A_463 : vector<1x512xf32>
    %mul3A_466 = arith.constant 3.000000e+00 : f32
    %mul3A_467 = vector.broadcast %mul3A_466 : f32 to vector<1x512xf32>
    %mul3A_468 = arith.mulf %mul3A_467, %min3A_463 : vector<1x512xf32>
    %sub3A_469 = arith.subf %mul3A_465, %mul3A_468 : vector<1x512xf32>
    %mul3A_470 = arith.constant 2.000000e+00 : f32
    %mul3A_471 = vector.broadcast %mul3A_470 : f32 to vector<1x512xf32>
    %mul3A_472 = arith.mulf %mul3A_471, %min3A_209 : vector<1x512xf32>
    %sub3A_473 = arith.subf %sub3A_469, %mul3A_472 : vector<1x512xf32>
    %mul3A_474 = arith.constant 3.000000e+00 : f32
    %mul3A_475 = vector.broadcast %mul3A_474 : f32 to vector<1x512xf32>
    %mul3A_476 = arith.mulf %mul3A_475, %min3A_463 : vector<1x512xf32>
    %mul3A_477 = arith.mulf %mul3A_476, %min3A_463 : vector<1x512xf32>
    %sub3A_478 = arith.constant 3.000000e+00 : f32
    %sub3A_479 = vector.broadcast %sub3A_478 : f32 to vector<1x512xf32>
    %sub3A_480 = arith.subf %mul3A_477, %sub3A_479 : vector<1x512xf32>
    %add3A_481 = arith.constant 9.99999996E-13 : f32
    %add3A_482 = vector.broadcast %add3A_481 : f32 to vector<1x512xf32>
    %add3A_483 = arith.addf %sub3A_480, %add3A_482 : vector<1x512xf32>
    %div3A_484 = arith.divf %sub3A_473, %add3A_483 : vector<1x512xf32>
    %sub3A_485 = arith.subf %min3A_463, %div3A_484 : vector<1x512xf32>
    %jit3A_486 = arith.constant 1.000000e+00 : f32
    %jit3A_487 = arith.constant 2.000000e+00 : f32
    %max3A_488 = vector.broadcast %jit3A_486 : f32 to vector<1x512xf32>
    %max3A_489 = arith.maximumf %max3A_488, %sub3A_485 : vector<1x512xf32>
    %min3A_490 = vector.broadcast %jit3A_487 : f32 to vector<1x512xf32>
    %min3A_491 = arith.minimumf %min3A_490, %max3A_489 : vector<1x512xf32>
    %mul3A_492 = arith.mulf %min3A_491, %min3A_491 : vector<1x512xf32>
    %mul3A_493 = arith.mulf %mul3A_492, %min3A_491 : vector<1x512xf32>
    %mul3A_494 = arith.constant 3.000000e+00 : f32
    %mul3A_495 = vector.broadcast %mul3A_494 : f32 to vector<1x512xf32>
    %mul3A_496 = arith.mulf %mul3A_495, %min3A_491 : vector<1x512xf32>
    %sub3A_497 = arith.subf %mul3A_493, %mul3A_496 : vector<1x512xf32>
    %mul3A_498 = arith.constant 2.000000e+00 : f32
    %mul3A_499 = vector.broadcast %mul3A_498 : f32 to vector<1x512xf32>
    %mul3A_500 = arith.mulf %mul3A_499, %min3A_209 : vector<1x512xf32>
    %sub3A_501 = arith.subf %sub3A_497, %mul3A_500 : vector<1x512xf32>
    %mul3A_502 = arith.constant 3.000000e+00 : f32
    %mul3A_503 = vector.broadcast %mul3A_502 : f32 to vector<1x512xf32>
    %mul3A_504 = arith.mulf %mul3A_503, %min3A_491 : vector<1x512xf32>
    %mul3A_505 = arith.mulf %mul3A_504, %min3A_491 : vector<1x512xf32>
    %sub3A_506 = arith.constant 3.000000e+00 : f32
    %sub3A_507 = vector.broadcast %sub3A_506 : f32 to vector<1x512xf32>
    %sub3A_508 = arith.subf %mul3A_505, %sub3A_507 : vector<1x512xf32>
    %add3A_509 = arith.constant 9.99999996E-13 : f32
    %add3A_510 = vector.broadcast %add3A_509 : f32 to vector<1x512xf32>
    %add3A_511 = arith.addf %sub3A_508, %add3A_510 : vector<1x512xf32>
    %div3A_512 = arith.divf %sub3A_501, %add3A_511 : vector<1x512xf32>
    %sub3A_513 = arith.subf %min3A_491, %div3A_512 : vector<1x512xf32>
    %jit3A_514 = arith.constant 1.000000e+00 : f32
    %jit3A_515 = arith.constant 2.000000e+00 : f32
    %max3A_516 = vector.broadcast %jit3A_514 : f32 to vector<1x512xf32>
    %max3A_517 = arith.maximumf %max3A_516, %sub3A_513 : vector<1x512xf32>
    %min3A_518 = vector.broadcast %jit3A_515 : f32 to vector<1x512xf32>
    %min3A_519 = arith.minimumf %min3A_518, %max3A_517 : vector<1x512xf32>
    %mul3A_520 = arith.mulf %min3A_519, %min3A_519 : vector<1x512xf32>
    %mul3A_521 = arith.mulf %mul3A_520, %min3A_519 : vector<1x512xf32>
    %mul3A_522 = arith.constant 3.000000e+00 : f32
    %mul3A_523 = vector.broadcast %mul3A_522 : f32 to vector<1x512xf32>
    %mul3A_524 = arith.mulf %mul3A_523, %min3A_519 : vector<1x512xf32>
    %sub3A_525 = arith.subf %mul3A_521, %mul3A_524 : vector<1x512xf32>
    %mul3A_526 = arith.constant 2.000000e+00 : f32
    %mul3A_527 = vector.broadcast %mul3A_526 : f32 to vector<1x512xf32>
    %mul3A_528 = arith.mulf %mul3A_527, %min3A_209 : vector<1x512xf32>
    %sub3A_529 = arith.subf %sub3A_525, %mul3A_528 : vector<1x512xf32>
    %mul3A_530 = arith.constant 3.000000e+00 : f32
    %mul3A_531 = vector.broadcast %mul3A_530 : f32 to vector<1x512xf32>
    %mul3A_532 = arith.mulf %mul3A_531, %min3A_519 : vector<1x512xf32>
    %mul3A_533 = arith.mulf %mul3A_532, %min3A_519 : vector<1x512xf32>
    %sub3A_534 = arith.constant 3.000000e+00 : f32
    %sub3A_535 = vector.broadcast %sub3A_534 : f32 to vector<1x512xf32>
    %sub3A_536 = arith.subf %mul3A_533, %sub3A_535 : vector<1x512xf32>
    %add3A_537 = arith.constant 9.99999996E-13 : f32
    %add3A_538 = vector.broadcast %add3A_537 : f32 to vector<1x512xf32>
    %add3A_539 = arith.addf %sub3A_536, %add3A_538 : vector<1x512xf32>
    %div3A_540 = arith.divf %sub3A_529, %add3A_539 : vector<1x512xf32>
    %sub3A_541 = arith.subf %min3A_519, %div3A_540 : vector<1x512xf32>
    %jit3A_542 = arith.constant 1.000000e+00 : f32
    %jit3A_543 = arith.constant 2.000000e+00 : f32
    %max3A_544 = vector.broadcast %jit3A_542 : f32 to vector<1x512xf32>
    %max3A_545 = arith.maximumf %max3A_544, %sub3A_541 : vector<1x512xf32>
    %min3A_546 = vector.broadcast %jit3A_543 : f32 to vector<1x512xf32>
    %min3A_547 = arith.minimumf %min3A_546, %max3A_545 : vector<1x512xf32>
    %mul3A_548 = arith.mulf %min3A_547, %min3A_547 : vector<1x512xf32>
    %mul3A_549 = arith.mulf %mul3A_548, %min3A_547 : vector<1x512xf32>
    %mul3A_550 = arith.constant 3.000000e+00 : f32
    %mul3A_551 = vector.broadcast %mul3A_550 : f32 to vector<1x512xf32>
    %mul3A_552 = arith.mulf %mul3A_551, %min3A_547 : vector<1x512xf32>
    %sub3A_553 = arith.subf %mul3A_549, %mul3A_552 : vector<1x512xf32>
    %mul3A_554 = arith.constant 2.000000e+00 : f32
    %mul3A_555 = vector.broadcast %mul3A_554 : f32 to vector<1x512xf32>
    %mul3A_556 = arith.mulf %mul3A_555, %min3A_209 : vector<1x512xf32>
    %sub3A_557 = arith.subf %sub3A_553, %mul3A_556 : vector<1x512xf32>
    %mul3A_558 = arith.constant 3.000000e+00 : f32
    %mul3A_559 = vector.broadcast %mul3A_558 : f32 to vector<1x512xf32>
    %mul3A_560 = arith.mulf %mul3A_559, %min3A_547 : vector<1x512xf32>
    %mul3A_561 = arith.mulf %mul3A_560, %min3A_547 : vector<1x512xf32>
    %sub3A_562 = arith.constant 3.000000e+00 : f32
    %sub3A_563 = vector.broadcast %sub3A_562 : f32 to vector<1x512xf32>
    %sub3A_564 = arith.subf %mul3A_561, %sub3A_563 : vector<1x512xf32>
    %add3A_565 = arith.constant 9.99999996E-13 : f32
    %add3A_566 = vector.broadcast %add3A_565 : f32 to vector<1x512xf32>
    %add3A_567 = arith.addf %sub3A_564, %add3A_566 : vector<1x512xf32>
    %div3A_568 = arith.divf %sub3A_557, %add3A_567 : vector<1x512xf32>
    %sub3A_569 = arith.subf %min3A_547, %div3A_568 : vector<1x512xf32>
    %jit3A_570 = arith.constant 1.000000e+00 : f32
    %jit3A_571 = arith.constant 2.000000e+00 : f32
    %max3A_572 = vector.broadcast %jit3A_570 : f32 to vector<1x512xf32>
    %max3A_573 = arith.maximumf %max3A_572, %sub3A_569 : vector<1x512xf32>
    %min3A_574 = vector.broadcast %jit3A_571 : f32 to vector<1x512xf32>
    %min3A_575 = arith.minimumf %min3A_574, %max3A_573 : vector<1x512xf32>
    %mul3A_576 = arith.mulf %min3A_575, %min3A_575 : vector<1x512xf32>
    %mul3A_577 = arith.mulf %mul3A_576, %min3A_575 : vector<1x512xf32>
    %mul3A_578 = arith.constant 3.000000e+00 : f32
    %mul3A_579 = vector.broadcast %mul3A_578 : f32 to vector<1x512xf32>
    %mul3A_580 = arith.mulf %mul3A_579, %min3A_575 : vector<1x512xf32>
    %sub3A_581 = arith.subf %mul3A_577, %mul3A_580 : vector<1x512xf32>
    %mul3A_582 = arith.constant 2.000000e+00 : f32
    %mul3A_583 = vector.broadcast %mul3A_582 : f32 to vector<1x512xf32>
    %mul3A_584 = arith.mulf %mul3A_583, %min3A_209 : vector<1x512xf32>
    %sub3A_585 = arith.subf %sub3A_581, %mul3A_584 : vector<1x512xf32>
    %mul3A_586 = arith.constant 3.000000e+00 : f32
    %mul3A_587 = vector.broadcast %mul3A_586 : f32 to vector<1x512xf32>
    %mul3A_588 = arith.mulf %mul3A_587, %min3A_575 : vector<1x512xf32>
    %mul3A_589 = arith.mulf %mul3A_588, %min3A_575 : vector<1x512xf32>
    %sub3A_590 = arith.constant 3.000000e+00 : f32
    %sub3A_591 = vector.broadcast %sub3A_590 : f32 to vector<1x512xf32>
    %sub3A_592 = arith.subf %mul3A_589, %sub3A_591 : vector<1x512xf32>
    %add3A_593 = arith.constant 9.99999996E-13 : f32
    %add3A_594 = vector.broadcast %add3A_593 : f32 to vector<1x512xf32>
    %add3A_595 = arith.addf %sub3A_592, %add3A_594 : vector<1x512xf32>
    %div3A_596 = arith.divf %sub3A_585, %add3A_595 : vector<1x512xf32>
    %sub3A_597 = arith.subf %min3A_575, %div3A_596 : vector<1x512xf32>
    %jit3A_598 = arith.constant 1.000000e+00 : f32
    %jit3A_599 = arith.constant 2.000000e+00 : f32
    %max3A_600 = vector.broadcast %jit3A_598 : f32 to vector<1x512xf32>
    %max3A_601 = arith.maximumf %max3A_600, %sub3A_597 : vector<1x512xf32>
    %min3A_602 = vector.broadcast %jit3A_599 : f32 to vector<1x512xf32>
    %min3A_603 = arith.minimumf %min3A_602, %max3A_601 : vector<1x512xf32>
    %mul3A_604 = arith.mulf %min3A_603, %min3A_603 : vector<1x512xf32>
    %mul3A_605 = arith.mulf %mul3A_604, %min3A_603 : vector<1x512xf32>
    %mul3A_606 = arith.constant 3.000000e+00 : f32
    %mul3A_607 = vector.broadcast %mul3A_606 : f32 to vector<1x512xf32>
    %mul3A_608 = arith.mulf %mul3A_607, %min3A_603 : vector<1x512xf32>
    %sub3A_609 = arith.subf %mul3A_605, %mul3A_608 : vector<1x512xf32>
    %mul3A_610 = arith.constant 2.000000e+00 : f32
    %mul3A_611 = vector.broadcast %mul3A_610 : f32 to vector<1x512xf32>
    %mul3A_612 = arith.mulf %mul3A_611, %min3A_209 : vector<1x512xf32>
    %sub3A_613 = arith.subf %sub3A_609, %mul3A_612 : vector<1x512xf32>
    %mul3A_614 = arith.constant 3.000000e+00 : f32
    %mul3A_615 = vector.broadcast %mul3A_614 : f32 to vector<1x512xf32>
    %mul3A_616 = arith.mulf %mul3A_615, %min3A_603 : vector<1x512xf32>
    %mul3A_617 = arith.mulf %mul3A_616, %min3A_603 : vector<1x512xf32>
    %sub3A_618 = arith.constant 3.000000e+00 : f32
    %sub3A_619 = vector.broadcast %sub3A_618 : f32 to vector<1x512xf32>
    %sub3A_620 = arith.subf %mul3A_617, %sub3A_619 : vector<1x512xf32>
    %add3A_621 = arith.constant 9.99999996E-13 : f32
    %add3A_622 = vector.broadcast %add3A_621 : f32 to vector<1x512xf32>
    %add3A_623 = arith.addf %sub3A_620, %add3A_622 : vector<1x512xf32>
    %div3A_624 = arith.divf %sub3A_613, %add3A_623 : vector<1x512xf32>
    %sub3A_625 = arith.subf %min3A_603, %div3A_624 : vector<1x512xf32>
    %jit3A_626 = arith.constant 1.000000e+00 : f32
    %jit3A_627 = arith.constant 2.000000e+00 : f32
    %max3A_628 = vector.broadcast %jit3A_626 : f32 to vector<1x512xf32>
    %max3A_629 = arith.maximumf %max3A_628, %sub3A_625 : vector<1x512xf32>
    %min3A_630 = vector.broadcast %jit3A_627 : f32 to vector<1x512xf32>
    %min3A_631 = arith.minimumf %min3A_630, %max3A_629 : vector<1x512xf32>
    %mul3A_632 = arith.mulf %min3A_631, %min3A_631 : vector<1x512xf32>
    %mul3A_633 = arith.mulf %mul3A_632, %min3A_631 : vector<1x512xf32>
    %mul3A_634 = arith.constant 3.000000e+00 : f32
    %mul3A_635 = vector.broadcast %mul3A_634 : f32 to vector<1x512xf32>
    %mul3A_636 = arith.mulf %mul3A_635, %min3A_631 : vector<1x512xf32>
    %sub3A_637 = arith.subf %mul3A_633, %mul3A_636 : vector<1x512xf32>
    %mul3A_638 = arith.constant 2.000000e+00 : f32
    %mul3A_639 = vector.broadcast %mul3A_638 : f32 to vector<1x512xf32>
    %mul3A_640 = arith.mulf %mul3A_639, %min3A_209 : vector<1x512xf32>
    %sub3A_641 = arith.subf %sub3A_637, %mul3A_640 : vector<1x512xf32>
    %mul3A_642 = arith.constant 3.000000e+00 : f32
    %mul3A_643 = vector.broadcast %mul3A_642 : f32 to vector<1x512xf32>
    %mul3A_644 = arith.mulf %mul3A_643, %min3A_631 : vector<1x512xf32>
    %mul3A_645 = arith.mulf %mul3A_644, %min3A_631 : vector<1x512xf32>
    %sub3A_646 = arith.constant 3.000000e+00 : f32
    %sub3A_647 = vector.broadcast %sub3A_646 : f32 to vector<1x512xf32>
    %sub3A_648 = arith.subf %mul3A_645, %sub3A_647 : vector<1x512xf32>
    %add3A_649 = arith.constant 9.99999996E-13 : f32
    %add3A_650 = vector.broadcast %add3A_649 : f32 to vector<1x512xf32>
    %add3A_651 = arith.addf %sub3A_648, %add3A_650 : vector<1x512xf32>
    %div3A_652 = arith.divf %sub3A_641, %add3A_651 : vector<1x512xf32>
    %sub3A_653 = arith.subf %min3A_631, %div3A_652 : vector<1x512xf32>
    %jit3A_654 = arith.constant 1.000000e+00 : f32
    %jit3A_655 = arith.constant 2.000000e+00 : f32
    %max3A_656 = vector.broadcast %jit3A_654 : f32 to vector<1x512xf32>
    %max3A_657 = arith.maximumf %max3A_656, %sub3A_653 : vector<1x512xf32>
    %min3A_658 = vector.broadcast %jit3A_655 : f32 to vector<1x512xf32>
    %min3A_659 = arith.minimumf %min3A_658, %max3A_657 : vector<1x512xf32>
    %mul3A_660 = arith.mulf %min3A_659, %min3A_659 : vector<1x512xf32>
    %mul3A_661 = arith.mulf %mul3A_660, %min3A_659 : vector<1x512xf32>
    %mul3A_662 = arith.constant 3.000000e+00 : f32
    %mul3A_663 = vector.broadcast %mul3A_662 : f32 to vector<1x512xf32>
    %mul3A_664 = arith.mulf %mul3A_663, %min3A_659 : vector<1x512xf32>
    %sub3A_665 = arith.subf %mul3A_661, %mul3A_664 : vector<1x512xf32>
    %mul3A_666 = arith.constant 2.000000e+00 : f32
    %mul3A_667 = vector.broadcast %mul3A_666 : f32 to vector<1x512xf32>
    %mul3A_668 = arith.mulf %mul3A_667, %min3A_209 : vector<1x512xf32>
    %sub3A_669 = arith.subf %sub3A_665, %mul3A_668 : vector<1x512xf32>
    %mul3A_670 = arith.constant 3.000000e+00 : f32
    %mul3A_671 = vector.broadcast %mul3A_670 : f32 to vector<1x512xf32>
    %mul3A_672 = arith.mulf %mul3A_671, %min3A_659 : vector<1x512xf32>
    %mul3A_673 = arith.mulf %mul3A_672, %min3A_659 : vector<1x512xf32>
    %sub3A_674 = arith.constant 3.000000e+00 : f32
    %sub3A_675 = vector.broadcast %sub3A_674 : f32 to vector<1x512xf32>
    %sub3A_676 = arith.subf %mul3A_673, %sub3A_675 : vector<1x512xf32>
    %add3A_677 = arith.constant 9.99999996E-13 : f32
    %add3A_678 = vector.broadcast %add3A_677 : f32 to vector<1x512xf32>
    %add3A_679 = arith.addf %sub3A_676, %add3A_678 : vector<1x512xf32>
    %div3A_680 = arith.divf %sub3A_669, %add3A_679 : vector<1x512xf32>
    %sub3A_681 = arith.subf %min3A_659, %div3A_680 : vector<1x512xf32>
    %jit3A_682 = arith.constant 1.000000e+00 : f32
    %jit3A_683 = arith.constant 2.000000e+00 : f32
    %max3A_684 = vector.broadcast %jit3A_682 : f32 to vector<1x512xf32>
    %max3A_685 = arith.maximumf %max3A_684, %sub3A_681 : vector<1x512xf32>
    %min3A_686 = vector.broadcast %jit3A_683 : f32 to vector<1x512xf32>
    %min3A_687 = arith.minimumf %min3A_686, %max3A_685 : vector<1x512xf32>
    %mul3A_688 = arith.mulf %min3A_687, %min3A_687 : vector<1x512xf32>
    %mul3A_689 = arith.mulf %mul3A_688, %min3A_687 : vector<1x512xf32>
    %mul3A_690 = arith.constant 3.000000e+00 : f32
    %mul3A_691 = vector.broadcast %mul3A_690 : f32 to vector<1x512xf32>
    %mul3A_692 = arith.mulf %mul3A_691, %min3A_687 : vector<1x512xf32>
    %sub3A_693 = arith.subf %mul3A_689, %mul3A_692 : vector<1x512xf32>
    %mul3A_694 = arith.constant 2.000000e+00 : f32
    %mul3A_695 = vector.broadcast %mul3A_694 : f32 to vector<1x512xf32>
    %mul3A_696 = arith.mulf %mul3A_695, %min3A_209 : vector<1x512xf32>
    %sub3A_697 = arith.subf %sub3A_693, %mul3A_696 : vector<1x512xf32>
    %mul3A_698 = arith.constant 3.000000e+00 : f32
    %mul3A_699 = vector.broadcast %mul3A_698 : f32 to vector<1x512xf32>
    %mul3A_700 = arith.mulf %mul3A_699, %min3A_687 : vector<1x512xf32>
    %mul3A_701 = arith.mulf %mul3A_700, %min3A_687 : vector<1x512xf32>
    %sub3A_702 = arith.constant 3.000000e+00 : f32
    %sub3A_703 = vector.broadcast %sub3A_702 : f32 to vector<1x512xf32>
    %sub3A_704 = arith.subf %mul3A_701, %sub3A_703 : vector<1x512xf32>
    %add3A_705 = arith.constant 9.99999996E-13 : f32
    %add3A_706 = vector.broadcast %add3A_705 : f32 to vector<1x512xf32>
    %add3A_707 = arith.addf %sub3A_704, %add3A_706 : vector<1x512xf32>
    %div3A_708 = arith.divf %sub3A_697, %add3A_707 : vector<1x512xf32>
    %sub3A_709 = arith.subf %min3A_687, %div3A_708 : vector<1x512xf32>
    %jit3A_710 = arith.constant 1.000000e+00 : f32
    %jit3A_711 = arith.constant 2.000000e+00 : f32
    %max3A_712 = vector.broadcast %jit3A_710 : f32 to vector<1x512xf32>
    %max3A_713 = arith.maximumf %max3A_712, %sub3A_709 : vector<1x512xf32>
    %min3A_714 = vector.broadcast %jit3A_711 : f32 to vector<1x512xf32>
    %min3A_715 = arith.minimumf %min3A_714, %max3A_713 : vector<1x512xf32>
    %mul3A_716 = arith.mulf %min3A_715, %min3A_715 : vector<1x512xf32>
    %mul3A_717 = arith.mulf %mul3A_716, %min3A_715 : vector<1x512xf32>
    %mul3A_718 = arith.constant 3.000000e+00 : f32
    %mul3A_719 = vector.broadcast %mul3A_718 : f32 to vector<1x512xf32>
    %mul3A_720 = arith.mulf %mul3A_719, %min3A_715 : vector<1x512xf32>
    %sub3A_721 = arith.subf %mul3A_717, %mul3A_720 : vector<1x512xf32>
    %mul3A_722 = arith.constant 2.000000e+00 : f32
    %mul3A_723 = vector.broadcast %mul3A_722 : f32 to vector<1x512xf32>
    %mul3A_724 = arith.mulf %mul3A_723, %min3A_209 : vector<1x512xf32>
    %sub3A_725 = arith.subf %sub3A_721, %mul3A_724 : vector<1x512xf32>
    %mul3A_726 = arith.constant 3.000000e+00 : f32
    %mul3A_727 = vector.broadcast %mul3A_726 : f32 to vector<1x512xf32>
    %mul3A_728 = arith.mulf %mul3A_727, %min3A_715 : vector<1x512xf32>
    %mul3A_729 = arith.mulf %mul3A_728, %min3A_715 : vector<1x512xf32>
    %sub3A_730 = arith.constant 3.000000e+00 : f32
    %sub3A_731 = vector.broadcast %sub3A_730 : f32 to vector<1x512xf32>
    %sub3A_732 = arith.subf %mul3A_729, %sub3A_731 : vector<1x512xf32>
    %add3A_733 = arith.constant 9.99999996E-13 : f32
    %add3A_734 = vector.broadcast %add3A_733 : f32 to vector<1x512xf32>
    %add3A_735 = arith.addf %sub3A_732, %add3A_734 : vector<1x512xf32>
    %div3A_736 = arith.divf %sub3A_725, %add3A_735 : vector<1x512xf32>
    %sub3A_737 = arith.subf %min3A_715, %div3A_736 : vector<1x512xf32>
    %jit3A_738 = arith.constant 1.000000e+00 : f32
    %jit3A_739 = arith.constant 2.000000e+00 : f32
    %max3A_740 = vector.broadcast %jit3A_738 : f32 to vector<1x512xf32>
    %max3A_741 = arith.maximumf %max3A_740, %sub3A_737 : vector<1x512xf32>
    %min3A_742 = vector.broadcast %jit3A_739 : f32 to vector<1x512xf32>
    %min3A_743 = arith.minimumf %min3A_742, %max3A_741 : vector<1x512xf32>
    %mul3A_744 = arith.mulf %min3A_743, %min3A_743 : vector<1x512xf32>
    %mul3A_745 = arith.mulf %mul3A_744, %min3A_743 : vector<1x512xf32>
    %mul3A_746 = arith.constant 3.000000e+00 : f32
    %mul3A_747 = vector.broadcast %mul3A_746 : f32 to vector<1x512xf32>
    %mul3A_748 = arith.mulf %mul3A_747, %min3A_743 : vector<1x512xf32>
    %sub3A_749 = arith.subf %mul3A_745, %mul3A_748 : vector<1x512xf32>
    %mul3A_750 = arith.constant 2.000000e+00 : f32
    %mul3A_751 = vector.broadcast %mul3A_750 : f32 to vector<1x512xf32>
    %mul3A_752 = arith.mulf %mul3A_751, %min3A_209 : vector<1x512xf32>
    %sub3A_753 = arith.subf %sub3A_749, %mul3A_752 : vector<1x512xf32>
    %mul3A_754 = arith.constant 3.000000e+00 : f32
    %mul3A_755 = vector.broadcast %mul3A_754 : f32 to vector<1x512xf32>
    %mul3A_756 = arith.mulf %mul3A_755, %min3A_743 : vector<1x512xf32>
    %mul3A_757 = arith.mulf %mul3A_756, %min3A_743 : vector<1x512xf32>
    %sub3A_758 = arith.constant 3.000000e+00 : f32
    %sub3A_759 = vector.broadcast %sub3A_758 : f32 to vector<1x512xf32>
    %sub3A_760 = arith.subf %mul3A_757, %sub3A_759 : vector<1x512xf32>
    %add3A_761 = arith.constant 9.99999996E-13 : f32
    %add3A_762 = vector.broadcast %add3A_761 : f32 to vector<1x512xf32>
    %add3A_763 = arith.addf %sub3A_760, %add3A_762 : vector<1x512xf32>
    %div3A_764 = arith.divf %sub3A_753, %add3A_763 : vector<1x512xf32>
    %sub3A_765 = arith.subf %min3A_743, %div3A_764 : vector<1x512xf32>
    %jit3A_766 = arith.constant 1.000000e+00 : f32
    %jit3A_767 = arith.constant 2.000000e+00 : f32
    %max3A_768 = vector.broadcast %jit3A_766 : f32 to vector<1x512xf32>
    %max3A_769 = arith.maximumf %max3A_768, %sub3A_765 : vector<1x512xf32>
    %min3A_770 = vector.broadcast %jit3A_767 : f32 to vector<1x512xf32>
    %min3A_771 = arith.minimumf %min3A_770, %max3A_769 : vector<1x512xf32>
    %mul3A_772 = arith.mulf %min3A_771, %min3A_771 : vector<1x512xf32>
    %mul3A_773 = arith.mulf %mul3A_772, %min3A_771 : vector<1x512xf32>
    %mul3A_774 = arith.constant 3.000000e+00 : f32
    %mul3A_775 = vector.broadcast %mul3A_774 : f32 to vector<1x512xf32>
    %mul3A_776 = arith.mulf %mul3A_775, %min3A_771 : vector<1x512xf32>
    %sub3A_777 = arith.subf %mul3A_773, %mul3A_776 : vector<1x512xf32>
    %mul3A_778 = arith.constant 2.000000e+00 : f32
    %mul3A_779 = vector.broadcast %mul3A_778 : f32 to vector<1x512xf32>
    %mul3A_780 = arith.mulf %mul3A_779, %min3A_209 : vector<1x512xf32>
    %sub3A_781 = arith.subf %sub3A_777, %mul3A_780 : vector<1x512xf32>
    %mul3A_782 = arith.constant 3.000000e+00 : f32
    %mul3A_783 = vector.broadcast %mul3A_782 : f32 to vector<1x512xf32>
    %mul3A_784 = arith.mulf %mul3A_783, %min3A_771 : vector<1x512xf32>
    %mul3A_785 = arith.mulf %mul3A_784, %min3A_771 : vector<1x512xf32>
    %sub3A_786 = arith.constant 3.000000e+00 : f32
    %sub3A_787 = vector.broadcast %sub3A_786 : f32 to vector<1x512xf32>
    %sub3A_788 = arith.subf %mul3A_785, %sub3A_787 : vector<1x512xf32>
    %add3A_789 = arith.constant 9.99999996E-13 : f32
    %add3A_790 = vector.broadcast %add3A_789 : f32 to vector<1x512xf32>
    %add3A_791 = arith.addf %sub3A_788, %add3A_790 : vector<1x512xf32>
    %div3A_792 = arith.divf %sub3A_781, %add3A_791 : vector<1x512xf32>
    %sub3A_793 = arith.subf %min3A_771, %div3A_792 : vector<1x512xf32>
    %jit3A_794 = arith.constant 1.000000e+00 : f32
    %jit3A_795 = arith.constant 2.000000e+00 : f32
    %max3A_796 = vector.broadcast %jit3A_794 : f32 to vector<1x512xf32>
    %max3A_797 = arith.maximumf %max3A_796, %sub3A_793 : vector<1x512xf32>
    %min3A_798 = vector.broadcast %jit3A_795 : f32 to vector<1x512xf32>
    %min3A_799 = arith.minimumf %min3A_798, %max3A_797 : vector<1x512xf32>
    %mul3A_800 = arith.mulf %min3A_799, %min3A_799 : vector<1x512xf32>
    %mul3A_801 = arith.mulf %mul3A_800, %min3A_799 : vector<1x512xf32>
    %mul3A_802 = arith.constant 3.000000e+00 : f32
    %mul3A_803 = vector.broadcast %mul3A_802 : f32 to vector<1x512xf32>
    %mul3A_804 = arith.mulf %mul3A_803, %min3A_799 : vector<1x512xf32>
    %sub3A_805 = arith.subf %mul3A_801, %mul3A_804 : vector<1x512xf32>
    %mul3A_806 = arith.constant 2.000000e+00 : f32
    %mul3A_807 = vector.broadcast %mul3A_806 : f32 to vector<1x512xf32>
    %mul3A_808 = arith.mulf %mul3A_807, %min3A_209 : vector<1x512xf32>
    %sub3A_809 = arith.subf %sub3A_805, %mul3A_808 : vector<1x512xf32>
    %mul3A_810 = arith.constant 3.000000e+00 : f32
    %mul3A_811 = vector.broadcast %mul3A_810 : f32 to vector<1x512xf32>
    %mul3A_812 = arith.mulf %mul3A_811, %min3A_799 : vector<1x512xf32>
    %mul3A_813 = arith.mulf %mul3A_812, %min3A_799 : vector<1x512xf32>
    %sub3A_814 = arith.constant 3.000000e+00 : f32
    %sub3A_815 = vector.broadcast %sub3A_814 : f32 to vector<1x512xf32>
    %sub3A_816 = arith.subf %mul3A_813, %sub3A_815 : vector<1x512xf32>
    %add3A_817 = arith.constant 9.99999996E-13 : f32
    %add3A_818 = vector.broadcast %add3A_817 : f32 to vector<1x512xf32>
    %add3A_819 = arith.addf %sub3A_816, %add3A_818 : vector<1x512xf32>
    %div3A_820 = arith.divf %sub3A_809, %add3A_819 : vector<1x512xf32>
    %sub3A_821 = arith.subf %min3A_799, %div3A_820 : vector<1x512xf32>
    %jit3A_822 = arith.constant 1.000000e+00 : f32
    %jit3A_823 = arith.constant 2.000000e+00 : f32
    %max3A_824 = vector.broadcast %jit3A_822 : f32 to vector<1x512xf32>
    %max3A_825 = arith.maximumf %max3A_824, %sub3A_821 : vector<1x512xf32>
    %min3A_826 = vector.broadcast %jit3A_823 : f32 to vector<1x512xf32>
    %min3A_827 = arith.minimumf %min3A_826, %max3A_825 : vector<1x512xf32>
    %mul3A_828 = arith.mulf %min3A_827, %min3A_827 : vector<1x512xf32>
    %mul3A_829 = arith.mulf %mul3A_828, %min3A_827 : vector<1x512xf32>
    %mul3A_830 = arith.constant 3.000000e+00 : f32
    %mul3A_831 = vector.broadcast %mul3A_830 : f32 to vector<1x512xf32>
    %mul3A_832 = arith.mulf %mul3A_831, %min3A_827 : vector<1x512xf32>
    %sub3A_833 = arith.subf %mul3A_829, %mul3A_832 : vector<1x512xf32>
    %mul3A_834 = arith.constant 2.000000e+00 : f32
    %mul3A_835 = vector.broadcast %mul3A_834 : f32 to vector<1x512xf32>
    %mul3A_836 = arith.mulf %mul3A_835, %min3A_209 : vector<1x512xf32>
    %sub3A_837 = arith.subf %sub3A_833, %mul3A_836 : vector<1x512xf32>
    %mul3A_838 = arith.constant 3.000000e+00 : f32
    %mul3A_839 = vector.broadcast %mul3A_838 : f32 to vector<1x512xf32>
    %mul3A_840 = arith.mulf %mul3A_839, %min3A_827 : vector<1x512xf32>
    %mul3A_841 = arith.mulf %mul3A_840, %min3A_827 : vector<1x512xf32>
    %sub3A_842 = arith.constant 3.000000e+00 : f32
    %sub3A_843 = vector.broadcast %sub3A_842 : f32 to vector<1x512xf32>
    %sub3A_844 = arith.subf %mul3A_841, %sub3A_843 : vector<1x512xf32>
    %add3A_845 = arith.constant 9.99999996E-13 : f32
    %add3A_846 = vector.broadcast %add3A_845 : f32 to vector<1x512xf32>
    %add3A_847 = arith.addf %sub3A_844, %add3A_846 : vector<1x512xf32>
    %div3A_848 = arith.divf %sub3A_837, %add3A_847 : vector<1x512xf32>
    %sub3A_849 = arith.subf %min3A_827, %div3A_848 : vector<1x512xf32>
    %jit3A_850 = arith.constant 1.000000e+00 : f32
    %jit3A_851 = arith.constant 2.000000e+00 : f32
    %max3A_852 = vector.broadcast %jit3A_850 : f32 to vector<1x512xf32>
    %max3A_853 = arith.maximumf %max3A_852, %sub3A_849 : vector<1x512xf32>
    %min3A_854 = vector.broadcast %jit3A_851 : f32 to vector<1x512xf32>
    %min3A_855 = arith.minimumf %min3A_854, %max3A_853 : vector<1x512xf32>
    %mul3A_856 = arith.mulf %min3A_855, %min3A_855 : vector<1x512xf32>
    %mul3A_857 = arith.mulf %mul3A_856, %min3A_855 : vector<1x512xf32>
    %mul3A_858 = arith.constant 3.000000e+00 : f32
    %mul3A_859 = vector.broadcast %mul3A_858 : f32 to vector<1x512xf32>
    %mul3A_860 = arith.mulf %mul3A_859, %min3A_855 : vector<1x512xf32>
    %sub3A_861 = arith.subf %mul3A_857, %mul3A_860 : vector<1x512xf32>
    %mul3A_862 = arith.constant 2.000000e+00 : f32
    %mul3A_863 = vector.broadcast %mul3A_862 : f32 to vector<1x512xf32>
    %mul3A_864 = arith.mulf %mul3A_863, %min3A_209 : vector<1x512xf32>
    %sub3A_865 = arith.subf %sub3A_861, %mul3A_864 : vector<1x512xf32>
    %mul3A_866 = arith.constant 3.000000e+00 : f32
    %mul3A_867 = vector.broadcast %mul3A_866 : f32 to vector<1x512xf32>
    %mul3A_868 = arith.mulf %mul3A_867, %min3A_855 : vector<1x512xf32>
    %mul3A_869 = arith.mulf %mul3A_868, %min3A_855 : vector<1x512xf32>
    %sub3A_870 = arith.constant 3.000000e+00 : f32
    %sub3A_871 = vector.broadcast %sub3A_870 : f32 to vector<1x512xf32>
    %sub3A_872 = arith.subf %mul3A_869, %sub3A_871 : vector<1x512xf32>
    %add3A_873 = arith.constant 9.99999996E-13 : f32
    %add3A_874 = vector.broadcast %add3A_873 : f32 to vector<1x512xf32>
    %add3A_875 = arith.addf %sub3A_872, %add3A_874 : vector<1x512xf32>
    %div3A_876 = arith.divf %sub3A_865, %add3A_875 : vector<1x512xf32>
    %sub3A_877 = arith.subf %min3A_855, %div3A_876 : vector<1x512xf32>
    %jit3A_878 = arith.constant 1.000000e+00 : f32
    %jit3A_879 = arith.constant 2.000000e+00 : f32
    %max3A_880 = vector.broadcast %jit3A_878 : f32 to vector<1x512xf32>
    %max3A_881 = arith.maximumf %max3A_880, %sub3A_877 : vector<1x512xf32>
    %min3A_882 = vector.broadcast %jit3A_879 : f32 to vector<1x512xf32>
    %min3A_883 = arith.minimumf %min3A_882, %max3A_881 : vector<1x512xf32>
    %mul3A_884 = arith.mulf %sqrt3A, %min3A_883 : vector<1x512xf32>
    %add3A_885 = arith.addf %mul3A_151, %mul3A_884 : vector<1x512xf32>
    %neg3A = arith.constant 0.000000e+00 : f32
    %neg3A_886 = vector.broadcast %neg3A : f32 to vector<1x512xf32>
    %neg3A_887 = arith.subf %neg3A_886, %min3A_209 : vector<1x512xf32>
    %broadcast_in_dim3A_888 = arith.constant 2.000000e+00 : f32
    %broadcast_in_dim3A_889 = vector.broadcast %broadcast_in_dim3A_888 : f32 to vector<1x512xf32>
    %mul3A_890 = arith.mulf %broadcast_in_dim3A_889, %broadcast_in_dim3A_889 : vector<1x512xf32>
    %mul3A_891 = arith.mulf %mul3A_890, %broadcast_in_dim3A_889 : vector<1x512xf32>
    %mul3A_892 = arith.constant 3.000000e+00 : f32
    %mul3A_893 = vector.broadcast %mul3A_892 : f32 to vector<1x512xf32>
    %mul3A_894 = arith.mulf %mul3A_893, %broadcast_in_dim3A_889 : vector<1x512xf32>
    %sub3A_895 = arith.subf %mul3A_891, %mul3A_894 : vector<1x512xf32>
    %mul3A_896 = arith.constant 2.000000e+00 : f32
    %mul3A_897 = vector.broadcast %mul3A_896 : f32 to vector<1x512xf32>
    %mul3A_898 = arith.mulf %mul3A_897, %neg3A_887 : vector<1x512xf32>
    %sub3A_899 = arith.subf %sub3A_895, %mul3A_898 : vector<1x512xf32>
    %mul3A_900 = arith.constant 3.000000e+00 : f32
    %mul3A_901 = vector.broadcast %mul3A_900 : f32 to vector<1x512xf32>
    %mul3A_902 = arith.mulf %mul3A_901, %broadcast_in_dim3A_889 : vector<1x512xf32>
    %mul3A_903 = arith.mulf %mul3A_902, %broadcast_in_dim3A_889 : vector<1x512xf32>
    %sub3A_904 = arith.constant 3.000000e+00 : f32
    %sub3A_905 = vector.broadcast %sub3A_904 : f32 to vector<1x512xf32>
    %sub3A_906 = arith.subf %mul3A_903, %sub3A_905 : vector<1x512xf32>
    %add3A_907 = arith.constant 9.99999996E-13 : f32
    %add3A_908 = vector.broadcast %add3A_907 : f32 to vector<1x512xf32>
    %add3A_909 = arith.addf %sub3A_906, %add3A_908 : vector<1x512xf32>
    %div3A_910 = arith.divf %sub3A_899, %add3A_909 : vector<1x512xf32>
    %sub3A_911 = arith.subf %broadcast_in_dim3A_889, %div3A_910 : vector<1x512xf32>
    %jit3A_912 = arith.constant 1.000000e+00 : f32
    %jit3A_913 = arith.constant 2.000000e+00 : f32
    %max3A_914 = vector.broadcast %jit3A_912 : f32 to vector<1x512xf32>
    %max3A_915 = arith.maximumf %max3A_914, %sub3A_911 : vector<1x512xf32>
    %min3A_916 = vector.broadcast %jit3A_913 : f32 to vector<1x512xf32>
    %min3A_917 = arith.minimumf %min3A_916, %max3A_915 : vector<1x512xf32>
    %mul3A_918 = arith.mulf %min3A_917, %min3A_917 : vector<1x512xf32>
    %mul3A_919 = arith.mulf %mul3A_918, %min3A_917 : vector<1x512xf32>
    %mul3A_920 = arith.constant 3.000000e+00 : f32
    %mul3A_921 = vector.broadcast %mul3A_920 : f32 to vector<1x512xf32>
    %mul3A_922 = arith.mulf %mul3A_921, %min3A_917 : vector<1x512xf32>
    %sub3A_923 = arith.subf %mul3A_919, %mul3A_922 : vector<1x512xf32>
    %mul3A_924 = arith.constant 2.000000e+00 : f32
    %mul3A_925 = vector.broadcast %mul3A_924 : f32 to vector<1x512xf32>
    %mul3A_926 = arith.mulf %mul3A_925, %neg3A_887 : vector<1x512xf32>
    %sub3A_927 = arith.subf %sub3A_923, %mul3A_926 : vector<1x512xf32>
    %mul3A_928 = arith.constant 3.000000e+00 : f32
    %mul3A_929 = vector.broadcast %mul3A_928 : f32 to vector<1x512xf32>
    %mul3A_930 = arith.mulf %mul3A_929, %min3A_917 : vector<1x512xf32>
    %mul3A_931 = arith.mulf %mul3A_930, %min3A_917 : vector<1x512xf32>
    %sub3A_932 = arith.constant 3.000000e+00 : f32
    %sub3A_933 = vector.broadcast %sub3A_932 : f32 to vector<1x512xf32>
    %sub3A_934 = arith.subf %mul3A_931, %sub3A_933 : vector<1x512xf32>
    %add3A_935 = arith.constant 9.99999996E-13 : f32
    %add3A_936 = vector.broadcast %add3A_935 : f32 to vector<1x512xf32>
    %add3A_937 = arith.addf %sub3A_934, %add3A_936 : vector<1x512xf32>
    %div3A_938 = arith.divf %sub3A_927, %add3A_937 : vector<1x512xf32>
    %sub3A_939 = arith.subf %min3A_917, %div3A_938 : vector<1x512xf32>
    %jit3A_940 = arith.constant 1.000000e+00 : f32
    %jit3A_941 = arith.constant 2.000000e+00 : f32
    %max3A_942 = vector.broadcast %jit3A_940 : f32 to vector<1x512xf32>
    %max3A_943 = arith.maximumf %max3A_942, %sub3A_939 : vector<1x512xf32>
    %min3A_944 = vector.broadcast %jit3A_941 : f32 to vector<1x512xf32>
    %min3A_945 = arith.minimumf %min3A_944, %max3A_943 : vector<1x512xf32>
    %mul3A_946 = arith.mulf %min3A_945, %min3A_945 : vector<1x512xf32>
    %mul3A_947 = arith.mulf %mul3A_946, %min3A_945 : vector<1x512xf32>
    %mul3A_948 = arith.constant 3.000000e+00 : f32
    %mul3A_949 = vector.broadcast %mul3A_948 : f32 to vector<1x512xf32>
    %mul3A_950 = arith.mulf %mul3A_949, %min3A_945 : vector<1x512xf32>
    %sub3A_951 = arith.subf %mul3A_947, %mul3A_950 : vector<1x512xf32>
    %mul3A_952 = arith.constant 2.000000e+00 : f32
    %mul3A_953 = vector.broadcast %mul3A_952 : f32 to vector<1x512xf32>
    %mul3A_954 = arith.mulf %mul3A_953, %neg3A_887 : vector<1x512xf32>
    %sub3A_955 = arith.subf %sub3A_951, %mul3A_954 : vector<1x512xf32>
    %mul3A_956 = arith.constant 3.000000e+00 : f32
    %mul3A_957 = vector.broadcast %mul3A_956 : f32 to vector<1x512xf32>
    %mul3A_958 = arith.mulf %mul3A_957, %min3A_945 : vector<1x512xf32>
    %mul3A_959 = arith.mulf %mul3A_958, %min3A_945 : vector<1x512xf32>
    %sub3A_960 = arith.constant 3.000000e+00 : f32
    %sub3A_961 = vector.broadcast %sub3A_960 : f32 to vector<1x512xf32>
    %sub3A_962 = arith.subf %mul3A_959, %sub3A_961 : vector<1x512xf32>
    %add3A_963 = arith.constant 9.99999996E-13 : f32
    %add3A_964 = vector.broadcast %add3A_963 : f32 to vector<1x512xf32>
    %add3A_965 = arith.addf %sub3A_962, %add3A_964 : vector<1x512xf32>
    %div3A_966 = arith.divf %sub3A_955, %add3A_965 : vector<1x512xf32>
    %sub3A_967 = arith.subf %min3A_945, %div3A_966 : vector<1x512xf32>
    %jit3A_968 = arith.constant 1.000000e+00 : f32
    %jit3A_969 = arith.constant 2.000000e+00 : f32
    %max3A_970 = vector.broadcast %jit3A_968 : f32 to vector<1x512xf32>
    %max3A_971 = arith.maximumf %max3A_970, %sub3A_967 : vector<1x512xf32>
    %min3A_972 = vector.broadcast %jit3A_969 : f32 to vector<1x512xf32>
    %min3A_973 = arith.minimumf %min3A_972, %max3A_971 : vector<1x512xf32>
    %mul3A_974 = arith.mulf %min3A_973, %min3A_973 : vector<1x512xf32>
    %mul3A_975 = arith.mulf %mul3A_974, %min3A_973 : vector<1x512xf32>
    %mul3A_976 = arith.constant 3.000000e+00 : f32
    %mul3A_977 = vector.broadcast %mul3A_976 : f32 to vector<1x512xf32>
    %mul3A_978 = arith.mulf %mul3A_977, %min3A_973 : vector<1x512xf32>
    %sub3A_979 = arith.subf %mul3A_975, %mul3A_978 : vector<1x512xf32>
    %mul3A_980 = arith.constant 2.000000e+00 : f32
    %mul3A_981 = vector.broadcast %mul3A_980 : f32 to vector<1x512xf32>
    %mul3A_982 = arith.mulf %mul3A_981, %neg3A_887 : vector<1x512xf32>
    %sub3A_983 = arith.subf %sub3A_979, %mul3A_982 : vector<1x512xf32>
    %mul3A_984 = arith.constant 3.000000e+00 : f32
    %mul3A_985 = vector.broadcast %mul3A_984 : f32 to vector<1x512xf32>
    %mul3A_986 = arith.mulf %mul3A_985, %min3A_973 : vector<1x512xf32>
    %mul3A_987 = arith.mulf %mul3A_986, %min3A_973 : vector<1x512xf32>
    %sub3A_988 = arith.constant 3.000000e+00 : f32
    %sub3A_989 = vector.broadcast %sub3A_988 : f32 to vector<1x512xf32>
    %sub3A_990 = arith.subf %mul3A_987, %sub3A_989 : vector<1x512xf32>
    %add3A_991 = arith.constant 9.99999996E-13 : f32
    %add3A_992 = vector.broadcast %add3A_991 : f32 to vector<1x512xf32>
    %add3A_993 = arith.addf %sub3A_990, %add3A_992 : vector<1x512xf32>
    %div3A_994 = arith.divf %sub3A_983, %add3A_993 : vector<1x512xf32>
    %sub3A_995 = arith.subf %min3A_973, %div3A_994 : vector<1x512xf32>
    %jit3A_996 = arith.constant 1.000000e+00 : f32
    %jit3A_997 = arith.constant 2.000000e+00 : f32
    %max3A_998 = vector.broadcast %jit3A_996 : f32 to vector<1x512xf32>
    %max3A_999 = arith.maximumf %max3A_998, %sub3A_995 : vector<1x512xf32>
    %min3A_1000 = vector.broadcast %jit3A_997 : f32 to vector<1x512xf32>
    %min3A_1001 = arith.minimumf %min3A_1000, %max3A_999 : vector<1x512xf32>
    %mul3A_1002 = arith.mulf %min3A_1001, %min3A_1001 : vector<1x512xf32>
    %mul3A_1003 = arith.mulf %mul3A_1002, %min3A_1001 : vector<1x512xf32>
    %mul3A_1004 = arith.constant 3.000000e+00 : f32
    %mul3A_1005 = vector.broadcast %mul3A_1004 : f32 to vector<1x512xf32>
    %mul3A_1006 = arith.mulf %mul3A_1005, %min3A_1001 : vector<1x512xf32>
    %sub3A_1007 = arith.subf %mul3A_1003, %mul3A_1006 : vector<1x512xf32>
    %mul3A_1008 = arith.constant 2.000000e+00 : f32
    %mul3A_1009 = vector.broadcast %mul3A_1008 : f32 to vector<1x512xf32>
    %mul3A_1010 = arith.mulf %mul3A_1009, %neg3A_887 : vector<1x512xf32>
    %sub3A_1011 = arith.subf %sub3A_1007, %mul3A_1010 : vector<1x512xf32>
    %mul3A_1012 = arith.constant 3.000000e+00 : f32
    %mul3A_1013 = vector.broadcast %mul3A_1012 : f32 to vector<1x512xf32>
    %mul3A_1014 = arith.mulf %mul3A_1013, %min3A_1001 : vector<1x512xf32>
    %mul3A_1015 = arith.mulf %mul3A_1014, %min3A_1001 : vector<1x512xf32>
    %sub3A_1016 = arith.constant 3.000000e+00 : f32
    %sub3A_1017 = vector.broadcast %sub3A_1016 : f32 to vector<1x512xf32>
    %sub3A_1018 = arith.subf %mul3A_1015, %sub3A_1017 : vector<1x512xf32>
    %add3A_1019 = arith.constant 9.99999996E-13 : f32
    %add3A_1020 = vector.broadcast %add3A_1019 : f32 to vector<1x512xf32>
    %add3A_1021 = arith.addf %sub3A_1018, %add3A_1020 : vector<1x512xf32>
    %div3A_1022 = arith.divf %sub3A_1011, %add3A_1021 : vector<1x512xf32>
    %sub3A_1023 = arith.subf %min3A_1001, %div3A_1022 : vector<1x512xf32>
    %jit3A_1024 = arith.constant 1.000000e+00 : f32
    %jit3A_1025 = arith.constant 2.000000e+00 : f32
    %max3A_1026 = vector.broadcast %jit3A_1024 : f32 to vector<1x512xf32>
    %max3A_1027 = arith.maximumf %max3A_1026, %sub3A_1023 : vector<1x512xf32>
    %min3A_1028 = vector.broadcast %jit3A_1025 : f32 to vector<1x512xf32>
    %min3A_1029 = arith.minimumf %min3A_1028, %max3A_1027 : vector<1x512xf32>
    %mul3A_1030 = arith.mulf %min3A_1029, %min3A_1029 : vector<1x512xf32>
    %mul3A_1031 = arith.mulf %mul3A_1030, %min3A_1029 : vector<1x512xf32>
    %mul3A_1032 = arith.constant 3.000000e+00 : f32
    %mul3A_1033 = vector.broadcast %mul3A_1032 : f32 to vector<1x512xf32>
    %mul3A_1034 = arith.mulf %mul3A_1033, %min3A_1029 : vector<1x512xf32>
    %sub3A_1035 = arith.subf %mul3A_1031, %mul3A_1034 : vector<1x512xf32>
    %mul3A_1036 = arith.constant 2.000000e+00 : f32
    %mul3A_1037 = vector.broadcast %mul3A_1036 : f32 to vector<1x512xf32>
    %mul3A_1038 = arith.mulf %mul3A_1037, %neg3A_887 : vector<1x512xf32>
    %sub3A_1039 = arith.subf %sub3A_1035, %mul3A_1038 : vector<1x512xf32>
    %mul3A_1040 = arith.constant 3.000000e+00 : f32
    %mul3A_1041 = vector.broadcast %mul3A_1040 : f32 to vector<1x512xf32>
    %mul3A_1042 = arith.mulf %mul3A_1041, %min3A_1029 : vector<1x512xf32>
    %mul3A_1043 = arith.mulf %mul3A_1042, %min3A_1029 : vector<1x512xf32>
    %sub3A_1044 = arith.constant 3.000000e+00 : f32
    %sub3A_1045 = vector.broadcast %sub3A_1044 : f32 to vector<1x512xf32>
    %sub3A_1046 = arith.subf %mul3A_1043, %sub3A_1045 : vector<1x512xf32>
    %add3A_1047 = arith.constant 9.99999996E-13 : f32
    %add3A_1048 = vector.broadcast %add3A_1047 : f32 to vector<1x512xf32>
    %add3A_1049 = arith.addf %sub3A_1046, %add3A_1048 : vector<1x512xf32>
    %div3A_1050 = arith.divf %sub3A_1039, %add3A_1049 : vector<1x512xf32>
    %sub3A_1051 = arith.subf %min3A_1029, %div3A_1050 : vector<1x512xf32>
    %jit3A_1052 = arith.constant 1.000000e+00 : f32
    %jit3A_1053 = arith.constant 2.000000e+00 : f32
    %max3A_1054 = vector.broadcast %jit3A_1052 : f32 to vector<1x512xf32>
    %max3A_1055 = arith.maximumf %max3A_1054, %sub3A_1051 : vector<1x512xf32>
    %min3A_1056 = vector.broadcast %jit3A_1053 : f32 to vector<1x512xf32>
    %min3A_1057 = arith.minimumf %min3A_1056, %max3A_1055 : vector<1x512xf32>
    %mul3A_1058 = arith.mulf %min3A_1057, %min3A_1057 : vector<1x512xf32>
    %mul3A_1059 = arith.mulf %mul3A_1058, %min3A_1057 : vector<1x512xf32>
    %mul3A_1060 = arith.constant 3.000000e+00 : f32
    %mul3A_1061 = vector.broadcast %mul3A_1060 : f32 to vector<1x512xf32>
    %mul3A_1062 = arith.mulf %mul3A_1061, %min3A_1057 : vector<1x512xf32>
    %sub3A_1063 = arith.subf %mul3A_1059, %mul3A_1062 : vector<1x512xf32>
    %mul3A_1064 = arith.constant 2.000000e+00 : f32
    %mul3A_1065 = vector.broadcast %mul3A_1064 : f32 to vector<1x512xf32>
    %mul3A_1066 = arith.mulf %mul3A_1065, %neg3A_887 : vector<1x512xf32>
    %sub3A_1067 = arith.subf %sub3A_1063, %mul3A_1066 : vector<1x512xf32>
    %mul3A_1068 = arith.constant 3.000000e+00 : f32
    %mul3A_1069 = vector.broadcast %mul3A_1068 : f32 to vector<1x512xf32>
    %mul3A_1070 = arith.mulf %mul3A_1069, %min3A_1057 : vector<1x512xf32>
    %mul3A_1071 = arith.mulf %mul3A_1070, %min3A_1057 : vector<1x512xf32>
    %sub3A_1072 = arith.constant 3.000000e+00 : f32
    %sub3A_1073 = vector.broadcast %sub3A_1072 : f32 to vector<1x512xf32>
    %sub3A_1074 = arith.subf %mul3A_1071, %sub3A_1073 : vector<1x512xf32>
    %add3A_1075 = arith.constant 9.99999996E-13 : f32
    %add3A_1076 = vector.broadcast %add3A_1075 : f32 to vector<1x512xf32>
    %add3A_1077 = arith.addf %sub3A_1074, %add3A_1076 : vector<1x512xf32>
    %div3A_1078 = arith.divf %sub3A_1067, %add3A_1077 : vector<1x512xf32>
    %sub3A_1079 = arith.subf %min3A_1057, %div3A_1078 : vector<1x512xf32>
    %jit3A_1080 = arith.constant 1.000000e+00 : f32
    %jit3A_1081 = arith.constant 2.000000e+00 : f32
    %max3A_1082 = vector.broadcast %jit3A_1080 : f32 to vector<1x512xf32>
    %max3A_1083 = arith.maximumf %max3A_1082, %sub3A_1079 : vector<1x512xf32>
    %min3A_1084 = vector.broadcast %jit3A_1081 : f32 to vector<1x512xf32>
    %min3A_1085 = arith.minimumf %min3A_1084, %max3A_1083 : vector<1x512xf32>
    %mul3A_1086 = arith.mulf %min3A_1085, %min3A_1085 : vector<1x512xf32>
    %mul3A_1087 = arith.mulf %mul3A_1086, %min3A_1085 : vector<1x512xf32>
    %mul3A_1088 = arith.constant 3.000000e+00 : f32
    %mul3A_1089 = vector.broadcast %mul3A_1088 : f32 to vector<1x512xf32>
    %mul3A_1090 = arith.mulf %mul3A_1089, %min3A_1085 : vector<1x512xf32>
    %sub3A_1091 = arith.subf %mul3A_1087, %mul3A_1090 : vector<1x512xf32>
    %mul3A_1092 = arith.constant 2.000000e+00 : f32
    %mul3A_1093 = vector.broadcast %mul3A_1092 : f32 to vector<1x512xf32>
    %mul3A_1094 = arith.mulf %mul3A_1093, %neg3A_887 : vector<1x512xf32>
    %sub3A_1095 = arith.subf %sub3A_1091, %mul3A_1094 : vector<1x512xf32>
    %mul3A_1096 = arith.constant 3.000000e+00 : f32
    %mul3A_1097 = vector.broadcast %mul3A_1096 : f32 to vector<1x512xf32>
    %mul3A_1098 = arith.mulf %mul3A_1097, %min3A_1085 : vector<1x512xf32>
    %mul3A_1099 = arith.mulf %mul3A_1098, %min3A_1085 : vector<1x512xf32>
    %sub3A_1100 = arith.constant 3.000000e+00 : f32
    %sub3A_1101 = vector.broadcast %sub3A_1100 : f32 to vector<1x512xf32>
    %sub3A_1102 = arith.subf %mul3A_1099, %sub3A_1101 : vector<1x512xf32>
    %add3A_1103 = arith.constant 9.99999996E-13 : f32
    %add3A_1104 = vector.broadcast %add3A_1103 : f32 to vector<1x512xf32>
    %add3A_1105 = arith.addf %sub3A_1102, %add3A_1104 : vector<1x512xf32>
    %div3A_1106 = arith.divf %sub3A_1095, %add3A_1105 : vector<1x512xf32>
    %sub3A_1107 = arith.subf %min3A_1085, %div3A_1106 : vector<1x512xf32>
    %jit3A_1108 = arith.constant 1.000000e+00 : f32
    %jit3A_1109 = arith.constant 2.000000e+00 : f32
    %max3A_1110 = vector.broadcast %jit3A_1108 : f32 to vector<1x512xf32>
    %max3A_1111 = arith.maximumf %max3A_1110, %sub3A_1107 : vector<1x512xf32>
    %min3A_1112 = vector.broadcast %jit3A_1109 : f32 to vector<1x512xf32>
    %min3A_1113 = arith.minimumf %min3A_1112, %max3A_1111 : vector<1x512xf32>
    %mul3A_1114 = arith.mulf %min3A_1113, %min3A_1113 : vector<1x512xf32>
    %mul3A_1115 = arith.mulf %mul3A_1114, %min3A_1113 : vector<1x512xf32>
    %mul3A_1116 = arith.constant 3.000000e+00 : f32
    %mul3A_1117 = vector.broadcast %mul3A_1116 : f32 to vector<1x512xf32>
    %mul3A_1118 = arith.mulf %mul3A_1117, %min3A_1113 : vector<1x512xf32>
    %sub3A_1119 = arith.subf %mul3A_1115, %mul3A_1118 : vector<1x512xf32>
    %mul3A_1120 = arith.constant 2.000000e+00 : f32
    %mul3A_1121 = vector.broadcast %mul3A_1120 : f32 to vector<1x512xf32>
    %mul3A_1122 = arith.mulf %mul3A_1121, %neg3A_887 : vector<1x512xf32>
    %sub3A_1123 = arith.subf %sub3A_1119, %mul3A_1122 : vector<1x512xf32>
    %mul3A_1124 = arith.constant 3.000000e+00 : f32
    %mul3A_1125 = vector.broadcast %mul3A_1124 : f32 to vector<1x512xf32>
    %mul3A_1126 = arith.mulf %mul3A_1125, %min3A_1113 : vector<1x512xf32>
    %mul3A_1127 = arith.mulf %mul3A_1126, %min3A_1113 : vector<1x512xf32>
    %sub3A_1128 = arith.constant 3.000000e+00 : f32
    %sub3A_1129 = vector.broadcast %sub3A_1128 : f32 to vector<1x512xf32>
    %sub3A_1130 = arith.subf %mul3A_1127, %sub3A_1129 : vector<1x512xf32>
    %add3A_1131 = arith.constant 9.99999996E-13 : f32
    %add3A_1132 = vector.broadcast %add3A_1131 : f32 to vector<1x512xf32>
    %add3A_1133 = arith.addf %sub3A_1130, %add3A_1132 : vector<1x512xf32>
    %div3A_1134 = arith.divf %sub3A_1123, %add3A_1133 : vector<1x512xf32>
    %sub3A_1135 = arith.subf %min3A_1113, %div3A_1134 : vector<1x512xf32>
    %jit3A_1136 = arith.constant 1.000000e+00 : f32
    %jit3A_1137 = arith.constant 2.000000e+00 : f32
    %max3A_1138 = vector.broadcast %jit3A_1136 : f32 to vector<1x512xf32>
    %max3A_1139 = arith.maximumf %max3A_1138, %sub3A_1135 : vector<1x512xf32>
    %min3A_1140 = vector.broadcast %jit3A_1137 : f32 to vector<1x512xf32>
    %min3A_1141 = arith.minimumf %min3A_1140, %max3A_1139 : vector<1x512xf32>
    %mul3A_1142 = arith.mulf %min3A_1141, %min3A_1141 : vector<1x512xf32>
    %mul3A_1143 = arith.mulf %mul3A_1142, %min3A_1141 : vector<1x512xf32>
    %mul3A_1144 = arith.constant 3.000000e+00 : f32
    %mul3A_1145 = vector.broadcast %mul3A_1144 : f32 to vector<1x512xf32>
    %mul3A_1146 = arith.mulf %mul3A_1145, %min3A_1141 : vector<1x512xf32>
    %sub3A_1147 = arith.subf %mul3A_1143, %mul3A_1146 : vector<1x512xf32>
    %mul3A_1148 = arith.constant 2.000000e+00 : f32
    %mul3A_1149 = vector.broadcast %mul3A_1148 : f32 to vector<1x512xf32>
    %mul3A_1150 = arith.mulf %mul3A_1149, %neg3A_887 : vector<1x512xf32>
    %sub3A_1151 = arith.subf %sub3A_1147, %mul3A_1150 : vector<1x512xf32>
    %mul3A_1152 = arith.constant 3.000000e+00 : f32
    %mul3A_1153 = vector.broadcast %mul3A_1152 : f32 to vector<1x512xf32>
    %mul3A_1154 = arith.mulf %mul3A_1153, %min3A_1141 : vector<1x512xf32>
    %mul3A_1155 = arith.mulf %mul3A_1154, %min3A_1141 : vector<1x512xf32>
    %sub3A_1156 = arith.constant 3.000000e+00 : f32
    %sub3A_1157 = vector.broadcast %sub3A_1156 : f32 to vector<1x512xf32>
    %sub3A_1158 = arith.subf %mul3A_1155, %sub3A_1157 : vector<1x512xf32>
    %add3A_1159 = arith.constant 9.99999996E-13 : f32
    %add3A_1160 = vector.broadcast %add3A_1159 : f32 to vector<1x512xf32>
    %add3A_1161 = arith.addf %sub3A_1158, %add3A_1160 : vector<1x512xf32>
    %div3A_1162 = arith.divf %sub3A_1151, %add3A_1161 : vector<1x512xf32>
    %sub3A_1163 = arith.subf %min3A_1141, %div3A_1162 : vector<1x512xf32>
    %jit3A_1164 = arith.constant 1.000000e+00 : f32
    %jit3A_1165 = arith.constant 2.000000e+00 : f32
    %max3A_1166 = vector.broadcast %jit3A_1164 : f32 to vector<1x512xf32>
    %max3A_1167 = arith.maximumf %max3A_1166, %sub3A_1163 : vector<1x512xf32>
    %min3A_1168 = vector.broadcast %jit3A_1165 : f32 to vector<1x512xf32>
    %min3A_1169 = arith.minimumf %min3A_1168, %max3A_1167 : vector<1x512xf32>
    %mul3A_1170 = arith.mulf %min3A_1169, %min3A_1169 : vector<1x512xf32>
    %mul3A_1171 = arith.mulf %mul3A_1170, %min3A_1169 : vector<1x512xf32>
    %mul3A_1172 = arith.constant 3.000000e+00 : f32
    %mul3A_1173 = vector.broadcast %mul3A_1172 : f32 to vector<1x512xf32>
    %mul3A_1174 = arith.mulf %mul3A_1173, %min3A_1169 : vector<1x512xf32>
    %sub3A_1175 = arith.subf %mul3A_1171, %mul3A_1174 : vector<1x512xf32>
    %mul3A_1176 = arith.constant 2.000000e+00 : f32
    %mul3A_1177 = vector.broadcast %mul3A_1176 : f32 to vector<1x512xf32>
    %mul3A_1178 = arith.mulf %mul3A_1177, %neg3A_887 : vector<1x512xf32>
    %sub3A_1179 = arith.subf %sub3A_1175, %mul3A_1178 : vector<1x512xf32>
    %mul3A_1180 = arith.constant 3.000000e+00 : f32
    %mul3A_1181 = vector.broadcast %mul3A_1180 : f32 to vector<1x512xf32>
    %mul3A_1182 = arith.mulf %mul3A_1181, %min3A_1169 : vector<1x512xf32>
    %mul3A_1183 = arith.mulf %mul3A_1182, %min3A_1169 : vector<1x512xf32>
    %sub3A_1184 = arith.constant 3.000000e+00 : f32
    %sub3A_1185 = vector.broadcast %sub3A_1184 : f32 to vector<1x512xf32>
    %sub3A_1186 = arith.subf %mul3A_1183, %sub3A_1185 : vector<1x512xf32>
    %add3A_1187 = arith.constant 9.99999996E-13 : f32
    %add3A_1188 = vector.broadcast %add3A_1187 : f32 to vector<1x512xf32>
    %add3A_1189 = arith.addf %sub3A_1186, %add3A_1188 : vector<1x512xf32>
    %div3A_1190 = arith.divf %sub3A_1179, %add3A_1189 : vector<1x512xf32>
    %sub3A_1191 = arith.subf %min3A_1169, %div3A_1190 : vector<1x512xf32>
    %jit3A_1192 = arith.constant 1.000000e+00 : f32
    %jit3A_1193 = arith.constant 2.000000e+00 : f32
    %max3A_1194 = vector.broadcast %jit3A_1192 : f32 to vector<1x512xf32>
    %max3A_1195 = arith.maximumf %max3A_1194, %sub3A_1191 : vector<1x512xf32>
    %min3A_1196 = vector.broadcast %jit3A_1193 : f32 to vector<1x512xf32>
    %min3A_1197 = arith.minimumf %min3A_1196, %max3A_1195 : vector<1x512xf32>
    %mul3A_1198 = arith.mulf %min3A_1197, %min3A_1197 : vector<1x512xf32>
    %mul3A_1199 = arith.mulf %mul3A_1198, %min3A_1197 : vector<1x512xf32>
    %mul3A_1200 = arith.constant 3.000000e+00 : f32
    %mul3A_1201 = vector.broadcast %mul3A_1200 : f32 to vector<1x512xf32>
    %mul3A_1202 = arith.mulf %mul3A_1201, %min3A_1197 : vector<1x512xf32>
    %sub3A_1203 = arith.subf %mul3A_1199, %mul3A_1202 : vector<1x512xf32>
    %mul3A_1204 = arith.constant 2.000000e+00 : f32
    %mul3A_1205 = vector.broadcast %mul3A_1204 : f32 to vector<1x512xf32>
    %mul3A_1206 = arith.mulf %mul3A_1205, %neg3A_887 : vector<1x512xf32>
    %sub3A_1207 = arith.subf %sub3A_1203, %mul3A_1206 : vector<1x512xf32>
    %mul3A_1208 = arith.constant 3.000000e+00 : f32
    %mul3A_1209 = vector.broadcast %mul3A_1208 : f32 to vector<1x512xf32>
    %mul3A_1210 = arith.mulf %mul3A_1209, %min3A_1197 : vector<1x512xf32>
    %mul3A_1211 = arith.mulf %mul3A_1210, %min3A_1197 : vector<1x512xf32>
    %sub3A_1212 = arith.constant 3.000000e+00 : f32
    %sub3A_1213 = vector.broadcast %sub3A_1212 : f32 to vector<1x512xf32>
    %sub3A_1214 = arith.subf %mul3A_1211, %sub3A_1213 : vector<1x512xf32>
    %add3A_1215 = arith.constant 9.99999996E-13 : f32
    %add3A_1216 = vector.broadcast %add3A_1215 : f32 to vector<1x512xf32>
    %add3A_1217 = arith.addf %sub3A_1214, %add3A_1216 : vector<1x512xf32>
    %div3A_1218 = arith.divf %sub3A_1207, %add3A_1217 : vector<1x512xf32>
    %sub3A_1219 = arith.subf %min3A_1197, %div3A_1218 : vector<1x512xf32>
    %jit3A_1220 = arith.constant 1.000000e+00 : f32
    %jit3A_1221 = arith.constant 2.000000e+00 : f32
    %max3A_1222 = vector.broadcast %jit3A_1220 : f32 to vector<1x512xf32>
    %max3A_1223 = arith.maximumf %max3A_1222, %sub3A_1219 : vector<1x512xf32>
    %min3A_1224 = vector.broadcast %jit3A_1221 : f32 to vector<1x512xf32>
    %min3A_1225 = arith.minimumf %min3A_1224, %max3A_1223 : vector<1x512xf32>
    %mul3A_1226 = arith.mulf %min3A_1225, %min3A_1225 : vector<1x512xf32>
    %mul3A_1227 = arith.mulf %mul3A_1226, %min3A_1225 : vector<1x512xf32>
    %mul3A_1228 = arith.constant 3.000000e+00 : f32
    %mul3A_1229 = vector.broadcast %mul3A_1228 : f32 to vector<1x512xf32>
    %mul3A_1230 = arith.mulf %mul3A_1229, %min3A_1225 : vector<1x512xf32>
    %sub3A_1231 = arith.subf %mul3A_1227, %mul3A_1230 : vector<1x512xf32>
    %mul3A_1232 = arith.constant 2.000000e+00 : f32
    %mul3A_1233 = vector.broadcast %mul3A_1232 : f32 to vector<1x512xf32>
    %mul3A_1234 = arith.mulf %mul3A_1233, %neg3A_887 : vector<1x512xf32>
    %sub3A_1235 = arith.subf %sub3A_1231, %mul3A_1234 : vector<1x512xf32>
    %mul3A_1236 = arith.constant 3.000000e+00 : f32
    %mul3A_1237 = vector.broadcast %mul3A_1236 : f32 to vector<1x512xf32>
    %mul3A_1238 = arith.mulf %mul3A_1237, %min3A_1225 : vector<1x512xf32>
    %mul3A_1239 = arith.mulf %mul3A_1238, %min3A_1225 : vector<1x512xf32>
    %sub3A_1240 = arith.constant 3.000000e+00 : f32
    %sub3A_1241 = vector.broadcast %sub3A_1240 : f32 to vector<1x512xf32>
    %sub3A_1242 = arith.subf %mul3A_1239, %sub3A_1241 : vector<1x512xf32>
    %add3A_1243 = arith.constant 9.99999996E-13 : f32
    %add3A_1244 = vector.broadcast %add3A_1243 : f32 to vector<1x512xf32>
    %add3A_1245 = arith.addf %sub3A_1242, %add3A_1244 : vector<1x512xf32>
    %div3A_1246 = arith.divf %sub3A_1235, %add3A_1245 : vector<1x512xf32>
    %sub3A_1247 = arith.subf %min3A_1225, %div3A_1246 : vector<1x512xf32>
    %jit3A_1248 = arith.constant 1.000000e+00 : f32
    %jit3A_1249 = arith.constant 2.000000e+00 : f32
    %max3A_1250 = vector.broadcast %jit3A_1248 : f32 to vector<1x512xf32>
    %max3A_1251 = arith.maximumf %max3A_1250, %sub3A_1247 : vector<1x512xf32>
    %min3A_1252 = vector.broadcast %jit3A_1249 : f32 to vector<1x512xf32>
    %min3A_1253 = arith.minimumf %min3A_1252, %max3A_1251 : vector<1x512xf32>
    %mul3A_1254 = arith.mulf %min3A_1253, %min3A_1253 : vector<1x512xf32>
    %mul3A_1255 = arith.mulf %mul3A_1254, %min3A_1253 : vector<1x512xf32>
    %mul3A_1256 = arith.constant 3.000000e+00 : f32
    %mul3A_1257 = vector.broadcast %mul3A_1256 : f32 to vector<1x512xf32>
    %mul3A_1258 = arith.mulf %mul3A_1257, %min3A_1253 : vector<1x512xf32>
    %sub3A_1259 = arith.subf %mul3A_1255, %mul3A_1258 : vector<1x512xf32>
    %mul3A_1260 = arith.constant 2.000000e+00 : f32
    %mul3A_1261 = vector.broadcast %mul3A_1260 : f32 to vector<1x512xf32>
    %mul3A_1262 = arith.mulf %mul3A_1261, %neg3A_887 : vector<1x512xf32>
    %sub3A_1263 = arith.subf %sub3A_1259, %mul3A_1262 : vector<1x512xf32>
    %mul3A_1264 = arith.constant 3.000000e+00 : f32
    %mul3A_1265 = vector.broadcast %mul3A_1264 : f32 to vector<1x512xf32>
    %mul3A_1266 = arith.mulf %mul3A_1265, %min3A_1253 : vector<1x512xf32>
    %mul3A_1267 = arith.mulf %mul3A_1266, %min3A_1253 : vector<1x512xf32>
    %sub3A_1268 = arith.constant 3.000000e+00 : f32
    %sub3A_1269 = vector.broadcast %sub3A_1268 : f32 to vector<1x512xf32>
    %sub3A_1270 = arith.subf %mul3A_1267, %sub3A_1269 : vector<1x512xf32>
    %add3A_1271 = arith.constant 9.99999996E-13 : f32
    %add3A_1272 = vector.broadcast %add3A_1271 : f32 to vector<1x512xf32>
    %add3A_1273 = arith.addf %sub3A_1270, %add3A_1272 : vector<1x512xf32>
    %div3A_1274 = arith.divf %sub3A_1263, %add3A_1273 : vector<1x512xf32>
    %sub3A_1275 = arith.subf %min3A_1253, %div3A_1274 : vector<1x512xf32>
    %jit3A_1276 = arith.constant 1.000000e+00 : f32
    %jit3A_1277 = arith.constant 2.000000e+00 : f32
    %max3A_1278 = vector.broadcast %jit3A_1276 : f32 to vector<1x512xf32>
    %max3A_1279 = arith.maximumf %max3A_1278, %sub3A_1275 : vector<1x512xf32>
    %min3A_1280 = vector.broadcast %jit3A_1277 : f32 to vector<1x512xf32>
    %min3A_1281 = arith.minimumf %min3A_1280, %max3A_1279 : vector<1x512xf32>
    %mul3A_1282 = arith.mulf %min3A_1281, %min3A_1281 : vector<1x512xf32>
    %mul3A_1283 = arith.mulf %mul3A_1282, %min3A_1281 : vector<1x512xf32>
    %mul3A_1284 = arith.constant 3.000000e+00 : f32
    %mul3A_1285 = vector.broadcast %mul3A_1284 : f32 to vector<1x512xf32>
    %mul3A_1286 = arith.mulf %mul3A_1285, %min3A_1281 : vector<1x512xf32>
    %sub3A_1287 = arith.subf %mul3A_1283, %mul3A_1286 : vector<1x512xf32>
    %mul3A_1288 = arith.constant 2.000000e+00 : f32
    %mul3A_1289 = vector.broadcast %mul3A_1288 : f32 to vector<1x512xf32>
    %mul3A_1290 = arith.mulf %mul3A_1289, %neg3A_887 : vector<1x512xf32>
    %sub3A_1291 = arith.subf %sub3A_1287, %mul3A_1290 : vector<1x512xf32>
    %mul3A_1292 = arith.constant 3.000000e+00 : f32
    %mul3A_1293 = vector.broadcast %mul3A_1292 : f32 to vector<1x512xf32>
    %mul3A_1294 = arith.mulf %mul3A_1293, %min3A_1281 : vector<1x512xf32>
    %mul3A_1295 = arith.mulf %mul3A_1294, %min3A_1281 : vector<1x512xf32>
    %sub3A_1296 = arith.constant 3.000000e+00 : f32
    %sub3A_1297 = vector.broadcast %sub3A_1296 : f32 to vector<1x512xf32>
    %sub3A_1298 = arith.subf %mul3A_1295, %sub3A_1297 : vector<1x512xf32>
    %add3A_1299 = arith.constant 9.99999996E-13 : f32
    %add3A_1300 = vector.broadcast %add3A_1299 : f32 to vector<1x512xf32>
    %add3A_1301 = arith.addf %sub3A_1298, %add3A_1300 : vector<1x512xf32>
    %div3A_1302 = arith.divf %sub3A_1291, %add3A_1301 : vector<1x512xf32>
    %sub3A_1303 = arith.subf %min3A_1281, %div3A_1302 : vector<1x512xf32>
    %jit3A_1304 = arith.constant 1.000000e+00 : f32
    %jit3A_1305 = arith.constant 2.000000e+00 : f32
    %max3A_1306 = vector.broadcast %jit3A_1304 : f32 to vector<1x512xf32>
    %max3A_1307 = arith.maximumf %max3A_1306, %sub3A_1303 : vector<1x512xf32>
    %min3A_1308 = vector.broadcast %jit3A_1305 : f32 to vector<1x512xf32>
    %min3A_1309 = arith.minimumf %min3A_1308, %max3A_1307 : vector<1x512xf32>
    %mul3A_1310 = arith.mulf %min3A_1309, %min3A_1309 : vector<1x512xf32>
    %mul3A_1311 = arith.mulf %mul3A_1310, %min3A_1309 : vector<1x512xf32>
    %mul3A_1312 = arith.constant 3.000000e+00 : f32
    %mul3A_1313 = vector.broadcast %mul3A_1312 : f32 to vector<1x512xf32>
    %mul3A_1314 = arith.mulf %mul3A_1313, %min3A_1309 : vector<1x512xf32>
    %sub3A_1315 = arith.subf %mul3A_1311, %mul3A_1314 : vector<1x512xf32>
    %mul3A_1316 = arith.constant 2.000000e+00 : f32
    %mul3A_1317 = vector.broadcast %mul3A_1316 : f32 to vector<1x512xf32>
    %mul3A_1318 = arith.mulf %mul3A_1317, %neg3A_887 : vector<1x512xf32>
    %sub3A_1319 = arith.subf %sub3A_1315, %mul3A_1318 : vector<1x512xf32>
    %mul3A_1320 = arith.constant 3.000000e+00 : f32
    %mul3A_1321 = vector.broadcast %mul3A_1320 : f32 to vector<1x512xf32>
    %mul3A_1322 = arith.mulf %mul3A_1321, %min3A_1309 : vector<1x512xf32>
    %mul3A_1323 = arith.mulf %mul3A_1322, %min3A_1309 : vector<1x512xf32>
    %sub3A_1324 = arith.constant 3.000000e+00 : f32
    %sub3A_1325 = vector.broadcast %sub3A_1324 : f32 to vector<1x512xf32>
    %sub3A_1326 = arith.subf %mul3A_1323, %sub3A_1325 : vector<1x512xf32>
    %add3A_1327 = arith.constant 9.99999996E-13 : f32
    %add3A_1328 = vector.broadcast %add3A_1327 : f32 to vector<1x512xf32>
    %add3A_1329 = arith.addf %sub3A_1326, %add3A_1328 : vector<1x512xf32>
    %div3A_1330 = arith.divf %sub3A_1319, %add3A_1329 : vector<1x512xf32>
    %sub3A_1331 = arith.subf %min3A_1309, %div3A_1330 : vector<1x512xf32>
    %jit3A_1332 = arith.constant 1.000000e+00 : f32
    %jit3A_1333 = arith.constant 2.000000e+00 : f32
    %max3A_1334 = vector.broadcast %jit3A_1332 : f32 to vector<1x512xf32>
    %max3A_1335 = arith.maximumf %max3A_1334, %sub3A_1331 : vector<1x512xf32>
    %min3A_1336 = vector.broadcast %jit3A_1333 : f32 to vector<1x512xf32>
    %min3A_1337 = arith.minimumf %min3A_1336, %max3A_1335 : vector<1x512xf32>
    %mul3A_1338 = arith.mulf %min3A_1337, %min3A_1337 : vector<1x512xf32>
    %mul3A_1339 = arith.mulf %mul3A_1338, %min3A_1337 : vector<1x512xf32>
    %mul3A_1340 = arith.constant 3.000000e+00 : f32
    %mul3A_1341 = vector.broadcast %mul3A_1340 : f32 to vector<1x512xf32>
    %mul3A_1342 = arith.mulf %mul3A_1341, %min3A_1337 : vector<1x512xf32>
    %sub3A_1343 = arith.subf %mul3A_1339, %mul3A_1342 : vector<1x512xf32>
    %mul3A_1344 = arith.constant 2.000000e+00 : f32
    %mul3A_1345 = vector.broadcast %mul3A_1344 : f32 to vector<1x512xf32>
    %mul3A_1346 = arith.mulf %mul3A_1345, %neg3A_887 : vector<1x512xf32>
    %sub3A_1347 = arith.subf %sub3A_1343, %mul3A_1346 : vector<1x512xf32>
    %mul3A_1348 = arith.constant 3.000000e+00 : f32
    %mul3A_1349 = vector.broadcast %mul3A_1348 : f32 to vector<1x512xf32>
    %mul3A_1350 = arith.mulf %mul3A_1349, %min3A_1337 : vector<1x512xf32>
    %mul3A_1351 = arith.mulf %mul3A_1350, %min3A_1337 : vector<1x512xf32>
    %sub3A_1352 = arith.constant 3.000000e+00 : f32
    %sub3A_1353 = vector.broadcast %sub3A_1352 : f32 to vector<1x512xf32>
    %sub3A_1354 = arith.subf %mul3A_1351, %sub3A_1353 : vector<1x512xf32>
    %add3A_1355 = arith.constant 9.99999996E-13 : f32
    %add3A_1356 = vector.broadcast %add3A_1355 : f32 to vector<1x512xf32>
    %add3A_1357 = arith.addf %sub3A_1354, %add3A_1356 : vector<1x512xf32>
    %div3A_1358 = arith.divf %sub3A_1347, %add3A_1357 : vector<1x512xf32>
    %sub3A_1359 = arith.subf %min3A_1337, %div3A_1358 : vector<1x512xf32>
    %jit3A_1360 = arith.constant 1.000000e+00 : f32
    %jit3A_1361 = arith.constant 2.000000e+00 : f32
    %max3A_1362 = vector.broadcast %jit3A_1360 : f32 to vector<1x512xf32>
    %max3A_1363 = arith.maximumf %max3A_1362, %sub3A_1359 : vector<1x512xf32>
    %min3A_1364 = vector.broadcast %jit3A_1361 : f32 to vector<1x512xf32>
    %min3A_1365 = arith.minimumf %min3A_1364, %max3A_1363 : vector<1x512xf32>
    %mul3A_1366 = arith.mulf %min3A_1365, %min3A_1365 : vector<1x512xf32>
    %mul3A_1367 = arith.mulf %mul3A_1366, %min3A_1365 : vector<1x512xf32>
    %mul3A_1368 = arith.constant 3.000000e+00 : f32
    %mul3A_1369 = vector.broadcast %mul3A_1368 : f32 to vector<1x512xf32>
    %mul3A_1370 = arith.mulf %mul3A_1369, %min3A_1365 : vector<1x512xf32>
    %sub3A_1371 = arith.subf %mul3A_1367, %mul3A_1370 : vector<1x512xf32>
    %mul3A_1372 = arith.constant 2.000000e+00 : f32
    %mul3A_1373 = vector.broadcast %mul3A_1372 : f32 to vector<1x512xf32>
    %mul3A_1374 = arith.mulf %mul3A_1373, %neg3A_887 : vector<1x512xf32>
    %sub3A_1375 = arith.subf %sub3A_1371, %mul3A_1374 : vector<1x512xf32>
    %mul3A_1376 = arith.constant 3.000000e+00 : f32
    %mul3A_1377 = vector.broadcast %mul3A_1376 : f32 to vector<1x512xf32>
    %mul3A_1378 = arith.mulf %mul3A_1377, %min3A_1365 : vector<1x512xf32>
    %mul3A_1379 = arith.mulf %mul3A_1378, %min3A_1365 : vector<1x512xf32>
    %sub3A_1380 = arith.constant 3.000000e+00 : f32
    %sub3A_1381 = vector.broadcast %sub3A_1380 : f32 to vector<1x512xf32>
    %sub3A_1382 = arith.subf %mul3A_1379, %sub3A_1381 : vector<1x512xf32>
    %add3A_1383 = arith.constant 9.99999996E-13 : f32
    %add3A_1384 = vector.broadcast %add3A_1383 : f32 to vector<1x512xf32>
    %add3A_1385 = arith.addf %sub3A_1382, %add3A_1384 : vector<1x512xf32>
    %div3A_1386 = arith.divf %sub3A_1375, %add3A_1385 : vector<1x512xf32>
    %sub3A_1387 = arith.subf %min3A_1365, %div3A_1386 : vector<1x512xf32>
    %jit3A_1388 = arith.constant 1.000000e+00 : f32
    %jit3A_1389 = arith.constant 2.000000e+00 : f32
    %max3A_1390 = vector.broadcast %jit3A_1388 : f32 to vector<1x512xf32>
    %max3A_1391 = arith.maximumf %max3A_1390, %sub3A_1387 : vector<1x512xf32>
    %min3A_1392 = vector.broadcast %jit3A_1389 : f32 to vector<1x512xf32>
    %min3A_1393 = arith.minimumf %min3A_1392, %max3A_1391 : vector<1x512xf32>
    %mul3A_1394 = arith.mulf %min3A_1393, %min3A_1393 : vector<1x512xf32>
    %mul3A_1395 = arith.mulf %mul3A_1394, %min3A_1393 : vector<1x512xf32>
    %mul3A_1396 = arith.constant 3.000000e+00 : f32
    %mul3A_1397 = vector.broadcast %mul3A_1396 : f32 to vector<1x512xf32>
    %mul3A_1398 = arith.mulf %mul3A_1397, %min3A_1393 : vector<1x512xf32>
    %sub3A_1399 = arith.subf %mul3A_1395, %mul3A_1398 : vector<1x512xf32>
    %mul3A_1400 = arith.constant 2.000000e+00 : f32
    %mul3A_1401 = vector.broadcast %mul3A_1400 : f32 to vector<1x512xf32>
    %mul3A_1402 = arith.mulf %mul3A_1401, %neg3A_887 : vector<1x512xf32>
    %sub3A_1403 = arith.subf %sub3A_1399, %mul3A_1402 : vector<1x512xf32>
    %mul3A_1404 = arith.constant 3.000000e+00 : f32
    %mul3A_1405 = vector.broadcast %mul3A_1404 : f32 to vector<1x512xf32>
    %mul3A_1406 = arith.mulf %mul3A_1405, %min3A_1393 : vector<1x512xf32>
    %mul3A_1407 = arith.mulf %mul3A_1406, %min3A_1393 : vector<1x512xf32>
    %sub3A_1408 = arith.constant 3.000000e+00 : f32
    %sub3A_1409 = vector.broadcast %sub3A_1408 : f32 to vector<1x512xf32>
    %sub3A_1410 = arith.subf %mul3A_1407, %sub3A_1409 : vector<1x512xf32>
    %add3A_1411 = arith.constant 9.99999996E-13 : f32
    %add3A_1412 = vector.broadcast %add3A_1411 : f32 to vector<1x512xf32>
    %add3A_1413 = arith.addf %sub3A_1410, %add3A_1412 : vector<1x512xf32>
    %div3A_1414 = arith.divf %sub3A_1403, %add3A_1413 : vector<1x512xf32>
    %sub3A_1415 = arith.subf %min3A_1393, %div3A_1414 : vector<1x512xf32>
    %jit3A_1416 = arith.constant 1.000000e+00 : f32
    %jit3A_1417 = arith.constant 2.000000e+00 : f32
    %max3A_1418 = vector.broadcast %jit3A_1416 : f32 to vector<1x512xf32>
    %max3A_1419 = arith.maximumf %max3A_1418, %sub3A_1415 : vector<1x512xf32>
    %min3A_1420 = vector.broadcast %jit3A_1417 : f32 to vector<1x512xf32>
    %min3A_1421 = arith.minimumf %min3A_1420, %max3A_1419 : vector<1x512xf32>
    %mul3A_1422 = arith.mulf %min3A_1421, %min3A_1421 : vector<1x512xf32>
    %mul3A_1423 = arith.mulf %mul3A_1422, %min3A_1421 : vector<1x512xf32>
    %mul3A_1424 = arith.constant 3.000000e+00 : f32
    %mul3A_1425 = vector.broadcast %mul3A_1424 : f32 to vector<1x512xf32>
    %mul3A_1426 = arith.mulf %mul3A_1425, %min3A_1421 : vector<1x512xf32>
    %sub3A_1427 = arith.subf %mul3A_1423, %mul3A_1426 : vector<1x512xf32>
    %mul3A_1428 = arith.constant 2.000000e+00 : f32
    %mul3A_1429 = vector.broadcast %mul3A_1428 : f32 to vector<1x512xf32>
    %mul3A_1430 = arith.mulf %mul3A_1429, %neg3A_887 : vector<1x512xf32>
    %sub3A_1431 = arith.subf %sub3A_1427, %mul3A_1430 : vector<1x512xf32>
    %mul3A_1432 = arith.constant 3.000000e+00 : f32
    %mul3A_1433 = vector.broadcast %mul3A_1432 : f32 to vector<1x512xf32>
    %mul3A_1434 = arith.mulf %mul3A_1433, %min3A_1421 : vector<1x512xf32>
    %mul3A_1435 = arith.mulf %mul3A_1434, %min3A_1421 : vector<1x512xf32>
    %sub3A_1436 = arith.constant 3.000000e+00 : f32
    %sub3A_1437 = vector.broadcast %sub3A_1436 : f32 to vector<1x512xf32>
    %sub3A_1438 = arith.subf %mul3A_1435, %sub3A_1437 : vector<1x512xf32>
    %add3A_1439 = arith.constant 9.99999996E-13 : f32
    %add3A_1440 = vector.broadcast %add3A_1439 : f32 to vector<1x512xf32>
    %add3A_1441 = arith.addf %sub3A_1438, %add3A_1440 : vector<1x512xf32>
    %div3A_1442 = arith.divf %sub3A_1431, %add3A_1441 : vector<1x512xf32>
    %sub3A_1443 = arith.subf %min3A_1421, %div3A_1442 : vector<1x512xf32>
    %jit3A_1444 = arith.constant 1.000000e+00 : f32
    %jit3A_1445 = arith.constant 2.000000e+00 : f32
    %max3A_1446 = vector.broadcast %jit3A_1444 : f32 to vector<1x512xf32>
    %max3A_1447 = arith.maximumf %max3A_1446, %sub3A_1443 : vector<1x512xf32>
    %min3A_1448 = vector.broadcast %jit3A_1445 : f32 to vector<1x512xf32>
    %min3A_1449 = arith.minimumf %min3A_1448, %max3A_1447 : vector<1x512xf32>
    %mul3A_1450 = arith.mulf %min3A_1449, %min3A_1449 : vector<1x512xf32>
    %mul3A_1451 = arith.mulf %mul3A_1450, %min3A_1449 : vector<1x512xf32>
    %mul3A_1452 = arith.constant 3.000000e+00 : f32
    %mul3A_1453 = vector.broadcast %mul3A_1452 : f32 to vector<1x512xf32>
    %mul3A_1454 = arith.mulf %mul3A_1453, %min3A_1449 : vector<1x512xf32>
    %sub3A_1455 = arith.subf %mul3A_1451, %mul3A_1454 : vector<1x512xf32>
    %mul3A_1456 = arith.constant 2.000000e+00 : f32
    %mul3A_1457 = vector.broadcast %mul3A_1456 : f32 to vector<1x512xf32>
    %mul3A_1458 = arith.mulf %mul3A_1457, %neg3A_887 : vector<1x512xf32>
    %sub3A_1459 = arith.subf %sub3A_1455, %mul3A_1458 : vector<1x512xf32>
    %mul3A_1460 = arith.constant 3.000000e+00 : f32
    %mul3A_1461 = vector.broadcast %mul3A_1460 : f32 to vector<1x512xf32>
    %mul3A_1462 = arith.mulf %mul3A_1461, %min3A_1449 : vector<1x512xf32>
    %mul3A_1463 = arith.mulf %mul3A_1462, %min3A_1449 : vector<1x512xf32>
    %sub3A_1464 = arith.constant 3.000000e+00 : f32
    %sub3A_1465 = vector.broadcast %sub3A_1464 : f32 to vector<1x512xf32>
    %sub3A_1466 = arith.subf %mul3A_1463, %sub3A_1465 : vector<1x512xf32>
    %add3A_1467 = arith.constant 9.99999996E-13 : f32
    %add3A_1468 = vector.broadcast %add3A_1467 : f32 to vector<1x512xf32>
    %add3A_1469 = arith.addf %sub3A_1466, %add3A_1468 : vector<1x512xf32>
    %div3A_1470 = arith.divf %sub3A_1459, %add3A_1469 : vector<1x512xf32>
    %sub3A_1471 = arith.subf %min3A_1449, %div3A_1470 : vector<1x512xf32>
    %jit3A_1472 = arith.constant 1.000000e+00 : f32
    %jit3A_1473 = arith.constant 2.000000e+00 : f32
    %max3A_1474 = vector.broadcast %jit3A_1472 : f32 to vector<1x512xf32>
    %max3A_1475 = arith.maximumf %max3A_1474, %sub3A_1471 : vector<1x512xf32>
    %min3A_1476 = vector.broadcast %jit3A_1473 : f32 to vector<1x512xf32>
    %min3A_1477 = arith.minimumf %min3A_1476, %max3A_1475 : vector<1x512xf32>
    %mul3A_1478 = arith.mulf %min3A_1477, %min3A_1477 : vector<1x512xf32>
    %mul3A_1479 = arith.mulf %mul3A_1478, %min3A_1477 : vector<1x512xf32>
    %mul3A_1480 = arith.constant 3.000000e+00 : f32
    %mul3A_1481 = vector.broadcast %mul3A_1480 : f32 to vector<1x512xf32>
    %mul3A_1482 = arith.mulf %mul3A_1481, %min3A_1477 : vector<1x512xf32>
    %sub3A_1483 = arith.subf %mul3A_1479, %mul3A_1482 : vector<1x512xf32>
    %mul3A_1484 = arith.constant 2.000000e+00 : f32
    %mul3A_1485 = vector.broadcast %mul3A_1484 : f32 to vector<1x512xf32>
    %mul3A_1486 = arith.mulf %mul3A_1485, %neg3A_887 : vector<1x512xf32>
    %sub3A_1487 = arith.subf %sub3A_1483, %mul3A_1486 : vector<1x512xf32>
    %mul3A_1488 = arith.constant 3.000000e+00 : f32
    %mul3A_1489 = vector.broadcast %mul3A_1488 : f32 to vector<1x512xf32>
    %mul3A_1490 = arith.mulf %mul3A_1489, %min3A_1477 : vector<1x512xf32>
    %mul3A_1491 = arith.mulf %mul3A_1490, %min3A_1477 : vector<1x512xf32>
    %sub3A_1492 = arith.constant 3.000000e+00 : f32
    %sub3A_1493 = vector.broadcast %sub3A_1492 : f32 to vector<1x512xf32>
    %sub3A_1494 = arith.subf %mul3A_1491, %sub3A_1493 : vector<1x512xf32>
    %add3A_1495 = arith.constant 9.99999996E-13 : f32
    %add3A_1496 = vector.broadcast %add3A_1495 : f32 to vector<1x512xf32>
    %add3A_1497 = arith.addf %sub3A_1494, %add3A_1496 : vector<1x512xf32>
    %div3A_1498 = arith.divf %sub3A_1487, %add3A_1497 : vector<1x512xf32>
    %sub3A_1499 = arith.subf %min3A_1477, %div3A_1498 : vector<1x512xf32>
    %jit3A_1500 = arith.constant 1.000000e+00 : f32
    %jit3A_1501 = arith.constant 2.000000e+00 : f32
    %max3A_1502 = vector.broadcast %jit3A_1500 : f32 to vector<1x512xf32>
    %max3A_1503 = arith.maximumf %max3A_1502, %sub3A_1499 : vector<1x512xf32>
    %min3A_1504 = vector.broadcast %jit3A_1501 : f32 to vector<1x512xf32>
    %min3A_1505 = arith.minimumf %min3A_1504, %max3A_1503 : vector<1x512xf32>
    %mul3A_1506 = arith.mulf %min3A_1505, %min3A_1505 : vector<1x512xf32>
    %mul3A_1507 = arith.mulf %mul3A_1506, %min3A_1505 : vector<1x512xf32>
    %mul3A_1508 = arith.constant 3.000000e+00 : f32
    %mul3A_1509 = vector.broadcast %mul3A_1508 : f32 to vector<1x512xf32>
    %mul3A_1510 = arith.mulf %mul3A_1509, %min3A_1505 : vector<1x512xf32>
    %sub3A_1511 = arith.subf %mul3A_1507, %mul3A_1510 : vector<1x512xf32>
    %mul3A_1512 = arith.constant 2.000000e+00 : f32
    %mul3A_1513 = vector.broadcast %mul3A_1512 : f32 to vector<1x512xf32>
    %mul3A_1514 = arith.mulf %mul3A_1513, %neg3A_887 : vector<1x512xf32>
    %sub3A_1515 = arith.subf %sub3A_1511, %mul3A_1514 : vector<1x512xf32>
    %mul3A_1516 = arith.constant 3.000000e+00 : f32
    %mul3A_1517 = vector.broadcast %mul3A_1516 : f32 to vector<1x512xf32>
    %mul3A_1518 = arith.mulf %mul3A_1517, %min3A_1505 : vector<1x512xf32>
    %mul3A_1519 = arith.mulf %mul3A_1518, %min3A_1505 : vector<1x512xf32>
    %sub3A_1520 = arith.constant 3.000000e+00 : f32
    %sub3A_1521 = vector.broadcast %sub3A_1520 : f32 to vector<1x512xf32>
    %sub3A_1522 = arith.subf %mul3A_1519, %sub3A_1521 : vector<1x512xf32>
    %add3A_1523 = arith.constant 9.99999996E-13 : f32
    %add3A_1524 = vector.broadcast %add3A_1523 : f32 to vector<1x512xf32>
    %add3A_1525 = arith.addf %sub3A_1522, %add3A_1524 : vector<1x512xf32>
    %div3A_1526 = arith.divf %sub3A_1515, %add3A_1525 : vector<1x512xf32>
    %sub3A_1527 = arith.subf %min3A_1505, %div3A_1526 : vector<1x512xf32>
    %jit3A_1528 = arith.constant 1.000000e+00 : f32
    %jit3A_1529 = arith.constant 2.000000e+00 : f32
    %max3A_1530 = vector.broadcast %jit3A_1528 : f32 to vector<1x512xf32>
    %max3A_1531 = arith.maximumf %max3A_1530, %sub3A_1527 : vector<1x512xf32>
    %min3A_1532 = vector.broadcast %jit3A_1529 : f32 to vector<1x512xf32>
    %min3A_1533 = arith.minimumf %min3A_1532, %max3A_1531 : vector<1x512xf32>
    %mul3A_1534 = arith.mulf %min3A_1533, %min3A_1533 : vector<1x512xf32>
    %mul3A_1535 = arith.mulf %mul3A_1534, %min3A_1533 : vector<1x512xf32>
    %mul3A_1536 = arith.constant 3.000000e+00 : f32
    %mul3A_1537 = vector.broadcast %mul3A_1536 : f32 to vector<1x512xf32>
    %mul3A_1538 = arith.mulf %mul3A_1537, %min3A_1533 : vector<1x512xf32>
    %sub3A_1539 = arith.subf %mul3A_1535, %mul3A_1538 : vector<1x512xf32>
    %mul3A_1540 = arith.constant 2.000000e+00 : f32
    %mul3A_1541 = vector.broadcast %mul3A_1540 : f32 to vector<1x512xf32>
    %mul3A_1542 = arith.mulf %mul3A_1541, %neg3A_887 : vector<1x512xf32>
    %sub3A_1543 = arith.subf %sub3A_1539, %mul3A_1542 : vector<1x512xf32>
    %mul3A_1544 = arith.constant 3.000000e+00 : f32
    %mul3A_1545 = vector.broadcast %mul3A_1544 : f32 to vector<1x512xf32>
    %mul3A_1546 = arith.mulf %mul3A_1545, %min3A_1533 : vector<1x512xf32>
    %mul3A_1547 = arith.mulf %mul3A_1546, %min3A_1533 : vector<1x512xf32>
    %sub3A_1548 = arith.constant 3.000000e+00 : f32
    %sub3A_1549 = vector.broadcast %sub3A_1548 : f32 to vector<1x512xf32>
    %sub3A_1550 = arith.subf %mul3A_1547, %sub3A_1549 : vector<1x512xf32>
    %add3A_1551 = arith.constant 9.99999996E-13 : f32
    %add3A_1552 = vector.broadcast %add3A_1551 : f32 to vector<1x512xf32>
    %add3A_1553 = arith.addf %sub3A_1550, %add3A_1552 : vector<1x512xf32>
    %div3A_1554 = arith.divf %sub3A_1543, %add3A_1553 : vector<1x512xf32>
    %sub3A_1555 = arith.subf %min3A_1533, %div3A_1554 : vector<1x512xf32>
    %jit3A_1556 = arith.constant 1.000000e+00 : f32
    %jit3A_1557 = arith.constant 2.000000e+00 : f32
    %max3A_1558 = vector.broadcast %jit3A_1556 : f32 to vector<1x512xf32>
    %max3A_1559 = arith.maximumf %max3A_1558, %sub3A_1555 : vector<1x512xf32>
    %min3A_1560 = vector.broadcast %jit3A_1557 : f32 to vector<1x512xf32>
    %min3A_1561 = arith.minimumf %min3A_1560, %max3A_1559 : vector<1x512xf32>
    %mul3A_1562 = arith.mulf %sqrt3A, %min3A_1561 : vector<1x512xf32>
    %sub3A_1563 = arith.subf %mul3A_151, %mul3A_1562 : vector<1x512xf32>
    %max3A_1564 = arith.constant 0.000000e+00 : f32
    %max3A_1565 = vector.broadcast %max3A_1564 : f32 to vector<1x512xf32>
    %max3A_1566 = arith.maximumf %add3A_885, %max3A_1565 : vector<1x512xf32>
    %sqrt3A_1567 = math.sqrt %max3A_1566 : vector<1x512xf32>
    %max3A_1568 = arith.constant 0.000000e+00 : f32
    %max3A_1569 = vector.broadcast %max3A_1568 : f32 to vector<1x512xf32>
    %max3A_1570 = arith.maximumf %sub3A_1563, %max3A_1569 : vector<1x512xf32>
    %sqrt3A_1571 = math.sqrt %max3A_1570 : vector<1x512xf32>
    %add3A_1572 = arith.addf %sqrt3A_1567, %sqrt3A_1571 : vector<1x512xf32>
    %add3A_1573 = arith.constant 1.000000e-30 : f32
    %add3A_1574 = vector.broadcast %add3A_1573 : f32 to vector<1x512xf32>
    %add3A_1575 = arith.addf %add3A_1572, %add3A_1574 : vector<1x512xf32>
    %div3A_1576 = arith.divf %sqrt3A_1567, %add3A_1575 : vector<1x512xf32>
    %mul3A_1577 = arith.mulf %get3A_53, %div3A_104 : vector<1x512xf32>
    %mul3A_1578 = arith.mulf %get3A_58, %div3A_104 : vector<1x512xf32>
    %mul3A_1579 = arith.mulf %get3A_63, %div3A_104 : vector<1x512xf32>
    %mul3A_1580 = arith.constant 2.000000e+00 : f32
    %mul3A_1581 = vector.broadcast %mul3A_1580 : f32 to vector<1x512xf32>
    %mul3A_1582 = arith.mulf %mul3A_1581, %mul3A_1577 : vector<1x512xf32>
    %mul3A_1583 = arith.mulf %mul3A_1582, %get3A_53 : vector<1x512xf32>
    %sub3A_1584 = arith.subf %get3A_68, %mul3A_1583 : vector<1x512xf32>
    %mul3A_1585 = arith.constant 1.600000e+01 : f32
    %mul3A_1586 = vector.broadcast %mul3A_1585 : f32 to vector<1x512xf32>
    %mul3A_1587 = arith.mulf %mul3A_1586, %mul3A_1577 : vector<1x512xf32>
    %mul3A_1588 = arith.mulf %mul3A_1587, %mul3A_1577 : vector<1x512xf32>
    %add3A_1589 = arith.addf %sub3A_1584, %mul3A_1588 : vector<1x512xf32>
    %mul3A_1590 = arith.constant 2.000000e+00 : f32
    %mul3A_1591 = vector.broadcast %mul3A_1590 : f32 to vector<1x512xf32>
    %mul3A_1592 = arith.mulf %mul3A_1591, %mul3A_1578 : vector<1x512xf32>
    %mul3A_1593 = arith.mulf %mul3A_1592, %get3A_58 : vector<1x512xf32>
    %sub3A_1594 = arith.subf %get3A_73, %mul3A_1593 : vector<1x512xf32>
    %mul3A_1595 = arith.constant 1.600000e+01 : f32
    %mul3A_1596 = vector.broadcast %mul3A_1595 : f32 to vector<1x512xf32>
    %mul3A_1597 = arith.mulf %mul3A_1596, %mul3A_1578 : vector<1x512xf32>
    %mul3A_1598 = arith.mulf %mul3A_1597, %mul3A_1578 : vector<1x512xf32>
    %add3A_1599 = arith.addf %sub3A_1594, %mul3A_1598 : vector<1x512xf32>
    %mul3A_1600 = arith.constant 2.000000e+00 : f32
    %mul3A_1601 = vector.broadcast %mul3A_1600 : f32 to vector<1x512xf32>
    %mul3A_1602 = arith.mulf %mul3A_1601, %mul3A_1579 : vector<1x512xf32>
    %mul3A_1603 = arith.mulf %mul3A_1602, %get3A_63 : vector<1x512xf32>
    %sub3A_1604 = arith.subf %get3A_78, %mul3A_1603 : vector<1x512xf32>
    %mul3A_1605 = arith.constant 1.600000e+01 : f32
    %mul3A_1606 = vector.broadcast %mul3A_1605 : f32 to vector<1x512xf32>
    %mul3A_1607 = arith.mulf %mul3A_1606, %mul3A_1579 : vector<1x512xf32>
    %mul3A_1608 = arith.mulf %mul3A_1607, %mul3A_1579 : vector<1x512xf32>
    %add3A_1609 = arith.addf %sub3A_1604, %mul3A_1608 : vector<1x512xf32>
    %mul3A_1610 = arith.mulf %mul3A_1577, %get3A_58 : vector<1x512xf32>
    %sub3A_1611 = arith.subf %get3A_83, %mul3A_1610 : vector<1x512xf32>
    %mul3A_1612 = arith.mulf %mul3A_1578, %get3A_53 : vector<1x512xf32>
    %sub3A_1613 = arith.subf %sub3A_1611, %mul3A_1612 : vector<1x512xf32>
    %mul3A_1614 = arith.constant 1.600000e+01 : f32
    %mul3A_1615 = vector.broadcast %mul3A_1614 : f32 to vector<1x512xf32>
    %mul3A_1616 = arith.mulf %mul3A_1615, %mul3A_1577 : vector<1x512xf32>
    %mul3A_1617 = arith.mulf %mul3A_1616, %mul3A_1578 : vector<1x512xf32>
    %add3A_1618 = arith.addf %sub3A_1613, %mul3A_1617 : vector<1x512xf32>
    %mul3A_1619 = arith.mulf %mul3A_1577, %get3A_63 : vector<1x512xf32>
    %sub3A_1620 = arith.subf %get3A_88, %mul3A_1619 : vector<1x512xf32>
    %mul3A_1621 = arith.mulf %mul3A_1579, %get3A_53 : vector<1x512xf32>
    %sub3A_1622 = arith.subf %sub3A_1620, %mul3A_1621 : vector<1x512xf32>
    %mul3A_1623 = arith.constant 1.600000e+01 : f32
    %mul3A_1624 = vector.broadcast %mul3A_1623 : f32 to vector<1x512xf32>
    %mul3A_1625 = arith.mulf %mul3A_1624, %mul3A_1577 : vector<1x512xf32>
    %mul3A_1626 = arith.mulf %mul3A_1625, %mul3A_1579 : vector<1x512xf32>
    %add3A_1627 = arith.addf %sub3A_1622, %mul3A_1626 : vector<1x512xf32>
    %mul3A_1628 = arith.mulf %mul3A_1578, %get3A_63 : vector<1x512xf32>
    %sub3A_1629 = arith.subf %get3A_93, %mul3A_1628 : vector<1x512xf32>
    %mul3A_1630 = arith.mulf %mul3A_1579, %get3A_58 : vector<1x512xf32>
    %sub3A_1631 = arith.subf %sub3A_1629, %mul3A_1630 : vector<1x512xf32>
    %mul3A_1632 = arith.constant 1.600000e+01 : f32
    %mul3A_1633 = vector.broadcast %mul3A_1632 : f32 to vector<1x512xf32>
    %mul3A_1634 = arith.mulf %mul3A_1633, %mul3A_1578 : vector<1x512xf32>
    %mul3A_1635 = arith.mulf %mul3A_1634, %mul3A_1579 : vector<1x512xf32>
    %add3A_1636 = arith.addf %sub3A_1631, %mul3A_1635 : vector<1x512xf32>
    %add3A_1637 = arith.addf %add3A_1589, %add3A_1599 : vector<1x512xf32>
    %add3A_1638 = arith.addf %add3A_1637, %add3A_1609 : vector<1x512xf32>
    %mul3A_1639 = arith.constant 0.333333343 : f32
    %mul3A_1640 = vector.broadcast %mul3A_1639 : f32 to vector<1x512xf32>
    %mul3A_1641 = arith.mulf %add3A_1638, %mul3A_1640 : vector<1x512xf32>
    %mul3A_1642 = arith.mulf %add3A_1618, %add3A_1618 : vector<1x512xf32>
    %mul3A_1643 = arith.mulf %add3A_1627, %add3A_1627 : vector<1x512xf32>
    %add3A_1644 = arith.addf %mul3A_1642, %mul3A_1643 : vector<1x512xf32>
    %mul3A_1645 = arith.mulf %add3A_1636, %add3A_1636 : vector<1x512xf32>
    %add3A_1646 = arith.addf %add3A_1644, %mul3A_1645 : vector<1x512xf32>
    %sub3A_1647 = arith.subf %add3A_1589, %mul3A_1641 : vector<1x512xf32>
    %sub3A_1648 = arith.subf %add3A_1599, %mul3A_1641 : vector<1x512xf32>
    %sub3A_1649 = arith.subf %add3A_1609, %mul3A_1641 : vector<1x512xf32>
    %mul3A_1650 = arith.mulf %sub3A_1647, %sub3A_1647 : vector<1x512xf32>
    %mul3A_1651 = arith.mulf %sub3A_1648, %sub3A_1648 : vector<1x512xf32>
    %add3A_1652 = arith.addf %mul3A_1650, %mul3A_1651 : vector<1x512xf32>
    %mul3A_1653 = arith.mulf %sub3A_1649, %sub3A_1649 : vector<1x512xf32>
    %add3A_1654 = arith.addf %add3A_1652, %mul3A_1653 : vector<1x512xf32>
    %mul3A_1655 = arith.constant 2.000000e+00 : f32
    %mul3A_1656 = vector.broadcast %mul3A_1655 : f32 to vector<1x512xf32>
    %mul3A_1657 = arith.mulf %mul3A_1656, %add3A_1646 : vector<1x512xf32>
    %add3A_1658 = arith.addf %add3A_1654, %mul3A_1657 : vector<1x512xf32>
    %mul3A_1659 = arith.constant 0.166666672 : f32
    %mul3A_1660 = vector.broadcast %mul3A_1659 : f32 to vector<1x512xf32>
    %mul3A_1661 = arith.mulf %add3A_1658, %mul3A_1660 : vector<1x512xf32>
    %max3A_1662 = arith.constant 0.000000e+00 : f32
    %max3A_1663 = vector.broadcast %max3A_1662 : f32 to vector<1x512xf32>
    %max3A_1664 = arith.maximumf %mul3A_1661, %max3A_1663 : vector<1x512xf32>
    %sqrt3A_1665 = math.sqrt %max3A_1664 : vector<1x512xf32>
    %gt3A_1666 = arith.constant 1.000000e-30 : f32
    %gt3A_1667 = vector.broadcast %gt3A_1666 : f32 to vector<1x512xf32>
    %gt3A_1668 = arith.cmpf ogt, %sqrt3A_1665, %gt3A_1667 : vector<1x512xf32>
    %max3A_1669 = arith.constant 1.000000e-30 : f32
    %max3A_1670 = vector.broadcast %max3A_1669 : f32 to vector<1x512xf32>
    %max3A_1671 = arith.maximumf %sqrt3A_1665, %max3A_1670 : vector<1x512xf32>
    %div3A_1672 = arith.constant 1.000000e+00 : f32
    %div3A_1673 = vector.broadcast %div3A_1672 : f32 to vector<1x512xf32>
    %div3A_1674 = arith.divf %div3A_1673, %max3A_1671 : vector<1x512xf32>
    %jit3A_1675 = arith.constant 0.000000e+00 : f32
    %broadcast_in_dim3A_1676 = vector.broadcast %jit3A_1675 : f32 to vector<1x512xf32>
    %select_n3A_1677 = arith.select %gt3A_1668, %div3A_1674, %broadcast_in_dim3A_1676 : vector<1x512xi1>, vector<1x512xf32>
    %mul3A_1678 = arith.mulf %sub3A_1647, %select_n3A_1677 : vector<1x512xf32>
    %mul3A_1679 = arith.mulf %sub3A_1648, %select_n3A_1677 : vector<1x512xf32>
    %mul3A_1680 = arith.mulf %sub3A_1649, %select_n3A_1677 : vector<1x512xf32>
    %mul3A_1681 = arith.mulf %add3A_1618, %select_n3A_1677 : vector<1x512xf32>
    %mul3A_1682 = arith.mulf %add3A_1627, %select_n3A_1677 : vector<1x512xf32>
    %mul3A_1683 = arith.mulf %add3A_1636, %select_n3A_1677 : vector<1x512xf32>
    %mul3A_1684 = arith.mulf %mul3A_1679, %mul3A_1680 : vector<1x512xf32>
    %mul3A_1685 = arith.mulf %mul3A_1683, %mul3A_1683 : vector<1x512xf32>
    %sub3A_1686 = arith.subf %mul3A_1684, %mul3A_1685 : vector<1x512xf32>
    %mul3A_1687 = arith.mulf %mul3A_1678, %sub3A_1686 : vector<1x512xf32>
    %mul3A_1688 = arith.mulf %mul3A_1681, %mul3A_1680 : vector<1x512xf32>
    %mul3A_1689 = arith.mulf %mul3A_1683, %mul3A_1682 : vector<1x512xf32>
    %sub3A_1690 = arith.subf %mul3A_1688, %mul3A_1689 : vector<1x512xf32>
    %mul3A_1691 = arith.mulf %mul3A_1681, %sub3A_1690 : vector<1x512xf32>
    %sub3A_1692 = arith.subf %mul3A_1687, %mul3A_1691 : vector<1x512xf32>
    %mul3A_1693 = arith.mulf %mul3A_1681, %mul3A_1683 : vector<1x512xf32>
    %mul3A_1694 = arith.mulf %mul3A_1679, %mul3A_1682 : vector<1x512xf32>
    %sub3A_1695 = arith.subf %mul3A_1693, %mul3A_1694 : vector<1x512xf32>
    %mul3A_1696 = arith.mulf %mul3A_1682, %sub3A_1695 : vector<1x512xf32>
    %add3A_1697 = arith.addf %sub3A_1692, %mul3A_1696 : vector<1x512xf32>
    %mul3A_1698 = arith.constant 5.000000e-01 : f32
    %mul3A_1699 = vector.broadcast %mul3A_1698 : f32 to vector<1x512xf32>
    %mul3A_1700 = arith.mulf %mul3A_1699, %add3A_1697 : vector<1x512xf32>
    %jit3A_1701 = arith.constant -1.000000e+00 : f32
    %jit3A_1702 = arith.constant 1.000000e+00 : f32
    %max3A_1703 = vector.broadcast %jit3A_1701 : f32 to vector<1x512xf32>
    %max3A_1704 = arith.maximumf %max3A_1703, %mul3A_1700 : vector<1x512xf32>
    %min3A_1705 = vector.broadcast %jit3A_1702 : f32 to vector<1x512xf32>
    %min3A_1706 = arith.minimumf %min3A_1705, %max3A_1704 : vector<1x512xf32>
    %broadcast_in_dim3A_1707 = arith.constant 2.000000e+00 : f32
    %broadcast_in_dim3A_1708 = vector.broadcast %broadcast_in_dim3A_1707 : f32 to vector<1x512xf32>
    %mul3A_1709 = arith.mulf %broadcast_in_dim3A_1708, %broadcast_in_dim3A_1708 : vector<1x512xf32>
    %mul3A_1710 = arith.mulf %mul3A_1709, %broadcast_in_dim3A_1708 : vector<1x512xf32>
    %mul3A_1711 = arith.constant 3.000000e+00 : f32
    %mul3A_1712 = vector.broadcast %mul3A_1711 : f32 to vector<1x512xf32>
    %mul3A_1713 = arith.mulf %mul3A_1712, %broadcast_in_dim3A_1708 : vector<1x512xf32>
    %sub3A_1714 = arith.subf %mul3A_1710, %mul3A_1713 : vector<1x512xf32>
    %mul3A_1715 = arith.constant 2.000000e+00 : f32
    %mul3A_1716 = vector.broadcast %mul3A_1715 : f32 to vector<1x512xf32>
    %mul3A_1717 = arith.mulf %mul3A_1716, %min3A_1706 : vector<1x512xf32>
    %sub3A_1718 = arith.subf %sub3A_1714, %mul3A_1717 : vector<1x512xf32>
    %mul3A_1719 = arith.constant 3.000000e+00 : f32
    %mul3A_1720 = vector.broadcast %mul3A_1719 : f32 to vector<1x512xf32>
    %mul3A_1721 = arith.mulf %mul3A_1720, %broadcast_in_dim3A_1708 : vector<1x512xf32>
    %mul3A_1722 = arith.mulf %mul3A_1721, %broadcast_in_dim3A_1708 : vector<1x512xf32>
    %sub3A_1723 = arith.constant 3.000000e+00 : f32
    %sub3A_1724 = vector.broadcast %sub3A_1723 : f32 to vector<1x512xf32>
    %sub3A_1725 = arith.subf %mul3A_1722, %sub3A_1724 : vector<1x512xf32>
    %add3A_1726 = arith.constant 9.99999996E-13 : f32
    %add3A_1727 = vector.broadcast %add3A_1726 : f32 to vector<1x512xf32>
    %add3A_1728 = arith.addf %sub3A_1725, %add3A_1727 : vector<1x512xf32>
    %div3A_1729 = arith.divf %sub3A_1718, %add3A_1728 : vector<1x512xf32>
    %sub3A_1730 = arith.subf %broadcast_in_dim3A_1708, %div3A_1729 : vector<1x512xf32>
    %jit3A_1731 = arith.constant 1.000000e+00 : f32
    %jit3A_1732 = arith.constant 2.000000e+00 : f32
    %max3A_1733 = vector.broadcast %jit3A_1731 : f32 to vector<1x512xf32>
    %max3A_1734 = arith.maximumf %max3A_1733, %sub3A_1730 : vector<1x512xf32>
    %min3A_1735 = vector.broadcast %jit3A_1732 : f32 to vector<1x512xf32>
    %min3A_1736 = arith.minimumf %min3A_1735, %max3A_1734 : vector<1x512xf32>
    %mul3A_1737 = arith.mulf %min3A_1736, %min3A_1736 : vector<1x512xf32>
    %mul3A_1738 = arith.mulf %mul3A_1737, %min3A_1736 : vector<1x512xf32>
    %mul3A_1739 = arith.constant 3.000000e+00 : f32
    %mul3A_1740 = vector.broadcast %mul3A_1739 : f32 to vector<1x512xf32>
    %mul3A_1741 = arith.mulf %mul3A_1740, %min3A_1736 : vector<1x512xf32>
    %sub3A_1742 = arith.subf %mul3A_1738, %mul3A_1741 : vector<1x512xf32>
    %mul3A_1743 = arith.constant 2.000000e+00 : f32
    %mul3A_1744 = vector.broadcast %mul3A_1743 : f32 to vector<1x512xf32>
    %mul3A_1745 = arith.mulf %mul3A_1744, %min3A_1706 : vector<1x512xf32>
    %sub3A_1746 = arith.subf %sub3A_1742, %mul3A_1745 : vector<1x512xf32>
    %mul3A_1747 = arith.constant 3.000000e+00 : f32
    %mul3A_1748 = vector.broadcast %mul3A_1747 : f32 to vector<1x512xf32>
    %mul3A_1749 = arith.mulf %mul3A_1748, %min3A_1736 : vector<1x512xf32>
    %mul3A_1750 = arith.mulf %mul3A_1749, %min3A_1736 : vector<1x512xf32>
    %sub3A_1751 = arith.constant 3.000000e+00 : f32
    %sub3A_1752 = vector.broadcast %sub3A_1751 : f32 to vector<1x512xf32>
    %sub3A_1753 = arith.subf %mul3A_1750, %sub3A_1752 : vector<1x512xf32>
    %add3A_1754 = arith.constant 9.99999996E-13 : f32
    %add3A_1755 = vector.broadcast %add3A_1754 : f32 to vector<1x512xf32>
    %add3A_1756 = arith.addf %sub3A_1753, %add3A_1755 : vector<1x512xf32>
    %div3A_1757 = arith.divf %sub3A_1746, %add3A_1756 : vector<1x512xf32>
    %sub3A_1758 = arith.subf %min3A_1736, %div3A_1757 : vector<1x512xf32>
    %jit3A_1759 = arith.constant 1.000000e+00 : f32
    %jit3A_1760 = arith.constant 2.000000e+00 : f32
    %max3A_1761 = vector.broadcast %jit3A_1759 : f32 to vector<1x512xf32>
    %max3A_1762 = arith.maximumf %max3A_1761, %sub3A_1758 : vector<1x512xf32>
    %min3A_1763 = vector.broadcast %jit3A_1760 : f32 to vector<1x512xf32>
    %min3A_1764 = arith.minimumf %min3A_1763, %max3A_1762 : vector<1x512xf32>
    %mul3A_1765 = arith.mulf %min3A_1764, %min3A_1764 : vector<1x512xf32>
    %mul3A_1766 = arith.mulf %mul3A_1765, %min3A_1764 : vector<1x512xf32>
    %mul3A_1767 = arith.constant 3.000000e+00 : f32
    %mul3A_1768 = vector.broadcast %mul3A_1767 : f32 to vector<1x512xf32>
    %mul3A_1769 = arith.mulf %mul3A_1768, %min3A_1764 : vector<1x512xf32>
    %sub3A_1770 = arith.subf %mul3A_1766, %mul3A_1769 : vector<1x512xf32>
    %mul3A_1771 = arith.constant 2.000000e+00 : f32
    %mul3A_1772 = vector.broadcast %mul3A_1771 : f32 to vector<1x512xf32>
    %mul3A_1773 = arith.mulf %mul3A_1772, %min3A_1706 : vector<1x512xf32>
    %sub3A_1774 = arith.subf %sub3A_1770, %mul3A_1773 : vector<1x512xf32>
    %mul3A_1775 = arith.constant 3.000000e+00 : f32
    %mul3A_1776 = vector.broadcast %mul3A_1775 : f32 to vector<1x512xf32>
    %mul3A_1777 = arith.mulf %mul3A_1776, %min3A_1764 : vector<1x512xf32>
    %mul3A_1778 = arith.mulf %mul3A_1777, %min3A_1764 : vector<1x512xf32>
    %sub3A_1779 = arith.constant 3.000000e+00 : f32
    %sub3A_1780 = vector.broadcast %sub3A_1779 : f32 to vector<1x512xf32>
    %sub3A_1781 = arith.subf %mul3A_1778, %sub3A_1780 : vector<1x512xf32>
    %add3A_1782 = arith.constant 9.99999996E-13 : f32
    %add3A_1783 = vector.broadcast %add3A_1782 : f32 to vector<1x512xf32>
    %add3A_1784 = arith.addf %sub3A_1781, %add3A_1783 : vector<1x512xf32>
    %div3A_1785 = arith.divf %sub3A_1774, %add3A_1784 : vector<1x512xf32>
    %sub3A_1786 = arith.subf %min3A_1764, %div3A_1785 : vector<1x512xf32>
    %jit3A_1787 = arith.constant 1.000000e+00 : f32
    %jit3A_1788 = arith.constant 2.000000e+00 : f32
    %max3A_1789 = vector.broadcast %jit3A_1787 : f32 to vector<1x512xf32>
    %max3A_1790 = arith.maximumf %max3A_1789, %sub3A_1786 : vector<1x512xf32>
    %min3A_1791 = vector.broadcast %jit3A_1788 : f32 to vector<1x512xf32>
    %min3A_1792 = arith.minimumf %min3A_1791, %max3A_1790 : vector<1x512xf32>
    %mul3A_1793 = arith.mulf %min3A_1792, %min3A_1792 : vector<1x512xf32>
    %mul3A_1794 = arith.mulf %mul3A_1793, %min3A_1792 : vector<1x512xf32>
    %mul3A_1795 = arith.constant 3.000000e+00 : f32
    %mul3A_1796 = vector.broadcast %mul3A_1795 : f32 to vector<1x512xf32>
    %mul3A_1797 = arith.mulf %mul3A_1796, %min3A_1792 : vector<1x512xf32>
    %sub3A_1798 = arith.subf %mul3A_1794, %mul3A_1797 : vector<1x512xf32>
    %mul3A_1799 = arith.constant 2.000000e+00 : f32
    %mul3A_1800 = vector.broadcast %mul3A_1799 : f32 to vector<1x512xf32>
    %mul3A_1801 = arith.mulf %mul3A_1800, %min3A_1706 : vector<1x512xf32>
    %sub3A_1802 = arith.subf %sub3A_1798, %mul3A_1801 : vector<1x512xf32>
    %mul3A_1803 = arith.constant 3.000000e+00 : f32
    %mul3A_1804 = vector.broadcast %mul3A_1803 : f32 to vector<1x512xf32>
    %mul3A_1805 = arith.mulf %mul3A_1804, %min3A_1792 : vector<1x512xf32>
    %mul3A_1806 = arith.mulf %mul3A_1805, %min3A_1792 : vector<1x512xf32>
    %sub3A_1807 = arith.constant 3.000000e+00 : f32
    %sub3A_1808 = vector.broadcast %sub3A_1807 : f32 to vector<1x512xf32>
    %sub3A_1809 = arith.subf %mul3A_1806, %sub3A_1808 : vector<1x512xf32>
    %add3A_1810 = arith.constant 9.99999996E-13 : f32
    %add3A_1811 = vector.broadcast %add3A_1810 : f32 to vector<1x512xf32>
    %add3A_1812 = arith.addf %sub3A_1809, %add3A_1811 : vector<1x512xf32>
    %div3A_1813 = arith.divf %sub3A_1802, %add3A_1812 : vector<1x512xf32>
    %sub3A_1814 = arith.subf %min3A_1792, %div3A_1813 : vector<1x512xf32>
    %jit3A_1815 = arith.constant 1.000000e+00 : f32
    %jit3A_1816 = arith.constant 2.000000e+00 : f32
    %max3A_1817 = vector.broadcast %jit3A_1815 : f32 to vector<1x512xf32>
    %max3A_1818 = arith.maximumf %max3A_1817, %sub3A_1814 : vector<1x512xf32>
    %min3A_1819 = vector.broadcast %jit3A_1816 : f32 to vector<1x512xf32>
    %min3A_1820 = arith.minimumf %min3A_1819, %max3A_1818 : vector<1x512xf32>
    %mul3A_1821 = arith.mulf %min3A_1820, %min3A_1820 : vector<1x512xf32>
    %mul3A_1822 = arith.mulf %mul3A_1821, %min3A_1820 : vector<1x512xf32>
    %mul3A_1823 = arith.constant 3.000000e+00 : f32
    %mul3A_1824 = vector.broadcast %mul3A_1823 : f32 to vector<1x512xf32>
    %mul3A_1825 = arith.mulf %mul3A_1824, %min3A_1820 : vector<1x512xf32>
    %sub3A_1826 = arith.subf %mul3A_1822, %mul3A_1825 : vector<1x512xf32>
    %mul3A_1827 = arith.constant 2.000000e+00 : f32
    %mul3A_1828 = vector.broadcast %mul3A_1827 : f32 to vector<1x512xf32>
    %mul3A_1829 = arith.mulf %mul3A_1828, %min3A_1706 : vector<1x512xf32>
    %sub3A_1830 = arith.subf %sub3A_1826, %mul3A_1829 : vector<1x512xf32>
    %mul3A_1831 = arith.constant 3.000000e+00 : f32
    %mul3A_1832 = vector.broadcast %mul3A_1831 : f32 to vector<1x512xf32>
    %mul3A_1833 = arith.mulf %mul3A_1832, %min3A_1820 : vector<1x512xf32>
    %mul3A_1834 = arith.mulf %mul3A_1833, %min3A_1820 : vector<1x512xf32>
    %sub3A_1835 = arith.constant 3.000000e+00 : f32
    %sub3A_1836 = vector.broadcast %sub3A_1835 : f32 to vector<1x512xf32>
    %sub3A_1837 = arith.subf %mul3A_1834, %sub3A_1836 : vector<1x512xf32>
    %add3A_1838 = arith.constant 9.99999996E-13 : f32
    %add3A_1839 = vector.broadcast %add3A_1838 : f32 to vector<1x512xf32>
    %add3A_1840 = arith.addf %sub3A_1837, %add3A_1839 : vector<1x512xf32>
    %div3A_1841 = arith.divf %sub3A_1830, %add3A_1840 : vector<1x512xf32>
    %sub3A_1842 = arith.subf %min3A_1820, %div3A_1841 : vector<1x512xf32>
    %jit3A_1843 = arith.constant 1.000000e+00 : f32
    %jit3A_1844 = arith.constant 2.000000e+00 : f32
    %max3A_1845 = vector.broadcast %jit3A_1843 : f32 to vector<1x512xf32>
    %max3A_1846 = arith.maximumf %max3A_1845, %sub3A_1842 : vector<1x512xf32>
    %min3A_1847 = vector.broadcast %jit3A_1844 : f32 to vector<1x512xf32>
    %min3A_1848 = arith.minimumf %min3A_1847, %max3A_1846 : vector<1x512xf32>
    %mul3A_1849 = arith.mulf %min3A_1848, %min3A_1848 : vector<1x512xf32>
    %mul3A_1850 = arith.mulf %mul3A_1849, %min3A_1848 : vector<1x512xf32>
    %mul3A_1851 = arith.constant 3.000000e+00 : f32
    %mul3A_1852 = vector.broadcast %mul3A_1851 : f32 to vector<1x512xf32>
    %mul3A_1853 = arith.mulf %mul3A_1852, %min3A_1848 : vector<1x512xf32>
    %sub3A_1854 = arith.subf %mul3A_1850, %mul3A_1853 : vector<1x512xf32>
    %mul3A_1855 = arith.constant 2.000000e+00 : f32
    %mul3A_1856 = vector.broadcast %mul3A_1855 : f32 to vector<1x512xf32>
    %mul3A_1857 = arith.mulf %mul3A_1856, %min3A_1706 : vector<1x512xf32>
    %sub3A_1858 = arith.subf %sub3A_1854, %mul3A_1857 : vector<1x512xf32>
    %mul3A_1859 = arith.constant 3.000000e+00 : f32
    %mul3A_1860 = vector.broadcast %mul3A_1859 : f32 to vector<1x512xf32>
    %mul3A_1861 = arith.mulf %mul3A_1860, %min3A_1848 : vector<1x512xf32>
    %mul3A_1862 = arith.mulf %mul3A_1861, %min3A_1848 : vector<1x512xf32>
    %sub3A_1863 = arith.constant 3.000000e+00 : f32
    %sub3A_1864 = vector.broadcast %sub3A_1863 : f32 to vector<1x512xf32>
    %sub3A_1865 = arith.subf %mul3A_1862, %sub3A_1864 : vector<1x512xf32>
    %add3A_1866 = arith.constant 9.99999996E-13 : f32
    %add3A_1867 = vector.broadcast %add3A_1866 : f32 to vector<1x512xf32>
    %add3A_1868 = arith.addf %sub3A_1865, %add3A_1867 : vector<1x512xf32>
    %div3A_1869 = arith.divf %sub3A_1858, %add3A_1868 : vector<1x512xf32>
    %sub3A_1870 = arith.subf %min3A_1848, %div3A_1869 : vector<1x512xf32>
    %jit3A_1871 = arith.constant 1.000000e+00 : f32
    %jit3A_1872 = arith.constant 2.000000e+00 : f32
    %max3A_1873 = vector.broadcast %jit3A_1871 : f32 to vector<1x512xf32>
    %max3A_1874 = arith.maximumf %max3A_1873, %sub3A_1870 : vector<1x512xf32>
    %min3A_1875 = vector.broadcast %jit3A_1872 : f32 to vector<1x512xf32>
    %min3A_1876 = arith.minimumf %min3A_1875, %max3A_1874 : vector<1x512xf32>
    %mul3A_1877 = arith.mulf %min3A_1876, %min3A_1876 : vector<1x512xf32>
    %mul3A_1878 = arith.mulf %mul3A_1877, %min3A_1876 : vector<1x512xf32>
    %mul3A_1879 = arith.constant 3.000000e+00 : f32
    %mul3A_1880 = vector.broadcast %mul3A_1879 : f32 to vector<1x512xf32>
    %mul3A_1881 = arith.mulf %mul3A_1880, %min3A_1876 : vector<1x512xf32>
    %sub3A_1882 = arith.subf %mul3A_1878, %mul3A_1881 : vector<1x512xf32>
    %mul3A_1883 = arith.constant 2.000000e+00 : f32
    %mul3A_1884 = vector.broadcast %mul3A_1883 : f32 to vector<1x512xf32>
    %mul3A_1885 = arith.mulf %mul3A_1884, %min3A_1706 : vector<1x512xf32>
    %sub3A_1886 = arith.subf %sub3A_1882, %mul3A_1885 : vector<1x512xf32>
    %mul3A_1887 = arith.constant 3.000000e+00 : f32
    %mul3A_1888 = vector.broadcast %mul3A_1887 : f32 to vector<1x512xf32>
    %mul3A_1889 = arith.mulf %mul3A_1888, %min3A_1876 : vector<1x512xf32>
    %mul3A_1890 = arith.mulf %mul3A_1889, %min3A_1876 : vector<1x512xf32>
    %sub3A_1891 = arith.constant 3.000000e+00 : f32
    %sub3A_1892 = vector.broadcast %sub3A_1891 : f32 to vector<1x512xf32>
    %sub3A_1893 = arith.subf %mul3A_1890, %sub3A_1892 : vector<1x512xf32>
    %add3A_1894 = arith.constant 9.99999996E-13 : f32
    %add3A_1895 = vector.broadcast %add3A_1894 : f32 to vector<1x512xf32>
    %add3A_1896 = arith.addf %sub3A_1893, %add3A_1895 : vector<1x512xf32>
    %div3A_1897 = arith.divf %sub3A_1886, %add3A_1896 : vector<1x512xf32>
    %sub3A_1898 = arith.subf %min3A_1876, %div3A_1897 : vector<1x512xf32>
    %jit3A_1899 = arith.constant 1.000000e+00 : f32
    %jit3A_1900 = arith.constant 2.000000e+00 : f32
    %max3A_1901 = vector.broadcast %jit3A_1899 : f32 to vector<1x512xf32>
    %max3A_1902 = arith.maximumf %max3A_1901, %sub3A_1898 : vector<1x512xf32>
    %min3A_1903 = vector.broadcast %jit3A_1900 : f32 to vector<1x512xf32>
    %min3A_1904 = arith.minimumf %min3A_1903, %max3A_1902 : vector<1x512xf32>
    %mul3A_1905 = arith.mulf %min3A_1904, %min3A_1904 : vector<1x512xf32>
    %mul3A_1906 = arith.mulf %mul3A_1905, %min3A_1904 : vector<1x512xf32>
    %mul3A_1907 = arith.constant 3.000000e+00 : f32
    %mul3A_1908 = vector.broadcast %mul3A_1907 : f32 to vector<1x512xf32>
    %mul3A_1909 = arith.mulf %mul3A_1908, %min3A_1904 : vector<1x512xf32>
    %sub3A_1910 = arith.subf %mul3A_1906, %mul3A_1909 : vector<1x512xf32>
    %mul3A_1911 = arith.constant 2.000000e+00 : f32
    %mul3A_1912 = vector.broadcast %mul3A_1911 : f32 to vector<1x512xf32>
    %mul3A_1913 = arith.mulf %mul3A_1912, %min3A_1706 : vector<1x512xf32>
    %sub3A_1914 = arith.subf %sub3A_1910, %mul3A_1913 : vector<1x512xf32>
    %mul3A_1915 = arith.constant 3.000000e+00 : f32
    %mul3A_1916 = vector.broadcast %mul3A_1915 : f32 to vector<1x512xf32>
    %mul3A_1917 = arith.mulf %mul3A_1916, %min3A_1904 : vector<1x512xf32>
    %mul3A_1918 = arith.mulf %mul3A_1917, %min3A_1904 : vector<1x512xf32>
    %sub3A_1919 = arith.constant 3.000000e+00 : f32
    %sub3A_1920 = vector.broadcast %sub3A_1919 : f32 to vector<1x512xf32>
    %sub3A_1921 = arith.subf %mul3A_1918, %sub3A_1920 : vector<1x512xf32>
    %add3A_1922 = arith.constant 9.99999996E-13 : f32
    %add3A_1923 = vector.broadcast %add3A_1922 : f32 to vector<1x512xf32>
    %add3A_1924 = arith.addf %sub3A_1921, %add3A_1923 : vector<1x512xf32>
    %div3A_1925 = arith.divf %sub3A_1914, %add3A_1924 : vector<1x512xf32>
    %sub3A_1926 = arith.subf %min3A_1904, %div3A_1925 : vector<1x512xf32>
    %jit3A_1927 = arith.constant 1.000000e+00 : f32
    %jit3A_1928 = arith.constant 2.000000e+00 : f32
    %max3A_1929 = vector.broadcast %jit3A_1927 : f32 to vector<1x512xf32>
    %max3A_1930 = arith.maximumf %max3A_1929, %sub3A_1926 : vector<1x512xf32>
    %min3A_1931 = vector.broadcast %jit3A_1928 : f32 to vector<1x512xf32>
    %min3A_1932 = arith.minimumf %min3A_1931, %max3A_1930 : vector<1x512xf32>
    %mul3A_1933 = arith.mulf %min3A_1932, %min3A_1932 : vector<1x512xf32>
    %mul3A_1934 = arith.mulf %mul3A_1933, %min3A_1932 : vector<1x512xf32>
    %mul3A_1935 = arith.constant 3.000000e+00 : f32
    %mul3A_1936 = vector.broadcast %mul3A_1935 : f32 to vector<1x512xf32>
    %mul3A_1937 = arith.mulf %mul3A_1936, %min3A_1932 : vector<1x512xf32>
    %sub3A_1938 = arith.subf %mul3A_1934, %mul3A_1937 : vector<1x512xf32>
    %mul3A_1939 = arith.constant 2.000000e+00 : f32
    %mul3A_1940 = vector.broadcast %mul3A_1939 : f32 to vector<1x512xf32>
    %mul3A_1941 = arith.mulf %mul3A_1940, %min3A_1706 : vector<1x512xf32>
    %sub3A_1942 = arith.subf %sub3A_1938, %mul3A_1941 : vector<1x512xf32>
    %mul3A_1943 = arith.constant 3.000000e+00 : f32
    %mul3A_1944 = vector.broadcast %mul3A_1943 : f32 to vector<1x512xf32>
    %mul3A_1945 = arith.mulf %mul3A_1944, %min3A_1932 : vector<1x512xf32>
    %mul3A_1946 = arith.mulf %mul3A_1945, %min3A_1932 : vector<1x512xf32>
    %sub3A_1947 = arith.constant 3.000000e+00 : f32
    %sub3A_1948 = vector.broadcast %sub3A_1947 : f32 to vector<1x512xf32>
    %sub3A_1949 = arith.subf %mul3A_1946, %sub3A_1948 : vector<1x512xf32>
    %add3A_1950 = arith.constant 9.99999996E-13 : f32
    %add3A_1951 = vector.broadcast %add3A_1950 : f32 to vector<1x512xf32>
    %add3A_1952 = arith.addf %sub3A_1949, %add3A_1951 : vector<1x512xf32>
    %div3A_1953 = arith.divf %sub3A_1942, %add3A_1952 : vector<1x512xf32>
    %sub3A_1954 = arith.subf %min3A_1932, %div3A_1953 : vector<1x512xf32>
    %jit3A_1955 = arith.constant 1.000000e+00 : f32
    %jit3A_1956 = arith.constant 2.000000e+00 : f32
    %max3A_1957 = vector.broadcast %jit3A_1955 : f32 to vector<1x512xf32>
    %max3A_1958 = arith.maximumf %max3A_1957, %sub3A_1954 : vector<1x512xf32>
    %min3A_1959 = vector.broadcast %jit3A_1956 : f32 to vector<1x512xf32>
    %min3A_1960 = arith.minimumf %min3A_1959, %max3A_1958 : vector<1x512xf32>
    %mul3A_1961 = arith.mulf %min3A_1960, %min3A_1960 : vector<1x512xf32>
    %mul3A_1962 = arith.mulf %mul3A_1961, %min3A_1960 : vector<1x512xf32>
    %mul3A_1963 = arith.constant 3.000000e+00 : f32
    %mul3A_1964 = vector.broadcast %mul3A_1963 : f32 to vector<1x512xf32>
    %mul3A_1965 = arith.mulf %mul3A_1964, %min3A_1960 : vector<1x512xf32>
    %sub3A_1966 = arith.subf %mul3A_1962, %mul3A_1965 : vector<1x512xf32>
    %mul3A_1967 = arith.constant 2.000000e+00 : f32
    %mul3A_1968 = vector.broadcast %mul3A_1967 : f32 to vector<1x512xf32>
    %mul3A_1969 = arith.mulf %mul3A_1968, %min3A_1706 : vector<1x512xf32>
    %sub3A_1970 = arith.subf %sub3A_1966, %mul3A_1969 : vector<1x512xf32>
    %mul3A_1971 = arith.constant 3.000000e+00 : f32
    %mul3A_1972 = vector.broadcast %mul3A_1971 : f32 to vector<1x512xf32>
    %mul3A_1973 = arith.mulf %mul3A_1972, %min3A_1960 : vector<1x512xf32>
    %mul3A_1974 = arith.mulf %mul3A_1973, %min3A_1960 : vector<1x512xf32>
    %sub3A_1975 = arith.constant 3.000000e+00 : f32
    %sub3A_1976 = vector.broadcast %sub3A_1975 : f32 to vector<1x512xf32>
    %sub3A_1977 = arith.subf %mul3A_1974, %sub3A_1976 : vector<1x512xf32>
    %add3A_1978 = arith.constant 9.99999996E-13 : f32
    %add3A_1979 = vector.broadcast %add3A_1978 : f32 to vector<1x512xf32>
    %add3A_1980 = arith.addf %sub3A_1977, %add3A_1979 : vector<1x512xf32>
    %div3A_1981 = arith.divf %sub3A_1970, %add3A_1980 : vector<1x512xf32>
    %sub3A_1982 = arith.subf %min3A_1960, %div3A_1981 : vector<1x512xf32>
    %jit3A_1983 = arith.constant 1.000000e+00 : f32
    %jit3A_1984 = arith.constant 2.000000e+00 : f32
    %max3A_1985 = vector.broadcast %jit3A_1983 : f32 to vector<1x512xf32>
    %max3A_1986 = arith.maximumf %max3A_1985, %sub3A_1982 : vector<1x512xf32>
    %min3A_1987 = vector.broadcast %jit3A_1984 : f32 to vector<1x512xf32>
    %min3A_1988 = arith.minimumf %min3A_1987, %max3A_1986 : vector<1x512xf32>
    %mul3A_1989 = arith.mulf %min3A_1988, %min3A_1988 : vector<1x512xf32>
    %mul3A_1990 = arith.mulf %mul3A_1989, %min3A_1988 : vector<1x512xf32>
    %mul3A_1991 = arith.constant 3.000000e+00 : f32
    %mul3A_1992 = vector.broadcast %mul3A_1991 : f32 to vector<1x512xf32>
    %mul3A_1993 = arith.mulf %mul3A_1992, %min3A_1988 : vector<1x512xf32>
    %sub3A_1994 = arith.subf %mul3A_1990, %mul3A_1993 : vector<1x512xf32>
    %mul3A_1995 = arith.constant 2.000000e+00 : f32
    %mul3A_1996 = vector.broadcast %mul3A_1995 : f32 to vector<1x512xf32>
    %mul3A_1997 = arith.mulf %mul3A_1996, %min3A_1706 : vector<1x512xf32>
    %sub3A_1998 = arith.subf %sub3A_1994, %mul3A_1997 : vector<1x512xf32>
    %mul3A_1999 = arith.constant 3.000000e+00 : f32
    %mul3A_2000 = vector.broadcast %mul3A_1999 : f32 to vector<1x512xf32>
    %mul3A_2001 = arith.mulf %mul3A_2000, %min3A_1988 : vector<1x512xf32>
    %mul3A_2002 = arith.mulf %mul3A_2001, %min3A_1988 : vector<1x512xf32>
    %sub3A_2003 = arith.constant 3.000000e+00 : f32
    %sub3A_2004 = vector.broadcast %sub3A_2003 : f32 to vector<1x512xf32>
    %sub3A_2005 = arith.subf %mul3A_2002, %sub3A_2004 : vector<1x512xf32>
    %add3A_2006 = arith.constant 9.99999996E-13 : f32
    %add3A_2007 = vector.broadcast %add3A_2006 : f32 to vector<1x512xf32>
    %add3A_2008 = arith.addf %sub3A_2005, %add3A_2007 : vector<1x512xf32>
    %div3A_2009 = arith.divf %sub3A_1998, %add3A_2008 : vector<1x512xf32>
    %sub3A_2010 = arith.subf %min3A_1988, %div3A_2009 : vector<1x512xf32>
    %jit3A_2011 = arith.constant 1.000000e+00 : f32
    %jit3A_2012 = arith.constant 2.000000e+00 : f32
    %max3A_2013 = vector.broadcast %jit3A_2011 : f32 to vector<1x512xf32>
    %max3A_2014 = arith.maximumf %max3A_2013, %sub3A_2010 : vector<1x512xf32>
    %min3A_2015 = vector.broadcast %jit3A_2012 : f32 to vector<1x512xf32>
    %min3A_2016 = arith.minimumf %min3A_2015, %max3A_2014 : vector<1x512xf32>
    %mul3A_2017 = arith.mulf %min3A_2016, %min3A_2016 : vector<1x512xf32>
    %mul3A_2018 = arith.mulf %mul3A_2017, %min3A_2016 : vector<1x512xf32>
    %mul3A_2019 = arith.constant 3.000000e+00 : f32
    %mul3A_2020 = vector.broadcast %mul3A_2019 : f32 to vector<1x512xf32>
    %mul3A_2021 = arith.mulf %mul3A_2020, %min3A_2016 : vector<1x512xf32>
    %sub3A_2022 = arith.subf %mul3A_2018, %mul3A_2021 : vector<1x512xf32>
    %mul3A_2023 = arith.constant 2.000000e+00 : f32
    %mul3A_2024 = vector.broadcast %mul3A_2023 : f32 to vector<1x512xf32>
    %mul3A_2025 = arith.mulf %mul3A_2024, %min3A_1706 : vector<1x512xf32>
    %sub3A_2026 = arith.subf %sub3A_2022, %mul3A_2025 : vector<1x512xf32>
    %mul3A_2027 = arith.constant 3.000000e+00 : f32
    %mul3A_2028 = vector.broadcast %mul3A_2027 : f32 to vector<1x512xf32>
    %mul3A_2029 = arith.mulf %mul3A_2028, %min3A_2016 : vector<1x512xf32>
    %mul3A_2030 = arith.mulf %mul3A_2029, %min3A_2016 : vector<1x512xf32>
    %sub3A_2031 = arith.constant 3.000000e+00 : f32
    %sub3A_2032 = vector.broadcast %sub3A_2031 : f32 to vector<1x512xf32>
    %sub3A_2033 = arith.subf %mul3A_2030, %sub3A_2032 : vector<1x512xf32>
    %add3A_2034 = arith.constant 9.99999996E-13 : f32
    %add3A_2035 = vector.broadcast %add3A_2034 : f32 to vector<1x512xf32>
    %add3A_2036 = arith.addf %sub3A_2033, %add3A_2035 : vector<1x512xf32>
    %div3A_2037 = arith.divf %sub3A_2026, %add3A_2036 : vector<1x512xf32>
    %sub3A_2038 = arith.subf %min3A_2016, %div3A_2037 : vector<1x512xf32>
    %jit3A_2039 = arith.constant 1.000000e+00 : f32
    %jit3A_2040 = arith.constant 2.000000e+00 : f32
    %max3A_2041 = vector.broadcast %jit3A_2039 : f32 to vector<1x512xf32>
    %max3A_2042 = arith.maximumf %max3A_2041, %sub3A_2038 : vector<1x512xf32>
    %min3A_2043 = vector.broadcast %jit3A_2040 : f32 to vector<1x512xf32>
    %min3A_2044 = arith.minimumf %min3A_2043, %max3A_2042 : vector<1x512xf32>
    %mul3A_2045 = arith.mulf %min3A_2044, %min3A_2044 : vector<1x512xf32>
    %mul3A_2046 = arith.mulf %mul3A_2045, %min3A_2044 : vector<1x512xf32>
    %mul3A_2047 = arith.constant 3.000000e+00 : f32
    %mul3A_2048 = vector.broadcast %mul3A_2047 : f32 to vector<1x512xf32>
    %mul3A_2049 = arith.mulf %mul3A_2048, %min3A_2044 : vector<1x512xf32>
    %sub3A_2050 = arith.subf %mul3A_2046, %mul3A_2049 : vector<1x512xf32>
    %mul3A_2051 = arith.constant 2.000000e+00 : f32
    %mul3A_2052 = vector.broadcast %mul3A_2051 : f32 to vector<1x512xf32>
    %mul3A_2053 = arith.mulf %mul3A_2052, %min3A_1706 : vector<1x512xf32>
    %sub3A_2054 = arith.subf %sub3A_2050, %mul3A_2053 : vector<1x512xf32>
    %mul3A_2055 = arith.constant 3.000000e+00 : f32
    %mul3A_2056 = vector.broadcast %mul3A_2055 : f32 to vector<1x512xf32>
    %mul3A_2057 = arith.mulf %mul3A_2056, %min3A_2044 : vector<1x512xf32>
    %mul3A_2058 = arith.mulf %mul3A_2057, %min3A_2044 : vector<1x512xf32>
    %sub3A_2059 = arith.constant 3.000000e+00 : f32
    %sub3A_2060 = vector.broadcast %sub3A_2059 : f32 to vector<1x512xf32>
    %sub3A_2061 = arith.subf %mul3A_2058, %sub3A_2060 : vector<1x512xf32>
    %add3A_2062 = arith.constant 9.99999996E-13 : f32
    %add3A_2063 = vector.broadcast %add3A_2062 : f32 to vector<1x512xf32>
    %add3A_2064 = arith.addf %sub3A_2061, %add3A_2063 : vector<1x512xf32>
    %div3A_2065 = arith.divf %sub3A_2054, %add3A_2064 : vector<1x512xf32>
    %sub3A_2066 = arith.subf %min3A_2044, %div3A_2065 : vector<1x512xf32>
    %jit3A_2067 = arith.constant 1.000000e+00 : f32
    %jit3A_2068 = arith.constant 2.000000e+00 : f32
    %max3A_2069 = vector.broadcast %jit3A_2067 : f32 to vector<1x512xf32>
    %max3A_2070 = arith.maximumf %max3A_2069, %sub3A_2066 : vector<1x512xf32>
    %min3A_2071 = vector.broadcast %jit3A_2068 : f32 to vector<1x512xf32>
    %min3A_2072 = arith.minimumf %min3A_2071, %max3A_2070 : vector<1x512xf32>
    %mul3A_2073 = arith.mulf %min3A_2072, %min3A_2072 : vector<1x512xf32>
    %mul3A_2074 = arith.mulf %mul3A_2073, %min3A_2072 : vector<1x512xf32>
    %mul3A_2075 = arith.constant 3.000000e+00 : f32
    %mul3A_2076 = vector.broadcast %mul3A_2075 : f32 to vector<1x512xf32>
    %mul3A_2077 = arith.mulf %mul3A_2076, %min3A_2072 : vector<1x512xf32>
    %sub3A_2078 = arith.subf %mul3A_2074, %mul3A_2077 : vector<1x512xf32>
    %mul3A_2079 = arith.constant 2.000000e+00 : f32
    %mul3A_2080 = vector.broadcast %mul3A_2079 : f32 to vector<1x512xf32>
    %mul3A_2081 = arith.mulf %mul3A_2080, %min3A_1706 : vector<1x512xf32>
    %sub3A_2082 = arith.subf %sub3A_2078, %mul3A_2081 : vector<1x512xf32>
    %mul3A_2083 = arith.constant 3.000000e+00 : f32
    %mul3A_2084 = vector.broadcast %mul3A_2083 : f32 to vector<1x512xf32>
    %mul3A_2085 = arith.mulf %mul3A_2084, %min3A_2072 : vector<1x512xf32>
    %mul3A_2086 = arith.mulf %mul3A_2085, %min3A_2072 : vector<1x512xf32>
    %sub3A_2087 = arith.constant 3.000000e+00 : f32
    %sub3A_2088 = vector.broadcast %sub3A_2087 : f32 to vector<1x512xf32>
    %sub3A_2089 = arith.subf %mul3A_2086, %sub3A_2088 : vector<1x512xf32>
    %add3A_2090 = arith.constant 9.99999996E-13 : f32
    %add3A_2091 = vector.broadcast %add3A_2090 : f32 to vector<1x512xf32>
    %add3A_2092 = arith.addf %sub3A_2089, %add3A_2091 : vector<1x512xf32>
    %div3A_2093 = arith.divf %sub3A_2082, %add3A_2092 : vector<1x512xf32>
    %sub3A_2094 = arith.subf %min3A_2072, %div3A_2093 : vector<1x512xf32>
    %jit3A_2095 = arith.constant 1.000000e+00 : f32
    %jit3A_2096 = arith.constant 2.000000e+00 : f32
    %max3A_2097 = vector.broadcast %jit3A_2095 : f32 to vector<1x512xf32>
    %max3A_2098 = arith.maximumf %max3A_2097, %sub3A_2094 : vector<1x512xf32>
    %min3A_2099 = vector.broadcast %jit3A_2096 : f32 to vector<1x512xf32>
    %min3A_2100 = arith.minimumf %min3A_2099, %max3A_2098 : vector<1x512xf32>
    %mul3A_2101 = arith.mulf %min3A_2100, %min3A_2100 : vector<1x512xf32>
    %mul3A_2102 = arith.mulf %mul3A_2101, %min3A_2100 : vector<1x512xf32>
    %mul3A_2103 = arith.constant 3.000000e+00 : f32
    %mul3A_2104 = vector.broadcast %mul3A_2103 : f32 to vector<1x512xf32>
    %mul3A_2105 = arith.mulf %mul3A_2104, %min3A_2100 : vector<1x512xf32>
    %sub3A_2106 = arith.subf %mul3A_2102, %mul3A_2105 : vector<1x512xf32>
    %mul3A_2107 = arith.constant 2.000000e+00 : f32
    %mul3A_2108 = vector.broadcast %mul3A_2107 : f32 to vector<1x512xf32>
    %mul3A_2109 = arith.mulf %mul3A_2108, %min3A_1706 : vector<1x512xf32>
    %sub3A_2110 = arith.subf %sub3A_2106, %mul3A_2109 : vector<1x512xf32>
    %mul3A_2111 = arith.constant 3.000000e+00 : f32
    %mul3A_2112 = vector.broadcast %mul3A_2111 : f32 to vector<1x512xf32>
    %mul3A_2113 = arith.mulf %mul3A_2112, %min3A_2100 : vector<1x512xf32>
    %mul3A_2114 = arith.mulf %mul3A_2113, %min3A_2100 : vector<1x512xf32>
    %sub3A_2115 = arith.constant 3.000000e+00 : f32
    %sub3A_2116 = vector.broadcast %sub3A_2115 : f32 to vector<1x512xf32>
    %sub3A_2117 = arith.subf %mul3A_2114, %sub3A_2116 : vector<1x512xf32>
    %add3A_2118 = arith.constant 9.99999996E-13 : f32
    %add3A_2119 = vector.broadcast %add3A_2118 : f32 to vector<1x512xf32>
    %add3A_2120 = arith.addf %sub3A_2117, %add3A_2119 : vector<1x512xf32>
    %div3A_2121 = arith.divf %sub3A_2110, %add3A_2120 : vector<1x512xf32>
    %sub3A_2122 = arith.subf %min3A_2100, %div3A_2121 : vector<1x512xf32>
    %jit3A_2123 = arith.constant 1.000000e+00 : f32
    %jit3A_2124 = arith.constant 2.000000e+00 : f32
    %max3A_2125 = vector.broadcast %jit3A_2123 : f32 to vector<1x512xf32>
    %max3A_2126 = arith.maximumf %max3A_2125, %sub3A_2122 : vector<1x512xf32>
    %min3A_2127 = vector.broadcast %jit3A_2124 : f32 to vector<1x512xf32>
    %min3A_2128 = arith.minimumf %min3A_2127, %max3A_2126 : vector<1x512xf32>
    %mul3A_2129 = arith.mulf %min3A_2128, %min3A_2128 : vector<1x512xf32>
    %mul3A_2130 = arith.mulf %mul3A_2129, %min3A_2128 : vector<1x512xf32>
    %mul3A_2131 = arith.constant 3.000000e+00 : f32
    %mul3A_2132 = vector.broadcast %mul3A_2131 : f32 to vector<1x512xf32>
    %mul3A_2133 = arith.mulf %mul3A_2132, %min3A_2128 : vector<1x512xf32>
    %sub3A_2134 = arith.subf %mul3A_2130, %mul3A_2133 : vector<1x512xf32>
    %mul3A_2135 = arith.constant 2.000000e+00 : f32
    %mul3A_2136 = vector.broadcast %mul3A_2135 : f32 to vector<1x512xf32>
    %mul3A_2137 = arith.mulf %mul3A_2136, %min3A_1706 : vector<1x512xf32>
    %sub3A_2138 = arith.subf %sub3A_2134, %mul3A_2137 : vector<1x512xf32>
    %mul3A_2139 = arith.constant 3.000000e+00 : f32
    %mul3A_2140 = vector.broadcast %mul3A_2139 : f32 to vector<1x512xf32>
    %mul3A_2141 = arith.mulf %mul3A_2140, %min3A_2128 : vector<1x512xf32>
    %mul3A_2142 = arith.mulf %mul3A_2141, %min3A_2128 : vector<1x512xf32>
    %sub3A_2143 = arith.constant 3.000000e+00 : f32
    %sub3A_2144 = vector.broadcast %sub3A_2143 : f32 to vector<1x512xf32>
    %sub3A_2145 = arith.subf %mul3A_2142, %sub3A_2144 : vector<1x512xf32>
    %add3A_2146 = arith.constant 9.99999996E-13 : f32
    %add3A_2147 = vector.broadcast %add3A_2146 : f32 to vector<1x512xf32>
    %add3A_2148 = arith.addf %sub3A_2145, %add3A_2147 : vector<1x512xf32>
    %div3A_2149 = arith.divf %sub3A_2138, %add3A_2148 : vector<1x512xf32>
    %sub3A_2150 = arith.subf %min3A_2128, %div3A_2149 : vector<1x512xf32>
    %jit3A_2151 = arith.constant 1.000000e+00 : f32
    %jit3A_2152 = arith.constant 2.000000e+00 : f32
    %max3A_2153 = vector.broadcast %jit3A_2151 : f32 to vector<1x512xf32>
    %max3A_2154 = arith.maximumf %max3A_2153, %sub3A_2150 : vector<1x512xf32>
    %min3A_2155 = vector.broadcast %jit3A_2152 : f32 to vector<1x512xf32>
    %min3A_2156 = arith.minimumf %min3A_2155, %max3A_2154 : vector<1x512xf32>
    %mul3A_2157 = arith.mulf %min3A_2156, %min3A_2156 : vector<1x512xf32>
    %mul3A_2158 = arith.mulf %mul3A_2157, %min3A_2156 : vector<1x512xf32>
    %mul3A_2159 = arith.constant 3.000000e+00 : f32
    %mul3A_2160 = vector.broadcast %mul3A_2159 : f32 to vector<1x512xf32>
    %mul3A_2161 = arith.mulf %mul3A_2160, %min3A_2156 : vector<1x512xf32>
    %sub3A_2162 = arith.subf %mul3A_2158, %mul3A_2161 : vector<1x512xf32>
    %mul3A_2163 = arith.constant 2.000000e+00 : f32
    %mul3A_2164 = vector.broadcast %mul3A_2163 : f32 to vector<1x512xf32>
    %mul3A_2165 = arith.mulf %mul3A_2164, %min3A_1706 : vector<1x512xf32>
    %sub3A_2166 = arith.subf %sub3A_2162, %mul3A_2165 : vector<1x512xf32>
    %mul3A_2167 = arith.constant 3.000000e+00 : f32
    %mul3A_2168 = vector.broadcast %mul3A_2167 : f32 to vector<1x512xf32>
    %mul3A_2169 = arith.mulf %mul3A_2168, %min3A_2156 : vector<1x512xf32>
    %mul3A_2170 = arith.mulf %mul3A_2169, %min3A_2156 : vector<1x512xf32>
    %sub3A_2171 = arith.constant 3.000000e+00 : f32
    %sub3A_2172 = vector.broadcast %sub3A_2171 : f32 to vector<1x512xf32>
    %sub3A_2173 = arith.subf %mul3A_2170, %sub3A_2172 : vector<1x512xf32>
    %add3A_2174 = arith.constant 9.99999996E-13 : f32
    %add3A_2175 = vector.broadcast %add3A_2174 : f32 to vector<1x512xf32>
    %add3A_2176 = arith.addf %sub3A_2173, %add3A_2175 : vector<1x512xf32>
    %div3A_2177 = arith.divf %sub3A_2166, %add3A_2176 : vector<1x512xf32>
    %sub3A_2178 = arith.subf %min3A_2156, %div3A_2177 : vector<1x512xf32>
    %jit3A_2179 = arith.constant 1.000000e+00 : f32
    %jit3A_2180 = arith.constant 2.000000e+00 : f32
    %max3A_2181 = vector.broadcast %jit3A_2179 : f32 to vector<1x512xf32>
    %max3A_2182 = arith.maximumf %max3A_2181, %sub3A_2178 : vector<1x512xf32>
    %min3A_2183 = vector.broadcast %jit3A_2180 : f32 to vector<1x512xf32>
    %min3A_2184 = arith.minimumf %min3A_2183, %max3A_2182 : vector<1x512xf32>
    %mul3A_2185 = arith.mulf %min3A_2184, %min3A_2184 : vector<1x512xf32>
    %mul3A_2186 = arith.mulf %mul3A_2185, %min3A_2184 : vector<1x512xf32>
    %mul3A_2187 = arith.constant 3.000000e+00 : f32
    %mul3A_2188 = vector.broadcast %mul3A_2187 : f32 to vector<1x512xf32>
    %mul3A_2189 = arith.mulf %mul3A_2188, %min3A_2184 : vector<1x512xf32>
    %sub3A_2190 = arith.subf %mul3A_2186, %mul3A_2189 : vector<1x512xf32>
    %mul3A_2191 = arith.constant 2.000000e+00 : f32
    %mul3A_2192 = vector.broadcast %mul3A_2191 : f32 to vector<1x512xf32>
    %mul3A_2193 = arith.mulf %mul3A_2192, %min3A_1706 : vector<1x512xf32>
    %sub3A_2194 = arith.subf %sub3A_2190, %mul3A_2193 : vector<1x512xf32>
    %mul3A_2195 = arith.constant 3.000000e+00 : f32
    %mul3A_2196 = vector.broadcast %mul3A_2195 : f32 to vector<1x512xf32>
    %mul3A_2197 = arith.mulf %mul3A_2196, %min3A_2184 : vector<1x512xf32>
    %mul3A_2198 = arith.mulf %mul3A_2197, %min3A_2184 : vector<1x512xf32>
    %sub3A_2199 = arith.constant 3.000000e+00 : f32
    %sub3A_2200 = vector.broadcast %sub3A_2199 : f32 to vector<1x512xf32>
    %sub3A_2201 = arith.subf %mul3A_2198, %sub3A_2200 : vector<1x512xf32>
    %add3A_2202 = arith.constant 9.99999996E-13 : f32
    %add3A_2203 = vector.broadcast %add3A_2202 : f32 to vector<1x512xf32>
    %add3A_2204 = arith.addf %sub3A_2201, %add3A_2203 : vector<1x512xf32>
    %div3A_2205 = arith.divf %sub3A_2194, %add3A_2204 : vector<1x512xf32>
    %sub3A_2206 = arith.subf %min3A_2184, %div3A_2205 : vector<1x512xf32>
    %jit3A_2207 = arith.constant 1.000000e+00 : f32
    %jit3A_2208 = arith.constant 2.000000e+00 : f32
    %max3A_2209 = vector.broadcast %jit3A_2207 : f32 to vector<1x512xf32>
    %max3A_2210 = arith.maximumf %max3A_2209, %sub3A_2206 : vector<1x512xf32>
    %min3A_2211 = vector.broadcast %jit3A_2208 : f32 to vector<1x512xf32>
    %min3A_2212 = arith.minimumf %min3A_2211, %max3A_2210 : vector<1x512xf32>
    %mul3A_2213 = arith.mulf %min3A_2212, %min3A_2212 : vector<1x512xf32>
    %mul3A_2214 = arith.mulf %mul3A_2213, %min3A_2212 : vector<1x512xf32>
    %mul3A_2215 = arith.constant 3.000000e+00 : f32
    %mul3A_2216 = vector.broadcast %mul3A_2215 : f32 to vector<1x512xf32>
    %mul3A_2217 = arith.mulf %mul3A_2216, %min3A_2212 : vector<1x512xf32>
    %sub3A_2218 = arith.subf %mul3A_2214, %mul3A_2217 : vector<1x512xf32>
    %mul3A_2219 = arith.constant 2.000000e+00 : f32
    %mul3A_2220 = vector.broadcast %mul3A_2219 : f32 to vector<1x512xf32>
    %mul3A_2221 = arith.mulf %mul3A_2220, %min3A_1706 : vector<1x512xf32>
    %sub3A_2222 = arith.subf %sub3A_2218, %mul3A_2221 : vector<1x512xf32>
    %mul3A_2223 = arith.constant 3.000000e+00 : f32
    %mul3A_2224 = vector.broadcast %mul3A_2223 : f32 to vector<1x512xf32>
    %mul3A_2225 = arith.mulf %mul3A_2224, %min3A_2212 : vector<1x512xf32>
    %mul3A_2226 = arith.mulf %mul3A_2225, %min3A_2212 : vector<1x512xf32>
    %sub3A_2227 = arith.constant 3.000000e+00 : f32
    %sub3A_2228 = vector.broadcast %sub3A_2227 : f32 to vector<1x512xf32>
    %sub3A_2229 = arith.subf %mul3A_2226, %sub3A_2228 : vector<1x512xf32>
    %add3A_2230 = arith.constant 9.99999996E-13 : f32
    %add3A_2231 = vector.broadcast %add3A_2230 : f32 to vector<1x512xf32>
    %add3A_2232 = arith.addf %sub3A_2229, %add3A_2231 : vector<1x512xf32>
    %div3A_2233 = arith.divf %sub3A_2222, %add3A_2232 : vector<1x512xf32>
    %sub3A_2234 = arith.subf %min3A_2212, %div3A_2233 : vector<1x512xf32>
    %jit3A_2235 = arith.constant 1.000000e+00 : f32
    %jit3A_2236 = arith.constant 2.000000e+00 : f32
    %max3A_2237 = vector.broadcast %jit3A_2235 : f32 to vector<1x512xf32>
    %max3A_2238 = arith.maximumf %max3A_2237, %sub3A_2234 : vector<1x512xf32>
    %min3A_2239 = vector.broadcast %jit3A_2236 : f32 to vector<1x512xf32>
    %min3A_2240 = arith.minimumf %min3A_2239, %max3A_2238 : vector<1x512xf32>
    %mul3A_2241 = arith.mulf %min3A_2240, %min3A_2240 : vector<1x512xf32>
    %mul3A_2242 = arith.mulf %mul3A_2241, %min3A_2240 : vector<1x512xf32>
    %mul3A_2243 = arith.constant 3.000000e+00 : f32
    %mul3A_2244 = vector.broadcast %mul3A_2243 : f32 to vector<1x512xf32>
    %mul3A_2245 = arith.mulf %mul3A_2244, %min3A_2240 : vector<1x512xf32>
    %sub3A_2246 = arith.subf %mul3A_2242, %mul3A_2245 : vector<1x512xf32>
    %mul3A_2247 = arith.constant 2.000000e+00 : f32
    %mul3A_2248 = vector.broadcast %mul3A_2247 : f32 to vector<1x512xf32>
    %mul3A_2249 = arith.mulf %mul3A_2248, %min3A_1706 : vector<1x512xf32>
    %sub3A_2250 = arith.subf %sub3A_2246, %mul3A_2249 : vector<1x512xf32>
    %mul3A_2251 = arith.constant 3.000000e+00 : f32
    %mul3A_2252 = vector.broadcast %mul3A_2251 : f32 to vector<1x512xf32>
    %mul3A_2253 = arith.mulf %mul3A_2252, %min3A_2240 : vector<1x512xf32>
    %mul3A_2254 = arith.mulf %mul3A_2253, %min3A_2240 : vector<1x512xf32>
    %sub3A_2255 = arith.constant 3.000000e+00 : f32
    %sub3A_2256 = vector.broadcast %sub3A_2255 : f32 to vector<1x512xf32>
    %sub3A_2257 = arith.subf %mul3A_2254, %sub3A_2256 : vector<1x512xf32>
    %add3A_2258 = arith.constant 9.99999996E-13 : f32
    %add3A_2259 = vector.broadcast %add3A_2258 : f32 to vector<1x512xf32>
    %add3A_2260 = arith.addf %sub3A_2257, %add3A_2259 : vector<1x512xf32>
    %div3A_2261 = arith.divf %sub3A_2250, %add3A_2260 : vector<1x512xf32>
    %sub3A_2262 = arith.subf %min3A_2240, %div3A_2261 : vector<1x512xf32>
    %jit3A_2263 = arith.constant 1.000000e+00 : f32
    %jit3A_2264 = arith.constant 2.000000e+00 : f32
    %max3A_2265 = vector.broadcast %jit3A_2263 : f32 to vector<1x512xf32>
    %max3A_2266 = arith.maximumf %max3A_2265, %sub3A_2262 : vector<1x512xf32>
    %min3A_2267 = vector.broadcast %jit3A_2264 : f32 to vector<1x512xf32>
    %min3A_2268 = arith.minimumf %min3A_2267, %max3A_2266 : vector<1x512xf32>
    %mul3A_2269 = arith.mulf %min3A_2268, %min3A_2268 : vector<1x512xf32>
    %mul3A_2270 = arith.mulf %mul3A_2269, %min3A_2268 : vector<1x512xf32>
    %mul3A_2271 = arith.constant 3.000000e+00 : f32
    %mul3A_2272 = vector.broadcast %mul3A_2271 : f32 to vector<1x512xf32>
    %mul3A_2273 = arith.mulf %mul3A_2272, %min3A_2268 : vector<1x512xf32>
    %sub3A_2274 = arith.subf %mul3A_2270, %mul3A_2273 : vector<1x512xf32>
    %mul3A_2275 = arith.constant 2.000000e+00 : f32
    %mul3A_2276 = vector.broadcast %mul3A_2275 : f32 to vector<1x512xf32>
    %mul3A_2277 = arith.mulf %mul3A_2276, %min3A_1706 : vector<1x512xf32>
    %sub3A_2278 = arith.subf %sub3A_2274, %mul3A_2277 : vector<1x512xf32>
    %mul3A_2279 = arith.constant 3.000000e+00 : f32
    %mul3A_2280 = vector.broadcast %mul3A_2279 : f32 to vector<1x512xf32>
    %mul3A_2281 = arith.mulf %mul3A_2280, %min3A_2268 : vector<1x512xf32>
    %mul3A_2282 = arith.mulf %mul3A_2281, %min3A_2268 : vector<1x512xf32>
    %sub3A_2283 = arith.constant 3.000000e+00 : f32
    %sub3A_2284 = vector.broadcast %sub3A_2283 : f32 to vector<1x512xf32>
    %sub3A_2285 = arith.subf %mul3A_2282, %sub3A_2284 : vector<1x512xf32>
    %add3A_2286 = arith.constant 9.99999996E-13 : f32
    %add3A_2287 = vector.broadcast %add3A_2286 : f32 to vector<1x512xf32>
    %add3A_2288 = arith.addf %sub3A_2285, %add3A_2287 : vector<1x512xf32>
    %div3A_2289 = arith.divf %sub3A_2278, %add3A_2288 : vector<1x512xf32>
    %sub3A_2290 = arith.subf %min3A_2268, %div3A_2289 : vector<1x512xf32>
    %jit3A_2291 = arith.constant 1.000000e+00 : f32
    %jit3A_2292 = arith.constant 2.000000e+00 : f32
    %max3A_2293 = vector.broadcast %jit3A_2291 : f32 to vector<1x512xf32>
    %max3A_2294 = arith.maximumf %max3A_2293, %sub3A_2290 : vector<1x512xf32>
    %min3A_2295 = vector.broadcast %jit3A_2292 : f32 to vector<1x512xf32>
    %min3A_2296 = arith.minimumf %min3A_2295, %max3A_2294 : vector<1x512xf32>
    %mul3A_2297 = arith.mulf %min3A_2296, %min3A_2296 : vector<1x512xf32>
    %mul3A_2298 = arith.mulf %mul3A_2297, %min3A_2296 : vector<1x512xf32>
    %mul3A_2299 = arith.constant 3.000000e+00 : f32
    %mul3A_2300 = vector.broadcast %mul3A_2299 : f32 to vector<1x512xf32>
    %mul3A_2301 = arith.mulf %mul3A_2300, %min3A_2296 : vector<1x512xf32>
    %sub3A_2302 = arith.subf %mul3A_2298, %mul3A_2301 : vector<1x512xf32>
    %mul3A_2303 = arith.constant 2.000000e+00 : f32
    %mul3A_2304 = vector.broadcast %mul3A_2303 : f32 to vector<1x512xf32>
    %mul3A_2305 = arith.mulf %mul3A_2304, %min3A_1706 : vector<1x512xf32>
    %sub3A_2306 = arith.subf %sub3A_2302, %mul3A_2305 : vector<1x512xf32>
    %mul3A_2307 = arith.constant 3.000000e+00 : f32
    %mul3A_2308 = vector.broadcast %mul3A_2307 : f32 to vector<1x512xf32>
    %mul3A_2309 = arith.mulf %mul3A_2308, %min3A_2296 : vector<1x512xf32>
    %mul3A_2310 = arith.mulf %mul3A_2309, %min3A_2296 : vector<1x512xf32>
    %sub3A_2311 = arith.constant 3.000000e+00 : f32
    %sub3A_2312 = vector.broadcast %sub3A_2311 : f32 to vector<1x512xf32>
    %sub3A_2313 = arith.subf %mul3A_2310, %sub3A_2312 : vector<1x512xf32>
    %add3A_2314 = arith.constant 9.99999996E-13 : f32
    %add3A_2315 = vector.broadcast %add3A_2314 : f32 to vector<1x512xf32>
    %add3A_2316 = arith.addf %sub3A_2313, %add3A_2315 : vector<1x512xf32>
    %div3A_2317 = arith.divf %sub3A_2306, %add3A_2316 : vector<1x512xf32>
    %sub3A_2318 = arith.subf %min3A_2296, %div3A_2317 : vector<1x512xf32>
    %jit3A_2319 = arith.constant 1.000000e+00 : f32
    %jit3A_2320 = arith.constant 2.000000e+00 : f32
    %max3A_2321 = vector.broadcast %jit3A_2319 : f32 to vector<1x512xf32>
    %max3A_2322 = arith.maximumf %max3A_2321, %sub3A_2318 : vector<1x512xf32>
    %min3A_2323 = vector.broadcast %jit3A_2320 : f32 to vector<1x512xf32>
    %min3A_2324 = arith.minimumf %min3A_2323, %max3A_2322 : vector<1x512xf32>
    %mul3A_2325 = arith.mulf %min3A_2324, %min3A_2324 : vector<1x512xf32>
    %mul3A_2326 = arith.mulf %mul3A_2325, %min3A_2324 : vector<1x512xf32>
    %mul3A_2327 = arith.constant 3.000000e+00 : f32
    %mul3A_2328 = vector.broadcast %mul3A_2327 : f32 to vector<1x512xf32>
    %mul3A_2329 = arith.mulf %mul3A_2328, %min3A_2324 : vector<1x512xf32>
    %sub3A_2330 = arith.subf %mul3A_2326, %mul3A_2329 : vector<1x512xf32>
    %mul3A_2331 = arith.constant 2.000000e+00 : f32
    %mul3A_2332 = vector.broadcast %mul3A_2331 : f32 to vector<1x512xf32>
    %mul3A_2333 = arith.mulf %mul3A_2332, %min3A_1706 : vector<1x512xf32>
    %sub3A_2334 = arith.subf %sub3A_2330, %mul3A_2333 : vector<1x512xf32>
    %mul3A_2335 = arith.constant 3.000000e+00 : f32
    %mul3A_2336 = vector.broadcast %mul3A_2335 : f32 to vector<1x512xf32>
    %mul3A_2337 = arith.mulf %mul3A_2336, %min3A_2324 : vector<1x512xf32>
    %mul3A_2338 = arith.mulf %mul3A_2337, %min3A_2324 : vector<1x512xf32>
    %sub3A_2339 = arith.constant 3.000000e+00 : f32
    %sub3A_2340 = vector.broadcast %sub3A_2339 : f32 to vector<1x512xf32>
    %sub3A_2341 = arith.subf %mul3A_2338, %sub3A_2340 : vector<1x512xf32>
    %add3A_2342 = arith.constant 9.99999996E-13 : f32
    %add3A_2343 = vector.broadcast %add3A_2342 : f32 to vector<1x512xf32>
    %add3A_2344 = arith.addf %sub3A_2341, %add3A_2343 : vector<1x512xf32>
    %div3A_2345 = arith.divf %sub3A_2334, %add3A_2344 : vector<1x512xf32>
    %sub3A_2346 = arith.subf %min3A_2324, %div3A_2345 : vector<1x512xf32>
    %jit3A_2347 = arith.constant 1.000000e+00 : f32
    %jit3A_2348 = arith.constant 2.000000e+00 : f32
    %max3A_2349 = vector.broadcast %jit3A_2347 : f32 to vector<1x512xf32>
    %max3A_2350 = arith.maximumf %max3A_2349, %sub3A_2346 : vector<1x512xf32>
    %min3A_2351 = vector.broadcast %jit3A_2348 : f32 to vector<1x512xf32>
    %min3A_2352 = arith.minimumf %min3A_2351, %max3A_2350 : vector<1x512xf32>
    %mul3A_2353 = arith.mulf %min3A_2352, %min3A_2352 : vector<1x512xf32>
    %mul3A_2354 = arith.mulf %mul3A_2353, %min3A_2352 : vector<1x512xf32>
    %mul3A_2355 = arith.constant 3.000000e+00 : f32
    %mul3A_2356 = vector.broadcast %mul3A_2355 : f32 to vector<1x512xf32>
    %mul3A_2357 = arith.mulf %mul3A_2356, %min3A_2352 : vector<1x512xf32>
    %sub3A_2358 = arith.subf %mul3A_2354, %mul3A_2357 : vector<1x512xf32>
    %mul3A_2359 = arith.constant 2.000000e+00 : f32
    %mul3A_2360 = vector.broadcast %mul3A_2359 : f32 to vector<1x512xf32>
    %mul3A_2361 = arith.mulf %mul3A_2360, %min3A_1706 : vector<1x512xf32>
    %sub3A_2362 = arith.subf %sub3A_2358, %mul3A_2361 : vector<1x512xf32>
    %mul3A_2363 = arith.constant 3.000000e+00 : f32
    %mul3A_2364 = vector.broadcast %mul3A_2363 : f32 to vector<1x512xf32>
    %mul3A_2365 = arith.mulf %mul3A_2364, %min3A_2352 : vector<1x512xf32>
    %mul3A_2366 = arith.mulf %mul3A_2365, %min3A_2352 : vector<1x512xf32>
    %sub3A_2367 = arith.constant 3.000000e+00 : f32
    %sub3A_2368 = vector.broadcast %sub3A_2367 : f32 to vector<1x512xf32>
    %sub3A_2369 = arith.subf %mul3A_2366, %sub3A_2368 : vector<1x512xf32>
    %add3A_2370 = arith.constant 9.99999996E-13 : f32
    %add3A_2371 = vector.broadcast %add3A_2370 : f32 to vector<1x512xf32>
    %add3A_2372 = arith.addf %sub3A_2369, %add3A_2371 : vector<1x512xf32>
    %div3A_2373 = arith.divf %sub3A_2362, %add3A_2372 : vector<1x512xf32>
    %sub3A_2374 = arith.subf %min3A_2352, %div3A_2373 : vector<1x512xf32>
    %jit3A_2375 = arith.constant 1.000000e+00 : f32
    %jit3A_2376 = arith.constant 2.000000e+00 : f32
    %max3A_2377 = vector.broadcast %jit3A_2375 : f32 to vector<1x512xf32>
    %max3A_2378 = arith.maximumf %max3A_2377, %sub3A_2374 : vector<1x512xf32>
    %min3A_2379 = vector.broadcast %jit3A_2376 : f32 to vector<1x512xf32>
    %min3A_2380 = arith.minimumf %min3A_2379, %max3A_2378 : vector<1x512xf32>
    %mul3A_2381 = arith.mulf %sqrt3A_1665, %min3A_2380 : vector<1x512xf32>
    %add3A_2382 = arith.addf %mul3A_1641, %mul3A_2381 : vector<1x512xf32>
    %neg3A_2383 = arith.constant 0.000000e+00 : f32
    %neg3A_2384 = vector.broadcast %neg3A_2383 : f32 to vector<1x512xf32>
    %neg3A_2385 = arith.subf %neg3A_2384, %min3A_1706 : vector<1x512xf32>
    %broadcast_in_dim3A_2386 = arith.constant 2.000000e+00 : f32
    %broadcast_in_dim3A_2387 = vector.broadcast %broadcast_in_dim3A_2386 : f32 to vector<1x512xf32>
    %mul3A_2388 = arith.mulf %broadcast_in_dim3A_2387, %broadcast_in_dim3A_2387 : vector<1x512xf32>
    %mul3A_2389 = arith.mulf %mul3A_2388, %broadcast_in_dim3A_2387 : vector<1x512xf32>
    %mul3A_2390 = arith.constant 3.000000e+00 : f32
    %mul3A_2391 = vector.broadcast %mul3A_2390 : f32 to vector<1x512xf32>
    %mul3A_2392 = arith.mulf %mul3A_2391, %broadcast_in_dim3A_2387 : vector<1x512xf32>
    %sub3A_2393 = arith.subf %mul3A_2389, %mul3A_2392 : vector<1x512xf32>
    %mul3A_2394 = arith.constant 2.000000e+00 : f32
    %mul3A_2395 = vector.broadcast %mul3A_2394 : f32 to vector<1x512xf32>
    %mul3A_2396 = arith.mulf %mul3A_2395, %neg3A_2385 : vector<1x512xf32>
    %sub3A_2397 = arith.subf %sub3A_2393, %mul3A_2396 : vector<1x512xf32>
    %mul3A_2398 = arith.constant 3.000000e+00 : f32
    %mul3A_2399 = vector.broadcast %mul3A_2398 : f32 to vector<1x512xf32>
    %mul3A_2400 = arith.mulf %mul3A_2399, %broadcast_in_dim3A_2387 : vector<1x512xf32>
    %mul3A_2401 = arith.mulf %mul3A_2400, %broadcast_in_dim3A_2387 : vector<1x512xf32>
    %sub3A_2402 = arith.constant 3.000000e+00 : f32
    %sub3A_2403 = vector.broadcast %sub3A_2402 : f32 to vector<1x512xf32>
    %sub3A_2404 = arith.subf %mul3A_2401, %sub3A_2403 : vector<1x512xf32>
    %add3A_2405 = arith.constant 9.99999996E-13 : f32
    %add3A_2406 = vector.broadcast %add3A_2405 : f32 to vector<1x512xf32>
    %add3A_2407 = arith.addf %sub3A_2404, %add3A_2406 : vector<1x512xf32>
    %div3A_2408 = arith.divf %sub3A_2397, %add3A_2407 : vector<1x512xf32>
    %sub3A_2409 = arith.subf %broadcast_in_dim3A_2387, %div3A_2408 : vector<1x512xf32>
    %jit3A_2410 = arith.constant 1.000000e+00 : f32
    %jit3A_2411 = arith.constant 2.000000e+00 : f32
    %max3A_2412 = vector.broadcast %jit3A_2410 : f32 to vector<1x512xf32>
    %max3A_2413 = arith.maximumf %max3A_2412, %sub3A_2409 : vector<1x512xf32>
    %min3A_2414 = vector.broadcast %jit3A_2411 : f32 to vector<1x512xf32>
    %min3A_2415 = arith.minimumf %min3A_2414, %max3A_2413 : vector<1x512xf32>
    %mul3A_2416 = arith.mulf %min3A_2415, %min3A_2415 : vector<1x512xf32>
    %mul3A_2417 = arith.mulf %mul3A_2416, %min3A_2415 : vector<1x512xf32>
    %mul3A_2418 = arith.constant 3.000000e+00 : f32
    %mul3A_2419 = vector.broadcast %mul3A_2418 : f32 to vector<1x512xf32>
    %mul3A_2420 = arith.mulf %mul3A_2419, %min3A_2415 : vector<1x512xf32>
    %sub3A_2421 = arith.subf %mul3A_2417, %mul3A_2420 : vector<1x512xf32>
    %mul3A_2422 = arith.constant 2.000000e+00 : f32
    %mul3A_2423 = vector.broadcast %mul3A_2422 : f32 to vector<1x512xf32>
    %mul3A_2424 = arith.mulf %mul3A_2423, %neg3A_2385 : vector<1x512xf32>
    %sub3A_2425 = arith.subf %sub3A_2421, %mul3A_2424 : vector<1x512xf32>
    %mul3A_2426 = arith.constant 3.000000e+00 : f32
    %mul3A_2427 = vector.broadcast %mul3A_2426 : f32 to vector<1x512xf32>
    %mul3A_2428 = arith.mulf %mul3A_2427, %min3A_2415 : vector<1x512xf32>
    %mul3A_2429 = arith.mulf %mul3A_2428, %min3A_2415 : vector<1x512xf32>
    %sub3A_2430 = arith.constant 3.000000e+00 : f32
    %sub3A_2431 = vector.broadcast %sub3A_2430 : f32 to vector<1x512xf32>
    %sub3A_2432 = arith.subf %mul3A_2429, %sub3A_2431 : vector<1x512xf32>
    %add3A_2433 = arith.constant 9.99999996E-13 : f32
    %add3A_2434 = vector.broadcast %add3A_2433 : f32 to vector<1x512xf32>
    %add3A_2435 = arith.addf %sub3A_2432, %add3A_2434 : vector<1x512xf32>
    %div3A_2436 = arith.divf %sub3A_2425, %add3A_2435 : vector<1x512xf32>
    %sub3A_2437 = arith.subf %min3A_2415, %div3A_2436 : vector<1x512xf32>
    %jit3A_2438 = arith.constant 1.000000e+00 : f32
    %jit3A_2439 = arith.constant 2.000000e+00 : f32
    %max3A_2440 = vector.broadcast %jit3A_2438 : f32 to vector<1x512xf32>
    %max3A_2441 = arith.maximumf %max3A_2440, %sub3A_2437 : vector<1x512xf32>
    %min3A_2442 = vector.broadcast %jit3A_2439 : f32 to vector<1x512xf32>
    %min3A_2443 = arith.minimumf %min3A_2442, %max3A_2441 : vector<1x512xf32>
    %mul3A_2444 = arith.mulf %min3A_2443, %min3A_2443 : vector<1x512xf32>
    %mul3A_2445 = arith.mulf %mul3A_2444, %min3A_2443 : vector<1x512xf32>
    %mul3A_2446 = arith.constant 3.000000e+00 : f32
    %mul3A_2447 = vector.broadcast %mul3A_2446 : f32 to vector<1x512xf32>
    %mul3A_2448 = arith.mulf %mul3A_2447, %min3A_2443 : vector<1x512xf32>
    %sub3A_2449 = arith.subf %mul3A_2445, %mul3A_2448 : vector<1x512xf32>
    %mul3A_2450 = arith.constant 2.000000e+00 : f32
    %mul3A_2451 = vector.broadcast %mul3A_2450 : f32 to vector<1x512xf32>
    %mul3A_2452 = arith.mulf %mul3A_2451, %neg3A_2385 : vector<1x512xf32>
    %sub3A_2453 = arith.subf %sub3A_2449, %mul3A_2452 : vector<1x512xf32>
    %mul3A_2454 = arith.constant 3.000000e+00 : f32
    %mul3A_2455 = vector.broadcast %mul3A_2454 : f32 to vector<1x512xf32>
    %mul3A_2456 = arith.mulf %mul3A_2455, %min3A_2443 : vector<1x512xf32>
    %mul3A_2457 = arith.mulf %mul3A_2456, %min3A_2443 : vector<1x512xf32>
    %sub3A_2458 = arith.constant 3.000000e+00 : f32
    %sub3A_2459 = vector.broadcast %sub3A_2458 : f32 to vector<1x512xf32>
    %sub3A_2460 = arith.subf %mul3A_2457, %sub3A_2459 : vector<1x512xf32>
    %add3A_2461 = arith.constant 9.99999996E-13 : f32
    %add3A_2462 = vector.broadcast %add3A_2461 : f32 to vector<1x512xf32>
    %add3A_2463 = arith.addf %sub3A_2460, %add3A_2462 : vector<1x512xf32>
    %div3A_2464 = arith.divf %sub3A_2453, %add3A_2463 : vector<1x512xf32>
    %sub3A_2465 = arith.subf %min3A_2443, %div3A_2464 : vector<1x512xf32>
    %jit3A_2466 = arith.constant 1.000000e+00 : f32
    %jit3A_2467 = arith.constant 2.000000e+00 : f32
    %max3A_2468 = vector.broadcast %jit3A_2466 : f32 to vector<1x512xf32>
    %max3A_2469 = arith.maximumf %max3A_2468, %sub3A_2465 : vector<1x512xf32>
    %min3A_2470 = vector.broadcast %jit3A_2467 : f32 to vector<1x512xf32>
    %min3A_2471 = arith.minimumf %min3A_2470, %max3A_2469 : vector<1x512xf32>
    %mul3A_2472 = arith.mulf %min3A_2471, %min3A_2471 : vector<1x512xf32>
    %mul3A_2473 = arith.mulf %mul3A_2472, %min3A_2471 : vector<1x512xf32>
    %mul3A_2474 = arith.constant 3.000000e+00 : f32
    %mul3A_2475 = vector.broadcast %mul3A_2474 : f32 to vector<1x512xf32>
    %mul3A_2476 = arith.mulf %mul3A_2475, %min3A_2471 : vector<1x512xf32>
    %sub3A_2477 = arith.subf %mul3A_2473, %mul3A_2476 : vector<1x512xf32>
    %mul3A_2478 = arith.constant 2.000000e+00 : f32
    %mul3A_2479 = vector.broadcast %mul3A_2478 : f32 to vector<1x512xf32>
    %mul3A_2480 = arith.mulf %mul3A_2479, %neg3A_2385 : vector<1x512xf32>
    %sub3A_2481 = arith.subf %sub3A_2477, %mul3A_2480 : vector<1x512xf32>
    %mul3A_2482 = arith.constant 3.000000e+00 : f32
    %mul3A_2483 = vector.broadcast %mul3A_2482 : f32 to vector<1x512xf32>
    %mul3A_2484 = arith.mulf %mul3A_2483, %min3A_2471 : vector<1x512xf32>
    %mul3A_2485 = arith.mulf %mul3A_2484, %min3A_2471 : vector<1x512xf32>
    %sub3A_2486 = arith.constant 3.000000e+00 : f32
    %sub3A_2487 = vector.broadcast %sub3A_2486 : f32 to vector<1x512xf32>
    %sub3A_2488 = arith.subf %mul3A_2485, %sub3A_2487 : vector<1x512xf32>
    %add3A_2489 = arith.constant 9.99999996E-13 : f32
    %add3A_2490 = vector.broadcast %add3A_2489 : f32 to vector<1x512xf32>
    %add3A_2491 = arith.addf %sub3A_2488, %add3A_2490 : vector<1x512xf32>
    %div3A_2492 = arith.divf %sub3A_2481, %add3A_2491 : vector<1x512xf32>
    %sub3A_2493 = arith.subf %min3A_2471, %div3A_2492 : vector<1x512xf32>
    %jit3A_2494 = arith.constant 1.000000e+00 : f32
    %jit3A_2495 = arith.constant 2.000000e+00 : f32
    %max3A_2496 = vector.broadcast %jit3A_2494 : f32 to vector<1x512xf32>
    %max3A_2497 = arith.maximumf %max3A_2496, %sub3A_2493 : vector<1x512xf32>
    %min3A_2498 = vector.broadcast %jit3A_2495 : f32 to vector<1x512xf32>
    %min3A_2499 = arith.minimumf %min3A_2498, %max3A_2497 : vector<1x512xf32>
    %mul3A_2500 = arith.mulf %min3A_2499, %min3A_2499 : vector<1x512xf32>
    %mul3A_2501 = arith.mulf %mul3A_2500, %min3A_2499 : vector<1x512xf32>
    %mul3A_2502 = arith.constant 3.000000e+00 : f32
    %mul3A_2503 = vector.broadcast %mul3A_2502 : f32 to vector<1x512xf32>
    %mul3A_2504 = arith.mulf %mul3A_2503, %min3A_2499 : vector<1x512xf32>
    %sub3A_2505 = arith.subf %mul3A_2501, %mul3A_2504 : vector<1x512xf32>
    %mul3A_2506 = arith.constant 2.000000e+00 : f32
    %mul3A_2507 = vector.broadcast %mul3A_2506 : f32 to vector<1x512xf32>
    %mul3A_2508 = arith.mulf %mul3A_2507, %neg3A_2385 : vector<1x512xf32>
    %sub3A_2509 = arith.subf %sub3A_2505, %mul3A_2508 : vector<1x512xf32>
    %mul3A_2510 = arith.constant 3.000000e+00 : f32
    %mul3A_2511 = vector.broadcast %mul3A_2510 : f32 to vector<1x512xf32>
    %mul3A_2512 = arith.mulf %mul3A_2511, %min3A_2499 : vector<1x512xf32>
    %mul3A_2513 = arith.mulf %mul3A_2512, %min3A_2499 : vector<1x512xf32>
    %sub3A_2514 = arith.constant 3.000000e+00 : f32
    %sub3A_2515 = vector.broadcast %sub3A_2514 : f32 to vector<1x512xf32>
    %sub3A_2516 = arith.subf %mul3A_2513, %sub3A_2515 : vector<1x512xf32>
    %add3A_2517 = arith.constant 9.99999996E-13 : f32
    %add3A_2518 = vector.broadcast %add3A_2517 : f32 to vector<1x512xf32>
    %add3A_2519 = arith.addf %sub3A_2516, %add3A_2518 : vector<1x512xf32>
    %div3A_2520 = arith.divf %sub3A_2509, %add3A_2519 : vector<1x512xf32>
    %sub3A_2521 = arith.subf %min3A_2499, %div3A_2520 : vector<1x512xf32>
    %jit3A_2522 = arith.constant 1.000000e+00 : f32
    %jit3A_2523 = arith.constant 2.000000e+00 : f32
    %max3A_2524 = vector.broadcast %jit3A_2522 : f32 to vector<1x512xf32>
    %max3A_2525 = arith.maximumf %max3A_2524, %sub3A_2521 : vector<1x512xf32>
    %min3A_2526 = vector.broadcast %jit3A_2523 : f32 to vector<1x512xf32>
    %min3A_2527 = arith.minimumf %min3A_2526, %max3A_2525 : vector<1x512xf32>
    %mul3A_2528 = arith.mulf %min3A_2527, %min3A_2527 : vector<1x512xf32>
    %mul3A_2529 = arith.mulf %mul3A_2528, %min3A_2527 : vector<1x512xf32>
    %mul3A_2530 = arith.constant 3.000000e+00 : f32
    %mul3A_2531 = vector.broadcast %mul3A_2530 : f32 to vector<1x512xf32>
    %mul3A_2532 = arith.mulf %mul3A_2531, %min3A_2527 : vector<1x512xf32>
    %sub3A_2533 = arith.subf %mul3A_2529, %mul3A_2532 : vector<1x512xf32>
    %mul3A_2534 = arith.constant 2.000000e+00 : f32
    %mul3A_2535 = vector.broadcast %mul3A_2534 : f32 to vector<1x512xf32>
    %mul3A_2536 = arith.mulf %mul3A_2535, %neg3A_2385 : vector<1x512xf32>
    %sub3A_2537 = arith.subf %sub3A_2533, %mul3A_2536 : vector<1x512xf32>
    %mul3A_2538 = arith.constant 3.000000e+00 : f32
    %mul3A_2539 = vector.broadcast %mul3A_2538 : f32 to vector<1x512xf32>
    %mul3A_2540 = arith.mulf %mul3A_2539, %min3A_2527 : vector<1x512xf32>
    %mul3A_2541 = arith.mulf %mul3A_2540, %min3A_2527 : vector<1x512xf32>
    %sub3A_2542 = arith.constant 3.000000e+00 : f32
    %sub3A_2543 = vector.broadcast %sub3A_2542 : f32 to vector<1x512xf32>
    %sub3A_2544 = arith.subf %mul3A_2541, %sub3A_2543 : vector<1x512xf32>
    %add3A_2545 = arith.constant 9.99999996E-13 : f32
    %add3A_2546 = vector.broadcast %add3A_2545 : f32 to vector<1x512xf32>
    %add3A_2547 = arith.addf %sub3A_2544, %add3A_2546 : vector<1x512xf32>
    %div3A_2548 = arith.divf %sub3A_2537, %add3A_2547 : vector<1x512xf32>
    %sub3A_2549 = arith.subf %min3A_2527, %div3A_2548 : vector<1x512xf32>
    %jit3A_2550 = arith.constant 1.000000e+00 : f32
    %jit3A_2551 = arith.constant 2.000000e+00 : f32
    %max3A_2552 = vector.broadcast %jit3A_2550 : f32 to vector<1x512xf32>
    %max3A_2553 = arith.maximumf %max3A_2552, %sub3A_2549 : vector<1x512xf32>
    %min3A_2554 = vector.broadcast %jit3A_2551 : f32 to vector<1x512xf32>
    %min3A_2555 = arith.minimumf %min3A_2554, %max3A_2553 : vector<1x512xf32>
    %mul3A_2556 = arith.mulf %min3A_2555, %min3A_2555 : vector<1x512xf32>
    %mul3A_2557 = arith.mulf %mul3A_2556, %min3A_2555 : vector<1x512xf32>
    %mul3A_2558 = arith.constant 3.000000e+00 : f32
    %mul3A_2559 = vector.broadcast %mul3A_2558 : f32 to vector<1x512xf32>
    %mul3A_2560 = arith.mulf %mul3A_2559, %min3A_2555 : vector<1x512xf32>
    %sub3A_2561 = arith.subf %mul3A_2557, %mul3A_2560 : vector<1x512xf32>
    %mul3A_2562 = arith.constant 2.000000e+00 : f32
    %mul3A_2563 = vector.broadcast %mul3A_2562 : f32 to vector<1x512xf32>
    %mul3A_2564 = arith.mulf %mul3A_2563, %neg3A_2385 : vector<1x512xf32>
    %sub3A_2565 = arith.subf %sub3A_2561, %mul3A_2564 : vector<1x512xf32>
    %mul3A_2566 = arith.constant 3.000000e+00 : f32
    %mul3A_2567 = vector.broadcast %mul3A_2566 : f32 to vector<1x512xf32>
    %mul3A_2568 = arith.mulf %mul3A_2567, %min3A_2555 : vector<1x512xf32>
    %mul3A_2569 = arith.mulf %mul3A_2568, %min3A_2555 : vector<1x512xf32>
    %sub3A_2570 = arith.constant 3.000000e+00 : f32
    %sub3A_2571 = vector.broadcast %sub3A_2570 : f32 to vector<1x512xf32>
    %sub3A_2572 = arith.subf %mul3A_2569, %sub3A_2571 : vector<1x512xf32>
    %add3A_2573 = arith.constant 9.99999996E-13 : f32
    %add3A_2574 = vector.broadcast %add3A_2573 : f32 to vector<1x512xf32>
    %add3A_2575 = arith.addf %sub3A_2572, %add3A_2574 : vector<1x512xf32>
    %div3A_2576 = arith.divf %sub3A_2565, %add3A_2575 : vector<1x512xf32>
    %sub3A_2577 = arith.subf %min3A_2555, %div3A_2576 : vector<1x512xf32>
    %jit3A_2578 = arith.constant 1.000000e+00 : f32
    %jit3A_2579 = arith.constant 2.000000e+00 : f32
    %max3A_2580 = vector.broadcast %jit3A_2578 : f32 to vector<1x512xf32>
    %max3A_2581 = arith.maximumf %max3A_2580, %sub3A_2577 : vector<1x512xf32>
    %min3A_2582 = vector.broadcast %jit3A_2579 : f32 to vector<1x512xf32>
    %min3A_2583 = arith.minimumf %min3A_2582, %max3A_2581 : vector<1x512xf32>
    %mul3A_2584 = arith.mulf %min3A_2583, %min3A_2583 : vector<1x512xf32>
    %mul3A_2585 = arith.mulf %mul3A_2584, %min3A_2583 : vector<1x512xf32>
    %mul3A_2586 = arith.constant 3.000000e+00 : f32
    %mul3A_2587 = vector.broadcast %mul3A_2586 : f32 to vector<1x512xf32>
    %mul3A_2588 = arith.mulf %mul3A_2587, %min3A_2583 : vector<1x512xf32>
    %sub3A_2589 = arith.subf %mul3A_2585, %mul3A_2588 : vector<1x512xf32>
    %mul3A_2590 = arith.constant 2.000000e+00 : f32
    %mul3A_2591 = vector.broadcast %mul3A_2590 : f32 to vector<1x512xf32>
    %mul3A_2592 = arith.mulf %mul3A_2591, %neg3A_2385 : vector<1x512xf32>
    %sub3A_2593 = arith.subf %sub3A_2589, %mul3A_2592 : vector<1x512xf32>
    %mul3A_2594 = arith.constant 3.000000e+00 : f32
    %mul3A_2595 = vector.broadcast %mul3A_2594 : f32 to vector<1x512xf32>
    %mul3A_2596 = arith.mulf %mul3A_2595, %min3A_2583 : vector<1x512xf32>
    %mul3A_2597 = arith.mulf %mul3A_2596, %min3A_2583 : vector<1x512xf32>
    %sub3A_2598 = arith.constant 3.000000e+00 : f32
    %sub3A_2599 = vector.broadcast %sub3A_2598 : f32 to vector<1x512xf32>
    %sub3A_2600 = arith.subf %mul3A_2597, %sub3A_2599 : vector<1x512xf32>
    %add3A_2601 = arith.constant 9.99999996E-13 : f32
    %add3A_2602 = vector.broadcast %add3A_2601 : f32 to vector<1x512xf32>
    %add3A_2603 = arith.addf %sub3A_2600, %add3A_2602 : vector<1x512xf32>
    %div3A_2604 = arith.divf %sub3A_2593, %add3A_2603 : vector<1x512xf32>
    %sub3A_2605 = arith.subf %min3A_2583, %div3A_2604 : vector<1x512xf32>
    %jit3A_2606 = arith.constant 1.000000e+00 : f32
    %jit3A_2607 = arith.constant 2.000000e+00 : f32
    %max3A_2608 = vector.broadcast %jit3A_2606 : f32 to vector<1x512xf32>
    %max3A_2609 = arith.maximumf %max3A_2608, %sub3A_2605 : vector<1x512xf32>
    %min3A_2610 = vector.broadcast %jit3A_2607 : f32 to vector<1x512xf32>
    %min3A_2611 = arith.minimumf %min3A_2610, %max3A_2609 : vector<1x512xf32>
    %mul3A_2612 = arith.mulf %min3A_2611, %min3A_2611 : vector<1x512xf32>
    %mul3A_2613 = arith.mulf %mul3A_2612, %min3A_2611 : vector<1x512xf32>
    %mul3A_2614 = arith.constant 3.000000e+00 : f32
    %mul3A_2615 = vector.broadcast %mul3A_2614 : f32 to vector<1x512xf32>
    %mul3A_2616 = arith.mulf %mul3A_2615, %min3A_2611 : vector<1x512xf32>
    %sub3A_2617 = arith.subf %mul3A_2613, %mul3A_2616 : vector<1x512xf32>
    %mul3A_2618 = arith.constant 2.000000e+00 : f32
    %mul3A_2619 = vector.broadcast %mul3A_2618 : f32 to vector<1x512xf32>
    %mul3A_2620 = arith.mulf %mul3A_2619, %neg3A_2385 : vector<1x512xf32>
    %sub3A_2621 = arith.subf %sub3A_2617, %mul3A_2620 : vector<1x512xf32>
    %mul3A_2622 = arith.constant 3.000000e+00 : f32
    %mul3A_2623 = vector.broadcast %mul3A_2622 : f32 to vector<1x512xf32>
    %mul3A_2624 = arith.mulf %mul3A_2623, %min3A_2611 : vector<1x512xf32>
    %mul3A_2625 = arith.mulf %mul3A_2624, %min3A_2611 : vector<1x512xf32>
    %sub3A_2626 = arith.constant 3.000000e+00 : f32
    %sub3A_2627 = vector.broadcast %sub3A_2626 : f32 to vector<1x512xf32>
    %sub3A_2628 = arith.subf %mul3A_2625, %sub3A_2627 : vector<1x512xf32>
    %add3A_2629 = arith.constant 9.99999996E-13 : f32
    %add3A_2630 = vector.broadcast %add3A_2629 : f32 to vector<1x512xf32>
    %add3A_2631 = arith.addf %sub3A_2628, %add3A_2630 : vector<1x512xf32>
    %div3A_2632 = arith.divf %sub3A_2621, %add3A_2631 : vector<1x512xf32>
    %sub3A_2633 = arith.subf %min3A_2611, %div3A_2632 : vector<1x512xf32>
    %jit3A_2634 = arith.constant 1.000000e+00 : f32
    %jit3A_2635 = arith.constant 2.000000e+00 : f32
    %max3A_2636 = vector.broadcast %jit3A_2634 : f32 to vector<1x512xf32>
    %max3A_2637 = arith.maximumf %max3A_2636, %sub3A_2633 : vector<1x512xf32>
    %min3A_2638 = vector.broadcast %jit3A_2635 : f32 to vector<1x512xf32>
    %min3A_2639 = arith.minimumf %min3A_2638, %max3A_2637 : vector<1x512xf32>
    %mul3A_2640 = arith.mulf %min3A_2639, %min3A_2639 : vector<1x512xf32>
    %mul3A_2641 = arith.mulf %mul3A_2640, %min3A_2639 : vector<1x512xf32>
    %mul3A_2642 = arith.constant 3.000000e+00 : f32
    %mul3A_2643 = vector.broadcast %mul3A_2642 : f32 to vector<1x512xf32>
    %mul3A_2644 = arith.mulf %mul3A_2643, %min3A_2639 : vector<1x512xf32>
    %sub3A_2645 = arith.subf %mul3A_2641, %mul3A_2644 : vector<1x512xf32>
    %mul3A_2646 = arith.constant 2.000000e+00 : f32
    %mul3A_2647 = vector.broadcast %mul3A_2646 : f32 to vector<1x512xf32>
    %mul3A_2648 = arith.mulf %mul3A_2647, %neg3A_2385 : vector<1x512xf32>
    %sub3A_2649 = arith.subf %sub3A_2645, %mul3A_2648 : vector<1x512xf32>
    %mul3A_2650 = arith.constant 3.000000e+00 : f32
    %mul3A_2651 = vector.broadcast %mul3A_2650 : f32 to vector<1x512xf32>
    %mul3A_2652 = arith.mulf %mul3A_2651, %min3A_2639 : vector<1x512xf32>
    %mul3A_2653 = arith.mulf %mul3A_2652, %min3A_2639 : vector<1x512xf32>
    %sub3A_2654 = arith.constant 3.000000e+00 : f32
    %sub3A_2655 = vector.broadcast %sub3A_2654 : f32 to vector<1x512xf32>
    %sub3A_2656 = arith.subf %mul3A_2653, %sub3A_2655 : vector<1x512xf32>
    %add3A_2657 = arith.constant 9.99999996E-13 : f32
    %add3A_2658 = vector.broadcast %add3A_2657 : f32 to vector<1x512xf32>
    %add3A_2659 = arith.addf %sub3A_2656, %add3A_2658 : vector<1x512xf32>
    %div3A_2660 = arith.divf %sub3A_2649, %add3A_2659 : vector<1x512xf32>
    %sub3A_2661 = arith.subf %min3A_2639, %div3A_2660 : vector<1x512xf32>
    %jit3A_2662 = arith.constant 1.000000e+00 : f32
    %jit3A_2663 = arith.constant 2.000000e+00 : f32
    %max3A_2664 = vector.broadcast %jit3A_2662 : f32 to vector<1x512xf32>
    %max3A_2665 = arith.maximumf %max3A_2664, %sub3A_2661 : vector<1x512xf32>
    %min3A_2666 = vector.broadcast %jit3A_2663 : f32 to vector<1x512xf32>
    %min3A_2667 = arith.minimumf %min3A_2666, %max3A_2665 : vector<1x512xf32>
    %mul3A_2668 = arith.mulf %min3A_2667, %min3A_2667 : vector<1x512xf32>
    %mul3A_2669 = arith.mulf %mul3A_2668, %min3A_2667 : vector<1x512xf32>
    %mul3A_2670 = arith.constant 3.000000e+00 : f32
    %mul3A_2671 = vector.broadcast %mul3A_2670 : f32 to vector<1x512xf32>
    %mul3A_2672 = arith.mulf %mul3A_2671, %min3A_2667 : vector<1x512xf32>
    %sub3A_2673 = arith.subf %mul3A_2669, %mul3A_2672 : vector<1x512xf32>
    %mul3A_2674 = arith.constant 2.000000e+00 : f32
    %mul3A_2675 = vector.broadcast %mul3A_2674 : f32 to vector<1x512xf32>
    %mul3A_2676 = arith.mulf %mul3A_2675, %neg3A_2385 : vector<1x512xf32>
    %sub3A_2677 = arith.subf %sub3A_2673, %mul3A_2676 : vector<1x512xf32>
    %mul3A_2678 = arith.constant 3.000000e+00 : f32
    %mul3A_2679 = vector.broadcast %mul3A_2678 : f32 to vector<1x512xf32>
    %mul3A_2680 = arith.mulf %mul3A_2679, %min3A_2667 : vector<1x512xf32>
    %mul3A_2681 = arith.mulf %mul3A_2680, %min3A_2667 : vector<1x512xf32>
    %sub3A_2682 = arith.constant 3.000000e+00 : f32
    %sub3A_2683 = vector.broadcast %sub3A_2682 : f32 to vector<1x512xf32>
    %sub3A_2684 = arith.subf %mul3A_2681, %sub3A_2683 : vector<1x512xf32>
    %add3A_2685 = arith.constant 9.99999996E-13 : f32
    %add3A_2686 = vector.broadcast %add3A_2685 : f32 to vector<1x512xf32>
    %add3A_2687 = arith.addf %sub3A_2684, %add3A_2686 : vector<1x512xf32>
    %div3A_2688 = arith.divf %sub3A_2677, %add3A_2687 : vector<1x512xf32>
    %sub3A_2689 = arith.subf %min3A_2667, %div3A_2688 : vector<1x512xf32>
    %jit3A_2690 = arith.constant 1.000000e+00 : f32
    %jit3A_2691 = arith.constant 2.000000e+00 : f32
    %max3A_2692 = vector.broadcast %jit3A_2690 : f32 to vector<1x512xf32>
    %max3A_2693 = arith.maximumf %max3A_2692, %sub3A_2689 : vector<1x512xf32>
    %min3A_2694 = vector.broadcast %jit3A_2691 : f32 to vector<1x512xf32>
    %min3A_2695 = arith.minimumf %min3A_2694, %max3A_2693 : vector<1x512xf32>
    %mul3A_2696 = arith.mulf %min3A_2695, %min3A_2695 : vector<1x512xf32>
    %mul3A_2697 = arith.mulf %mul3A_2696, %min3A_2695 : vector<1x512xf32>
    %mul3A_2698 = arith.constant 3.000000e+00 : f32
    %mul3A_2699 = vector.broadcast %mul3A_2698 : f32 to vector<1x512xf32>
    %mul3A_2700 = arith.mulf %mul3A_2699, %min3A_2695 : vector<1x512xf32>
    %sub3A_2701 = arith.subf %mul3A_2697, %mul3A_2700 : vector<1x512xf32>
    %mul3A_2702 = arith.constant 2.000000e+00 : f32
    %mul3A_2703 = vector.broadcast %mul3A_2702 : f32 to vector<1x512xf32>
    %mul3A_2704 = arith.mulf %mul3A_2703, %neg3A_2385 : vector<1x512xf32>
    %sub3A_2705 = arith.subf %sub3A_2701, %mul3A_2704 : vector<1x512xf32>
    %mul3A_2706 = arith.constant 3.000000e+00 : f32
    %mul3A_2707 = vector.broadcast %mul3A_2706 : f32 to vector<1x512xf32>
    %mul3A_2708 = arith.mulf %mul3A_2707, %min3A_2695 : vector<1x512xf32>
    %mul3A_2709 = arith.mulf %mul3A_2708, %min3A_2695 : vector<1x512xf32>
    %sub3A_2710 = arith.constant 3.000000e+00 : f32
    %sub3A_2711 = vector.broadcast %sub3A_2710 : f32 to vector<1x512xf32>
    %sub3A_2712 = arith.subf %mul3A_2709, %sub3A_2711 : vector<1x512xf32>
    %add3A_2713 = arith.constant 9.99999996E-13 : f32
    %add3A_2714 = vector.broadcast %add3A_2713 : f32 to vector<1x512xf32>
    %add3A_2715 = arith.addf %sub3A_2712, %add3A_2714 : vector<1x512xf32>
    %div3A_2716 = arith.divf %sub3A_2705, %add3A_2715 : vector<1x512xf32>
    %sub3A_2717 = arith.subf %min3A_2695, %div3A_2716 : vector<1x512xf32>
    %jit3A_2718 = arith.constant 1.000000e+00 : f32
    %jit3A_2719 = arith.constant 2.000000e+00 : f32
    %max3A_2720 = vector.broadcast %jit3A_2718 : f32 to vector<1x512xf32>
    %max3A_2721 = arith.maximumf %max3A_2720, %sub3A_2717 : vector<1x512xf32>
    %min3A_2722 = vector.broadcast %jit3A_2719 : f32 to vector<1x512xf32>
    %min3A_2723 = arith.minimumf %min3A_2722, %max3A_2721 : vector<1x512xf32>
    %mul3A_2724 = arith.mulf %min3A_2723, %min3A_2723 : vector<1x512xf32>
    %mul3A_2725 = arith.mulf %mul3A_2724, %min3A_2723 : vector<1x512xf32>
    %mul3A_2726 = arith.constant 3.000000e+00 : f32
    %mul3A_2727 = vector.broadcast %mul3A_2726 : f32 to vector<1x512xf32>
    %mul3A_2728 = arith.mulf %mul3A_2727, %min3A_2723 : vector<1x512xf32>
    %sub3A_2729 = arith.subf %mul3A_2725, %mul3A_2728 : vector<1x512xf32>
    %mul3A_2730 = arith.constant 2.000000e+00 : f32
    %mul3A_2731 = vector.broadcast %mul3A_2730 : f32 to vector<1x512xf32>
    %mul3A_2732 = arith.mulf %mul3A_2731, %neg3A_2385 : vector<1x512xf32>
    %sub3A_2733 = arith.subf %sub3A_2729, %mul3A_2732 : vector<1x512xf32>
    %mul3A_2734 = arith.constant 3.000000e+00 : f32
    %mul3A_2735 = vector.broadcast %mul3A_2734 : f32 to vector<1x512xf32>
    %mul3A_2736 = arith.mulf %mul3A_2735, %min3A_2723 : vector<1x512xf32>
    %mul3A_2737 = arith.mulf %mul3A_2736, %min3A_2723 : vector<1x512xf32>
    %sub3A_2738 = arith.constant 3.000000e+00 : f32
    %sub3A_2739 = vector.broadcast %sub3A_2738 : f32 to vector<1x512xf32>
    %sub3A_2740 = arith.subf %mul3A_2737, %sub3A_2739 : vector<1x512xf32>
    %add3A_2741 = arith.constant 9.99999996E-13 : f32
    %add3A_2742 = vector.broadcast %add3A_2741 : f32 to vector<1x512xf32>
    %add3A_2743 = arith.addf %sub3A_2740, %add3A_2742 : vector<1x512xf32>
    %div3A_2744 = arith.divf %sub3A_2733, %add3A_2743 : vector<1x512xf32>
    %sub3A_2745 = arith.subf %min3A_2723, %div3A_2744 : vector<1x512xf32>
    %jit3A_2746 = arith.constant 1.000000e+00 : f32
    %jit3A_2747 = arith.constant 2.000000e+00 : f32
    %max3A_2748 = vector.broadcast %jit3A_2746 : f32 to vector<1x512xf32>
    %max3A_2749 = arith.maximumf %max3A_2748, %sub3A_2745 : vector<1x512xf32>
    %min3A_2750 = vector.broadcast %jit3A_2747 : f32 to vector<1x512xf32>
    %min3A_2751 = arith.minimumf %min3A_2750, %max3A_2749 : vector<1x512xf32>
    %mul3A_2752 = arith.mulf %min3A_2751, %min3A_2751 : vector<1x512xf32>
    %mul3A_2753 = arith.mulf %mul3A_2752, %min3A_2751 : vector<1x512xf32>
    %mul3A_2754 = arith.constant 3.000000e+00 : f32
    %mul3A_2755 = vector.broadcast %mul3A_2754 : f32 to vector<1x512xf32>
    %mul3A_2756 = arith.mulf %mul3A_2755, %min3A_2751 : vector<1x512xf32>
    %sub3A_2757 = arith.subf %mul3A_2753, %mul3A_2756 : vector<1x512xf32>
    %mul3A_2758 = arith.constant 2.000000e+00 : f32
    %mul3A_2759 = vector.broadcast %mul3A_2758 : f32 to vector<1x512xf32>
    %mul3A_2760 = arith.mulf %mul3A_2759, %neg3A_2385 : vector<1x512xf32>
    %sub3A_2761 = arith.subf %sub3A_2757, %mul3A_2760 : vector<1x512xf32>
    %mul3A_2762 = arith.constant 3.000000e+00 : f32
    %mul3A_2763 = vector.broadcast %mul3A_2762 : f32 to vector<1x512xf32>
    %mul3A_2764 = arith.mulf %mul3A_2763, %min3A_2751 : vector<1x512xf32>
    %mul3A_2765 = arith.mulf %mul3A_2764, %min3A_2751 : vector<1x512xf32>
    %sub3A_2766 = arith.constant 3.000000e+00 : f32
    %sub3A_2767 = vector.broadcast %sub3A_2766 : f32 to vector<1x512xf32>
    %sub3A_2768 = arith.subf %mul3A_2765, %sub3A_2767 : vector<1x512xf32>
    %add3A_2769 = arith.constant 9.99999996E-13 : f32
    %add3A_2770 = vector.broadcast %add3A_2769 : f32 to vector<1x512xf32>
    %add3A_2771 = arith.addf %sub3A_2768, %add3A_2770 : vector<1x512xf32>
    %div3A_2772 = arith.divf %sub3A_2761, %add3A_2771 : vector<1x512xf32>
    %sub3A_2773 = arith.subf %min3A_2751, %div3A_2772 : vector<1x512xf32>
    %jit3A_2774 = arith.constant 1.000000e+00 : f32
    %jit3A_2775 = arith.constant 2.000000e+00 : f32
    %max3A_2776 = vector.broadcast %jit3A_2774 : f32 to vector<1x512xf32>
    %max3A_2777 = arith.maximumf %max3A_2776, %sub3A_2773 : vector<1x512xf32>
    %min3A_2778 = vector.broadcast %jit3A_2775 : f32 to vector<1x512xf32>
    %min3A_2779 = arith.minimumf %min3A_2778, %max3A_2777 : vector<1x512xf32>
    %mul3A_2780 = arith.mulf %min3A_2779, %min3A_2779 : vector<1x512xf32>
    %mul3A_2781 = arith.mulf %mul3A_2780, %min3A_2779 : vector<1x512xf32>
    %mul3A_2782 = arith.constant 3.000000e+00 : f32
    %mul3A_2783 = vector.broadcast %mul3A_2782 : f32 to vector<1x512xf32>
    %mul3A_2784 = arith.mulf %mul3A_2783, %min3A_2779 : vector<1x512xf32>
    %sub3A_2785 = arith.subf %mul3A_2781, %mul3A_2784 : vector<1x512xf32>
    %mul3A_2786 = arith.constant 2.000000e+00 : f32
    %mul3A_2787 = vector.broadcast %mul3A_2786 : f32 to vector<1x512xf32>
    %mul3A_2788 = arith.mulf %mul3A_2787, %neg3A_2385 : vector<1x512xf32>
    %sub3A_2789 = arith.subf %sub3A_2785, %mul3A_2788 : vector<1x512xf32>
    %mul3A_2790 = arith.constant 3.000000e+00 : f32
    %mul3A_2791 = vector.broadcast %mul3A_2790 : f32 to vector<1x512xf32>
    %mul3A_2792 = arith.mulf %mul3A_2791, %min3A_2779 : vector<1x512xf32>
    %mul3A_2793 = arith.mulf %mul3A_2792, %min3A_2779 : vector<1x512xf32>
    %sub3A_2794 = arith.constant 3.000000e+00 : f32
    %sub3A_2795 = vector.broadcast %sub3A_2794 : f32 to vector<1x512xf32>
    %sub3A_2796 = arith.subf %mul3A_2793, %sub3A_2795 : vector<1x512xf32>
    %add3A_2797 = arith.constant 9.99999996E-13 : f32
    %add3A_2798 = vector.broadcast %add3A_2797 : f32 to vector<1x512xf32>
    %add3A_2799 = arith.addf %sub3A_2796, %add3A_2798 : vector<1x512xf32>
    %div3A_2800 = arith.divf %sub3A_2789, %add3A_2799 : vector<1x512xf32>
    %sub3A_2801 = arith.subf %min3A_2779, %div3A_2800 : vector<1x512xf32>
    %jit3A_2802 = arith.constant 1.000000e+00 : f32
    %jit3A_2803 = arith.constant 2.000000e+00 : f32
    %max3A_2804 = vector.broadcast %jit3A_2802 : f32 to vector<1x512xf32>
    %max3A_2805 = arith.maximumf %max3A_2804, %sub3A_2801 : vector<1x512xf32>
    %min3A_2806 = vector.broadcast %jit3A_2803 : f32 to vector<1x512xf32>
    %min3A_2807 = arith.minimumf %min3A_2806, %max3A_2805 : vector<1x512xf32>
    %mul3A_2808 = arith.mulf %min3A_2807, %min3A_2807 : vector<1x512xf32>
    %mul3A_2809 = arith.mulf %mul3A_2808, %min3A_2807 : vector<1x512xf32>
    %mul3A_2810 = arith.constant 3.000000e+00 : f32
    %mul3A_2811 = vector.broadcast %mul3A_2810 : f32 to vector<1x512xf32>
    %mul3A_2812 = arith.mulf %mul3A_2811, %min3A_2807 : vector<1x512xf32>
    %sub3A_2813 = arith.subf %mul3A_2809, %mul3A_2812 : vector<1x512xf32>
    %mul3A_2814 = arith.constant 2.000000e+00 : f32
    %mul3A_2815 = vector.broadcast %mul3A_2814 : f32 to vector<1x512xf32>
    %mul3A_2816 = arith.mulf %mul3A_2815, %neg3A_2385 : vector<1x512xf32>
    %sub3A_2817 = arith.subf %sub3A_2813, %mul3A_2816 : vector<1x512xf32>
    %mul3A_2818 = arith.constant 3.000000e+00 : f32
    %mul3A_2819 = vector.broadcast %mul3A_2818 : f32 to vector<1x512xf32>
    %mul3A_2820 = arith.mulf %mul3A_2819, %min3A_2807 : vector<1x512xf32>
    %mul3A_2821 = arith.mulf %mul3A_2820, %min3A_2807 : vector<1x512xf32>
    %sub3A_2822 = arith.constant 3.000000e+00 : f32
    %sub3A_2823 = vector.broadcast %sub3A_2822 : f32 to vector<1x512xf32>
    %sub3A_2824 = arith.subf %mul3A_2821, %sub3A_2823 : vector<1x512xf32>
    %add3A_2825 = arith.constant 9.99999996E-13 : f32
    %add3A_2826 = vector.broadcast %add3A_2825 : f32 to vector<1x512xf32>
    %add3A_2827 = arith.addf %sub3A_2824, %add3A_2826 : vector<1x512xf32>
    %div3A_2828 = arith.divf %sub3A_2817, %add3A_2827 : vector<1x512xf32>
    %sub3A_2829 = arith.subf %min3A_2807, %div3A_2828 : vector<1x512xf32>
    %jit3A_2830 = arith.constant 1.000000e+00 : f32
    %jit3A_2831 = arith.constant 2.000000e+00 : f32
    %max3A_2832 = vector.broadcast %jit3A_2830 : f32 to vector<1x512xf32>
    %max3A_2833 = arith.maximumf %max3A_2832, %sub3A_2829 : vector<1x512xf32>
    %min3A_2834 = vector.broadcast %jit3A_2831 : f32 to vector<1x512xf32>
    %min3A_2835 = arith.minimumf %min3A_2834, %max3A_2833 : vector<1x512xf32>
    %mul3A_2836 = arith.mulf %min3A_2835, %min3A_2835 : vector<1x512xf32>
    %mul3A_2837 = arith.mulf %mul3A_2836, %min3A_2835 : vector<1x512xf32>
    %mul3A_2838 = arith.constant 3.000000e+00 : f32
    %mul3A_2839 = vector.broadcast %mul3A_2838 : f32 to vector<1x512xf32>
    %mul3A_2840 = arith.mulf %mul3A_2839, %min3A_2835 : vector<1x512xf32>
    %sub3A_2841 = arith.subf %mul3A_2837, %mul3A_2840 : vector<1x512xf32>
    %mul3A_2842 = arith.constant 2.000000e+00 : f32
    %mul3A_2843 = vector.broadcast %mul3A_2842 : f32 to vector<1x512xf32>
    %mul3A_2844 = arith.mulf %mul3A_2843, %neg3A_2385 : vector<1x512xf32>
    %sub3A_2845 = arith.subf %sub3A_2841, %mul3A_2844 : vector<1x512xf32>
    %mul3A_2846 = arith.constant 3.000000e+00 : f32
    %mul3A_2847 = vector.broadcast %mul3A_2846 : f32 to vector<1x512xf32>
    %mul3A_2848 = arith.mulf %mul3A_2847, %min3A_2835 : vector<1x512xf32>
    %mul3A_2849 = arith.mulf %mul3A_2848, %min3A_2835 : vector<1x512xf32>
    %sub3A_2850 = arith.constant 3.000000e+00 : f32
    %sub3A_2851 = vector.broadcast %sub3A_2850 : f32 to vector<1x512xf32>
    %sub3A_2852 = arith.subf %mul3A_2849, %sub3A_2851 : vector<1x512xf32>
    %add3A_2853 = arith.constant 9.99999996E-13 : f32
    %add3A_2854 = vector.broadcast %add3A_2853 : f32 to vector<1x512xf32>
    %add3A_2855 = arith.addf %sub3A_2852, %add3A_2854 : vector<1x512xf32>
    %div3A_2856 = arith.divf %sub3A_2845, %add3A_2855 : vector<1x512xf32>
    %sub3A_2857 = arith.subf %min3A_2835, %div3A_2856 : vector<1x512xf32>
    %jit3A_2858 = arith.constant 1.000000e+00 : f32
    %jit3A_2859 = arith.constant 2.000000e+00 : f32
    %max3A_2860 = vector.broadcast %jit3A_2858 : f32 to vector<1x512xf32>
    %max3A_2861 = arith.maximumf %max3A_2860, %sub3A_2857 : vector<1x512xf32>
    %min3A_2862 = vector.broadcast %jit3A_2859 : f32 to vector<1x512xf32>
    %min3A_2863 = arith.minimumf %min3A_2862, %max3A_2861 : vector<1x512xf32>
    %mul3A_2864 = arith.mulf %min3A_2863, %min3A_2863 : vector<1x512xf32>
    %mul3A_2865 = arith.mulf %mul3A_2864, %min3A_2863 : vector<1x512xf32>
    %mul3A_2866 = arith.constant 3.000000e+00 : f32
    %mul3A_2867 = vector.broadcast %mul3A_2866 : f32 to vector<1x512xf32>
    %mul3A_2868 = arith.mulf %mul3A_2867, %min3A_2863 : vector<1x512xf32>
    %sub3A_2869 = arith.subf %mul3A_2865, %mul3A_2868 : vector<1x512xf32>
    %mul3A_2870 = arith.constant 2.000000e+00 : f32
    %mul3A_2871 = vector.broadcast %mul3A_2870 : f32 to vector<1x512xf32>
    %mul3A_2872 = arith.mulf %mul3A_2871, %neg3A_2385 : vector<1x512xf32>
    %sub3A_2873 = arith.subf %sub3A_2869, %mul3A_2872 : vector<1x512xf32>
    %mul3A_2874 = arith.constant 3.000000e+00 : f32
    %mul3A_2875 = vector.broadcast %mul3A_2874 : f32 to vector<1x512xf32>
    %mul3A_2876 = arith.mulf %mul3A_2875, %min3A_2863 : vector<1x512xf32>
    %mul3A_2877 = arith.mulf %mul3A_2876, %min3A_2863 : vector<1x512xf32>
    %sub3A_2878 = arith.constant 3.000000e+00 : f32
    %sub3A_2879 = vector.broadcast %sub3A_2878 : f32 to vector<1x512xf32>
    %sub3A_2880 = arith.subf %mul3A_2877, %sub3A_2879 : vector<1x512xf32>
    %add3A_2881 = arith.constant 9.99999996E-13 : f32
    %add3A_2882 = vector.broadcast %add3A_2881 : f32 to vector<1x512xf32>
    %add3A_2883 = arith.addf %sub3A_2880, %add3A_2882 : vector<1x512xf32>
    %div3A_2884 = arith.divf %sub3A_2873, %add3A_2883 : vector<1x512xf32>
    %sub3A_2885 = arith.subf %min3A_2863, %div3A_2884 : vector<1x512xf32>
    %jit3A_2886 = arith.constant 1.000000e+00 : f32
    %jit3A_2887 = arith.constant 2.000000e+00 : f32
    %max3A_2888 = vector.broadcast %jit3A_2886 : f32 to vector<1x512xf32>
    %max3A_2889 = arith.maximumf %max3A_2888, %sub3A_2885 : vector<1x512xf32>
    %min3A_2890 = vector.broadcast %jit3A_2887 : f32 to vector<1x512xf32>
    %min3A_2891 = arith.minimumf %min3A_2890, %max3A_2889 : vector<1x512xf32>
    %mul3A_2892 = arith.mulf %min3A_2891, %min3A_2891 : vector<1x512xf32>
    %mul3A_2893 = arith.mulf %mul3A_2892, %min3A_2891 : vector<1x512xf32>
    %mul3A_2894 = arith.constant 3.000000e+00 : f32
    %mul3A_2895 = vector.broadcast %mul3A_2894 : f32 to vector<1x512xf32>
    %mul3A_2896 = arith.mulf %mul3A_2895, %min3A_2891 : vector<1x512xf32>
    %sub3A_2897 = arith.subf %mul3A_2893, %mul3A_2896 : vector<1x512xf32>
    %mul3A_2898 = arith.constant 2.000000e+00 : f32
    %mul3A_2899 = vector.broadcast %mul3A_2898 : f32 to vector<1x512xf32>
    %mul3A_2900 = arith.mulf %mul3A_2899, %neg3A_2385 : vector<1x512xf32>
    %sub3A_2901 = arith.subf %sub3A_2897, %mul3A_2900 : vector<1x512xf32>
    %mul3A_2902 = arith.constant 3.000000e+00 : f32
    %mul3A_2903 = vector.broadcast %mul3A_2902 : f32 to vector<1x512xf32>
    %mul3A_2904 = arith.mulf %mul3A_2903, %min3A_2891 : vector<1x512xf32>
    %mul3A_2905 = arith.mulf %mul3A_2904, %min3A_2891 : vector<1x512xf32>
    %sub3A_2906 = arith.constant 3.000000e+00 : f32
    %sub3A_2907 = vector.broadcast %sub3A_2906 : f32 to vector<1x512xf32>
    %sub3A_2908 = arith.subf %mul3A_2905, %sub3A_2907 : vector<1x512xf32>
    %add3A_2909 = arith.constant 9.99999996E-13 : f32
    %add3A_2910 = vector.broadcast %add3A_2909 : f32 to vector<1x512xf32>
    %add3A_2911 = arith.addf %sub3A_2908, %add3A_2910 : vector<1x512xf32>
    %div3A_2912 = arith.divf %sub3A_2901, %add3A_2911 : vector<1x512xf32>
    %sub3A_2913 = arith.subf %min3A_2891, %div3A_2912 : vector<1x512xf32>
    %jit3A_2914 = arith.constant 1.000000e+00 : f32
    %jit3A_2915 = arith.constant 2.000000e+00 : f32
    %max3A_2916 = vector.broadcast %jit3A_2914 : f32 to vector<1x512xf32>
    %max3A_2917 = arith.maximumf %max3A_2916, %sub3A_2913 : vector<1x512xf32>
    %min3A_2918 = vector.broadcast %jit3A_2915 : f32 to vector<1x512xf32>
    %min3A_2919 = arith.minimumf %min3A_2918, %max3A_2917 : vector<1x512xf32>
    %mul3A_2920 = arith.mulf %min3A_2919, %min3A_2919 : vector<1x512xf32>
    %mul3A_2921 = arith.mulf %mul3A_2920, %min3A_2919 : vector<1x512xf32>
    %mul3A_2922 = arith.constant 3.000000e+00 : f32
    %mul3A_2923 = vector.broadcast %mul3A_2922 : f32 to vector<1x512xf32>
    %mul3A_2924 = arith.mulf %mul3A_2923, %min3A_2919 : vector<1x512xf32>
    %sub3A_2925 = arith.subf %mul3A_2921, %mul3A_2924 : vector<1x512xf32>
    %mul3A_2926 = arith.constant 2.000000e+00 : f32
    %mul3A_2927 = vector.broadcast %mul3A_2926 : f32 to vector<1x512xf32>
    %mul3A_2928 = arith.mulf %mul3A_2927, %neg3A_2385 : vector<1x512xf32>
    %sub3A_2929 = arith.subf %sub3A_2925, %mul3A_2928 : vector<1x512xf32>
    %mul3A_2930 = arith.constant 3.000000e+00 : f32
    %mul3A_2931 = vector.broadcast %mul3A_2930 : f32 to vector<1x512xf32>
    %mul3A_2932 = arith.mulf %mul3A_2931, %min3A_2919 : vector<1x512xf32>
    %mul3A_2933 = arith.mulf %mul3A_2932, %min3A_2919 : vector<1x512xf32>
    %sub3A_2934 = arith.constant 3.000000e+00 : f32
    %sub3A_2935 = vector.broadcast %sub3A_2934 : f32 to vector<1x512xf32>
    %sub3A_2936 = arith.subf %mul3A_2933, %sub3A_2935 : vector<1x512xf32>
    %add3A_2937 = arith.constant 9.99999996E-13 : f32
    %add3A_2938 = vector.broadcast %add3A_2937 : f32 to vector<1x512xf32>
    %add3A_2939 = arith.addf %sub3A_2936, %add3A_2938 : vector<1x512xf32>
    %div3A_2940 = arith.divf %sub3A_2929, %add3A_2939 : vector<1x512xf32>
    %sub3A_2941 = arith.subf %min3A_2919, %div3A_2940 : vector<1x512xf32>
    %jit3A_2942 = arith.constant 1.000000e+00 : f32
    %jit3A_2943 = arith.constant 2.000000e+00 : f32
    %max3A_2944 = vector.broadcast %jit3A_2942 : f32 to vector<1x512xf32>
    %max3A_2945 = arith.maximumf %max3A_2944, %sub3A_2941 : vector<1x512xf32>
    %min3A_2946 = vector.broadcast %jit3A_2943 : f32 to vector<1x512xf32>
    %min3A_2947 = arith.minimumf %min3A_2946, %max3A_2945 : vector<1x512xf32>
    %mul3A_2948 = arith.mulf %min3A_2947, %min3A_2947 : vector<1x512xf32>
    %mul3A_2949 = arith.mulf %mul3A_2948, %min3A_2947 : vector<1x512xf32>
    %mul3A_2950 = arith.constant 3.000000e+00 : f32
    %mul3A_2951 = vector.broadcast %mul3A_2950 : f32 to vector<1x512xf32>
    %mul3A_2952 = arith.mulf %mul3A_2951, %min3A_2947 : vector<1x512xf32>
    %sub3A_2953 = arith.subf %mul3A_2949, %mul3A_2952 : vector<1x512xf32>
    %mul3A_2954 = arith.constant 2.000000e+00 : f32
    %mul3A_2955 = vector.broadcast %mul3A_2954 : f32 to vector<1x512xf32>
    %mul3A_2956 = arith.mulf %mul3A_2955, %neg3A_2385 : vector<1x512xf32>
    %sub3A_2957 = arith.subf %sub3A_2953, %mul3A_2956 : vector<1x512xf32>
    %mul3A_2958 = arith.constant 3.000000e+00 : f32
    %mul3A_2959 = vector.broadcast %mul3A_2958 : f32 to vector<1x512xf32>
    %mul3A_2960 = arith.mulf %mul3A_2959, %min3A_2947 : vector<1x512xf32>
    %mul3A_2961 = arith.mulf %mul3A_2960, %min3A_2947 : vector<1x512xf32>
    %sub3A_2962 = arith.constant 3.000000e+00 : f32
    %sub3A_2963 = vector.broadcast %sub3A_2962 : f32 to vector<1x512xf32>
    %sub3A_2964 = arith.subf %mul3A_2961, %sub3A_2963 : vector<1x512xf32>
    %add3A_2965 = arith.constant 9.99999996E-13 : f32
    %add3A_2966 = vector.broadcast %add3A_2965 : f32 to vector<1x512xf32>
    %add3A_2967 = arith.addf %sub3A_2964, %add3A_2966 : vector<1x512xf32>
    %div3A_2968 = arith.divf %sub3A_2957, %add3A_2967 : vector<1x512xf32>
    %sub3A_2969 = arith.subf %min3A_2947, %div3A_2968 : vector<1x512xf32>
    %jit3A_2970 = arith.constant 1.000000e+00 : f32
    %jit3A_2971 = arith.constant 2.000000e+00 : f32
    %max3A_2972 = vector.broadcast %jit3A_2970 : f32 to vector<1x512xf32>
    %max3A_2973 = arith.maximumf %max3A_2972, %sub3A_2969 : vector<1x512xf32>
    %min3A_2974 = vector.broadcast %jit3A_2971 : f32 to vector<1x512xf32>
    %min3A_2975 = arith.minimumf %min3A_2974, %max3A_2973 : vector<1x512xf32>
    %mul3A_2976 = arith.mulf %min3A_2975, %min3A_2975 : vector<1x512xf32>
    %mul3A_2977 = arith.mulf %mul3A_2976, %min3A_2975 : vector<1x512xf32>
    %mul3A_2978 = arith.constant 3.000000e+00 : f32
    %mul3A_2979 = vector.broadcast %mul3A_2978 : f32 to vector<1x512xf32>
    %mul3A_2980 = arith.mulf %mul3A_2979, %min3A_2975 : vector<1x512xf32>
    %sub3A_2981 = arith.subf %mul3A_2977, %mul3A_2980 : vector<1x512xf32>
    %mul3A_2982 = arith.constant 2.000000e+00 : f32
    %mul3A_2983 = vector.broadcast %mul3A_2982 : f32 to vector<1x512xf32>
    %mul3A_2984 = arith.mulf %mul3A_2983, %neg3A_2385 : vector<1x512xf32>
    %sub3A_2985 = arith.subf %sub3A_2981, %mul3A_2984 : vector<1x512xf32>
    %mul3A_2986 = arith.constant 3.000000e+00 : f32
    %mul3A_2987 = vector.broadcast %mul3A_2986 : f32 to vector<1x512xf32>
    %mul3A_2988 = arith.mulf %mul3A_2987, %min3A_2975 : vector<1x512xf32>
    %mul3A_2989 = arith.mulf %mul3A_2988, %min3A_2975 : vector<1x512xf32>
    %sub3A_2990 = arith.constant 3.000000e+00 : f32
    %sub3A_2991 = vector.broadcast %sub3A_2990 : f32 to vector<1x512xf32>
    %sub3A_2992 = arith.subf %mul3A_2989, %sub3A_2991 : vector<1x512xf32>
    %add3A_2993 = arith.constant 9.99999996E-13 : f32
    %add3A_2994 = vector.broadcast %add3A_2993 : f32 to vector<1x512xf32>
    %add3A_2995 = arith.addf %sub3A_2992, %add3A_2994 : vector<1x512xf32>
    %div3A_2996 = arith.divf %sub3A_2985, %add3A_2995 : vector<1x512xf32>
    %sub3A_2997 = arith.subf %min3A_2975, %div3A_2996 : vector<1x512xf32>
    %jit3A_2998 = arith.constant 1.000000e+00 : f32
    %jit3A_2999 = arith.constant 2.000000e+00 : f32
    %max3A_3000 = vector.broadcast %jit3A_2998 : f32 to vector<1x512xf32>
    %max3A_3001 = arith.maximumf %max3A_3000, %sub3A_2997 : vector<1x512xf32>
    %min3A_3002 = vector.broadcast %jit3A_2999 : f32 to vector<1x512xf32>
    %min3A_3003 = arith.minimumf %min3A_3002, %max3A_3001 : vector<1x512xf32>
    %mul3A_3004 = arith.mulf %min3A_3003, %min3A_3003 : vector<1x512xf32>
    %mul3A_3005 = arith.mulf %mul3A_3004, %min3A_3003 : vector<1x512xf32>
    %mul3A_3006 = arith.constant 3.000000e+00 : f32
    %mul3A_3007 = vector.broadcast %mul3A_3006 : f32 to vector<1x512xf32>
    %mul3A_3008 = arith.mulf %mul3A_3007, %min3A_3003 : vector<1x512xf32>
    %sub3A_3009 = arith.subf %mul3A_3005, %mul3A_3008 : vector<1x512xf32>
    %mul3A_3010 = arith.constant 2.000000e+00 : f32
    %mul3A_3011 = vector.broadcast %mul3A_3010 : f32 to vector<1x512xf32>
    %mul3A_3012 = arith.mulf %mul3A_3011, %neg3A_2385 : vector<1x512xf32>
    %sub3A_3013 = arith.subf %sub3A_3009, %mul3A_3012 : vector<1x512xf32>
    %mul3A_3014 = arith.constant 3.000000e+00 : f32
    %mul3A_3015 = vector.broadcast %mul3A_3014 : f32 to vector<1x512xf32>
    %mul3A_3016 = arith.mulf %mul3A_3015, %min3A_3003 : vector<1x512xf32>
    %mul3A_3017 = arith.mulf %mul3A_3016, %min3A_3003 : vector<1x512xf32>
    %sub3A_3018 = arith.constant 3.000000e+00 : f32
    %sub3A_3019 = vector.broadcast %sub3A_3018 : f32 to vector<1x512xf32>
    %sub3A_3020 = arith.subf %mul3A_3017, %sub3A_3019 : vector<1x512xf32>
    %add3A_3021 = arith.constant 9.99999996E-13 : f32
    %add3A_3022 = vector.broadcast %add3A_3021 : f32 to vector<1x512xf32>
    %add3A_3023 = arith.addf %sub3A_3020, %add3A_3022 : vector<1x512xf32>
    %div3A_3024 = arith.divf %sub3A_3013, %add3A_3023 : vector<1x512xf32>
    %sub3A_3025 = arith.subf %min3A_3003, %div3A_3024 : vector<1x512xf32>
    %jit3A_3026 = arith.constant 1.000000e+00 : f32
    %jit3A_3027 = arith.constant 2.000000e+00 : f32
    %max3A_3028 = vector.broadcast %jit3A_3026 : f32 to vector<1x512xf32>
    %max3A_3029 = arith.maximumf %max3A_3028, %sub3A_3025 : vector<1x512xf32>
    %min3A_3030 = vector.broadcast %jit3A_3027 : f32 to vector<1x512xf32>
    %min3A_3031 = arith.minimumf %min3A_3030, %max3A_3029 : vector<1x512xf32>
    %mul3A_3032 = arith.mulf %min3A_3031, %min3A_3031 : vector<1x512xf32>
    %mul3A_3033 = arith.mulf %mul3A_3032, %min3A_3031 : vector<1x512xf32>
    %mul3A_3034 = arith.constant 3.000000e+00 : f32
    %mul3A_3035 = vector.broadcast %mul3A_3034 : f32 to vector<1x512xf32>
    %mul3A_3036 = arith.mulf %mul3A_3035, %min3A_3031 : vector<1x512xf32>
    %sub3A_3037 = arith.subf %mul3A_3033, %mul3A_3036 : vector<1x512xf32>
    %mul3A_3038 = arith.constant 2.000000e+00 : f32
    %mul3A_3039 = vector.broadcast %mul3A_3038 : f32 to vector<1x512xf32>
    %mul3A_3040 = arith.mulf %mul3A_3039, %neg3A_2385 : vector<1x512xf32>
    %sub3A_3041 = arith.subf %sub3A_3037, %mul3A_3040 : vector<1x512xf32>
    %mul3A_3042 = arith.constant 3.000000e+00 : f32
    %mul3A_3043 = vector.broadcast %mul3A_3042 : f32 to vector<1x512xf32>
    %mul3A_3044 = arith.mulf %mul3A_3043, %min3A_3031 : vector<1x512xf32>
    %mul3A_3045 = arith.mulf %mul3A_3044, %min3A_3031 : vector<1x512xf32>
    %sub3A_3046 = arith.constant 3.000000e+00 : f32
    %sub3A_3047 = vector.broadcast %sub3A_3046 : f32 to vector<1x512xf32>
    %sub3A_3048 = arith.subf %mul3A_3045, %sub3A_3047 : vector<1x512xf32>
    %add3A_3049 = arith.constant 9.99999996E-13 : f32
    %add3A_3050 = vector.broadcast %add3A_3049 : f32 to vector<1x512xf32>
    %add3A_3051 = arith.addf %sub3A_3048, %add3A_3050 : vector<1x512xf32>
    %div3A_3052 = arith.divf %sub3A_3041, %add3A_3051 : vector<1x512xf32>
    %sub3A_3053 = arith.subf %min3A_3031, %div3A_3052 : vector<1x512xf32>
    %jit3A_3054 = arith.constant 1.000000e+00 : f32
    %jit3A_3055 = arith.constant 2.000000e+00 : f32
    %max3A_3056 = vector.broadcast %jit3A_3054 : f32 to vector<1x512xf32>
    %max3A_3057 = arith.maximumf %max3A_3056, %sub3A_3053 : vector<1x512xf32>
    %min3A_3058 = vector.broadcast %jit3A_3055 : f32 to vector<1x512xf32>
    %min3A_3059 = arith.minimumf %min3A_3058, %max3A_3057 : vector<1x512xf32>
    %mul3A_3060 = arith.mulf %sqrt3A_1665, %min3A_3059 : vector<1x512xf32>
    %sub3A_3061 = arith.subf %mul3A_1641, %mul3A_3060 : vector<1x512xf32>
    %max3A_3062 = arith.constant 0.000000e+00 : f32
    %max3A_3063 = vector.broadcast %max3A_3062 : f32 to vector<1x512xf32>
    %max3A_3064 = arith.maximumf %add3A_2382, %max3A_3063 : vector<1x512xf32>
    %sqrt3A_3065 = math.sqrt %max3A_3064 : vector<1x512xf32>
    %max3A_3066 = arith.constant 0.000000e+00 : f32
    %max3A_3067 = vector.broadcast %max3A_3066 : f32 to vector<1x512xf32>
    %max3A_3068 = arith.maximumf %sub3A_3061, %max3A_3067 : vector<1x512xf32>
    %sqrt3A_3069 = math.sqrt %max3A_3068 : vector<1x512xf32>
    %add3A_3070 = arith.addf %sqrt3A_3065, %sqrt3A_3069 : vector<1x512xf32>
    %add3A_3071 = arith.constant 1.000000e-30 : f32
    %add3A_3072 = vector.broadcast %add3A_3071 : f32 to vector<1x512xf32>
    %add3A_3073 = arith.addf %add3A_3070, %add3A_3072 : vector<1x512xf32>
    %div3A_3074 = arith.divf %sqrt3A_3065, %add3A_3073 : vector<1x512xf32>
    %sub3A_3075 = arith.subf %div3A_3074, %div3A_1576 : vector<1x512xf32>
    %mul3A_3076 = arith.mulf %sub3A_3075, %sub3A_3075 : vector<1x512xf32>
    %reduce_sum3A = arith.constant dense<0.000000e+00> : vector<1xf32>
    %reduce_sum3A_3077 = vector.multi_reduction <add>, %mul3A_3076, %reduce_sum3A [1] : vector<1x512xf32> to vector<1xf32>
    %broadcast_in_dim3A_3078 = vector.shape_cast %reduce_sum3A_3077 : vector<1xf32> to vector<1x1xf32>
    %eq3A = arith.constant 0 : i32
    %eq3A_3079 = arith.cmpi eq, %arg0, %eq3A : i32
    %convert_element_type3A = arith.extui %eq3A_3079 : i1 to i32
    %cond3A = arith.constant 0 : i32
    %cond3A_3080 = arith.cmpi ne, %convert_element_type3A, %cond3A : i32
    scf.if %cond3A_3080 {
      %broadcast_in_dim3A_3092 = arith.constant 0.000000e+00 : f32
      %broadcast_in_dim3A_3093 = vector.broadcast %broadcast_in_dim3A_3092 : f32 to vector<1x1xf32>
      %swap3A_3094 = arith.constant 0 : index
      %swap3A_3095 = arith.constant 0 : index
      %swap3A_3096 = vector.load %arg3[%swap3A_3094, %swap3A_3095] : memref<1x1xf32, #tpu.memory_space<vmem>>, vector<1x1xf32>
      tpu.vector_store %arg3[%swap3A_3094, %swap3A_3095], %broadcast_in_dim3A_3093 {strides = array<i32>} : memref<1x1xf32, #tpu.memory_space<vmem>>, vector<1x1xf32>,
    } else {
    }
    %get3A_3081 = arith.constant 0 : index
    %get3A_3082 = arith.constant 0 : index
    %get3A_3083 = vector.load %arg3[%get3A_3081, %get3A_3082] : memref<1x1xf32, #tpu.memory_space<vmem>>, vector<1x1xf32>
    %add3A_3084 = arith.addf %get3A_3083, %broadcast_in_dim3A_3078 : vector<1x1xf32>
    %swap3A = arith.constant 0 : index
    %swap3A_3085 = arith.constant 0 : index
    %swap3A_3086 = vector.load %arg3[%swap3A, %swap3A_3085] : memref<1x1xf32, #tpu.memory_space<vmem>>, vector<1x1xf32>
    tpu.vector_store %arg3[%swap3A, %swap3A_3085], %add3A_3084 {strides = array<i32>} : memref<1x1xf32, #tpu.memory_space<vmem>>, vector<1x1xf32>,
    %eq3A_3087 = arith.constant 31 : i32
    %eq3A_3088 = arith.cmpi eq, %arg0, %eq3A_3087 : i32
    %convert_element_type3A_3089 = arith.extui %eq3A_3088 : i1 to i32
    %cond3A_3090 = arith.constant 0 : i32
    %cond3A_3091 = arith.cmpi ne, %convert_element_type3A_3089, %cond3A_3090 : i32
    scf.if %cond3A_3091 {
      %get3A_3092 = arith.constant 0 : index
      %get3A_3093 = arith.constant 0 : index
      %get3A_3094 = vector.load %arg3[%get3A_3092, %get3A_3093] : memref<1x1xf32, #tpu.memory_space<vmem>>, vector<1x1xf32>
      %mul3A_3095 = arith.constant 6.10351563E-5 : f32
      %mul3A_3096 = vector.broadcast %mul3A_3095 : f32 to vector<1x1xf32>
      %mul3A_3097 = arith.mulf %get3A_3094, %mul3A_3096 : vector<1x1xf32>
      %swap3A_3098 = arith.constant 0 : index
      %swap3A_3099 = arith.constant 0 : index
      %swap3A_3100 = vector.load %arg3[%swap3A_3098, %swap3A_3099] : memref<1x1xf32, #tpu.memory_space<vmem>>, vector<1x1xf32>
      tpu.vector_store %arg3[%swap3A_3098, %swap3A_3099], %mul3A_3097 {strides = array<i32>} : memref<1x1xf32, #tpu.memory_space<vmem>>, vector<1x1xf32>,
    } else {
    }
    return
  }
  func.func @transform_0(%arg0: i32) -> (i32, i32, i32) {
    %c0_i32 = arith.constant 0 : i32
    %c0_i32_0 = arith.constant 0 : i32
    %c0_i32_1 = arith.constant 0 : i32
    return %arg0, %c0_i32, %c0_i32_0 : i32, i32, i32
  }
  func.func @transform_1(%arg0: i32) -> (i32, i32) {
    %c0_i32 = arith.constant 0 : i32
    %c0_i32_0 = arith.constant 0 : i32
    return %c0_i32, %arg0 : i32, i32
  }
  func.func @transform_2(%arg0: i32) -> (i32, i32) {
    %c0_i32 = arith.constant 0 : i32
    %c0_i32_0 = arith.constant 0 : i32
    %c0_i32_1 = arith.constant 0 : i32
    return %c0_i32, %c0_i32_0 : i32, i32
  }
}

</mosaic_0001>

<sc_bundles>
// kernel: kernel.5.cloned.1.call-start
scs
__scs_entry_jumppad:
0x0: {  	(pc) =	sbr.rel $0x88, $3  }
0x1: {  	(tag) =	ssettag $0x0;
	lr =	simm.s32 $0x1  }
0x2: {  	[smem:$0x3F9F] =	sst lr;
	_ =	strace $0xD0000000  }
0x3: {  	_ = 	snop  }
0x4: {  	_ = 	snop  }
0x5: {  	_ = 	snop  }
0x6: {  	_ = 	snop  }
0x7: {  	_ = 	snop  }
__scs_overlays_trampoline_lowered:
0x8: {  	[smem:$0x3FAE] =	sst s0  }
0x9: {  	[smem:$0x3FAF] =	sst s1  }
0xa: {  	[smem:$0x3FB0] =	sst s2  }
0xb: {  	[smem:$0x3FB1] =	sst s3  }
0xc: {  	[smem:$0x3FB2] =	sst s4  }
0xd: {  	[smem:$0x3FB3] =	sst s5  }
0xe: {  	[smem:$0x3FB4] =	sst s6  }
0xf: {  	[smem:$0x3FB5] =	sst s7  }
0x10: {  	[smem:$0x3FB6] =	sst s8  }
0x11: {  	[smem:$0x3FB7] =	sst s9;
	s0 =	simm.s32 @!p0 $0x0  }
0x12: {  	s1 =	sld [smem:$0x3F9D];
	s0 =	simm.s32 @p0 $0x1  }
0x13: {  	[smem:$0x3FB8] =	sst s0;
	s0 =	simm.s32 @!p1 $0x0  }
0x14: {  	s2 =	sld [smem:$0x3F9C];
	s0 =	simm.s32 @p1 $0x1  }
0x15: {  	[smem:$0x3FB9] =	sst s0;
	s0 =	simm.s32 @!p2 $0x0  }
0x16: {  	s3 =	sld [smem:$0x3FDB];
	s0 =	simm.s32 @p2 $0x1  }
0x17: {  	s4 =	simm.s32 $0x1BF5;
	[smem:$0x3FBB] =	sst s0  }
0x18: {  	s0 =	sld [smem:$0x3F9E];
	_ =	swait.ge [sflag:s4], $0x0  }
0x19: {  	s7 =	sld [smem:$0x3F9F]  }
0x1a: {  	s8 =	sadd.s32 $0xFFFFE003, lr  }
0x1b: {  	s9 =	sadd.s32 $0xFFFFFEF7, lr;
	s5 =	simm.s32 $0xFFFFFFFF;
	p2 =	slt.u32 s8, $0xFFFFF086  }
0x1c: {  	p1 =	slt.u32 s9, $0xF7A;
	s5 =	simm.s32 @!p2 $0x0  }
0x1d: {  	s5 =	simm.s32 @p1 $0x1;
	p0 =	seq.s32 s7, s2  }
0x1e: {  	s7 =	smul.u32 @!p0 $0xF7A, s2;
	p2 =	seq.s32 @!p0 s5, $0x0  }
0x1f: {  	s9 =	smul.u32 $0xF7A, s1;
	s8 =	simm.s32 @!p0 $0x1BF5;
	p2 =	por !p2, p0  }
0x20: {  	[sflag:s8] =	ssyncset.s32 @!p0 $0xFFFFF086;
	s6 =	sadd.s32 @!p0 s3, s7;
	s7 =	simm.s32 @!p0 $0x108  }
0x21: {  	s3 =	sadd.s32 s3, s9;
	s6 =	sadd.s32 @!p0 $0x88, s6;
	s7 =	simm.s32 @p2 $0x1082  }
0x22: {  	[simem:s7], [sflag:s8] =	dma.local @!p0 [hbm:s6], $0xF7A  }
0x23: {  	s9 =	sor.u32 $0xD0000000, s2;
	s6 =	simm.s32 $0x108;
	_ =	swait.ge @!p0 [sflag:s8], $0x0  }
0x24: {  	s3 =	sadd.s32 $0x88, s3;
	s6 =	simm.s32 @!p1 $0x1082;
	[sflag:s4] =	ssyncset.s32 $0xFFFFF086  }
0x25: {  	[simem:s6], [sflag:s4] =	dma.local [hbm:s3], $0xF7A  }
0x26: {  	[smem:$0x3F9F] =	sst s1;
	(tag) =	ssettag s2;
	_ =	strace s9  }
0x27: {  	s1 =	sld [smem:$0x3FAF]  }
0x28: {  	s2 =	sld [smem:$0x3FB0]  }
0x29: {  	s4 =	sld [smem:$0x3FB2]  }
0x2a: {  	p0 =	seq.s32 s5, $0x0;
	s5 =	sld [smem:$0x3FB3]  }
0x2b: {  	s6 =	sld [smem:$0x3FB4]  }
0x2c: {  	s7 =	sld [smem:$0x3FB5]  }
0x2d: {  	s3 =	simm.s32 $0x108;
	s8 =	sld [smem:$0x3FB6]  }
0x2e: {  	s3 =	simm.s32 @!p0 $0x1082;
	s9 =	sld [smem:$0x3FB7]  }
0x2f: {  	lr =	sadd.s32 s0, s3;
	s0 =	sld [smem:$0x3FAE]  }
0x30: {  	s3 =	sld [smem:$0x3FB1]  }
0x31: {  	[smem:$0x3FBA] =	sst s10  }
0x32: {  	s10 =	sld [smem:$0x3FB8];
	_ =	sdelay $0x3  }
0x33: {  	p0 =	seq.s32 s10, $0x1;
	s10 =	sld [smem:$0x3FBA];
	_ =	sdelay $0x3  }
0x34: {  	[smem:$0x3FBA] =	sst s10  }
0x35: {  	s10 =	sld [smem:$0x3FB9];
	_ =	sdelay $0x3  }
0x36: {  	p1 =	seq.s32 s10, $0x1;
	s10 =	sld [smem:$0x3FBA];
	_ =	sdelay $0x3  }
0x37: {  	[smem:$0x3FBA] =	sst s10  }
0x38: {  	s10 =	sld [smem:$0x3FBB]  }
0x39: {  	_ = 	snop;
	(pc) =	sbr.ind lr, $3  }
0x3a: {  	_ = 	snop  }
0x3b: {  	_ = 	snop  }
0x3c: {  	p2 =	seq.s32 s10, $0x1;
	s10 =	sld [smem:$0x3FBA]  }
0x3d: {  	_ =	shalt  }
0x3e: {  	_ =	shalt  }
0x3f: {  	_ =	shalt  }
0x40: {  	_ =	shalt  }
0x41: {  	_ =	shalt  }
0x42: {  	_ =	shalt  }
0x43: {  	_ =	shalt  }
0x44: {  	_ =	shalt  }
0x45: {  	_ =	shalt  }
0x46: {  	_ =	shalt  }
0x47: {  	_ =	shalt  }
0x48: {  	_ =	shalt  }
0x49: {  	_ =	shalt  }
0x4a: {  	_ =	shalt  }
0x4b: {  	_ =	shalt  }
0x4c: {  	_ =	shalt  }
0x4d: {  	_ =	shalt  }
0x4e: {  	_ =	shalt  }
0x4f: {  	_ =	shalt  }
0x50: {  	_ =	shalt  }
0x51: {  	_ =	shalt  }
0x52: {  	_ =	shalt  }
0x53: {  	_ =	shalt  }
0x54: {  	_ =	shalt  }
0x55: {  	_ =	shalt  }
0x56: {  	_ =	shalt  }
0x57: {  	_ =	shalt  }
0x58: {  	_ =	shalt  }
0x59: {  	_ =	shalt  }
0x5a: {  	_ =	shalt  }
0x5b: {  	_ =	shalt  }
0x5c: {  	_ =	shalt  }
0x5d: {  	_ =	shalt  }
0x5e: {  	_ =	shalt  }
0x5f: {  	_ =	shalt  }
0x60: {  	_ =	shalt  }
0x61: {  	_ =	shalt  }
0x62: {  	_ =	shalt  }
0x63: {  	_ =	shalt  }
0x64: {  	_ =	shalt  }
0x65: {  	_ =	shalt  }
0x66: {  	_ =	shalt  }
0x67: {  	_ =	shalt  }
0x68: {  	_ =	shalt  }
0x69: {  	_ =	shalt  }
0x6a: {  	_ =	shalt  }
0x6b: {  	_ =	shalt  }
0x6c: {  	_ =	shalt  }
0x6d: {  	_ =	shalt  }
0x6e: {  	_ =	shalt  }
0x6f: {  	_ =	shalt  }
0x70: {  	_ =	shalt  }
0x71: {  	_ =	shalt  }
0x72: {  	_ =	shalt  }
0x73: {  	_ =	shalt  }
0x74: {  	_ =	shalt  }
0x75: {  	_ =	shalt  }
0x76: {  	_ =	shalt  }
0x77: {  	_ =	shalt  }
0x78: {  	_ =	shalt  }
0x79: {  	_ =	shalt  }
0x7a: {  	_ =	shalt  }
0x7b: {  	_ =	shalt  }
0x7c: {  	_ =	shalt  }
0x7d: {  	_ =	shalt  }
0x7e: {  	_ =	shalt  }
0x7f: {  	_ =	shalt  }
0x80: {  	_ =	shalt  }
0x81: {  	_ =	shalt  }
0x82: {  	_ =	shalt  }
0x83: {  	_ =	shalt  }
0x84: {  	_ =	shalt  }
0x85: {  	_ =	shalt  }
0x86: {  	_ =	shalt  }
0x87: {  	_ =	shalt  }
.Lfunc_end0:
.L_simem_size_0:
called_computation_lowered:
.L_overlay_start_0:
0x88: {  	s2 =	sld [smem:$0x3FD9]  }
0x89: {  	s3 =	sld [smem:$0x3FFE];
	_ =	sdelay $0x1  }
0x8a: {  	s1 =	srdreg.scid  }
0x8b: {  	s0 =	sand.u32 $0x1, s1  }
0x8c: {  	s16 =	sshll.u32 s0, $0xA;
	s2 =	sadd.s32 s3, s2  }
0x8d: {  	s2 =	sadd.s32 s2, s16  }
0x8e: {  	[smem:$0x3FC6] =	sst s2  }
0x8f: {  	_ = 	snop  }
0x90: {  	(tm) =	ssettm $0x1  }
0x91: {  	s17 =	sld [smem:$0x3FFB];
	_ =	sdelay $0x3  }
0x92: {  	_ =	strace s17  }
0x93: {  	s2 =	sld [smem:$0x3FFC];
	_ =	sdelay $0x3  }
0x94: {  	_ =	strace s2  }
0x95: {  	s2 =	sld [smem:$0x3FFD];
	_ =	sdelay $0x3  }
0x96: {  	_ =	strace s2  }
0x97: {  	_ =	strace $0x8FFFFFFF  }
0x98: {  	s18 =	sld [smem:$0x3FDB];
	_ =	sdelay $0x1  }
0x99: {  	s19 =	simm.s32 $_scs_section_size  }
0x9a: {  	s4 =	simm.s32 $_size__tile_overlayer_lowered;
	s5 =	simm.s32 $_tile_overlayer_lowered  }
0x9b: {  	s22 =	simm.s32 $0x1BFF;
	s21 =	sshll.u32 s5, $0x1;
	s2 =	sadd.s32 s19, s18  }
0x9c: {  	s6 =	simm.s32 $0x0;
	s20 =	sshll.u32 s4, $0x1;
	s4 =	sadd.s32 s21, s2  }
0x9d: {  	[timem:s6], [sflag:s22] =	dma.local [hbm:s4], s20  }
0x9e: {  	_ =	swait.ge [sflag:s22], s20  }
0x9f: {  	s3 =	ssub.s32 $0x0, s20;
	[sflag:s22] =	ssyncset.done $0x0  }
0xa0: {  	[sflag:s22] =	ssyncadd.s32 s3;
	_ =	sdelay $0x1  }
0xa1: {  	s23 =	simm.s32 $0x1B8B  }
0xa2: {  	_ =	swait.ge [sflag:s23], $0x1  }
0xa3: {  	[sflag:s23] =	ssyncset.done $0x0  }
0xa4: {  	s25 =	simm.s32 $0x1B8E;
	s24 =	sld [smem:$0x3FFE];
	[sflag:s23] =	ssyncadd.s32 $0xFFFFFFFF  }
0xa5: {  	s26 =	simm.s32 $execute0_lowered;
	[smem:$0x3FD2] =	sst s25  }
0xa6: {  	s4 =	sshll.u32 s26, $0x1;
	_ =	strace $0x80000046;
	[dreg:$0x1] =	wrdreg $0xFFFFFFFF  }
0xa7: {  	s28 =	simm.s32 $_size_execute0_lowered;
	s2 =	sadd.s32 s2, s4;
	[dreg:$0x0] =	wrdreg $0x0  }
0xa8: {  	s4 =	sshll.u32 s28, $0x1;
	[dreg:$0x2] =	wrdreg s2  }
0xa9: {  	[dreg:$0x3] =	wrdreg s4  }
0xaa: {  	[dreg:$0x4] =	wrdreg $0xC0  }
0xab: {  	_ =	task [dreg:s6], $0x5FFFF  }
0xac: {  	[dreg:$0x1] =	wrdreg $0xFFFFFFFF  }
0xad: {  	[dreg:$0x0] =	wrdreg $0x60  }
0xae: {  	[dreg:$0x2] =	wrdreg s24  }
0xaf: {  	[dreg:$0x3] =	wrdreg $0x9  }
0xb0: {  	_ =	task.clear_ibuf [dreg:s6], $0x4FFFF;
	_ =	strace $0x90000046  }
0xb1: {  	s29 =	simm.s32 $0x9;
	_ =	strace $0x80000048  }
0xb2: {  	_ =	swait.ge [sflag:s29], $0x1  }
0xb3: {  	[sflag:s29] =	ssyncadd.s32 $0xFFFFFFFF  }
0xb4: {  	_ =	strace $0x90000048  }
0xb5: {  	_ =	sfence  }
0xb6: {  	s30 =	sld [smem:$0x0];
	_ =	sdelay $0x2  }
0xb7: {  	s31 =	sshll.u32 s1, $0xD;
	s1 =	sshrl.u32 s1, $0x2  }
0xb8: {  	s3 =	sand.u32 $0x4000, s31;
	s1 =	sadd.s32 s1, s30  }
0xb9: {  	s0 =	sor.u32 s3, s0;
	s1 =	sshll.u32 s1, $0x11  }
0xba: {  	s0 =	sor.u32 s1, s0  }
0xbb: {  	s0 =	sadd.s32 $0x8F2B, s0  }
0xbc: {  	[sflag:s0] =	ssyncadd.remote.s32 $0x1  }
0xbd: {  	_ =	sfence.sel $0xFFFF  }
0xbe: {  	[dreg:$0x0] =	wrdreg $0xFFFFFFFF;
	(pc) =	sbr.abs _section_cstart, $3  }
0xbf: {  	[dreg:$0x1] =	wrdreg $0xFFFFFFFF  }
0xc0: {  	_ =	task.clear_ibuf [dreg:s6], $0x2FFFF;
	_ =	strace $0x9FFFFFFF  }
0xc1: {  	(tm) =	ssettm $0x7FFFFFFF  }
tec
execute0_lowered:
.L_overlay_start_1:
0x0: {  	(tag) =	ssettag $0x1  }
0x1: {  	s0 =	rddreg [dreg:$0x0];
	s2 =	simm.s32 $0x0;
	s4 =	stileid.u32  }
0x2: {  	s1 =	srdreg.scid;
	s14 =	simm.s32 $0x400;
	s15 =	simm.s32 $0x1  }
0x3: {  	s16 =	simm.s32 $0x1000;
	s17 =	simm.s32 $0x2000;
	s18 =	simm.s32 $0x3000  }
0x4: {  	s19 =	simm.s32 $0x4000;
	s20 =	simm.s32 $0x5000;
	s22 =	simm.s32 $0x8000  }
0x5: {  	s23 =	simm.s32 $0xA000;
	s24 =	simm.s32 $0x0;
	[smem:$0x7FF] =	sst s2  }
0x6: {  	s1 =	sand.u32 $0x1, s1;
	s3 =	sshll.u32 s4, $0x1;
	s10 =	sshll.u32 s4, $0xA  }
0x7: {  	_ =	strace $0x80000047;
	s3 =	sor.u32 s1, s3;
	s12 =	sand.u32 $0x3000, s10  }
0x8: {  	s5 =	ssub.s32 $0x2, s1;
	s1 =	sshll.u32 s1, $0x9;
	s30 =	smul.u32 $0x600, s3  }
0x9: {  	s8 =	sadd.s32 s12, s0;
	s3 =	sshll.u32 s3, $0xA;
	s6 =	sshrl.u32 s5, $0x1  }
0xa: {  	s1 =	sor.u32 s1, s10;
	s11 =	sadd.s32 s3, s0;
	s13 =	ssub.s32 s5, s6  }
0xb: {  	s3 =	sadd.s32 $0x11200, s8;
	s4 =	sadd.s32 $0x11210, s8;
	s5 =	sadd.s32 $0x11220, s8  }
0xc: {  	s6 =	sadd.s32 $0x11230, s8;
	s7 =	sadd.s32 $0x11240, s8;
	s8 =	sadd.s32 $0x11250, s8  }
0xd: {  	s31 =	ssub.s32 s1, s12;
	s0 =	sadd.s32 s30, s0;
	s9 =	sadd.s32 $0x9200, s11  }
0xe: {  	s10 =	sadd.s32 $0x1200, s11;
	s1 =	sadd.s32 $0x1000, s31;
	s21 =	sadd.s32 $0x2000, s31  }
0xf: {  	s12 =	smax.u32 s13, $0x1;
	s13 =	simm.s32 $0x80;
	v0 =	vmov s31;
	s11 =	sadd.s32 $0x15200, s0;
	v1 =	vmov s1;
	v2 =	vmov s21  }
.LBB2_1:
0x10: {  	[tilespmem:s2], [sflag:$0x1] =	stream.strided.gather [hbm4b:s3+s13], $0x1000, s14, s13, $0x38;
	[tilespmem:$0xD000] =	vst v63  }
0x11: {  	_ =	swait.ge [sflag:s15], $0x1000  }
0x12: {  	[sflag:s15] =	ssyncset.done $0x0  }
0x13: {  	[sflag:s15] =	ssyncadd.s32 $0xFFFFF000  }
0x14: {  	[tilespmem:s16], [sflag:$0x1] =	stream.strided.gather [hbm4b:s4+s13], $0x1000, s14, s13, $0x38;
	[tilespmem:$0xD000] =	vst v63  }
0x15: {  	_ =	swait.ge [sflag:s15], $0x1000  }
0x16: {  	[sflag:s15] =	ssyncset.done $0x0  }
0x17: {  	[sflag:s15] =	ssyncadd.s32 $0xFFFFF000  }
0x18: {  	[tilespmem:s17], [sflag:$0x1] =	stream.strided.gather [hbm4b:s5+s13], $0x1000, s14, s13, $0x38;
	[tilespmem:$0xD000] =	vst v63  }
0x19: {  	_ =	swait.ge [sflag:s15], $0x1000  }
0x1a: {  	[sflag:s15] =	ssyncset.done $0x0  }
0x1b: {  	[sflag:s15] =	ssyncadd.s32 $0xFFFFF000  }
0x1c: {  	[tilespmem:s18], [sflag:$0x1] =	stream.strided.gather [hbm4b:s6+s13], $0x1000, s14, s13, $0x38;
	[tilespmem:$0xD000] =	vst v63  }
0x1d: {  	_ =	swait.ge [sflag:s15], $0x1000  }
0x1e: {  	[sflag:s15] =	ssyncset.done $0x0  }
0x1f: {  	[sflag:s15] =	ssyncadd.s32 $0xFFFFF000  }
0x20: {  	[tilespmem:s19], [sflag:$0x1] =	stream.strided.gather [hbm4b:s7+s13], $0x1000, s14, s13, $0x38;
	[tilespmem:$0xD000] =	vst v63  }
0x21: {  	_ =	swait.ge [sflag:s15], $0x1000  }
0x22: {  	[sflag:s15] =	ssyncset.done $0x0  }
0x23: {  	[sflag:s15] =	ssyncadd.s32 $0xFFFFF000  }
0x24: {  	[tilespmem:s20], [sflag:$0x1] =	stream.strided.gather [hbm4b:s8+s13], $0x1000, s14, s13, $0x38;
	[tilespmem:$0xD000] =	vst v63  }
0x25: {  	_ =	swait.ge [sflag:s15], $0x1000  }
0x26: {  	[sflag:s15] =	ssyncset.done $0x0  }
0x27: {  	s0 =	simm.s32 $0x6000;
	[sflag:s15] =	ssyncadd.s32 $0xFFFFF000  }
0x28: {  	[tilespmem:s0], [sflag:$0x1] =	stream.linear.gather [hbm4b:s9+s2], $0x2000, $0x38;
	[tilespmem:$0xD000] =	vst v63  }
0x29: {  	_ =	swait.ge [sflag:s15], $0x2000  }
0x2a: {  	[sflag:s15] =	ssyncset.done $0x0  }
0x2b: {  	[sflag:s15] =	ssyncadd.s32 $0xFFFFE000  }
0x2c: {  	[tilespmem:s22], [sflag:$0x1] =	stream.linear.gather [hbm4b:s10+s2], $0x2000, $0x38;
	[tilespmem:$0xD000] =	vst v63  }
0x2d: {  	_ =	swait.ge [sflag:s15], $0x2000  }
0x2e: {  	s25 =	simm.s32 $0xFFFFFE00;
	s26 =	simm.s32 $0x0;
	[sflag:s15] =	ssyncset.done $0x0  }
0x2f: {  	s28 =	simm.s32 $0x0;
	s29 =	simm.s32 $0x0;
	[sflag:s15] =	ssyncadd.s32 $0xFFFFE000  }
.LBB2_2:
0x30: {  	s0 =	sadd.s32 $0x200, s25  }
0x31: {  	s21 =	sand.u32 $0xC00, s28;
	s1 =	sand.u32 $0x70, s0  }
0x32: {  	s30 =	sor.u32 s1, s21  }
0x33: {  	v6 =	vld [tilespmem:s30+$0x6000]  }
0x34: {  	s21 =	sshra.s32 s29, $0x2  }
0x35: {  	v5 =	vld.idx.msk [tilespmem:v0+s21+$0x0 ss:$0x1], $0xffff  }
0x36: {  	v4 =	vld.idx.msk [tilespmem:v1+s21+$0x0 ss:$0x1], $0xffff  }
0x37: {  	v3 =	vld.idx.msk [tilespmem:v2+s21+$0x0 ss:$0x1], $0xffff  }
0x38: {  	v10 =	vld [tilespmem:s30+$0x8000]  }
0x39: {  	v11 =	vld [tilespmem:s30+$0x6080]  }
0x3a: {  	v30 =	vld [tilespmem:s30+$0x6100]  }
0x3b: {  	v7 =	vld.idx.msk [tilespmem:v6+s2+$0x0], $0xffff  }
0x3c: {  	v8 =	vld.idx.msk [tilespmem:v6+s16+$0x0], $0xffff  }
0x3d: {  	v9 =	vld.idx.msk [tilespmem:v6+s17+$0x0], $0xffff  }
0x3e: {  	v13 =	vld.idx.msk [tilespmem:v6+s18+$0x0], $0xffff  }
0x3f: {  	v16 =	vld.idx.msk [tilespmem:v6+s19+$0x0], $0xffff  }
0x40: {  	v6 =	vld.idx.msk [tilespmem:v6+s20+$0x0], $0xffff  }
0x41: {  	v21 =	vld.idx.msk [tilespmem:v11+s2+$0x0], $0xffff  }
0x42: {  	v22 =	vld.idx.msk [tilespmem:v11+s17+$0x0], $0xffff  }
0x43: {  	v33 =	vld.idx.msk [tilespmem:v11+s18+$0x0], $0xffff  }
0x44: {  	v34 =	vld.idx.msk [tilespmem:v11+s19+$0x0], $0xffff;
	v7 =	vsub.f32 v7, v5;
	v8 =	vsub.f32 v8, v4  }
0x45: {  	v37 =	vld.idx.msk [tilespmem:v11+s16+$0x0], $0xffff;
	v9 =	vsub.f32 v9, v3;
	v24 =	vadd.f32 $0.0e+00, v13;
	v26 =	vmul.f32 v13, v13  }
0x46: {  	s31 =	sand.u32 $0xFFFFFC00, s28;
	v11 =	vld.idx.msk [tilespmem:v11+s20+$0x0], $0xffff;
	v25 =	vadd.f32 $0.0e+00, v16;
	v28 =	vmul.f32 v16, v16;
	v29 =	vmul.f32 v16, v13  }
0x47: {  	s1 =	sadd.s32 s31, s26;
	v27 =	vadd.f32 $0.0e+00, v6;
	v13 =	vmul.f32 v6, v13;
	v16 =	vmul.f32 v6, v16  }
0x48: {  	v23 =	vld [tilespmem:s30+$0x8080];
	s31 =	sor.u32 $0x180, s1;
	v21 =	vsub.f32 v21, v5;
	v6 =	vmul.f32 v6, v6;
	v42 =	vmul.f32 v33, v33  }
0x49: {  	v49 =	vld [tilespmem:s31+$0x6000];
	v22 =	vsub.f32 v22, v3;
	v44 =	vmul.f32 v34, v34;
	v12 =	vmul.f32 v7, v10  }
0x4a: {  	v43 =	vld.idx.msk [tilespmem:v30+s17+$0x0], $0xffff;
	v14 =	vmul.f32 v8, v10;
	v15 =	vmul.f32 v9, v10;
	v10 =	vadd.f32 $0.0e+00, v10  }
0x4b: {  	v39 =	vld.idx.msk [tilespmem:v30+s2+$0x0], $0xffff;
	v45 =	vmul.f32 v11, v11;
	v29 =	vadd.f32 $0.0e+00, v29;
	v13 =	vadd.f32 $0.0e+00, v13  }
0x4c: {  	v40 =	vld.idx.msk [tilespmem:v30+s16+$0x0], $0xffff;
	v48 =	vmul.f32 v34, v33;
	v16 =	vadd.f32 $0.0e+00, v16;
	v41 =	vadd.f32 v33, v24  }
0x4d: {  	v53 =	vld.idx.msk [tilespmem:v30+s18+$0x0], $0xffff;
	v50 =	vmul.f32 v11, v33;
	v25 =	vadd.f32 v34, v25;
	v27 =	vadd.f32 v11, v27  }
0x4e: {  	v55 =	vld.idx.msk [tilespmem:v30+s19+$0x0], $0xffff;
	v47 =	vadd.f32 v44, v28;
	v6 =	vadd.f32 v45, v6;
	v11 =	vmul.f32 v11, v34  }
0x4f: {  	v30 =	vld.idx.msk [tilespmem:v30+s20+$0x0], $0xffff;
	v24 =	vsub.f32 v43, v3;
	v17 =	vadd.f32 $0.0e+00, v12;
	v7 =	vmul.f32 v12, v7  }
0x50: {  	v19 =	vadd.f32 $0.0e+00, v15;
	v20 =	vmul.f32 v14, v8;
	v15 =	vmul.f32 v15, v9  }
0x51: {  	v58 =	vld.idx.msk [tilespmem:v49+s2+$0x0], $0xffff;
	v18 =	vadd.f32 $0.0e+00, v14;
	v8 =	vmul.f32 v8, v12;
	v12 =	vmul.f32 v9, v12  }
0x52: {  	v9 =	vmul.f32 v9, v14;
	v14 =	vsub.f32 v37, v4;
	v10 =	vadd.f32 v23, v10  }
0x53: {  	v62 =	vmul.f32 v55, v55;
	v28 =	vadd.f32 v48, v29;
	v13 =	vadd.f32 v50, v13  }
0x54: {  	v63 =	vmul.f32 v30, v30;
	v11 =	vadd.f32 v11, v16;
	v25 =	vadd.f32 v55, v25  }
0x55: {  	v46 =	vld [tilespmem:s30+$0x8100];
	v31 =	vmul.f32 v21, v23;
	v27 =	vadd.f32 v30, v27;
	v37 =	vadd.f32 v62, v47  }
0x56: {  	v60 =	vmul.f32 v53, v53;
	v45 =	vld.idx.msk [tilespmem:v49+s19+$0x0], $0xffff;
	v6 =	vadd.f32 v63, v6;
	v29 =	vsub.f32 v58, v5  }
0x57: {  	v21 =	vmul.f32 v31, v21;
	v7 =	vadd.f32 $0.0e+00, v7;
	v20 =	vadd.f32 $0.0e+00, v20  }
0x58: {  	v16 =	vmul.f32 v30, v53;
	v15 =	vadd.f32 $0.0e+00, v15;
	v8 =	vadd.f32 $0.0e+00, v8  }
0x59: {  	v12 =	vadd.f32 $0.0e+00, v12;
	v9 =	vadd.f32 $0.0e+00, v9;
	v32 =	vmul.f32 v14, v23  }
0x5a: {  	v36 =	vld [tilespmem:s31+$0x8000];
	v23 =	vmul.f32 v22, v23;
	v17 =	vadd.f32 v31, v17;
	v10 =	vadd.f32 v46, v10  }
0x5b: {  	v38 =	vmul.f32 v22, v31;
	v13 =	vadd.f32 v16, v13;
	v25 =	vadd.f32 v45, v25  }
0x5c: {  	v54 =	vmul.f32 v24, v46;
	v18 =	vadd.f32 v32, v18;
	v19 =	vadd.f32 v23, v19  }
0x5d: {  	v43 =	vld.idx.msk [tilespmem:v49+s18+$0x0], $0xffff;
	v35 =	vmul.f32 v32, v14;
	v23 =	vmul.f32 v23, v22;
	v7 =	vadd.f32 v21, v7  }
0x5e: {  	v14 =	vmul.f32 v14, v31;
	v12 =	vadd.f32 v38, v12;
	v21 =	vadd.f32 v53, v41  }
0x5f: {  	v22 =	vmul.f32 v22, v32;
	v10 =	vadd.f32 v36, v10;
	v20 =	vadd.f32 v35, v20  }
0x60: {  	v33 =	vmul.f32 v54, v24;
	v15 =	vadd.f32 v23, v15;
	v8 =	vadd.f32 v14, v8  }
0x61: {  	v38 =	vmul.f32 v55, v53;
	v31 =	vld.idx.msk [tilespmem:v49+s20+$0x0], $0xffff;
	v9 =	vadd.f32 v22, v9;
	v22 =	vadd.f32 v42, v26  }
0x62: {  	v50 =	vmul.f32 v43, v43;
	v23 =	vsub.f32 v39, v5;
	v14 =	vsub.f32 v40, v4  }
0x63: {  	v59 =	vld.idx.msk [tilespmem:v49+s16+$0x0], $0xffff;
	v41 =	vmul.f32 v29, v36;
	v19 =	vadd.f32 v54, v19;
	v26 =	vadd.f32 v38, v28  }
0x64: {  	v61 =	vld.idx.msk [tilespmem:v49+s17+$0x0], $0xffff;
	v40 =	vmul.f32 v30, v55;
	v49 =	vadd.f32 v43, v21;
	v51 =	vmul.f32 v23, v46  }
0x65: {  	v39 =	vld [tilespmem:s30+$0x6200];
	v52 =	vmul.f32 v14, v46;
	v15 =	vadd.f32 v33, v15;
	v22 =	vadd.f32 v60, v22  }
0x66: {  	v54 =	vld [tilespmem:s30+$0x8200];
	v11 =	vadd.f32 v40, v11;
	v53 =	vmul.f32 v31, v31;
	v27 =	vadd.f32 v31, v27  }
0x67: {  	v28 =	vmul.f32 v31, v43;
	v58 =	vmul.f32 v31, v45;
	v17 =	vadd.f32 v51, v17  }
0x68: {  	v18 =	vadd.f32 v52, v18;
	v23 =	vmul.f32 v51, v23;
	v56 =	vmul.f32 v52, v14  }
0x69: {  	v14 =	vmul.f32 v14, v51;
	v21 =	vadd.f32 v50, v22;
	v6 =	vadd.f32 v53, v6  }
0x6a: {  	v57 =	vmul.f32 v24, v51;
	v13 =	vadd.f32 v28, v13;
	v11 =	vadd.f32 v58, v11  }
0x6b: {  	v24 =	vmul.f32 v24, v52;
	v10 =	vadd.f32 v54, v10;
	v7 =	vadd.f32 v23, v7  }
0x6c: {  	v52 =	vmul.f32 v45, v45;
	v20 =	vadd.f32 v56, v20;
	v8 =	vadd.f32 v14, v8  }
0x6d: {  	v12 =	vadd.f32 v57, v12;
	v14 =	vsub.f32 v59, v4;
	v56 =	vmul.f32 v45, v43;
	v43 =	vld [tilespmem:s30+$0x8280]  }
0x6e: {  	v29 =	vmul.f32 v41, v29;
	v9 =	vadd.f32 v24, v9;
	v24 =	vsub.f32 v61, v3;
	v47 =	vld.idx.msk [tilespmem:v39+s2+$0x0], $0xffff  }
0x6f: {  	v17 =	vadd.f32 v41, v17;
	v55 =	vadd.f32 v52, v37;
	v42 =	vmul.f32 v14, v36;
	v48 =	vld.idx.msk [tilespmem:v39+s16+$0x0], $0xffff  }
0x70: {  	v44 =	vmul.f32 v24, v36;
	v7 =	vadd.f32 v29, v7;
	v16 =	vmul.f32 v24, v41;
	v51 =	vld.idx.msk [tilespmem:v39+s17+$0x0], $0xffff  }
0x71: {  	v23 =	vadd.f32 v56, v26;
	v61 =	vld.idx.msk [tilespmem:v39+s18+$0x0], $0xffff;
	v18 =	vadd.f32 v42, v18;
	v46 =	vmul.f32 v42, v14  }
0x72: {  	v63 =	vld.idx.msk [tilespmem:v39+s19+$0x0], $0xffff;
	v19 =	vadd.f32 v44, v19;
	v33 =	vmul.f32 v44, v24;
	v14 =	vmul.f32 v14, v41  }
0x73: {  	v32 =	vld.idx.msk [tilespmem:v39+s20+$0x0], $0xffff;
	v24 =	vmul.f32 v24, v42;
	v12 =	vadd.f32 v16, v12;
	v10 =	vadd.f32 v43, v10  }
0x74: {  	v57 =	vld [tilespmem:s30+$0x6280];
	v20 =	vadd.f32 v46, v20;
	v15 =	vadd.f32 v33, v15  }
0x75: {  	v8 =	vadd.f32 v14, v8;
	v9 =	vadd.f32 v24, v9  }
0x76: {  	v29 =	vsub.f32 v47, v5;
	v14 =	vsub.f32 v48, v4  }
0x77: {  	v24 =	vsub.f32 v51, v3;
	v16 =	vadd.f32 v61, v49;
	v39 =	vmul.f32 v61, v61  }
0x78: {  	v25 =	vadd.f32 v63, v25;
	v41 =	vmul.f32 v63, v63;
	v42 =	vmul.f32 v32, v32  }
0x79: {  	v27 =	vadd.f32 v32, v27;
	v44 =	vmul.f32 v63, v61;
	v26 =	vmul.f32 v32, v61  }
0x7a: {  	v46 =	vmul.f32 v32, v63;
	v59 =	vmul.f32 v29, v54;
	v21 =	vadd.f32 v39, v21  }
0x7b: {  	v45 =	vld [tilespmem:s30+$0x6300];
	v60 =	vmul.f32 v14, v54;
	v22 =	vadd.f32 v41, v55;
	v6 =	vadd.f32 v42, v6  }
0x7c: {  	v37 =	vld.idx.msk [tilespmem:v57+s2+$0x0], $0xffff;
	v62 =	vmul.f32 v24, v54;
	v23 =	vadd.f32 v44, v23;
	v13 =	vadd.f32 v26, v13  }
0x7d: {  	v38 =	vld.idx.msk [tilespmem:v57+s16+$0x0], $0xffff;
	v11 =	vadd.f32 v46, v11;
	v17 =	vadd.f32 v59, v17;
	v29 =	vmul.f32 v59, v29  }
0x7e: {  	v40 =	vld.idx.msk [tilespmem:v57+s17+$0x0], $0xffff;
	v18 =	vadd.f32 v60, v18;
	v36 =	vmul.f32 v60, v14;
	v33 =	vmul.f32 v62, v24  }
0x7f: {  	v49 =	vld.idx.msk [tilespmem:v57+s18+$0x0], $0xffff;
	v19 =	vadd.f32 v62, v19;
	v14 =	vmul.f32 v14, v59;
	v28 =	vmul.f32 v24, v59  }
0x80: {  	v51 =	vld.idx.msk [tilespmem:v57+s19+$0x0], $0xffff;
	v24 =	vmul.f32 v24, v60;
	v7 =	vadd.f32 v29, v7;
	v20 =	vadd.f32 v36, v20  }
0x81: {  	v30 =	vld.idx.msk [tilespmem:v57+s20+$0x0], $0xffff;
	v15 =	vadd.f32 v33, v15;
	v8 =	vadd.f32 v14, v8  }
0x82: {  	v12 =	vadd.f32 v28, v12;
	v9 =	vadd.f32 v24, v9  }
0x83: {  	v31 =	vld.idx.msk [tilespmem:v45+s20+$0x0], $0xffff;
	v29 =	vsub.f32 v37, v5;
	v14 =	vsub.f32 v38, v4  }
0x84: {  	v28 =	vsub.f32 v40, v3;
	v16 =	vadd.f32 v49, v16  }
0x85: {  	v39 =	vld.idx.msk [tilespmem:v45+s19+$0x0], $0xffff;
	v55 =	vmul.f32 v49, v49;
	v25 =	vadd.f32 v51, v25;
	v57 =	vmul.f32 v51, v51  }
0x86: {  	s21 =	sor.u32 s0, s28;
	v59 =	vld [tilespmem:s30+$0x8300];
	v58 =	vmul.f32 v30, v30;
	v27 =	vadd.f32 v30, v27;
	v60 =	vmul.f32 v51, v49  }
0x87: {  	s0 =	sor.u32 $0x380, s21;
	v24 =	vmul.f32 v30, v49;
	v62 =	vmul.f32 v30, v51;
	v21 =	vadd.f32 v55, v21  }
0x88: {  	v61 =	vld [tilespmem:s0+$0x6000];
	v46 =	vmul.f32 v31, v31;
	v22 =	vadd.f32 v57, v22;
	v6 =	vadd.f32 v58, v6  }
0x89: {  	v53 =	vld.idx.msk [tilespmem:v45+s2+$0x0], $0xffff;
	v47 =	vmul.f32 v29, v43;
	v23 =	vadd.f32 v60, v23;
	v13 =	vadd.f32 v24, v13  }
0x8a: {  	v37 =	vld.idx.msk [tilespmem:v45+s18+$0x0], $0xffff;
	v48 =	vmul.f32 v14, v43;
	v11 =	vadd.f32 v62, v11;
	v25 =	vadd.f32 v39, v25  }
0x8b: {  	v56 =	vld.idx.msk [tilespmem:v45+s17+$0x0], $0xffff;
	v50 =	vmul.f32 v28, v43;
	v27 =	vadd.f32 v31, v27;
	v10 =	vadd.f32 v59, v10  }
0x8c: {  	v54 =	vld.idx.msk [tilespmem:v45+s16+$0x0], $0xffff;
	v45 =	vmul.f32 v39, v39;
	v17 =	vadd.f32 v47, v17;
	v18 =	vadd.f32 v48, v18  }
0x8d: {  	v29 =	vmul.f32 v47, v29;
	v19 =	vadd.f32 v50, v19;
	v52 =	vmul.f32 v48, v14  }
0x8e: {  	v33 =	vmul.f32 v50, v28;
	v14 =	vmul.f32 v14, v47;
	v22 =	vadd.f32 v45, v22  }
0x8f: {  	v49 =	vld [tilespmem:s30+$0x7000];
	v26 =	vmul.f32 v28, v47;
	v6 =	vadd.f32 v46, v6;
	v16 =	vadd.f32 v37, v16  }
0x90: {  	v55 =	vld.idx.msk [tilespmem:v61+s19+$0x0], $0xffff;
	v28 =	vmul.f32 v28, v48;
	v7 =	vadd.f32 v29, v7;
	v20 =	vadd.f32 v52, v20  }
0x91: {  	v32 =	vld.idx.msk [tilespmem:v61+s20+$0x0], $0xffff;
	v50 =	vmul.f32 v31, v39;
	v15 =	vadd.f32 v33, v15;
	v8 =	vadd.f32 v14, v8  }
0x92: {  	v41 =	vld.idx.msk [tilespmem:v61+s2+$0x0], $0xffff;
	v43 =	vmul.f32 v37, v37;
	v12 =	vadd.f32 v26, v12;
	v9 =	vadd.f32 v28, v9  }
0x93: {  	v47 =	vld [tilespmem:s0+$0x8000];
	v48 =	vmul.f32 v39, v37;
	v29 =	vsub.f32 v53, v5;
	v14 =	vsub.f32 v54, v4  }
0x94: {  	v42 =	vld.idx.msk [tilespmem:v61+s16+$0x0], $0xffff;
	v28 =	vsub.f32 v56, v3;
	v11 =	vadd.f32 v50, v11  }
0x95: {  	v44 =	vld.idx.msk [tilespmem:v61+s17+$0x0], $0xffff;
	v26 =	vmul.f32 v31, v37;
	v21 =	vadd.f32 v43, v21;
	v23 =	vadd.f32 v48, v23  }
0x96: {  	v53 =	vld.idx.msk [tilespmem:v61+s18+$0x0], $0xffff;
	v25 =	vadd.f32 v55, v25;
	v61 =	vmul.f32 v55, v55;
	v62 =	vmul.f32 v32, v32  }
0x97: {  	v27 =	vadd.f32 v32, v27;
	v63 =	vmul.f32 v29, v59;
	v13 =	vadd.f32 v26, v13  }
0x98: {  	v36 =	vmul.f32 v14, v59;
	v10 =	vadd.f32 v47, v10;
	v22 =	vadd.f32 v61, v22  }
0x99: {  	v38 =	vmul.f32 v28, v59;
	v6 =	vadd.f32 v62, v6;
	v17 =	vadd.f32 v63, v17  }
0x9a: {  	v18 =	vadd.f32 v36, v18;
	v29 =	vmul.f32 v63, v29;
	v40 =	vmul.f32 v36, v14  }
0x9b: {  	v37 =	vld [tilespmem:s30+$0x7080];
	v19 =	vadd.f32 v38, v19;
	v33 =	vmul.f32 v38, v28;
	v14 =	vmul.f32 v14, v63  }
0x9c: {  	v57 =	vld.idx.msk [tilespmem:v49+s2+$0x0], $0xffff;
	v24 =	vmul.f32 v28, v63;
	v16 =	vadd.f32 v53, v16;
	v7 =	vadd.f32 v29, v7  }
0x9d: {  	v43 =	vld.idx.msk [tilespmem:v49+s19+$0x0], $0xffff;
	v28 =	vmul.f32 v28, v36;
	v20 =	vadd.f32 v40, v20;
	v15 =	vadd.f32 v33, v15  }
0x9e: {  	v30 =	vld.idx.msk [tilespmem:v49+s20+$0x0], $0xffff;
	v38 =	vmul.f32 v32, v55;
	v8 =	vadd.f32 v14, v8;
	v12 =	vadd.f32 v24, v12  }
0x9f: {  	v63 =	vld [tilespmem:s30+$0x9000];
	v59 =	vmul.f32 v53, v53;
	v9 =	vadd.f32 v28, v9;
	v29 =	vsub.f32 v41, v5  }
0xa0: {  	v58 =	vld.idx.msk [tilespmem:v49+s16+$0x0], $0xffff;
	v36 =	vmul.f32 v55, v53;
	v14 =	vsub.f32 v42, v4;
	v28 =	vsub.f32 v44, v3  }
0xa1: {  	v60 =	vld.idx.msk [tilespmem:v49+s17+$0x0], $0xffff;
	v24 =	vmul.f32 v32, v53;
	v11 =	vadd.f32 v38, v11;
	v21 =	vadd.f32 v59, v21  }
0xa2: {  	v41 =	vld.idx.msk [tilespmem:v49+s18+$0x0], $0xffff;
	v23 =	vadd.f32 v36, v23;
	v25 =	vadd.f32 v43, v25;
	v49 =	vmul.f32 v43, v43  }
0xa3: {  	v50 =	vmul.f32 v30, v30;
	v27 =	vadd.f32 v30, v27;
	v51 =	vmul.f32 v29, v47  }
0xa4: {  	v52 =	vmul.f32 v14, v47;
	v13 =	vadd.f32 v24, v13;
	v10 =	vadd.f32 v63, v10  }
0xa5: {  	v54 =	vmul.f32 v28, v47;
	v22 =	vadd.f32 v49, v22;
	v6 =	vadd.f32 v50, v6  }
0xa6: {  	v17 =	vadd.f32 v51, v17;
	v18 =	vadd.f32 v52, v18;
	v29 =	vmul.f32 v51, v29  }
0xa7: {  	v19 =	vadd.f32 v54, v19;
	v56 =	vmul.f32 v52, v14;
	v33 =	vmul.f32 v54, v28  }
0xa8: {  	v53 =	vld [tilespmem:s30+$0x7100];
	v14 =	vmul.f32 v14, v51;
	v26 =	vmul.f32 v28, v51;
	v16 =	vadd.f32 v41, v16  }
0xa9: {  	v59 =	vld.idx.msk [tilespmem:v37+s19+$0x0], $0xffff;
	v28 =	vmul.f32 v28, v52;
	v7 =	vadd.f32 v29, v7;
	v20 =	vadd.f32 v56, v20  }
0xaa: {  	v31 =	vld.idx.msk [tilespmem:v37+s20+$0x0], $0xffff;
	v54 =	vmul.f32 v30, v43;
	v15 =	vadd.f32 v33, v15;
	v8 =	vadd.f32 v14, v8  }
0xab: {  	v45 =	vld.idx.msk [tilespmem:v37+s2+$0x0], $0xffff;
	v47 =	vmul.f32 v41, v41;
	v12 =	vadd.f32 v26, v12;
	v9 =	vadd.f32 v28, v9  }
0xac: {  	v51 =	vld [tilespmem:s30+$0x9080];
	v52 =	vmul.f32 v43, v41;
	v29 =	vsub.f32 v57, v5;
	v14 =	vsub.f32 v58, v4  }
0xad: {  	v46 =	vld.idx.msk [tilespmem:v37+s16+$0x0], $0xffff;
	v28 =	vsub.f32 v60, v3;
	v11 =	vadd.f32 v54, v11  }
0xae: {  	v48 =	vld.idx.msk [tilespmem:v37+s17+$0x0], $0xffff;
	v26 =	vmul.f32 v30, v41;
	v21 =	vadd.f32 v47, v21;
	v23 =	vadd.f32 v52, v23  }
0xaf: {  	v57 =	vld.idx.msk [tilespmem:v37+s18+$0x0], $0xffff;
	v25 =	vadd.f32 v59, v25;
	v37 =	vmul.f32 v59, v59;
	v38 =	vmul.f32 v31, v31  }
0xb0: {  	v27 =	vadd.f32 v31, v27;
	v39 =	vmul.f32 v29, v63;
	v13 =	vadd.f32 v26, v13  }
0xb1: {  	v40 =	vmul.f32 v14, v63;
	v10 =	vadd.f32 v51, v10;
	v22 =	vadd.f32 v37, v22  }
0xb2: {  	v42 =	vmul.f32 v28, v63;
	v6 =	vadd.f32 v38, v6;
	v17 =	vadd.f32 v39, v17  }
0xb3: {  	s1 =	sor.u32 $0x1180, s1;
	v18 =	vadd.f32 v40, v18;
	v29 =	vmul.f32 v39, v29;
	v44 =	vmul.f32 v40, v14  }
0xb4: {  	v41 =	vld [tilespmem:s1+$0x6000];
	v19 =	vadd.f32 v42, v19;
	v33 =	vmul.f32 v42, v28;
	v14 =	vmul.f32 v14, v39  }
0xb5: {  	v61 =	vld.idx.msk [tilespmem:v53+s2+$0x0], $0xffff;
	v24 =	vmul.f32 v28, v39;
	v16 =	vadd.f32 v57, v16;
	v7 =	vadd.f32 v29, v7  }
0xb6: {  	v47 =	vld.idx.msk [tilespmem:v53+s19+$0x0], $0xffff;
	v28 =	vmul.f32 v28, v40;
	v20 =	vadd.f32 v44, v20;
	v15 =	vadd.f32 v33, v15  }
0xb7: {  	v32 =	vld.idx.msk [tilespmem:v53+s20+$0x0], $0xffff;
	v42 =	vmul.f32 v31, v59;
	v8 =	vadd.f32 v14, v8;
	v12 =	vadd.f32 v24, v12  }
0xb8: {  	v39 =	vld [tilespmem:s30+$0x9100];
	v63 =	vmul.f32 v57, v57;
	v9 =	vadd.f32 v28, v9;
	v29 =	vsub.f32 v45, v5  }
0xb9: {  	v62 =	vld.idx.msk [tilespmem:v53+s16+$0x0], $0xffff;
	v40 =	vmul.f32 v59, v57;
	v14 =	vsub.f32 v46, v4;
	v28 =	vsub.f32 v48, v3  }
0xba: {  	v36 =	vld.idx.msk [tilespmem:v53+s17+$0x0], $0xffff;
	v24 =	vmul.f32 v31, v57;
	v11 =	vadd.f32 v42, v11;
	v21 =	vadd.f32 v63, v21  }
0xbb: {  	v45 =	vld.idx.msk [tilespmem:v53+s18+$0x0], $0xffff;
	v23 =	vadd.f32 v40, v23;
	v25 =	vadd.f32 v47, v25;
	v53 =	vmul.f32 v47, v47  }
0xbc: {  	v54 =	vmul.f32 v32, v32;
	v27 =	vadd.f32 v32, v27;
	v55 =	vmul.f32 v29, v51  }
0xbd: {  	v56 =	vmul.f32 v14, v51;
	v13 =	vadd.f32 v24, v13;
	v10 =	vadd.f32 v39, v10  }
0xbe: {  	v58 =	vmul.f32 v28, v51;
	v22 =	vadd.f32 v53, v22;
	v6 =	vadd.f32 v54, v6  }
0xbf: {  	v17 =	vadd.f32 v55, v17;
	v18 =	vadd.f32 v56, v18;
	v29 =	vmul.f32 v55, v29  }
0xc0: {  	v19 =	vadd.f32 v58, v19;
	v60 =	vmul.f32 v56, v14;
	v33 =	vmul.f32 v58, v28  }
0xc1: {  	v57 =	vld [tilespmem:s30+$0x7200];
	v14 =	vmul.f32 v14, v55;
	v26 =	vmul.f32 v28, v55;
	v16 =	vadd.f32 v45, v16  }
0xc2: {  	v63 =	vld.idx.msk [tilespmem:v41+s19+$0x0], $0xffff;
	v28 =	vmul.f32 v28, v56;
	v7 =	vadd.f32 v29, v7;
	v20 =	vadd.f32 v60, v20  }
0xc3: {  	v30 =	vld.idx.msk [tilespmem:v41+s20+$0x0], $0xffff;
	v58 =	vmul.f32 v32, v47;
	v15 =	vadd.f32 v33, v15;
	v8 =	vadd.f32 v14, v8  }
0xc4: {  	v49 =	vld.idx.msk [tilespmem:v41+s2+$0x0], $0xffff;
	v51 =	vmul.f32 v45, v45;
	v12 =	vadd.f32 v26, v12;
	v9 =	vadd.f32 v28, v9  }
0xc5: {  	v55 =	vld [tilespmem:s1+$0x8000];
	v56 =	vmul.f32 v47, v45;
	v29 =	vsub.f32 v61, v5;
	v14 =	vsub.f32 v62, v4  }
0xc6: {  	v50 =	vld.idx.msk [tilespmem:v41+s16+$0x0], $0xffff;
	v28 =	vsub.f32 v36, v3;
	v11 =	vadd.f32 v58, v11  }
0xc7: {  	v52 =	vld.idx.msk [tilespmem:v41+s17+$0x0], $0xffff;
	v26 =	vmul.f32 v32, v45;
	v21 =	vadd.f32 v51, v21;
	v23 =	vadd.f32 v56, v23  }
0xc8: {  	v61 =	vld.idx.msk [tilespmem:v41+s18+$0x0], $0xffff;
	v25 =	vadd.f32 v63, v25;
	v41 =	vmul.f32 v63, v63;
	v42 =	vmul.f32 v30, v30  }
0xc9: {  	v27 =	vadd.f32 v30, v27;
	v43 =	vmul.f32 v29, v39;
	v13 =	vadd.f32 v26, v13  }
0xca: {  	v44 =	vmul.f32 v14, v39;
	v10 =	vadd.f32 v55, v10;
	v22 =	vadd.f32 v41, v22  }
0xcb: {  	v46 =	vmul.f32 v28, v39;
	v6 =	vadd.f32 v42, v6;
	v17 =	vadd.f32 v43, v17  }
0xcc: {  	v18 =	vadd.f32 v44, v18;
	v29 =	vmul.f32 v43, v29;
	v48 =	vmul.f32 v44, v14  }
0xcd: {  	v19 =	vadd.f32 v46, v19;
	v33 =	vmul.f32 v46, v28;
	v14 =	vmul.f32 v14, v43  }
0xce: {  	v45 =	vld [tilespmem:s30+$0x7280];
	v24 =	vmul.f32 v28, v43;
	v16 =	vadd.f32 v61, v16;
	v7 =	vadd.f32 v29, v7  }
0xcf: {  	v51 =	vld.idx.msk [tilespmem:v57+s19+$0x0], $0xffff;
	v28 =	vmul.f32 v28, v44;
	v20 =	vadd.f32 v48, v20;
	v15 =	vadd.f32 v33, v15  }
0xd0: {  	v31 =	vld.idx.msk [tilespmem:v57+s20+$0x0], $0xffff;
	v46 =	vmul.f32 v30, v63;
	v8 =	vadd.f32 v14, v8;
	v12 =	vadd.f32 v24, v12  }
0xd1: {  	v37 =	vld.idx.msk [tilespmem:v57+s2+$0x0], $0xffff;
	v39 =	vmul.f32 v61, v61;
	v9 =	vadd.f32 v28, v9;
	v29 =	vsub.f32 v49, v5  }
0xd2: {  	v43 =	vld [tilespmem:s30+$0x9200];
	v44 =	vmul.f32 v63, v61;
	v14 =	vsub.f32 v50, v4;
	v28 =	vsub.f32 v52, v3  }
0xd3: {  	v38 =	vld.idx.msk [tilespmem:v57+s16+$0x0], $0xffff;
	v11 =	vadd.f32 v46, v11;
	v21 =	vadd.f32 v39, v21  }
0xd4: {  	v40 =	vld.idx.msk [tilespmem:v57+s17+$0x0], $0xffff;
	v24 =	vmul.f32 v30, v61;
	v23 =	vadd.f32 v44, v23;
	v25 =	vadd.f32 v51, v25  }
0xd5: {  	v49 =	vld.idx.msk [tilespmem:v57+s18+$0x0], $0xffff;
	v57 =	vmul.f32 v51, v51;
	v58 =	vmul.f32 v31, v31;
	v27 =	vadd.f32 v31, v27  }
0xd6: {  	v61 =	vmul.f32 v31, v51;
	v59 =	vmul.f32 v29, v55;
	v13 =	vadd.f32 v24, v13  }
0xd7: {  	v60 =	vmul.f32 v14, v55;
	v10 =	vadd.f32 v43, v10;
	v22 =	vadd.f32 v57, v22  }
0xd8: {  	v62 =	vmul.f32 v28, v55;
	v6 =	vadd.f32 v58, v6;
	v11 =	vadd.f32 v61, v11  }
0xd9: {  	v17 =	vadd.f32 v59, v17;
	v18 =	vadd.f32 v60, v18;
	v29 =	vmul.f32 v59, v29  }
0xda: {  	v19 =	vadd.f32 v62, v19;
	v36 =	vmul.f32 v60, v14;
	v33 =	vmul.f32 v62, v28  }
0xdb: {  	v14 =	vmul.f32 v14, v59;
	v26 =	vmul.f32 v28, v59;
	v16 =	vadd.f32 v49, v16  }
0xdc: {  	v41 =	vld.idx.msk [tilespmem:v45+s19+$0x0], $0xffff;
	v28 =	vmul.f32 v28, v60;
	v7 =	vadd.f32 v29, v7;
	v20 =	vadd.f32 v36, v20  }
0xdd: {  	v32 =	vld.idx.msk [tilespmem:v45+s20+$0x0], $0xffff;
	v15 =	vadd.f32 v33, v15;
	v8 =	vadd.f32 v14, v8  }
0xde: {  	v59 =	vld [tilespmem:s30+$0x9280];
	v55 =	vmul.f32 v49, v49;
	v12 =	vadd.f32 v26, v12;
	v9 =	vadd.f32 v28, v9  }
0xdf: {  	v62 =	vld.idx.msk [tilespmem:v45+s18+$0x0], $0xffff;
	v60 =	vmul.f32 v51, v49;
	v29 =	vsub.f32 v37, v5;
	v14 =	vsub.f32 v38, v4  }
0xe0: {  	v28 =	vsub.f32 v40, v3;
	v21 =	vadd.f32 v55, v21  }
0xe1: {  	v26 =	vmul.f32 v31, v49;
	v23 =	vadd.f32 v60, v23;
	v25 =	vadd.f32 v41, v25  }
0xe2: {  	v27 =	vadd.f32 v32, v27;
	v51 =	vmul.f32 v32, v32;
	v30 =	vmul.f32 v32, v41  }
0xe3: {  	v47 =	vmul.f32 v29, v43;
	v48 =	vmul.f32 v14, v43;
	v13 =	vadd.f32 v26, v13  }
0xe4: {  	v53 =	vld.idx.msk [tilespmem:v45+s2+$0x0], $0xffff;
	v50 =	vmul.f32 v28, v43;
	v10 =	vadd.f32 v59, v10;
	v16 =	vadd.f32 v62, v16  }
0xe5: {  	s21 =	sor.u32 $0x1380, s21;
	v54 =	vld.idx.msk [tilespmem:v45+s16+$0x0], $0xffff;
	v26 =	vmul.f32 v32, v62;
	v6 =	vadd.f32 v51, v6;
	v11 =	vadd.f32 v30, v11  }
0xe6: {  	v36 =	vld [tilespmem:s21+$0x6000];
	v17 =	vadd.f32 v47, v17;
	v18 =	vadd.f32 v48, v18;
	v24 =	vmul.f32 v28, v47  }
0xe7: {  	v56 =	vld.idx.msk [tilespmem:v45+s17+$0x0], $0xffff;
	v29 =	vmul.f32 v47, v29;
	v19 =	vadd.f32 v50, v19;
	v52 =	vmul.f32 v48, v14  }
0xe8: {  	v33 =	vmul.f32 v50, v28;
	v14 =	vmul.f32 v14, v47;
	v12 =	vadd.f32 v24, v12;
	v24 =	vld [tilespmem:s30+$0x7300]  }
0xe9: {  	v28 =	vmul.f32 v28, v48;
	v13 =	vadd.f32 v26, v13;
	v7 =	vadd.f32 v29, v7  }
0xea: {  	v47 =	vld [tilespmem:s30+$0x9300];
	v20 =	vadd.f32 v52, v20;
	v15 =	vadd.f32 v33, v15  }
0xeb: {  	v48 =	vmul.f32 v62, v62;
	v8 =	vadd.f32 v14, v8;
	v9 =	vadd.f32 v28, v9  }
0xec: {  	v50 =	vmul.f32 v41, v41;
	v29 =	vsub.f32 v53, v5;
	v14 =	vsub.f32 v54, v4  }
0xed: {  	v55 =	vld [tilespmem:s21+$0x8000];
	v28 =	vsub.f32 v56, v3;
	v21 =	vadd.f32 v48, v21;
	v52 =	vmul.f32 v41, v62  }
0xee: {  	v22 =	vadd.f32 v50, v22;
	v63 =	vmul.f32 v29, v59;
	v40 =	vmul.f32 v14, v59;
	v37 =	vld.idx.msk [tilespmem:v36+s2+$0x0], $0xffff  }
0xef: {  	v42 =	vmul.f32 v28, v59;
	v23 =	vadd.f32 v52, v23;
	v56 =	vld.idx.msk [tilespmem:v36+s16+$0x0], $0xffff;
	v10 =	vadd.f32 v47, v10  }
0xf0: {  	v17 =	vadd.f32 v63, v17;
	v18 =	vadd.f32 v40, v18;
	v29 =	vmul.f32 v63, v29;
	v45 =	vld.idx.msk [tilespmem:v24+s2+$0x0], $0xffff  }
0xf1: {  	v19 =	vadd.f32 v42, v19;
	v43 =	vmul.f32 v40, v14;
	v34 =	vmul.f32 v42, v28;
	v46 =	vld.idx.msk [tilespmem:v24+s16+$0x0], $0xffff  }
0xf2: {  	v14 =	vmul.f32 v14, v63;
	v44 =	vmul.f32 v28, v63;
	v10 =	vadd.f32 v55, v10;
	v49 =	vld.idx.msk [tilespmem:v24+s17+$0x0], $0xffff  }
0xf3: {  	v28 =	vmul.f32 v28, v40;
	v7 =	vadd.f32 v29, v7;
	v20 =	vadd.f32 v43, v20;
	v59 =	vld.idx.msk [tilespmem:v24+s18+$0x0], $0xffff  }
0xf4: {  	v58 =	vld.idx.msk [tilespmem:v36+s17+$0x0], $0xffff;
	v15 =	vadd.f32 v34, v15;
	v8 =	vadd.f32 v14, v8  }
0xf5: {  	v12 =	vadd.f32 v44, v12;
	v9 =	vadd.f32 v28, v9  }
0xf6: {  	v60 =	vld.idx.msk [tilespmem:v24+s19+$0x0], $0xffff;
	v31 =	vsub.f32 v45, v5;
	v33 =	vsub.f32 v46, v4  }
0xf7: {  	v29 =	vsub.f32 v49, v3;
	v5 =	vsub.f32 v37, v5  }
0xf8: {  	v4 =	vsub.f32 v56, v4;
	v46 =	vmul.f32 v59, v59;
	v53 =	vmul.f32 v31, v47  }
0xf9: {  	v3 =	vsub.f32 v58, v3;
	v54 =	vmul.f32 v33, v47;
	v14 =	vmul.f32 v29, v47  }
0xfa: {  	v42 =	vadd.f32 v59, v16;
	v62 =	vmul.f32 v5, v55;
	v35 =	vmul.f32 v4, v55  }
0xfb: {  	v61 =	vld.idx.msk [tilespmem:v36+s18+$0x0], $0xffff;
	v44 =	vadd.f32 v60, v25;
	v34 =	vmul.f32 v3, v55;
	v31 =	vmul.f32 v53, v31  }
0xfc: {  	v63 =	vld.idx.msk [tilespmem:v36+s19+$0x0], $0xffff;
	v57 =	vmul.f32 v54, v33;
	v17 =	vadd.f32 v53, v17;
	v19 =	vadd.f32 v14, v19  }
0xfd: {  	v36 =	vld.idx.msk [tilespmem:v36+s20+$0x0], $0xffff;
	v14 =	vmul.f32 v14, v29;
	v18 =	vadd.f32 v54, v18;
	v33 =	vmul.f32 v33, v53  }
0xfe: {  	v24 =	vld.idx.msk [tilespmem:v24+s20+$0x0], $0xffff;
	v28 =	vmul.f32 v29, v53;
	v29 =	vmul.f32 v29, v54;
	v17 =	vadd.f32 v62, v17  }
0xff: {  	[tilespmem:s30+$0xA000] =	vst v10;
	v5 =	vmul.f32 v62, v5;
	v7 =	vadd.f32 v31, v7;
	v38 =	vadd.f32 v35, v18  }
0x100: {  	v40 =	vmul.f32 v35, v4;
	v20 =	vadd.f32 v57, v20;
	v39 =	vadd.f32 v34, v19;
	[tilespmem:s30+$0xA080] =	vst v17  }
0x101: {  	v41 =	vmul.f32 v34, v3;
	v14 =	vadd.f32 v14, v15;
	v5 =	vadd.f32 v5, v7;
	[tilespmem:s30+$0xA100] =	vst v38  }
0x102: {  	v4 =	vmul.f32 v4, v62;
	v8 =	vadd.f32 v33, v8;
	v43 =	vadd.f32 v40, v20;
	[tilespmem:s31+$0xA000] =	vst v39  }
0x103: {  	v45 =	vmul.f32 v3, v62;
	v12 =	vadd.f32 v28, v12;
	v7 =	vadd.f32 v41, v14;
	[tilespmem:s30+$0xA200] =	vst v5  }
0x104: {  	v3 =	vmul.f32 v3, v35;
	v9 =	vadd.f32 v29, v9;
	v4 =	vadd.f32 v4, v8;
	[tilespmem:s30+$0xA280] =	vst v43  }
0x105: {  	v48 =	vmul.f32 v60, v60;
	v49 =	vmul.f32 v24, v24;
	v12 =	vadd.f32 v45, v12;
	[tilespmem:s30+$0xA300] =	vst v7  }
0x106: {  	v51 =	vmul.f32 v60, v59;
	v56 =	vmul.f32 v36, v36;
	v3 =	vadd.f32 v3, v9;
	[tilespmem:s0+$0xA000] =	vst v4  }
0x107: {  	v58 =	vmul.f32 v63, v61;
	v47 =	vadd.f32 v24, v27;
	v10 =	vadd.f32 v61, v42;
	[tilespmem:s30+$0xB000] =	vst v12  }
0x108: {  	v52 =	vadd.f32 v63, v44;
	v53 =	vmul.f32 v61, v61;
	v5 =	vadd.f32 v46, v21;
	[tilespmem:s30+$0xB080] =	vst v3  }
0x109: {  	v50 =	vadd.f32 v48, v22;
	v54 =	vmul.f32 v63, v63;
	v8 =	vadd.f32 v36, v47;
	[tilespmem:s30+$0xB100] =	vst v10  }
0x10a: {  	v6 =	vadd.f32 v49, v6;
	v55 =	vmul.f32 v24, v59;
	v5 =	vadd.f32 v53, v5;
	[tilespmem:s1+$0xA000] =	vst v52  }
0x10b: {  	v57 =	vmul.f32 v24, v60;
	v4 =	vadd.f32 v54, v50;
	v3 =	vadd.f32 v51, v23;
	[tilespmem:s30+$0xB200] =	vst v8  }
0x10c: {  	p0 =	sne.s32 s29, $0x7C0;
	v59 =	vadd.f32 v55, v13;
	v6 =	vadd.f32 v56, v6;
	v60 =	vmul.f32 v36, v61;
	[tilespmem:s30+$0xB280] =	vst v5  }
.Ltmp0:
0x10d: {  	v62 =	vmul.f32 v36, v63;
	v61 =	vadd.f32 v57, v11;
	v3 =	vadd.f32 v58, v3;
	[tilespmem:s30+$0xB300] =	vst v4;
	(pc) =	sbr.rel @p0 .LBB2_2-.Ltmp0, $4  }
0x10e: {  	v63 =	vadd.f32 v60, v59;
	[tilespmem:s21+$0xA000] =	vst v6  }
0x10f: {  	v5 =	vadd.f32 v62, v61;
	[tilespmem:s30+$0xC000] =	vst v3  }
0x110: {  	s25 =	sadd.s32 $0x10, s25;
	[tilespmem:s30+$0xC080] =	vst v63  }
0x111: {  	s26 =	sadd.s32 $0x10, s26;
	s29 =	sadd.s32 $0x40, s29;
	s28 =	sadd.s32 $0x80, s28;
	[tilespmem:s30+$0xC100] =	vst v5  }
0x112: {  	s24 =	sadd.s32 $0x1, s24  }
0x113: {  	p0 =	sne.s32 s24, s12  }
.Ltmp1:
0x114: {  	_ = 	snop;
	(pc) =	sbr.rel @p0 .LBB2_1-.Ltmp1, $4  }
0x115: {  	[hbm4b:s11+s2] =	stream.linear.scatter [tilespmem:s23], [sflag:$0x1], $0x3000, $0x38;
	[tilespmem:$0xD000] =	vst v63  }
0x116: {  	_ =	swait.ge [sflag:s15], $0x3000  }
0x117: {  	[sflag:s15] =	ssyncset.done $0x0  }
0x118: {  	[sflag:s15] =	ssyncadd.s32 $0xFFFFD000  }
0x119: {  	_ =	sfence.sel $0x180000  }
0x11a: {  	[bflag:$0x0] =	sbarrier.arrive $0xFFFF  }
0x11b: {  	_ =	strace $0x90000047  }
0x11c: {  	s0 =	stileid.u32;
	[bflag:$0x2] =	sbarrier.arrive $0xFFFF  }
0x11d: {  	p0 =	sne.s32 s0, $0x0;
	s0 =	rddreg [dreg:$0x1]  }
0x11e: {  	s0 =	sadd.s32 @!p0 $0x100000, s0  }
0x11f: {  	[sflag:s0] =	ssyncadd.tile.s32 @!p0 $0x1;
	_ =	shalt  }
.Lfunc_end2:
_tile_overlayer_lowered:
.L_overlay_start_2:
0x120: {  	(tag) =	ssettag $0x2  }
0x121: {  	s0 =	rddreg [dreg:$0x0];
	s2 =	stileid.u32  }
0x122: {  	s1 =	rddreg [dreg:$0x1];
	p0 =	sne.s32 s2, $0x0  }
0x123: {  	s3 =	rddreg [dreg:$0x2];
	[bflag:$0x3] =	sbarrier.arrive $0xFFFF;
	s2 =	simm.s32 @!p0 $0x1C02  }
0x124: {  	[timem:s3], [sflag:s2] =	dma.local @!p0 [hbm:s0], s1  }
0x125: {  	s0 =	simm.s32 @!p0 $0x2  }
0x126: {  	_ =	swait.ge @!p0 [sflag:s0], s1  }
0x127: {  	s1 =	ssub.s32 @!p0 $0x0, s1;
	[sflag:s0] =	ssyncset.done @!p0 $0x0  }
0x128: {  	[sflag:s0] =	ssyncadd.s32 @!p0 s1  }
0x129: {  	[bflag:$0x3] =	sbarrier.arrive $0xFFFF  }
0x12a: {  	_ =	shalt  }

</sc_bundles>
